<compile_context>
chip_gen: v7x
topology: tpu7x:2x2x1
jax: 0.10.2.dev20260603
libtpu: 0.0.44.dev20260713+nightly
codegen_flags: <defaults>
</compile_context>

<pallas_src>
import functools

import jax
import jax.numpy as jnp
from jax import lax
from jax.experimental import pallas as pl
from jax.experimental.pallas import tpu as pltpu
from jax.experimental.pallas import tpu_sc as plsc

N = 10000
NP = 10112
E = 320000
D = 128
G = 16
NC = 2
NS = 16
NW = NC * NS
EP = 327680
EW = EP // NW
C = 128
NCH = EW // C
PS = NP // NS
ZR = 128


@functools.cache
def _sc_mesh():
    return plsc.VectorSubcoreMesh(
        core_axis_name="c", subcore_axis_name="s",
        num_cores=NC, num_subcores=NS)


def _edge_kernel(ei, hp):

    @functools.partial(
        pl.kernel,
        out_type=jax.ShapeDtypeStruct((NC * NP, D), jnp.float32),
        mesh=_sc_mesh(),
        scratch_types=[
            pltpu.VMEM((C, D), jnp.float32),
            pltpu.VMEM((C, D), jnp.float32),
            pltpu.VMEM((2, C), jnp.int32),
            pltpu.VMEM((2, C), jnp.int32),
            pltpu.VMEM((2, C), jnp.int32),
            pltpu.VMEM((2, C), jnp.int32),
            pltpu.VMEM_SHARED((NP, D), jnp.float32),
            pltpu.SemaphoreType.DMA,
            pltpu.SemaphoreType.DMA,
            pltpu.SemaphoreType.DMA,
            pltpu.SemaphoreType.DMA,
            pltpu.SemaphoreType.DMA,
            pltpu.SemaphoreType.DMA,
            pltpu.SemaphoreType.DMA,
            pltpu.SemaphoreType.DMA,
        ],
    )
    def k(ei_hbm, hp_hbm, part_hbm, rows0, rows1, ib0, ib1, ib2, ib3,
          accum, isem0, isem1, isem2, isem3, gsem0, gsem1,
          ssem0, ssem1):
        cidx = lax.axis_index("c")
        sidx = lax.axis_index("s")
        base = (cidx * NS + sidx) * EW

        rbase = sidx * PS
        last_s = sidx == NS - 1

        def init_from_hp(nrows):
            for kk in range(nrows // ZR):
                pltpu.sync_copy(hp_hbm.at[pl.ds(rbase + kk * ZR, ZR)], rows0)
                pltpu.sync_copy(rows0, accum.at[pl.ds(rbase + kk * ZR, ZR)])
            rem = nrows - (nrows // ZR) * ZR
            if rem:
                pltpu.sync_copy(
                    hp_hbm.at[pl.ds(rbase + (nrows // ZR) * ZR, rem)],
                    rows0.at[pl.ds(0, rem)])
                pltpu.sync_copy(
                    rows0.at[pl.ds(0, rem)],
                    accum.at[pl.ds(rbase + (nrows // ZR) * ZR, rem)])

        @pl.when(jnp.logical_and(cidx == 0, jnp.logical_not(last_s)))
        def _():
            init_from_hp(PS)

        @pl.when(jnp.logical_and(cidx == 0, last_s))
        def _():
            init_from_hp(N - (NS - 1) * PS)

        @pl.when(cidx != 0)
        def _():
            @pl.loop(0, C)
            def _(r):
                for q in range(D // 16):
                    rows0[r, pl.ds(q * 16, 16)] = jnp.zeros((16,), jnp.float32)
            for kk in range(PS // ZR):
                pltpu.sync_copy(rows0, accum.at[pl.ds(rbase + kk * ZR, ZR)])
            rem = PS - (PS // ZR) * ZR
            pltpu.sync_copy(rows0.at[pl.ds(0, rem)],
                            accum.at[pl.ds(rbase + (PS // ZR) * ZR, rem)])

        plsc.subcore_barrier()

        def load_idx(j, ib, sem):
            pltpu.async_copy(ei_hbm.at[:, pl.ds(base + j * C, C)], ib, sem)

        def idx_wait(ib, sem):
            pltpu.make_async_copy(ei_hbm.at[:, pl.ds(0, C)], ib, sem).wait()

        def gath(ib, rows, sem):
            pltpu.async_copy(hp_hbm.at[ib.at[0]], rows, sem)

        def gath_wait(ib, rows, sem):
            pltpu.make_async_copy(hp_hbm.at[ib.at[0]], rows, sem).wait()

        def scat(rows, ib, sem):
            pltpu.async_copy(rows, accum.at[ib.at[1]], sem, add=True)

        def scat_wait(rows, ib, sem):
            pltpu.make_async_copy(rows, accum.at[ib.at[1]], sem).wait()

        rbufs = ((rows0, gsem0, ssem0), (rows1, gsem1, ssem1))
        ibufs = ((ib0, isem0), (ib1, isem1), (ib2, isem2), (ib3, isem3))

        for b, (ib, isem) in enumerate(ibufs):
            load_idx(b, ib, isem)
        for b in range(2):
            rows, gsem, ssem = rbufs[b]
            ib, isem = ibufs[b]
            idx_wait(ib, isem)
            gath(ib, rows, gsem)

        def step(j, b4, load_ok=True, gath_ok=True):
            rows, gsem, ssem = rbufs[b4 % 2]
            ib, isem = ibufs[b4]
            gath_wait(ib, rows, gsem)
            scat(rows, ib, ssem)
            scat_wait(rows, ib, ssem)
            if load_ok:
                load_idx(j + 4, ib, isem)
            if gath_ok:
                nib, nisem = ibufs[(b4 + 2) % 4]
                idx_wait(nib, nisem)
                gath(nib, rows, gsem)

        @pl.loop(0, NCH // 4 - 1)
        def _(i):
            for b in range(4):
                step(i * 4 + b, b)

        for jj in range(NCH - 4, NCH):
            step(jj, jj % 4, load_ok=False, gath_ok=jj + 2 < NCH)

        plsc.subcore_barrier()
        pltpu.sync_copy(accum.at[pl.ds(rbase, PS)],
                        part_hbm.at[pl.ds(cidx * NP + rbase, PS)])

    return k(ei, hp)


def _deg_kernel(ei):

    @functools.partial(
        pl.kernel,
        out_type=jax.ShapeDtypeStruct((NC * NP, D), jnp.float32),
        mesh=_sc_mesh(),
        scratch_types=[
            pltpu.VMEM((C, D), jnp.float32),
            pltpu.VMEM((C, D), jnp.float32),
            pltpu.VMEM((2, C), jnp.int32),
            pltpu.VMEM((2, C), jnp.int32),
            pltpu.VMEM((2, C), jnp.int32),
            pltpu.VMEM_SHARED((NP, D), jnp.float32),
            pltpu.SemaphoreType.DMA,
            pltpu.SemaphoreType.DMA,
            pltpu.SemaphoreType.DMA,
            pltpu.SemaphoreType.DMA,
            pltpu.SemaphoreType.DMA,
            pltpu.SemaphoreType.DMA,
        ],
    )
    def k(ei_hbm, deg_hbm, ones_rows, zero_rows, ib0, ib1, ib2,
          accum, isem0, isem1, isem2, ssem0, ssem1, ssem2):
        cidx = lax.axis_index("c")
        sidx = lax.axis_index("s")
        base = (cidx * NS + sidx) * EW
        rbase = sidx * PS

        @pl.loop(0, C)
        def _(r):
            for q in range(D // 16):
                ones_rows[r, pl.ds(q * 16, 16)] = jnp.ones((16,), jnp.float32)
                zero_rows[r, pl.ds(q * 16, 16)] = jnp.zeros((16,), jnp.float32)

        @pl.when(cidx == 0)
        def _():
            for kk in range(PS // ZR):
                pltpu.sync_copy(ones_rows, accum.at[pl.ds(rbase + kk * ZR, ZR)])
            rem = PS - (PS // ZR) * ZR
            pltpu.sync_copy(ones_rows.at[pl.ds(0, rem)],
                            accum.at[pl.ds(rbase + (PS // ZR) * ZR, rem)])

        @pl.when(cidx != 0)
        def _():
            for kk in range(PS // ZR):
                pltpu.sync_copy(zero_rows, accum.at[pl.ds(rbase + kk * ZR, ZR)])
            rem = PS - (PS // ZR) * ZR
            pltpu.sync_copy(zero_rows.at[pl.ds(0, rem)],
                            accum.at[pl.ds(rbase + (PS // ZR) * ZR, rem)])

        plsc.subcore_barrier()

        bufs = ((ib0, isem0, ssem0), (ib1, isem1, ssem1), (ib2, isem2, ssem2))

        def load_idx(j, ib, sem):
            pltpu.async_copy(ei_hbm.at[:, pl.ds(base + j * C, C)], ib, sem)

        def idx_wait(ib, sem):
            pltpu.make_async_copy(ei_hbm.at[:, pl.ds(0, C)], ib, sem).wait()

        def scat(ib, sem):
            pltpu.async_copy(ones_rows, accum.at[ib.at[1]], sem, add=True)

        def scat_wait(ib, sem):
            pltpu.make_async_copy(ones_rows, accum.at[ib.at[1]], sem).wait()

        for b, (ib, isem, ssem) in enumerate(bufs):
            load_idx(b, ib, isem)

        LI = NCH // 3 - 1

        @pl.loop(0, LI)
        def _(i):
            j0 = i * 3
            for b, (ib, isem, ssem) in enumerate(bufs):
                idx_wait(ib, isem)
                scat(ib, ssem)
                scat_wait(ib, ssem)
                load_idx(j0 + b + 3, ib, isem)

        for b, (ib, isem, ssem) in enumerate(bufs):
            idx_wait(ib, isem)
            scat(ib, ssem)
            scat_wait(ib, ssem)
            if b < 2:
                load_idx(NCH - 2 + b, ib, isem)
        for b, (ib, isem, ssem) in enumerate(bufs[:2]):
            idx_wait(ib, isem)
            scat(ib, ssem)
            scat_wait(ib, ssem)

        plsc.subcore_barrier()
        pltpu.sync_copy(accum.at[pl.ds(rbase, PS)],
                        deg_hbm.at[pl.ds(cidx * NP + rbase, PS)])

    return k(ei)


def _tc_first(x, W, dinv_b):
    def body(x_ref, w_ref, d_ref, o_ref):
        h = jnp.dot(x_ref[...], w_ref[...], preferred_element_type=jnp.float32)
        o_ref[...] = h * lax.rsqrt(d_ref[:N, 0:1] + d_ref[NP:NP + N, 0:1])

    return pl.pallas_call(
        body, out_shape=jax.ShapeDtypeStruct((N, D), jnp.float32))(x, W, dinv_b)


def _tc_mid(part, dinv_b, b, W):
    def body(p_ref, d_ref, b_ref, w_ref, o_ref):
        agg = p_ref[:N, :] + p_ref[NP:NP + N, :]
        d = lax.rsqrt(d_ref[:N, 0:1] + d_ref[NP:NP + N, 0:1])
        a = jnp.maximum(agg * d + b_ref[...], 0.0)
        o_ref[...] = jnp.dot(
            a, w_ref[...], preferred_element_type=jnp.float32) * d

    return pl.pallas_call(
        body, out_shape=jax.ShapeDtypeStruct((N, D), jnp.float32))(
            part, dinv_b, b, W)


def _tc_final(part, dinv_b, b, bidx):
    def body(p_ref, d_ref, b_ref, bi_ref, o_ref):
        agg = p_ref[:N, :] + p_ref[NP:NP + N, :]
        d = lax.rsqrt(d_ref[:N, 0:1] + d_ref[NP:NP + N, 0:1])
        a = jnp.maximum(agg * d + b_ref[...], 0.0)
        gids = lax.broadcasted_iota(jnp.int32, (G, N), 0).astype(jnp.float32)
        mask = jnp.where(gids == bi_ref[0:1, :], 1.0, 0.0)
        sums = jnp.dot(mask, a, preferred_element_type=jnp.float32)
        counts = jnp.sum(mask, axis=1, keepdims=True)
        o_ref[...] = sums / jnp.maximum(counts, 1.0)

    return pl.pallas_call(
        body, out_shape=jax.ShapeDtypeStruct((G, D), jnp.float32))(
            part, dinv_b, b, bidx)


def kernel(x, edge_index, batch_idx, W1, b1, W2, b2, W3, b3):
    ei = edge_index.astype(jnp.int32)
    pad = jnp.broadcast_to(
        jnp.array([[0], [N]], jnp.int32), (2, EP - E))
    ei = jnp.concatenate([ei, pad], axis=1)
    bidx = jnp.broadcast_to(batch_idx.astype(jnp.float32)[None, :], (8, N))

    deg_b = _deg_kernel(ei)
    hp = _tc_first(x, W1, deg_b)
    part = _edge_kernel(ei, hp)
    hp = _tc_mid(part, deg_b, b1.reshape(1, D), W2)
    part = _edge_kernel(ei, hp)
    hp = _tc_mid(part, deg_b, b2.reshape(1, D), W3)
    part = _edge_kernel(ei, hp)
    return _tc_final(part, deg_b, b3.reshape(1, D), bidx)

# --- scband reference (transcript-rebuilt; emitter-appended) ---
"""Pipeline reference for scband-graph-encoder-23605140259146 (READ-ONLY COPY).

The authoritative reference and input builder live on the scoring server;
editing this copy changes nothing except your own understanding.
"""

import jax, jax.numpy as jnp
import numpy as np

N_NODES = 10000
N_EDGES = 320000
D_FEAT = 128
HIDDEN = 128
NUM_GRAPHS = 16


def setup_inputs(seed: int = 0) -> dict:
    key = jax.random.key(seed)
    k_x, k_e, k_b, k_w = jax.random.split(key, 4)
    x = jax.random.normal(k_x, (N_NODES, D_FEAT), dtype=jnp.float32)
    edge_index = jax.random.randint(k_e, (2, N_EDGES), 0, N_NODES, dtype=jnp.int64)
    batch_idx = jnp.sort(jax.random.randint(k_b, (N_NODES,), 0, NUM_GRAPHS, dtype=jnp.int64))
    ks = jax.random.split(k_w, 6)
    s1 = 1.0 / np.sqrt(D_FEAT)
    s2 = 1.0 / np.sqrt(HIDDEN)
    W1 = jax.random.uniform(ks[0], (D_FEAT, HIDDEN), minval=-s1, maxval=s1, dtype=jnp.float32)
    b1 = jnp.zeros((HIDDEN,), dtype=jnp.float32)
    W2 = jax.random.uniform(ks[1], (HIDDEN, HIDDEN), minval=-s2, maxval=s2, dtype=jnp.float32)
    b2 = jnp.zeros((HIDDEN,), dtype=jnp.float32)
    W3 = jax.random.uniform(ks[2], (HIDDEN, HIDDEN), minval=-s2, maxval=s2, dtype=jnp.float32)
    b3 = jnp.zeros((HIDDEN,), dtype=jnp.float32)
    return {"x": x, "edge_index": edge_index, "batch_idx": batch_idx,
            "W1": W1, "b1": b1, "W2": W2, "b2": b2, "W3": W3, "b3": b3}


def _gcn_conv(x, src, dst, norm, W, b):
    # GCNConv: x' = D^{-1/2} (A + I) D^{-1/2} X W + b
    h = x @ W
    msgs = h[src] * norm[:, None]
    out = jnp.zeros((x.shape[0], h.shape[1]), dtype=h.dtype).at[dst].add(msgs)
    return out + b


def reference(x, edge_index, batch_idx, W1, b1, W2, b2, W3, b3):
    n = x.shape[0]
    loop = jnp.arange(n, dtype=edge_index.dtype)
    src = jnp.concatenate([edge_index[0], loop])
    dst = jnp.concatenate([edge_index[1], loop])
    deg = jnp.zeros((n,), dtype=jnp.float32).at[dst].add(1.0)
    dinv = jnp.where(deg > 0, 1.0 / jnp.sqrt(deg), 0.0)
    norm = dinv[src] * dinv[dst]

    h = _gcn_conv(x, src, dst, norm, W1, b1)
    h = jax.nn.relu(h)
    h = _gcn_conv(h, src, dst, norm, W2, b2)
    h = jax.nn.relu(h)
    h = _gcn_conv(h, src, dst, norm, W3, b3)
    h = jax.nn.relu(h)

    # global mean pool per graph
    sums = jax.ops.segment_sum(h, batch_idx, num_segments=NUM_GRAPHS)
    counts = jax.ops.segment_sum(jnp.ones((n,), dtype=jnp.float32), batch_idx, num_segments=NUM_GRAPHS)
    counts = jnp.maximum(counts, 1.0)
    return sums / counts[:, None]

if __name__ == "__main__":
    import jax
    _d = setup_inputs()
    print(jax.jit(kernel)(*tuple(_d.values())))

</pallas_src>

<mosaic_0001>
#map = affine_map<(d0, d1) -> (0, 0)>
module attributes {stable_mosaic.version = 14 : i64} {
  func.func @k(%arg0: i32, %arg1: i32, %arg2: memref<2x327680xi32, #tpu.memory_space<hbm>>, %arg3: memref<20224x128xf32, #tpu.memory_space<hbm>>, %arg4: memref<128x128xf32, #tpu.memory_space<vmem>>, %arg5: memref<128x128xf32, #tpu.memory_space<vmem>>, %arg6: memref<2x128xi32, #tpu.memory_space<vmem>>, %arg7: memref<2x128xi32, #tpu.memory_space<vmem>>, %arg8: memref<2x128xi32, #tpu.memory_space<vmem>>, %arg9: memref<10112x128xf32, #tpu.memory_space<vmem_shared>>, %arg10: memref<!tpu.dma_semaphore, #tpu.memory_space<semaphore_mem>>, %arg11: memref<!tpu.dma_semaphore, #tpu.memory_space<semaphore_mem>>, %arg12: memref<!tpu.dma_semaphore, #tpu.memory_space<semaphore_mem>>, %arg13: memref<!tpu.dma_semaphore, #tpu.memory_space<semaphore_mem>>, %arg14: memref<!tpu.dma_semaphore, #tpu.memory_space<semaphore_mem>>, %arg15: memref<!tpu.dma_semaphore, #tpu.memory_space<semaphore_mem>>) attributes {dimension_semantics = [#tpu.dimension_semantics<core_parallel>, #tpu.dimension_semantics<subcore_parallel>], iteration_bounds = array<i64: 2, 16>, scalar_prefetch = 0 : i64, scratch_operands = 12 : i64, tpu.core_type = #tpu.core_type<sc_vector_subcore>, window_params = [{transform_indices = #map}, {transform_indices = #map}]} {
    %mul3A = arith.constant 16 : i32
    %mul3A_0 = arith.muli %arg0, %mul3A : i32
    %add3A = arith.addi %mul3A_0, %arg1 : i32
    %mul3A_1 = arith.constant 10240 : i32
    %mul3A_2 = arith.muli %add3A, %mul3A_1 : i32
    %mul3A_3 = arith.constant 632 : i32
    %mul3A_4 = arith.muli %arg1, %mul3A_3 : i32
    %scan3A = arith.constant 0 : i32
    %scan3A_5 = arith.constant 128 : i32
    %scan3A_6 = arith.addi %scan3A, %scan3A_5 : i32
    %scan3A_7 = arith.constant 1 : i32
    scf.for %scan3A_152 = %scan3A to %scan3A_6 step %scan3A_7  : i32 {
      %mul3A_153 = arith.constant 1 : i32
      %mul3A_154 = arith.muli %scan3A_152, %mul3A_153 : i32
      %add3A_155 = arith.constant 0 : i32
      %add3A_156 = arith.addi %add3A_155, %mul3A_154 : i32
      %broadcast_in_dim3A = arith.constant 1.000000e+00 : f32
      %broadcast_in_dim3A_157 = vector.broadcast %broadcast_in_dim3A : f32 to vector<16xf32>
      %swap3A = arith.index_cast %add3A_156 : i32 to index
      %swap3A_158 = arith.constant 0 : index
      %swap3A_159 = tpu.vector_load %arg4[%swap3A, %swap3A_158] {strides = array<i32>} : memref<128x128xf32, #tpu.memory_space<vmem>>, vector<1x16xf32>,
      %swap3A_160 = vector.shape_cast %swap3A_159 : vector<1x16xf32> to vector<16xf32>
      %swap3A_161 = vector.shape_cast %broadcast_in_dim3A_157 : vector<16xf32> to vector<1x16xf32>
      tpu.vector_store %arg4[%swap3A, %swap3A_158], %swap3A_161 {strides = array<i32>} : memref<128x128xf32, #tpu.memory_space<vmem>>, vector<1x16xf32>,
      %broadcast_in_dim3A_162 = arith.constant 0.000000e+00 : f32
      %broadcast_in_dim3A_163 = vector.broadcast %broadcast_in_dim3A_162 : f32 to vector<16xf32>
      %swap3A_164 = arith.index_cast %add3A_156 : i32 to index
      %swap3A_165 = arith.constant 0 : index
      %swap3A_166 = tpu.vector_load %arg5[%swap3A_164, %swap3A_165] {strides = array<i32>} : memref<128x128xf32, #tpu.memory_space<vmem>>, vector<1x16xf32>,
      %swap3A_167 = vector.shape_cast %swap3A_166 : vector<1x16xf32> to vector<16xf32>
      %swap3A_168 = vector.shape_cast %broadcast_in_dim3A_163 : vector<16xf32> to vector<1x16xf32>
      tpu.vector_store %arg5[%swap3A_164, %swap3A_165], %swap3A_168 {strides = array<i32>} : memref<128x128xf32, #tpu.memory_space<vmem>>, vector<1x16xf32>,
      %broadcast_in_dim3A_169 = arith.constant 1.000000e+00 : f32
      %broadcast_in_dim3A_170 = vector.broadcast %broadcast_in_dim3A_169 : f32 to vector<16xf32>
      %swap3A_171 = arith.index_cast %add3A_156 : i32 to index
      %swap3A_172 = arith.constant 16 : index
      %swap3A_173 = tpu.vector_load %arg4[%swap3A_171, %swap3A_172] {strides = array<i32>} : memref<128x128xf32, #tpu.memory_space<vmem>>, vector<1x16xf32>,
      %swap3A_174 = vector.shape_cast %swap3A_173 : vector<1x16xf32> to vector<16xf32>
      %swap3A_175 = vector.shape_cast %broadcast_in_dim3A_170 : vector<16xf32> to vector<1x16xf32>
      tpu.vector_store %arg4[%swap3A_171, %swap3A_172], %swap3A_175 {strides = array<i32>} : memref<128x128xf32, #tpu.memory_space<vmem>>, vector<1x16xf32>,
      %broadcast_in_dim3A_176 = arith.constant 0.000000e+00 : f32
      %broadcast_in_dim3A_177 = vector.broadcast %broadcast_in_dim3A_176 : f32 to vector<16xf32>
      %swap3A_178 = arith.index_cast %add3A_156 : i32 to index
      %swap3A_179 = arith.constant 16 : index
      %swap3A_180 = tpu.vector_load %arg5[%swap3A_178, %swap3A_179] {strides = array<i32>} : memref<128x128xf32, #tpu.memory_space<vmem>>, vector<1x16xf32>,
      %swap3A_181 = vector.shape_cast %swap3A_180 : vector<1x16xf32> to vector<16xf32>
      %swap3A_182 = vector.shape_cast %broadcast_in_dim3A_177 : vector<16xf32> to vector<1x16xf32>
      tpu.vector_store %arg5[%swap3A_178, %swap3A_179], %swap3A_182 {strides = array<i32>} : memref<128x128xf32, #tpu.memory_space<vmem>>, vector<1x16xf32>,
      %broadcast_in_dim3A_183 = arith.constant 1.000000e+00 : f32
      %broadcast_in_dim3A_184 = vector.broadcast %broadcast_in_dim3A_183 : f32 to vector<16xf32>
      %swap3A_185 = arith.index_cast %add3A_156 : i32 to index
      %swap3A_186 = arith.constant 32 : index
      %swap3A_187 = tpu.vector_load %arg4[%swap3A_185, %swap3A_186] {strides = array<i32>} : memref<128x128xf32, #tpu.memory_space<vmem>>, vector<1x16xf32>,
      %swap3A_188 = vector.shape_cast %swap3A_187 : vector<1x16xf32> to vector<16xf32>
      %swap3A_189 = vector.shape_cast %broadcast_in_dim3A_184 : vector<16xf32> to vector<1x16xf32>
      tpu.vector_store %arg4[%swap3A_185, %swap3A_186], %swap3A_189 {strides = array<i32>} : memref<128x128xf32, #tpu.memory_space<vmem>>, vector<1x16xf32>,
      %broadcast_in_dim3A_190 = arith.constant 0.000000e+00 : f32
      %broadcast_in_dim3A_191 = vector.broadcast %broadcast_in_dim3A_190 : f32 to vector<16xf32>
      %swap3A_192 = arith.index_cast %add3A_156 : i32 to index
      %swap3A_193 = arith.constant 32 : index
      %swap3A_194 = tpu.vector_load %arg5[%swap3A_192, %swap3A_193] {strides = array<i32>} : memref<128x128xf32, #tpu.memory_space<vmem>>, vector<1x16xf32>,
      %swap3A_195 = vector.shape_cast %swap3A_194 : vector<1x16xf32> to vector<16xf32>
      %swap3A_196 = vector.shape_cast %broadcast_in_dim3A_191 : vector<16xf32> to vector<1x16xf32>
      tpu.vector_store %arg5[%swap3A_192, %swap3A_193], %swap3A_196 {strides = array<i32>} : memref<128x128xf32, #tpu.memory_space<vmem>>, vector<1x16xf32>,
      %broadcast_in_dim3A_197 = arith.constant 1.000000e+00 : f32
      %broadcast_in_dim3A_198 = vector.broadcast %broadcast_in_dim3A_197 : f32 to vector<16xf32>
      %swap3A_199 = arith.index_cast %add3A_156 : i32 to index
      %swap3A_200 = arith.constant 48 : index
      %swap3A_201 = tpu.vector_load %arg4[%swap3A_199, %swap3A_200] {strides = array<i32>} : memref<128x128xf32, #tpu.memory_space<vmem>>, vector<1x16xf32>,
      %swap3A_202 = vector.shape_cast %swap3A_201 : vector<1x16xf32> to vector<16xf32>
      %swap3A_203 = vector.shape_cast %broadcast_in_dim3A_198 : vector<16xf32> to vector<1x16xf32>
      tpu.vector_store %arg4[%swap3A_199, %swap3A_200], %swap3A_203 {strides = array<i32>} : memref<128x128xf32, #tpu.memory_space<vmem>>, vector<1x16xf32>,
      %broadcast_in_dim3A_204 = arith.constant 0.000000e+00 : f32
      %broadcast_in_dim3A_205 = vector.broadcast %broadcast_in_dim3A_204 : f32 to vector<16xf32>
      %swap3A_206 = arith.index_cast %add3A_156 : i32 to index
      %swap3A_207 = arith.constant 48 : index
      %swap3A_208 = tpu.vector_load %arg5[%swap3A_206, %swap3A_207] {strides = array<i32>} : memref<128x128xf32, #tpu.memory_space<vmem>>, vector<1x16xf32>,
      %swap3A_209 = vector.shape_cast %swap3A_208 : vector<1x16xf32> to vector<16xf32>
      %swap3A_210 = vector.shape_cast %broadcast_in_dim3A_205 : vector<16xf32> to vector<1x16xf32>
      tpu.vector_store %arg5[%swap3A_206, %swap3A_207], %swap3A_210 {strides = array<i32>} : memref<128x128xf32, #tpu.memory_space<vmem>>, vector<1x16xf32>,
      %broadcast_in_dim3A_211 = arith.constant 1.000000e+00 : f32
      %broadcast_in_dim3A_212 = vector.broadcast %broadcast_in_dim3A_211 : f32 to vector<16xf32>
      %swap3A_213 = arith.index_cast %add3A_156 : i32 to index
      %swap3A_214 = arith.constant 64 : index
      %swap3A_215 = tpu.vector_load %arg4[%swap3A_213, %swap3A_214] {strides = array<i32>} : memref<128x128xf32, #tpu.memory_space<vmem>>, vector<1x16xf32>,
      %swap3A_216 = vector.shape_cast %swap3A_215 : vector<1x16xf32> to vector<16xf32>
      %swap3A_217 = vector.shape_cast %broadcast_in_dim3A_212 : vector<16xf32> to vector<1x16xf32>
      tpu.vector_store %arg4[%swap3A_213, %swap3A_214], %swap3A_217 {strides = array<i32>} : memref<128x128xf32, #tpu.memory_space<vmem>>, vector<1x16xf32>,
      %broadcast_in_dim3A_218 = arith.constant 0.000000e+00 : f32
      %broadcast_in_dim3A_219 = vector.broadcast %broadcast_in_dim3A_218 : f32 to vector<16xf32>
      %swap3A_220 = arith.index_cast %add3A_156 : i32 to index
      %swap3A_221 = arith.constant 64 : index
      %swap3A_222 = tpu.vector_load %arg5[%swap3A_220, %swap3A_221] {strides = array<i32>} : memref<128x128xf32, #tpu.memory_space<vmem>>, vector<1x16xf32>,
      %swap3A_223 = vector.shape_cast %swap3A_222 : vector<1x16xf32> to vector<16xf32>
      %swap3A_224 = vector.shape_cast %broadcast_in_dim3A_219 : vector<16xf32> to vector<1x16xf32>
      tpu.vector_store %arg5[%swap3A_220, %swap3A_221], %swap3A_224 {strides = array<i32>} : memref<128x128xf32, #tpu.memory_space<vmem>>, vector<1x16xf32>,
      %broadcast_in_dim3A_225 = arith.constant 1.000000e+00 : f32
      %broadcast_in_dim3A_226 = vector.broadcast %broadcast_in_dim3A_225 : f32 to vector<16xf32>
      %swap3A_227 = arith.index_cast %add3A_156 : i32 to index
      %swap3A_228 = arith.constant 80 : index
      %swap3A_229 = tpu.vector_load %arg4[%swap3A_227, %swap3A_228] {strides = array<i32>} : memref<128x128xf32, #tpu.memory_space<vmem>>, vector<1x16xf32>,
      %swap3A_230 = vector.shape_cast %swap3A_229 : vector<1x16xf32> to vector<16xf32>
      %swap3A_231 = vector.shape_cast %broadcast_in_dim3A_226 : vector<16xf32> to vector<1x16xf32>
      tpu.vector_store %arg4[%swap3A_227, %swap3A_228], %swap3A_231 {strides = array<i32>} : memref<128x128xf32, #tpu.memory_space<vmem>>, vector<1x16xf32>,
      %broadcast_in_dim3A_232 = arith.constant 0.000000e+00 : f32
      %broadcast_in_dim3A_233 = vector.broadcast %broadcast_in_dim3A_232 : f32 to vector<16xf32>
      %swap3A_234 = arith.index_cast %add3A_156 : i32 to index
      %swap3A_235 = arith.constant 80 : index
      %swap3A_236 = tpu.vector_load %arg5[%swap3A_234, %swap3A_235] {strides = array<i32>} : memref<128x128xf32, #tpu.memory_space<vmem>>, vector<1x16xf32>,
      %swap3A_237 = vector.shape_cast %swap3A_236 : vector<1x16xf32> to vector<16xf32>
      %swap3A_238 = vector.shape_cast %broadcast_in_dim3A_233 : vector<16xf32> to vector<1x16xf32>
      tpu.vector_store %arg5[%swap3A_234, %swap3A_235], %swap3A_238 {strides = array<i32>} : memref<128x128xf32, #tpu.memory_space<vmem>>, vector<1x16xf32>,
      %broadcast_in_dim3A_239 = arith.constant 1.000000e+00 : f32
      %broadcast_in_dim3A_240 = vector.broadcast %broadcast_in_dim3A_239 : f32 to vector<16xf32>
      %swap3A_241 = arith.index_cast %add3A_156 : i32 to index
      %swap3A_242 = arith.constant 96 : index
      %swap3A_243 = tpu.vector_load %arg4[%swap3A_241, %swap3A_242] {strides = array<i32>} : memref<128x128xf32, #tpu.memory_space<vmem>>, vector<1x16xf32>,
      %swap3A_244 = vector.shape_cast %swap3A_243 : vector<1x16xf32> to vector<16xf32>
      %swap3A_245 = vector.shape_cast %broadcast_in_dim3A_240 : vector<16xf32> to vector<1x16xf32>
      tpu.vector_store %arg4[%swap3A_241, %swap3A_242], %swap3A_245 {strides = array<i32>} : memref<128x128xf32, #tpu.memory_space<vmem>>, vector<1x16xf32>,
      %broadcast_in_dim3A_246 = arith.constant 0.000000e+00 : f32
      %broadcast_in_dim3A_247 = vector.broadcast %broadcast_in_dim3A_246 : f32 to vector<16xf32>
      %swap3A_248 = arith.index_cast %add3A_156 : i32 to index
      %swap3A_249 = arith.constant 96 : index
      %swap3A_250 = tpu.vector_load %arg5[%swap3A_248, %swap3A_249] {strides = array<i32>} : memref<128x128xf32, #tpu.memory_space<vmem>>, vector<1x16xf32>,
      %swap3A_251 = vector.shape_cast %swap3A_250 : vector<1x16xf32> to vector<16xf32>
      %swap3A_252 = vector.shape_cast %broadcast_in_dim3A_247 : vector<16xf32> to vector<1x16xf32>
      tpu.vector_store %arg5[%swap3A_248, %swap3A_249], %swap3A_252 {strides = array<i32>} : memref<128x128xf32, #tpu.memory_space<vmem>>, vector<1x16xf32>,
      %broadcast_in_dim3A_253 = arith.constant 1.000000e+00 : f32
      %broadcast_in_dim3A_254 = vector.broadcast %broadcast_in_dim3A_253 : f32 to vector<16xf32>
      %swap3A_255 = arith.index_cast %add3A_156 : i32 to index
      %swap3A_256 = arith.constant 112 : index
      %swap3A_257 = tpu.vector_load %arg4[%swap3A_255, %swap3A_256] {strides = array<i32>} : memref<128x128xf32, #tpu.memory_space<vmem>>, vector<1x16xf32>,
      %swap3A_258 = vector.shape_cast %swap3A_257 : vector<1x16xf32> to vector<16xf32>
      %swap3A_259 = vector.shape_cast %broadcast_in_dim3A_254 : vector<16xf32> to vector<1x16xf32>
      tpu.vector_store %arg4[%swap3A_255, %swap3A_256], %swap3A_259 {strides = array<i32>} : memref<128x128xf32, #tpu.memory_space<vmem>>, vector<1x16xf32>,
      %broadcast_in_dim3A_260 = arith.constant 0.000000e+00 : f32
      %broadcast_in_dim3A_261 = vector.broadcast %broadcast_in_dim3A_260 : f32 to vector<16xf32>
      %swap3A_262 = arith.index_cast %add3A_156 : i32 to index
      %swap3A_263 = arith.constant 112 : index
      %swap3A_264 = tpu.vector_load %arg5[%swap3A_262, %swap3A_263] {strides = array<i32>} : memref<128x128xf32, #tpu.memory_space<vmem>>, vector<1x16xf32>,
      %swap3A_265 = vector.shape_cast %swap3A_264 : vector<1x16xf32> to vector<16xf32>
      %swap3A_266 = vector.shape_cast %broadcast_in_dim3A_261 : vector<16xf32> to vector<1x16xf32>
      tpu.vector_store %arg5[%swap3A_262, %swap3A_263], %swap3A_266 {strides = array<i32>} : memref<128x128xf32, #tpu.memory_space<vmem>>, vector<1x16xf32>,
    }
    %scan3A_8 = arith.constant 128 : i32
    %eq3A = arith.constant 0 : i32
    %eq3A_9 = arith.cmpi eq, %arg0, %eq3A : i32
    %convert_element_type3A = arith.extui %eq3A_9 : i1 to i32
    %cond3A = arith.constant 0 : i32
    %cond3A_10 = arith.cmpi ne, %convert_element_type3A, %cond3A : i32
    scf.if %cond3A_10 {
      %add3A_152 = arith.constant 0 : i32
      %add3A_153 = arith.addi %mul3A_4, %add3A_152 : i32
      "tpu.region"() ({
        %run_scoped3A = tpu.sem_alloc : memref<!tpu.dma_semaphore, #tpu.memory_space<semaphore_mem>>
        %dma_start3A_162 = arith.constant 0 : i32
        %dma_start3A_163 = tpu.memref_slice %arg9[%add3A_153, %dma_start3A_162] : memref<10112x128xf32, #tpu.memory_space<vmem_shared>> -> memref<128x128xf32, #tpu.memory_space<vmem_shared>>
        %dma_start3A_164 = arith.constant 0 : i32
        %dma_start3A_165 = tpu.memref_slice %arg9[%add3A_153, %dma_start3A_164] : memref<10112x128xf32, #tpu.memory_space<vmem_shared>> -> memref<128x128xf32, #tpu.memory_space<vmem_shared>>
        tpu.enqueue_dma source(%arg4 : memref<128x128xf32, #tpu.memory_space<vmem>>) target(%dma_start3A_165 : memref<128x128xf32, #tpu.memory_space<vmem_shared>>) target_semaphore(%run_scoped3A : memref<!tpu.dma_semaphore, #tpu.memory_space<semaphore_mem>>)
        %dma_wait3A_166 = arith.constant 0 : i32
        %dma_wait3A_167 = tpu.memref_slice %arg9[%add3A_153, %dma_wait3A_166] : memref<10112x128xf32, #tpu.memory_space<vmem_shared>> -> memref<128x128xf32, #tpu.memory_space<vmem_shared>>
        %dma_wait3A_168 = arith.constant 0 : i32
        %dma_wait3A_169 = tpu.memref_slice %arg9[%add3A_153, %dma_wait3A_168] : memref<10112x128xf32, #tpu.memory_space<vmem_shared>> -> memref<128x128xf32, #tpu.memory_space<vmem_shared>>
        tpu.wait_dma2 semaphore(%run_scoped3A : memref<!tpu.dma_semaphore, #tpu.memory_space<semaphore_mem>>) src(%arg4 : memref<128x128xf32, #tpu.memory_space<vmem>>) dst(%dma_wait3A_169 : memref<128x128xf32, #tpu.memory_space<vmem_shared>>)
        tpu.yield
      }) : () -> ()
      %add3A_154 = arith.constant 128 : i32
      %add3A_155 = arith.addi %mul3A_4, %add3A_154 : i32
      "tpu.region"() ({
        %run_scoped3A = tpu.sem_alloc : memref<!tpu.dma_semaphore, #tpu.memory_space<semaphore_mem>>
        %dma_start3A_162 = arith.constant 0 : i32
        %dma_start3A_163 = tpu.memref_slice %arg9[%add3A_155, %dma_start3A_162] : memref<10112x128xf32, #tpu.memory_space<vmem_shared>> -> memref<128x128xf32, #tpu.memory_space<vmem_shared>>
        %dma_start3A_164 = arith.constant 0 : i32
        %dma_start3A_165 = tpu.memref_slice %arg9[%add3A_155, %dma_start3A_164] : memref<10112x128xf32, #tpu.memory_space<vmem_shared>> -> memref<128x128xf32, #tpu.memory_space<vmem_shared>>
        tpu.enqueue_dma source(%arg4 : memref<128x128xf32, #tpu.memory_space<vmem>>) target(%dma_start3A_165 : memref<128x128xf32, #tpu.memory_space<vmem_shared>>) target_semaphore(%run_scoped3A : memref<!tpu.dma_semaphore, #tpu.memory_space<semaphore_mem>>)
        %dma_wait3A_166 = arith.constant 0 : i32
        %dma_wait3A_167 = tpu.memref_slice %arg9[%add3A_155, %dma_wait3A_166] : memref<10112x128xf32, #tpu.memory_space<vmem_shared>> -> memref<128x128xf32, #tpu.memory_space<vmem_shared>>
        %dma_wait3A_168 = arith.constant 0 : i32
        %dma_wait3A_169 = tpu.memref_slice %arg9[%add3A_155, %dma_wait3A_168] : memref<10112x128xf32, #tpu.memory_space<vmem_shared>> -> memref<128x128xf32, #tpu.memory_space<vmem_shared>>
        tpu.wait_dma2 semaphore(%run_scoped3A : memref<!tpu.dma_semaphore, #tpu.memory_space<semaphore_mem>>) src(%arg4 : memref<128x128xf32, #tpu.memory_space<vmem>>) dst(%dma_wait3A_169 : memref<128x128xf32, #tpu.memory_space<vmem_shared>>)
        tpu.yield
      }) : () -> ()
      %add3A_156 = arith.constant 256 : i32
      %add3A_157 = arith.addi %mul3A_4, %add3A_156 : i32
      "tpu.region"() ({
        %run_scoped3A = tpu.sem_alloc : memref<!tpu.dma_semaphore, #tpu.memory_space<semaphore_mem>>
        %dma_start3A_162 = arith.constant 0 : i32
        %dma_start3A_163 = tpu.memref_slice %arg9[%add3A_157, %dma_start3A_162] : memref<10112x128xf32, #tpu.memory_space<vmem_shared>> -> memref<128x128xf32, #tpu.memory_space<vmem_shared>>
        %dma_start3A_164 = arith.constant 0 : i32
        %dma_start3A_165 = tpu.memref_slice %arg9[%add3A_157, %dma_start3A_164] : memref<10112x128xf32, #tpu.memory_space<vmem_shared>> -> memref<128x128xf32, #tpu.memory_space<vmem_shared>>
        tpu.enqueue_dma source(%arg4 : memref<128x128xf32, #tpu.memory_space<vmem>>) target(%dma_start3A_165 : memref<128x128xf32, #tpu.memory_space<vmem_shared>>) target_semaphore(%run_scoped3A : memref<!tpu.dma_semaphore, #tpu.memory_space<semaphore_mem>>)
        %dma_wait3A_166 = arith.constant 0 : i32
        %dma_wait3A_167 = tpu.memref_slice %arg9[%add3A_157, %dma_wait3A_166] : memref<10112x128xf32, #tpu.memory_space<vmem_shared>> -> memref<128x128xf32, #tpu.memory_space<vmem_shared>>
        %dma_wait3A_168 = arith.constant 0 : i32
        %dma_wait3A_169 = tpu.memref_slice %arg9[%add3A_157, %dma_wait3A_168] : memref<10112x128xf32, #tpu.memory_space<vmem_shared>> -> memref<128x128xf32, #tpu.memory_space<vmem_shared>>
        tpu.wait_dma2 semaphore(%run_scoped3A : memref<!tpu.dma_semaphore, #tpu.memory_space<semaphore_mem>>) src(%arg4 : memref<128x128xf32, #tpu.memory_space<vmem>>) dst(%dma_wait3A_169 : memref<128x128xf32, #tpu.memory_space<vmem_shared>>)
        tpu.yield
      }) : () -> ()
      %add3A_158 = arith.constant 384 : i32
      %add3A_159 = arith.addi %mul3A_4, %add3A_158 : i32
      "tpu.region"() ({
        %run_scoped3A = tpu.sem_alloc : memref<!tpu.dma_semaphore, #tpu.memory_space<semaphore_mem>>
        %dma_start3A_162 = arith.constant 0 : i32
        %dma_start3A_163 = tpu.memref_slice %arg9[%add3A_159, %dma_start3A_162] : memref<10112x128xf32, #tpu.memory_space<vmem_shared>> -> memref<128x128xf32, #tpu.memory_space<vmem_shared>>
        %dma_start3A_164 = arith.constant 0 : i32
        %dma_start3A_165 = tpu.memref_slice %arg9[%add3A_159, %dma_start3A_164] : memref<10112x128xf32, #tpu.memory_space<vmem_shared>> -> memref<128x128xf32, #tpu.memory_space<vmem_shared>>
        tpu.enqueue_dma source(%arg4 : memref<128x128xf32, #tpu.memory_space<vmem>>) target(%dma_start3A_165 : memref<128x128xf32, #tpu.memory_space<vmem_shared>>) target_semaphore(%run_scoped3A : memref<!tpu.dma_semaphore, #tpu.memory_space<semaphore_mem>>)
        %dma_wait3A_166 = arith.constant 0 : i32
        %dma_wait3A_167 = tpu.memref_slice %arg9[%add3A_159, %dma_wait3A_166] : memref<10112x128xf32, #tpu.memory_space<vmem_shared>> -> memref<128x128xf32, #tpu.memory_space<vmem_shared>>
        %dma_wait3A_168 = arith.constant 0 : i32
        %dma_wait3A_169 = tpu.memref_slice %arg9[%add3A_159, %dma_wait3A_168] : memref<10112x128xf32, #tpu.memory_space<vmem_shared>> -> memref<128x128xf32, #tpu.memory_space<vmem_shared>>
        tpu.wait_dma2 semaphore(%run_scoped3A : memref<!tpu.dma_semaphore, #tpu.memory_space<semaphore_mem>>) src(%arg4 : memref<128x128xf32, #tpu.memory_space<vmem>>) dst(%dma_wait3A_169 : memref<128x128xf32, #tpu.memory_space<vmem_shared>>)
        tpu.yield
      }) : () -> ()
      %add3A_160 = arith.constant 512 : i32
      %add3A_161 = arith.addi %mul3A_4, %add3A_160 : i32
      "tpu.region"() ({
        %run_scoped3A = tpu.sem_alloc : memref<!tpu.dma_semaphore, #tpu.memory_space<semaphore_mem>>
        %dma_start3A_162 = arith.constant 0 : i32
        %dma_start3A_163 = arith.constant 0 : i32
        %dma_start3A_164 = tpu.memref_slice %arg4[%dma_start3A_162, %dma_start3A_163] : memref<128x128xf32, #tpu.memory_space<vmem>> -> memref<120x128xf32, #tpu.memory_space<vmem>>
        %dma_start3A_165 = arith.constant 0 : i32
        %dma_start3A_166 = tpu.memref_slice %arg9[%add3A_161, %dma_start3A_165] : memref<10112x128xf32, #tpu.memory_space<vmem_shared>> -> memref<120x128xf32, #tpu.memory_space<vmem_shared>>
        %dma_start3A_167 = arith.constant 0 : i32
        %dma_start3A_168 = tpu.memref_slice %arg9[%add3A_161, %dma_start3A_167] : memref<10112x128xf32, #tpu.memory_space<vmem_shared>> -> memref<120x128xf32, #tpu.memory_space<vmem_shared>>
        %dma_start3A_169 = arith.constant 0 : i32
        %dma_start3A_170 = arith.constant 0 : i32
        %dma_start3A_171 = tpu.memref_slice %arg4[%dma_start3A_169, %dma_start3A_170] : memref<128x128xf32, #tpu.memory_space<vmem>> -> memref<120x128xf32, #tpu.memory_space<vmem>>
        tpu.enqueue_dma source(%dma_start3A_171 : memref<120x128xf32, #tpu.memory_space<vmem>>) target(%dma_start3A_168 : memref<120x128xf32, #tpu.memory_space<vmem_shared>>) target_semaphore(%run_scoped3A : memref<!tpu.dma_semaphore, #tpu.memory_space<semaphore_mem>>)
        %dma_wait3A_172 = arith.constant 0 : i32
        %dma_wait3A_173 = arith.constant 0 : i32
        %dma_wait3A_174 = tpu.memref_slice %arg4[%dma_wait3A_172, %dma_wait3A_173] : memref<128x128xf32, #tpu.memory_space<vmem>> -> memref<120x128xf32, #tpu.memory_space<vmem>>
        %dma_wait3A_175 = arith.constant 0 : i32
        %dma_wait3A_176 = tpu.memref_slice %arg9[%add3A_161, %dma_wait3A_175] : memref<10112x128xf32, #tpu.memory_space<vmem_shared>> -> memref<120x128xf32, #tpu.memory_space<vmem_shared>>
        %dma_wait3A_177 = arith.constant 0 : i32
        %dma_wait3A_178 = tpu.memref_slice %arg9[%add3A_161, %dma_wait3A_177] : memref<10112x128xf32, #tpu.memory_space<vmem_shared>> -> memref<120x128xf32, #tpu.memory_space<vmem_shared>>
        %dma_wait3A_179 = arith.constant 0 : i32
        %dma_wait3A_180 = arith.constant 0 : i32
        %dma_wait3A_181 = tpu.memref_slice %arg4[%dma_wait3A_179, %dma_wait3A_180] : memref<128x128xf32, #tpu.memory_space<vmem>> -> memref<120x128xf32, #tpu.memory_space<vmem>>
        tpu.wait_dma2 semaphore(%run_scoped3A : memref<!tpu.dma_semaphore, #tpu.memory_space<semaphore_mem>>) src(%dma_wait3A_181 : memref<120x128xf32, #tpu.memory_space<vmem>>) dst(%dma_wait3A_178 : memref<120x128xf32, #tpu.memory_space<vmem_shared>>)
        tpu.yield
      }) : () -> ()
    } else {
    }
    %ne3A = arith.constant 0 : i32
    %ne3A_11 = arith.cmpi ne, %arg0, %ne3A : i32
    %convert_element_type3A_12 = arith.extui %ne3A_11 : i1 to i32
    %cond3A_13 = arith.constant 0 : i32
    %cond3A_14 = arith.cmpi ne, %convert_element_type3A_12, %cond3A_13 : i32
    scf.if %cond3A_14 {
      %add3A_152 = arith.constant 0 : i32
      %add3A_153 = arith.addi %mul3A_4, %add3A_152 : i32
      "tpu.region"() ({
        %run_scoped3A = tpu.sem_alloc : memref<!tpu.dma_semaphore, #tpu.memory_space<semaphore_mem>>
        %dma_start3A_162 = arith.constant 0 : i32
        %dma_start3A_163 = tpu.memref_slice %arg9[%add3A_153, %dma_start3A_162] : memref<10112x128xf32, #tpu.memory_space<vmem_shared>> -> memref<128x128xf32, #tpu.memory_space<vmem_shared>>
        %dma_start3A_164 = arith.constant 0 : i32
        %dma_start3A_165 = tpu.memref_slice %arg9[%add3A_153, %dma_start3A_164] : memref<10112x128xf32, #tpu.memory_space<vmem_shared>> -> memref<128x128xf32, #tpu.memory_space<vmem_shared>>
        tpu.enqueue_dma source(%arg5 : memref<128x128xf32, #tpu.memory_space<vmem>>) target(%dma_start3A_165 : memref<128x128xf32, #tpu.memory_space<vmem_shared>>) target_semaphore(%run_scoped3A : memref<!tpu.dma_semaphore, #tpu.memory_space<semaphore_mem>>)
        %dma_wait3A_166 = arith.constant 0 : i32
        %dma_wait3A_167 = tpu.memref_slice %arg9[%add3A_153, %dma_wait3A_166] : memref<10112x128xf32, #tpu.memory_space<vmem_shared>> -> memref<128x128xf32, #tpu.memory_space<vmem_shared>>
        %dma_wait3A_168 = arith.constant 0 : i32
        %dma_wait3A_169 = tpu.memref_slice %arg9[%add3A_153, %dma_wait3A_168] : memref<10112x128xf32, #tpu.memory_space<vmem_shared>> -> memref<128x128xf32, #tpu.memory_space<vmem_shared>>
        tpu.wait_dma2 semaphore(%run_scoped3A : memref<!tpu.dma_semaphore, #tpu.memory_space<semaphore_mem>>) src(%arg5 : memref<128x128xf32, #tpu.memory_space<vmem>>) dst(%dma_wait3A_169 : memref<128x128xf32, #tpu.memory_space<vmem_shared>>)
        tpu.yield
      }) : () -> ()
      %add3A_154 = arith.constant 128 : i32
      %add3A_155 = arith.addi %mul3A_4, %add3A_154 : i32
      "tpu.region"() ({
        %run_scoped3A = tpu.sem_alloc : memref<!tpu.dma_semaphore, #tpu.memory_space<semaphore_mem>>
        %dma_start3A_162 = arith.constant 0 : i32
        %dma_start3A_163 = tpu.memref_slice %arg9[%add3A_155, %dma_start3A_162] : memref<10112x128xf32, #tpu.memory_space<vmem_shared>> -> memref<128x128xf32, #tpu.memory_space<vmem_shared>>
        %dma_start3A_164 = arith.constant 0 : i32
        %dma_start3A_165 = tpu.memref_slice %arg9[%add3A_155, %dma_start3A_164] : memref<10112x128xf32, #tpu.memory_space<vmem_shared>> -> memref<128x128xf32, #tpu.memory_space<vmem_shared>>
        tpu.enqueue_dma source(%arg5 : memref<128x128xf32, #tpu.memory_space<vmem>>) target(%dma_start3A_165 : memref<128x128xf32, #tpu.memory_space<vmem_shared>>) target_semaphore(%run_scoped3A : memref<!tpu.dma_semaphore, #tpu.memory_space<semaphore_mem>>)
        %dma_wait3A_166 = arith.constant 0 : i32
        %dma_wait3A_167 = tpu.memref_slice %arg9[%add3A_155, %dma_wait3A_166] : memref<10112x128xf32, #tpu.memory_space<vmem_shared>> -> memref<128x128xf32, #tpu.memory_space<vmem_shared>>
        %dma_wait3A_168 = arith.constant 0 : i32
        %dma_wait3A_169 = tpu.memref_slice %arg9[%add3A_155, %dma_wait3A_168] : memref<10112x128xf32, #tpu.memory_space<vmem_shared>> -> memref<128x128xf32, #tpu.memory_space<vmem_shared>>
        tpu.wait_dma2 semaphore(%run_scoped3A : memref<!tpu.dma_semaphore, #tpu.memory_space<semaphore_mem>>) src(%arg5 : memref<128x128xf32, #tpu.memory_space<vmem>>) dst(%dma_wait3A_169 : memref<128x128xf32, #tpu.memory_space<vmem_shared>>)
        tpu.yield
      }) : () -> ()
      %add3A_156 = arith.constant 256 : i32
      %add3A_157 = arith.addi %mul3A_4, %add3A_156 : i32
      "tpu.region"() ({
        %run_scoped3A = tpu.sem_alloc : memref<!tpu.dma_semaphore, #tpu.memory_space<semaphore_mem>>
        %dma_start3A_162 = arith.constant 0 : i32
        %dma_start3A_163 = tpu.memref_slice %arg9[%add3A_157, %dma_start3A_162] : memref<10112x128xf32, #tpu.memory_space<vmem_shared>> -> memref<128x128xf32, #tpu.memory_space<vmem_shared>>
        %dma_start3A_164 = arith.constant 0 : i32
        %dma_start3A_165 = tpu.memref_slice %arg9[%add3A_157, %dma_start3A_164] : memref<10112x128xf32, #tpu.memory_space<vmem_shared>> -> memref<128x128xf32, #tpu.memory_space<vmem_shared>>
        tpu.enqueue_dma source(%arg5 : memref<128x128xf32, #tpu.memory_space<vmem>>) target(%dma_start3A_165 : memref<128x128xf32, #tpu.memory_space<vmem_shared>>) target_semaphore(%run_scoped3A : memref<!tpu.dma_semaphore, #tpu.memory_space<semaphore_mem>>)
        %dma_wait3A_166 = arith.constant 0 : i32
        %dma_wait3A_167 = tpu.memref_slice %arg9[%add3A_157, %dma_wait3A_166] : memref<10112x128xf32, #tpu.memory_space<vmem_shared>> -> memref<128x128xf32, #tpu.memory_space<vmem_shared>>
        %dma_wait3A_168 = arith.constant 0 : i32
        %dma_wait3A_169 = tpu.memref_slice %arg9[%add3A_157, %dma_wait3A_168] : memref<10112x128xf32, #tpu.memory_space<vmem_shared>> -> memref<128x128xf32, #tpu.memory_space<vmem_shared>>
        tpu.wait_dma2 semaphore(%run_scoped3A : memref<!tpu.dma_semaphore, #tpu.memory_space<semaphore_mem>>) src(%arg5 : memref<128x128xf32, #tpu.memory_space<vmem>>) dst(%dma_wait3A_169 : memref<128x128xf32, #tpu.memory_space<vmem_shared>>)
        tpu.yield
      }) : () -> ()
      %add3A_158 = arith.constant 384 : i32
      %add3A_159 = arith.addi %mul3A_4, %add3A_158 : i32
      "tpu.region"() ({
        %run_scoped3A = tpu.sem_alloc : memref<!tpu.dma_semaphore, #tpu.memory_space<semaphore_mem>>
        %dma_start3A_162 = arith.constant 0 : i32
        %dma_start3A_163 = tpu.memref_slice %arg9[%add3A_159, %dma_start3A_162] : memref<10112x128xf32, #tpu.memory_space<vmem_shared>> -> memref<128x128xf32, #tpu.memory_space<vmem_shared>>
        %dma_start3A_164 = arith.constant 0 : i32
        %dma_start3A_165 = tpu.memref_slice %arg9[%add3A_159, %dma_start3A_164] : memref<10112x128xf32, #tpu.memory_space<vmem_shared>> -> memref<128x128xf32, #tpu.memory_space<vmem_shared>>
        tpu.enqueue_dma source(%arg5 : memref<128x128xf32, #tpu.memory_space<vmem>>) target(%dma_start3A_165 : memref<128x128xf32, #tpu.memory_space<vmem_shared>>) target_semaphore(%run_scoped3A : memref<!tpu.dma_semaphore, #tpu.memory_space<semaphore_mem>>)
        %dma_wait3A_166 = arith.constant 0 : i32
        %dma_wait3A_167 = tpu.memref_slice %arg9[%add3A_159, %dma_wait3A_166] : memref<10112x128xf32, #tpu.memory_space<vmem_shared>> -> memref<128x128xf32, #tpu.memory_space<vmem_shared>>
        %dma_wait3A_168 = arith.constant 0 : i32
        %dma_wait3A_169 = tpu.memref_slice %arg9[%add3A_159, %dma_wait3A_168] : memref<10112x128xf32, #tpu.memory_space<vmem_shared>> -> memref<128x128xf32, #tpu.memory_space<vmem_shared>>
        tpu.wait_dma2 semaphore(%run_scoped3A : memref<!tpu.dma_semaphore, #tpu.memory_space<semaphore_mem>>) src(%arg5 : memref<128x128xf32, #tpu.memory_space<vmem>>) dst(%dma_wait3A_169 : memref<128x128xf32, #tpu.memory_space<vmem_shared>>)
        tpu.yield
      }) : () -> ()
      %add3A_160 = arith.constant 512 : i32
      %add3A_161 = arith.addi %mul3A_4, %add3A_160 : i32
      "tpu.region"() ({
        %run_scoped3A = tpu.sem_alloc : memref<!tpu.dma_semaphore, #tpu.memory_space<semaphore_mem>>
        %dma_start3A_162 = arith.constant 0 : i32
        %dma_start3A_163 = arith.constant 0 : i32
        %dma_start3A_164 = tpu.memref_slice %arg5[%dma_start3A_162, %dma_start3A_163] : memref<128x128xf32, #tpu.memory_space<vmem>> -> memref<120x128xf32, #tpu.memory_space<vmem>>
        %dma_start3A_165 = arith.constant 0 : i32
        %dma_start3A_166 = tpu.memref_slice %arg9[%add3A_161, %dma_start3A_165] : memref<10112x128xf32, #tpu.memory_space<vmem_shared>> -> memref<120x128xf32, #tpu.memory_space<vmem_shared>>
        %dma_start3A_167 = arith.constant 0 : i32
        %dma_start3A_168 = tpu.memref_slice %arg9[%add3A_161, %dma_start3A_167] : memref<10112x128xf32, #tpu.memory_space<vmem_shared>> -> memref<120x128xf32, #tpu.memory_space<vmem_shared>>
        %dma_start3A_169 = arith.constant 0 : i32
        %dma_start3A_170 = arith.constant 0 : i32
        %dma_start3A_171 = tpu.memref_slice %arg5[%dma_start3A_169, %dma_start3A_170] : memref<128x128xf32, #tpu.memory_space<vmem>> -> memref<120x128xf32, #tpu.memory_space<vmem>>
        tpu.enqueue_dma source(%dma_start3A_171 : memref<120x128xf32, #tpu.memory_space<vmem>>) target(%dma_start3A_168 : memref<120x128xf32, #tpu.memory_space<vmem_shared>>) target_semaphore(%run_scoped3A : memref<!tpu.dma_semaphore, #tpu.memory_space<semaphore_mem>>)
        %dma_wait3A_172 = arith.constant 0 : i32
        %dma_wait3A_173 = arith.constant 0 : i32
        %dma_wait3A_174 = tpu.memref_slice %arg5[%dma_wait3A_172, %dma_wait3A_173] : memref<128x128xf32, #tpu.memory_space<vmem>> -> memref<120x128xf32, #tpu.memory_space<vmem>>
        %dma_wait3A_175 = arith.constant 0 : i32
        %dma_wait3A_176 = tpu.memref_slice %arg9[%add3A_161, %dma_wait3A_175] : memref<10112x128xf32, #tpu.memory_space<vmem_shared>> -> memref<120x128xf32, #tpu.memory_space<vmem_shared>>
        %dma_wait3A_177 = arith.constant 0 : i32
        %dma_wait3A_178 = tpu.memref_slice %arg9[%add3A_161, %dma_wait3A_177] : memref<10112x128xf32, #tpu.memory_space<vmem_shared>> -> memref<120x128xf32, #tpu.memory_space<vmem_shared>>
        %dma_wait3A_179 = arith.constant 0 : i32
        %dma_wait3A_180 = arith.constant 0 : i32
        %dma_wait3A_181 = tpu.memref_slice %arg5[%dma_wait3A_179, %dma_wait3A_180] : memref<128x128xf32, #tpu.memory_space<vmem>> -> memref<120x128xf32, #tpu.memory_space<vmem>>
        tpu.wait_dma2 semaphore(%run_scoped3A : memref<!tpu.dma_semaphore, #tpu.memory_space<semaphore_mem>>) src(%dma_wait3A_181 : memref<120x128xf32, #tpu.memory_space<vmem>>) dst(%dma_wait3A_178 : memref<120x128xf32, #tpu.memory_space<vmem_shared>>)
        tpu.yield
      }) : () -> ()
    } else {
    }
    %barrier3A = arith.constant 0 : index
    tpu.barrier barrier_id(%barrier3A)
    %add3A_15 = arith.constant 0 : i32
    %add3A_16 = arith.addi %mul3A_2, %add3A_15 : i32
    %dma_start3A = arith.constant 0 : i32
    %dma_start3A_17 = tpu.memref_slice %arg2[%dma_start3A, %add3A_16] : memref<2x327680xi32, #tpu.memory_space<hbm>> -> memref<2x128xi32, #tpu.memory_space<hbm>>
    %dma_start3A_18 = arith.constant 0 : i32
    %dma_start3A_19 = tpu.memref_slice %arg2[%dma_start3A_18, %add3A_16] : memref<2x327680xi32, #tpu.memory_space<hbm>> -> memref<2x128xi32, #tpu.memory_space<hbm>>
    tpu.enqueue_dma source(%dma_start3A_19 : memref<2x128xi32, #tpu.memory_space<hbm>>) target(%arg6 : memref<2x128xi32, #tpu.memory_space<vmem>>) target_semaphore(%arg10 : memref<!tpu.dma_semaphore, #tpu.memory_space<semaphore_mem>>)
    %add3A_20 = arith.constant 128 : i32
    %add3A_21 = arith.addi %mul3A_2, %add3A_20 : i32
    %dma_start3A_22 = arith.constant 0 : i32
    %dma_start3A_23 = tpu.memref_slice %arg2[%dma_start3A_22, %add3A_21] : memref<2x327680xi32, #tpu.memory_space<hbm>> -> memref<2x128xi32, #tpu.memory_space<hbm>>
    %dma_start3A_24 = arith.constant 0 : i32
    %dma_start3A_25 = tpu.memref_slice %arg2[%dma_start3A_24, %add3A_21] : memref<2x327680xi32, #tpu.memory_space<hbm>> -> memref<2x128xi32, #tpu.memory_space<hbm>>
    tpu.enqueue_dma source(%dma_start3A_25 : memref<2x128xi32, #tpu.memory_space<hbm>>) target(%arg7 : memref<2x128xi32, #tpu.memory_space<vmem>>) target_semaphore(%arg11 : memref<!tpu.dma_semaphore, #tpu.memory_space<semaphore_mem>>)
    %add3A_26 = arith.constant 256 : i32
    %add3A_27 = arith.addi %mul3A_2, %add3A_26 : i32
    %dma_start3A_28 = arith.constant 0 : i32
    %dma_start3A_29 = tpu.memref_slice %arg2[%dma_start3A_28, %add3A_27] : memref<2x327680xi32, #tpu.memory_space<hbm>> -> memref<2x128xi32, #tpu.memory_space<hbm>>
    %dma_start3A_30 = arith.constant 0 : i32
    %dma_start3A_31 = tpu.memref_slice %arg2[%dma_start3A_30, %add3A_27] : memref<2x327680xi32, #tpu.memory_space<hbm>> -> memref<2x128xi32, #tpu.memory_space<hbm>>
    tpu.enqueue_dma source(%dma_start3A_31 : memref<2x128xi32, #tpu.memory_space<hbm>>) target(%arg8 : memref<2x128xi32, #tpu.memory_space<vmem>>) target_semaphore(%arg12 : memref<!tpu.dma_semaphore, #tpu.memory_space<semaphore_mem>>)
    %scan3A_32 = arith.constant 0 : i32
    %scan3A_33 = arith.constant 25 : i32
    %scan3A_34 = arith.addi %scan3A_32, %scan3A_33 : i32
    %scan3A_35 = arith.constant 1 : i32
    scf.for %scan3A_152 = %scan3A_32 to %scan3A_34 step %scan3A_35  : i32 {
      %mul3A_153 = arith.constant 1 : i32
      %mul3A_154 = arith.muli %scan3A_152, %mul3A_153 : i32
      %add3A_155 = arith.constant 0 : i32
      %add3A_156 = arith.addi %add3A_155, %mul3A_154 : i32
      %mul3A_157 = arith.constant 3 : i32
      %mul3A_158 = arith.muli %add3A_156, %mul3A_157 : i32
      %dma_wait3A_159 = arith.constant 0 : i32
      %dma_wait3A_160 = arith.constant 0 : i32
      %dma_wait3A_161 = tpu.memref_slice %arg2[%dma_wait3A_159, %dma_wait3A_160] : memref<2x327680xi32, #tpu.memory_space<hbm>> -> memref<2x128xi32, #tpu.memory_space<hbm>>
      %dma_wait3A_162 = arith.constant 0 : i32
      %dma_wait3A_163 = arith.constant 0 : i32
      %dma_wait3A_164 = tpu.memref_slice %arg2[%dma_wait3A_162, %dma_wait3A_163] : memref<2x327680xi32, #tpu.memory_space<hbm>> -> memref<2x128xi32, #tpu.memory_space<hbm>>
      tpu.wait_dma2 semaphore(%arg10 : memref<!tpu.dma_semaphore, #tpu.memory_space<semaphore_mem>>) src(%dma_wait3A_164 : memref<2x128xi32, #tpu.memory_space<hbm>>) dst(%arg6 : memref<2x128xi32, #tpu.memory_space<vmem>>)
      %dma_start3A_165 = arith.constant 1 : i32
      %dma_start3A_166 = arith.constant 0 : i32
      %dma_start3A_167 = tpu.memref_slice %arg6[%dma_start3A_165, %dma_start3A_166] : memref<2x128xi32, #tpu.memory_space<vmem>> -> memref<1x128xi32, #tpu.memory_space<vmem>>
      %dma_start3A_168 = tpu.memref_squeeze %dma_start3A_167 : memref<1x128xi32, #tpu.memory_space<vmem>> -> memref<128xi32, #tpu.memory_space<vmem>>
      %dma_start3A_169 = arith.constant 0 : i32
      %dma_start3A_170 = arith.constant 0 : i32
      %dma_start3A_171 = tpu.memref_slice %arg9[%dma_start3A_169, %dma_start3A_170] : memref<10112x128xf32, #tpu.memory_space<vmem_shared>> -> memref<10112x128xf32, #tpu.memory_space<vmem_shared>>
      tpu.enqueue_indirect_dma source(%arg4 : memref<128x128xf32, #tpu.memory_space<vmem>>) target(%dma_start3A_171 : memref<10112x128xf32, #tpu.memory_space<vmem_shared>>) offsets(%dma_start3A_168 : memref<128xi32, #tpu.memory_space<vmem>>) semaphore(%arg13 : memref<!tpu.dma_semaphore, #tpu.memory_space<semaphore_mem>>) {add = true}
      %dma_wait3A_172 = arith.constant 1 : i32
      %dma_wait3A_173 = arith.constant 0 : i32
      %dma_wait3A_174 = tpu.memref_slice %arg6[%dma_wait3A_172, %dma_wait3A_173] : memref<2x128xi32, #tpu.memory_space<vmem>> -> memref<1x128xi32, #tpu.memory_space<vmem>>
      %dma_wait3A_175 = tpu.memref_squeeze %dma_wait3A_174 : memref<1x128xi32, #tpu.memory_space<vmem>> -> memref<128xi32, #tpu.memory_space<vmem>>
      %dma_wait3A_176 = arith.constant 0 : i32
      %dma_wait3A_177 = arith.constant 0 : i32
      %dma_wait3A_178 = tpu.memref_slice %arg9[%dma_wait3A_176, %dma_wait3A_177] : memref<10112x128xf32, #tpu.memory_space<vmem_shared>> -> memref<10112x128xf32, #tpu.memory_space<vmem_shared>>
      tpu.wait_indirect_dma semaphore(%arg13 : memref<!tpu.dma_semaphore, #tpu.memory_space<semaphore_mem>>) src(%arg4 : memref<128x128xf32, #tpu.memory_space<vmem>>) dst(%dma_wait3A_178 : memref<10112x128xf32, #tpu.memory_space<vmem_shared>>)
      %add3A_179 = arith.constant 0 : i32
      %add3A_180 = arith.addi %mul3A_158, %add3A_179 : i32
      %add3A_181 = arith.constant 3 : i32
      %add3A_182 = arith.addi %add3A_180, %add3A_181 : i32
      %mul3A_183 = arith.constant 128 : i32
      %mul3A_184 = arith.muli %add3A_182, %mul3A_183 : i32
      %add3A_185 = arith.addi %mul3A_2, %mul3A_184 : i32
      %dma_start3A_186 = arith.constant 0 : i32
      %dma_start3A_187 = tpu.memref_slice %arg2[%dma_start3A_186, %add3A_185] : memref<2x327680xi32, #tpu.memory_space<hbm>> -> memref<2x128xi32, #tpu.memory_space<hbm>>
      %dma_start3A_188 = arith.constant 0 : i32
      %dma_start3A_189 = tpu.memref_slice %arg2[%dma_start3A_188, %add3A_185] : memref<2x327680xi32, #tpu.memory_space<hbm>> -> memref<2x128xi32, #tpu.memory_space<hbm>>
      tpu.enqueue_dma source(%dma_start3A_189 : memref<2x128xi32, #tpu.memory_space<hbm>>) target(%arg6 : memref<2x128xi32, #tpu.memory_space<vmem>>) target_semaphore(%arg10 : memref<!tpu.dma_semaphore, #tpu.memory_space<semaphore_mem>>)
      %dma_wait3A_190 = arith.constant 0 : i32
      %dma_wait3A_191 = arith.constant 0 : i32
      %dma_wait3A_192 = tpu.memref_slice %arg2[%dma_wait3A_190, %dma_wait3A_191] : memref<2x327680xi32, #tpu.memory_space<hbm>> -> memref<2x128xi32, #tpu.memory_space<hbm>>
      %dma_wait3A_193 = arith.constant 0 : i32
      %dma_wait3A_194 = arith.constant 0 : i32
      %dma_wait3A_195 = tpu.memref_slice %arg2[%dma_wait3A_193, %dma_wait3A_194] : memref<2x327680xi32, #tpu.memory_space<hbm>> -> memref<2x128xi32, #tpu.memory_space<hbm>>
      tpu.wait_dma2 semaphore(%arg11 : memref<!tpu.dma_semaphore, #tpu.memory_space<semaphore_mem>>) src(%dma_wait3A_195 : memref<2x128xi32, #tpu.memory_space<hbm>>) dst(%arg7 : memref<2x128xi32, #tpu.memory_space<vmem>>)
      %dma_start3A_196 = arith.constant 1 : i32
      %dma_start3A_197 = arith.constant 0 : i32
      %dma_start3A_198 = tpu.memref_slice %arg7[%dma_start3A_196, %dma_start3A_197] : memref<2x128xi32, #tpu.memory_space<vmem>> -> memref<1x128xi32, #tpu.memory_space<vmem>>
      %dma_start3A_199 = tpu.memref_squeeze %dma_start3A_198 : memref<1x128xi32, #tpu.memory_space<vmem>> -> memref<128xi32, #tpu.memory_space<vmem>>
      %dma_start3A_200 = arith.constant 0 : i32
      %dma_start3A_201 = arith.constant 0 : i32
      %dma_start3A_202 = tpu.memref_slice %arg9[%dma_start3A_200, %dma_start3A_201] : memref<10112x128xf32, #tpu.memory_space<vmem_shared>> -> memref<10112x128xf32, #tpu.memory_space<vmem_shared>>
      tpu.enqueue_indirect_dma source(%arg4 : memref<128x128xf32, #tpu.memory_space<vmem>>) target(%dma_start3A_202 : memref<10112x128xf32, #tpu.memory_space<vmem_shared>>) offsets(%dma_start3A_199 : memref<128xi32, #tpu.memory_space<vmem>>) semaphore(%arg14 : memref<!tpu.dma_semaphore, #tpu.memory_space<semaphore_mem>>) {add = true}
      %dma_wait3A_203 = arith.constant 1 : i32
      %dma_wait3A_204 = arith.constant 0 : i32
      %dma_wait3A_205 = tpu.memref_slice %arg7[%dma_wait3A_203, %dma_wait3A_204] : memref<2x128xi32, #tpu.memory_space<vmem>> -> memref<1x128xi32, #tpu.memory_space<vmem>>
      %dma_wait3A_206 = tpu.memref_squeeze %dma_wait3A_205 : memref<1x128xi32, #tpu.memory_space<vmem>> -> memref<128xi32, #tpu.memory_space<vmem>>
      %dma_wait3A_207 = arith.constant 0 : i32
      %dma_wait3A_208 = arith.constant 0 : i32
      %dma_wait3A_209 = tpu.memref_slice %arg9[%dma_wait3A_207, %dma_wait3A_208] : memref<10112x128xf32, #tpu.memory_space<vmem_shared>> -> memref<10112x128xf32, #tpu.memory_space<vmem_shared>>
      tpu.wait_indirect_dma semaphore(%arg14 : memref<!tpu.dma_semaphore, #tpu.memory_space<semaphore_mem>>) src(%arg4 : memref<128x128xf32, #tpu.memory_space<vmem>>) dst(%dma_wait3A_209 : memref<10112x128xf32, #tpu.memory_space<vmem_shared>>)
      %add3A_210 = arith.constant 1 : i32
      %add3A_211 = arith.addi %mul3A_158, %add3A_210 : i32
      %add3A_212 = arith.constant 3 : i32
      %add3A_213 = arith.addi %add3A_211, %add3A_212 : i32
      %mul3A_214 = arith.constant 128 : i32
      %mul3A_215 = arith.muli %add3A_213, %mul3A_214 : i32
      %add3A_216 = arith.addi %mul3A_2, %mul3A_215 : i32
      %dma_start3A_217 = arith.constant 0 : i32
      %dma_start3A_218 = tpu.memref_slice %arg2[%dma_start3A_217, %add3A_216] : memref<2x327680xi32, #tpu.memory_space<hbm>> -> memref<2x128xi32, #tpu.memory_space<hbm>>
      %dma_start3A_219 = arith.constant 0 : i32
      %dma_start3A_220 = tpu.memref_slice %arg2[%dma_start3A_219, %add3A_216] : memref<2x327680xi32, #tpu.memory_space<hbm>> -> memref<2x128xi32, #tpu.memory_space<hbm>>
      tpu.enqueue_dma source(%dma_start3A_220 : memref<2x128xi32, #tpu.memory_space<hbm>>) target(%arg7 : memref<2x128xi32, #tpu.memory_space<vmem>>) target_semaphore(%arg11 : memref<!tpu.dma_semaphore, #tpu.memory_space<semaphore_mem>>)
      %dma_wait3A_221 = arith.constant 0 : i32
      %dma_wait3A_222 = arith.constant 0 : i32
      %dma_wait3A_223 = tpu.memref_slice %arg2[%dma_wait3A_221, %dma_wait3A_222] : memref<2x327680xi32, #tpu.memory_space<hbm>> -> memref<2x128xi32, #tpu.memory_space<hbm>>
      %dma_wait3A_224 = arith.constant 0 : i32
      %dma_wait3A_225 = arith.constant 0 : i32
      %dma_wait3A_226 = tpu.memref_slice %arg2[%dma_wait3A_224, %dma_wait3A_225] : memref<2x327680xi32, #tpu.memory_space<hbm>> -> memref<2x128xi32, #tpu.memory_space<hbm>>
      tpu.wait_dma2 semaphore(%arg12 : memref<!tpu.dma_semaphore, #tpu.memory_space<semaphore_mem>>) src(%dma_wait3A_226 : memref<2x128xi32, #tpu.memory_space<hbm>>) dst(%arg8 : memref<2x128xi32, #tpu.memory_space<vmem>>)
      %dma_start3A_227 = arith.constant 1 : i32
      %dma_start3A_228 = arith.constant 0 : i32
      %dma_start3A_229 = tpu.memref_slice %arg8[%dma_start3A_227, %dma_start3A_228] : memref<2x128xi32, #tpu.memory_space<vmem>> -> memref<1x128xi32, #tpu.memory_space<vmem>>
      %dma_start3A_230 = tpu.memref_squeeze %dma_start3A_229 : memref<1x128xi32, #tpu.memory_space<vmem>> -> memref<128xi32, #tpu.memory_space<vmem>>
      %dma_start3A_231 = arith.constant 0 : i32
      %dma_start3A_232 = arith.constant 0 : i32
      %dma_start3A_233 = tpu.memref_slice %arg9[%dma_start3A_231, %dma_start3A_232] : memref<10112x128xf32, #tpu.memory_space<vmem_shared>> -> memref<10112x128xf32, #tpu.memory_space<vmem_shared>>
      tpu.enqueue_indirect_dma source(%arg4 : memref<128x128xf32, #tpu.memory_space<vmem>>) target(%dma_start3A_233 : memref<10112x128xf32, #tpu.memory_space<vmem_shared>>) offsets(%dma_start3A_230 : memref<128xi32, #tpu.memory_space<vmem>>) semaphore(%arg15 : memref<!tpu.dma_semaphore, #tpu.memory_space<semaphore_mem>>) {add = true}
      %dma_wait3A_234 = arith.constant 1 : i32
      %dma_wait3A_235 = arith.constant 0 : i32
      %dma_wait3A_236 = tpu.memref_slice %arg8[%dma_wait3A_234, %dma_wait3A_235] : memref<2x128xi32, #tpu.memory_space<vmem>> -> memref<1x128xi32, #tpu.memory_space<vmem>>
      %dma_wait3A_237 = tpu.memref_squeeze %dma_wait3A_236 : memref<1x128xi32, #tpu.memory_space<vmem>> -> memref<128xi32, #tpu.memory_space<vmem>>
      %dma_wait3A_238 = arith.constant 0 : i32
      %dma_wait3A_239 = arith.constant 0 : i32
      %dma_wait3A_240 = tpu.memref_slice %arg9[%dma_wait3A_238, %dma_wait3A_239] : memref<10112x128xf32, #tpu.memory_space<vmem_shared>> -> memref<10112x128xf32, #tpu.memory_space<vmem_shared>>
      tpu.wait_indirect_dma semaphore(%arg15 : memref<!tpu.dma_semaphore, #tpu.memory_space<semaphore_mem>>) src(%arg4 : memref<128x128xf32, #tpu.memory_space<vmem>>) dst(%dma_wait3A_240 : memref<10112x128xf32, #tpu.memory_space<vmem_shared>>)
      %add3A_241 = arith.constant 2 : i32
      %add3A_242 = arith.addi %mul3A_158, %add3A_241 : i32
      %add3A_243 = arith.constant 3 : i32
      %add3A_244 = arith.addi %add3A_242, %add3A_243 : i32
      %mul3A_245 = arith.constant 128 : i32
      %mul3A_246 = arith.muli %add3A_244, %mul3A_245 : i32
      %add3A_247 = arith.addi %mul3A_2, %mul3A_246 : i32
      %dma_start3A_248 = arith.constant 0 : i32
      %dma_start3A_249 = tpu.memref_slice %arg2[%dma_start3A_248, %add3A_247] : memref<2x327680xi32, #tpu.memory_space<hbm>> -> memref<2x128xi32, #tpu.memory_space<hbm>>
      %dma_start3A_250 = arith.constant 0 : i32
      %dma_start3A_251 = tpu.memref_slice %arg2[%dma_start3A_250, %add3A_247] : memref<2x327680xi32, #tpu.memory_space<hbm>> -> memref<2x128xi32, #tpu.memory_space<hbm>>
      tpu.enqueue_dma source(%dma_start3A_251 : memref<2x128xi32, #tpu.memory_space<hbm>>) target(%arg8 : memref<2x128xi32, #tpu.memory_space<vmem>>) target_semaphore(%arg12 : memref<!tpu.dma_semaphore, #tpu.memory_space<semaphore_mem>>)
    }
    %scan3A_36 = arith.constant 25 : i32
    %dma_wait3A = arith.constant 0 : i32
    %dma_wait3A_37 = arith.constant 0 : i32
    %dma_wait3A_38 = tpu.memref_slice %arg2[%dma_wait3A, %dma_wait3A_37] : memref<2x327680xi32, #tpu.memory_space<hbm>> -> memref<2x128xi32, #tpu.memory_space<hbm>>
    %dma_wait3A_39 = arith.constant 0 : i32
    %dma_wait3A_40 = arith.constant 0 : i32
    %dma_wait3A_41 = tpu.memref_slice %arg2[%dma_wait3A_39, %dma_wait3A_40] : memref<2x327680xi32, #tpu.memory_space<hbm>> -> memref<2x128xi32, #tpu.memory_space<hbm>>
    tpu.wait_dma2 semaphore(%arg10 : memref<!tpu.dma_semaphore, #tpu.memory_space<semaphore_mem>>) src(%dma_wait3A_41 : memref<2x128xi32, #tpu.memory_space<hbm>>) dst(%arg6 : memref<2x128xi32, #tpu.memory_space<vmem>>)
    %dma_start3A_42 = arith.constant 1 : i32
    %dma_start3A_43 = arith.constant 0 : i32
    %dma_start3A_44 = tpu.memref_slice %arg6[%dma_start3A_42, %dma_start3A_43] : memref<2x128xi32, #tpu.memory_space<vmem>> -> memref<1x128xi32, #tpu.memory_space<vmem>>
    %dma_start3A_45 = tpu.memref_squeeze %dma_start3A_44 : memref<1x128xi32, #tpu.memory_space<vmem>> -> memref<128xi32, #tpu.memory_space<vmem>>
    %dma_start3A_46 = arith.constant 0 : i32
    %dma_start3A_47 = arith.constant 0 : i32
    %dma_start3A_48 = tpu.memref_slice %arg9[%dma_start3A_46, %dma_start3A_47] : memref<10112x128xf32, #tpu.memory_space<vmem_shared>> -> memref<10112x128xf32, #tpu.memory_space<vmem_shared>>
    tpu.enqueue_indirect_dma source(%arg4 : memref<128x128xf32, #tpu.memory_space<vmem>>) target(%dma_start3A_48 : memref<10112x128xf32, #tpu.memory_space<vmem_shared>>) offsets(%dma_start3A_45 : memref<128xi32, #tpu.memory_space<vmem>>) semaphore(%arg13 : memref<!tpu.dma_semaphore, #tpu.memory_space<semaphore_mem>>) {add = true}
    %dma_wait3A_49 = arith.constant 1 : i32
    %dma_wait3A_50 = arith.constant 0 : i32
    %dma_wait3A_51 = tpu.memref_slice %arg6[%dma_wait3A_49, %dma_wait3A_50] : memref<2x128xi32, #tpu.memory_space<vmem>> -> memref<1x128xi32, #tpu.memory_space<vmem>>
    %dma_wait3A_52 = tpu.memref_squeeze %dma_wait3A_51 : memref<1x128xi32, #tpu.memory_space<vmem>> -> memref<128xi32, #tpu.memory_space<vmem>>
    %dma_wait3A_53 = arith.constant 0 : i32
    %dma_wait3A_54 = arith.constant 0 : i32
    %dma_wait3A_55 = tpu.memref_slice %arg9[%dma_wait3A_53, %dma_wait3A_54] : memref<10112x128xf32, #tpu.memory_space<vmem_shared>> -> memref<10112x128xf32, #tpu.memory_space<vmem_shared>>
    tpu.wait_indirect_dma semaphore(%arg13 : memref<!tpu.dma_semaphore, #tpu.memory_space<semaphore_mem>>) src(%arg4 : memref<128x128xf32, #tpu.memory_space<vmem>>) dst(%dma_wait3A_55 : memref<10112x128xf32, #tpu.memory_space<vmem_shared>>)
    %add3A_56 = arith.constant 9984 : i32
    %add3A_57 = arith.addi %mul3A_2, %add3A_56 : i32
    %dma_start3A_58 = arith.constant 0 : i32
    %dma_start3A_59 = tpu.memref_slice %arg2[%dma_start3A_58, %add3A_57] : memref<2x327680xi32, #tpu.memory_space<hbm>> -> memref<2x128xi32, #tpu.memory_space<hbm>>
    %dma_start3A_60 = arith.constant 0 : i32
    %dma_start3A_61 = tpu.memref_slice %arg2[%dma_start3A_60, %add3A_57] : memref<2x327680xi32, #tpu.memory_space<hbm>> -> memref<2x128xi32, #tpu.memory_space<hbm>>
    tpu.enqueue_dma source(%dma_start3A_61 : memref<2x128xi32, #tpu.memory_space<hbm>>) target(%arg6 : memref<2x128xi32, #tpu.memory_space<vmem>>) target_semaphore(%arg10 : memref<!tpu.dma_semaphore, #tpu.memory_space<semaphore_mem>>)
    %dma_wait3A_62 = arith.constant 0 : i32
    %dma_wait3A_63 = arith.constant 0 : i32
    %dma_wait3A_64 = tpu.memref_slice %arg2[%dma_wait3A_62, %dma_wait3A_63] : memref<2x327680xi32, #tpu.memory_space<hbm>> -> memref<2x128xi32, #tpu.memory_space<hbm>>
    %dma_wait3A_65 = arith.constant 0 : i32
    %dma_wait3A_66 = arith.constant 0 : i32
    %dma_wait3A_67 = tpu.memref_slice %arg2[%dma_wait3A_65, %dma_wait3A_66] : memref<2x327680xi32, #tpu.memory_space<hbm>> -> memref<2x128xi32, #tpu.memory_space<hbm>>
    tpu.wait_dma2 semaphore(%arg11 : memref<!tpu.dma_semaphore, #tpu.memory_space<semaphore_mem>>) src(%dma_wait3A_67 : memref<2x128xi32, #tpu.memory_space<hbm>>) dst(%arg7 : memref<2x128xi32, #tpu.memory_space<vmem>>)
    %dma_start3A_68 = arith.constant 1 : i32
    %dma_start3A_69 = arith.constant 0 : i32
    %dma_start3A_70 = tpu.memref_slice %arg7[%dma_start3A_68, %dma_start3A_69] : memref<2x128xi32, #tpu.memory_space<vmem>> -> memref<1x128xi32, #tpu.memory_space<vmem>>
    %dma_start3A_71 = tpu.memref_squeeze %dma_start3A_70 : memref<1x128xi32, #tpu.memory_space<vmem>> -> memref<128xi32, #tpu.memory_space<vmem>>
    %dma_start3A_72 = arith.constant 0 : i32
    %dma_start3A_73 = arith.constant 0 : i32
    %dma_start3A_74 = tpu.memref_slice %arg9[%dma_start3A_72, %dma_start3A_73] : memref<10112x128xf32, #tpu.memory_space<vmem_shared>> -> memref<10112x128xf32, #tpu.memory_space<vmem_shared>>
    tpu.enqueue_indirect_dma source(%arg4 : memref<128x128xf32, #tpu.memory_space<vmem>>) target(%dma_start3A_74 : memref<10112x128xf32, #tpu.memory_space<vmem_shared>>) offsets(%dma_start3A_71 : memref<128xi32, #tpu.memory_space<vmem>>) semaphore(%arg14 : memref<!tpu.dma_semaphore, #tpu.memory_space<semaphore_mem>>) {add = true}
    %dma_wait3A_75 = arith.constant 1 : i32
    %dma_wait3A_76 = arith.constant 0 : i32
    %dma_wait3A_77 = tpu.memref_slice %arg7[%dma_wait3A_75, %dma_wait3A_76] : memref<2x128xi32, #tpu.memory_space<vmem>> -> memref<1x128xi32, #tpu.memory_space<vmem>>
    %dma_wait3A_78 = tpu.memref_squeeze %dma_wait3A_77 : memref<1x128xi32, #tpu.memory_space<vmem>> -> memref<128xi32, #tpu.memory_space<vmem>>
    %dma_wait3A_79 = arith.constant 0 : i32
    %dma_wait3A_80 = arith.constant 0 : i32
    %dma_wait3A_81 = tpu.memref_slice %arg9[%dma_wait3A_79, %dma_wait3A_80] : memref<10112x128xf32, #tpu.memory_space<vmem_shared>> -> memref<10112x128xf32, #tpu.memory_space<vmem_shared>>
    tpu.wait_indirect_dma semaphore(%arg14 : memref<!tpu.dma_semaphore, #tpu.memory_space<semaphore_mem>>) src(%arg4 : memref<128x128xf32, #tpu.memory_space<vmem>>) dst(%dma_wait3A_81 : memref<10112x128xf32, #tpu.memory_space<vmem_shared>>)
    %add3A_82 = arith.constant 10112 : i32
    %add3A_83 = arith.addi %mul3A_2, %add3A_82 : i32
    %dma_start3A_84 = arith.constant 0 : i32
    %dma_start3A_85 = tpu.memref_slice %arg2[%dma_start3A_84, %add3A_83] : memref<2x327680xi32, #tpu.memory_space<hbm>> -> memref<2x128xi32, #tpu.memory_space<hbm>>
    %dma_start3A_86 = arith.constant 0 : i32
    %dma_start3A_87 = tpu.memref_slice %arg2[%dma_start3A_86, %add3A_83] : memref<2x327680xi32, #tpu.memory_space<hbm>> -> memref<2x128xi32, #tpu.memory_space<hbm>>
    tpu.enqueue_dma source(%dma_start3A_87 : memref<2x128xi32, #tpu.memory_space<hbm>>) target(%arg7 : memref<2x128xi32, #tpu.memory_space<vmem>>) target_semaphore(%arg11 : memref<!tpu.dma_semaphore, #tpu.memory_space<semaphore_mem>>)
    %dma_wait3A_88 = arith.constant 0 : i32
    %dma_wait3A_89 = arith.constant 0 : i32
    %dma_wait3A_90 = tpu.memref_slice %arg2[%dma_wait3A_88, %dma_wait3A_89] : memref<2x327680xi32, #tpu.memory_space<hbm>> -> memref<2x128xi32, #tpu.memory_space<hbm>>
    %dma_wait3A_91 = arith.constant 0 : i32
    %dma_wait3A_92 = arith.constant 0 : i32
    %dma_wait3A_93 = tpu.memref_slice %arg2[%dma_wait3A_91, %dma_wait3A_92] : memref<2x327680xi32, #tpu.memory_space<hbm>> -> memref<2x128xi32, #tpu.memory_space<hbm>>
    tpu.wait_dma2 semaphore(%arg12 : memref<!tpu.dma_semaphore, #tpu.memory_space<semaphore_mem>>) src(%dma_wait3A_93 : memref<2x128xi32, #tpu.memory_space<hbm>>) dst(%arg8 : memref<2x128xi32, #tpu.memory_space<vmem>>)
    %dma_start3A_94 = arith.constant 1 : i32
    %dma_start3A_95 = arith.constant 0 : i32
    %dma_start3A_96 = tpu.memref_slice %arg8[%dma_start3A_94, %dma_start3A_95] : memref<2x128xi32, #tpu.memory_space<vmem>> -> memref<1x128xi32, #tpu.memory_space<vmem>>
    %dma_start3A_97 = tpu.memref_squeeze %dma_start3A_96 : memref<1x128xi32, #tpu.memory_space<vmem>> -> memref<128xi32, #tpu.memory_space<vmem>>
    %dma_start3A_98 = arith.constant 0 : i32
    %dma_start3A_99 = arith.constant 0 : i32
    %dma_start3A_100 = tpu.memref_slice %arg9[%dma_start3A_98, %dma_start3A_99] : memref<10112x128xf32, #tpu.memory_space<vmem_shared>> -> memref<10112x128xf32, #tpu.memory_space<vmem_shared>>
    tpu.enqueue_indirect_dma source(%arg4 : memref<128x128xf32, #tpu.memory_space<vmem>>) target(%dma_start3A_100 : memref<10112x128xf32, #tpu.memory_space<vmem_shared>>) offsets(%dma_start3A_97 : memref<128xi32, #tpu.memory_space<vmem>>) semaphore(%arg15 : memref<!tpu.dma_semaphore, #tpu.memory_space<semaphore_mem>>) {add = true}
    %dma_wait3A_101 = arith.constant 1 : i32
    %dma_wait3A_102 = arith.constant 0 : i32
    %dma_wait3A_103 = tpu.memref_slice %arg8[%dma_wait3A_101, %dma_wait3A_102] : memref<2x128xi32, #tpu.memory_space<vmem>> -> memref<1x128xi32, #tpu.memory_space<vmem>>
    %dma_wait3A_104 = tpu.memref_squeeze %dma_wait3A_103 : memref<1x128xi32, #tpu.memory_space<vmem>> -> memref<128xi32, #tpu.memory_space<vmem>>
    %dma_wait3A_105 = arith.constant 0 : i32
    %dma_wait3A_106 = arith.constant 0 : i32
    %dma_wait3A_107 = tpu.memref_slice %arg9[%dma_wait3A_105, %dma_wait3A_106] : memref<10112x128xf32, #tpu.memory_space<vmem_shared>> -> memref<10112x128xf32, #tpu.memory_space<vmem_shared>>
    tpu.wait_indirect_dma semaphore(%arg15 : memref<!tpu.dma_semaphore, #tpu.memory_space<semaphore_mem>>) src(%arg4 : memref<128x128xf32, #tpu.memory_space<vmem>>) dst(%dma_wait3A_107 : memref<10112x128xf32, #tpu.memory_space<vmem_shared>>)
    %dma_wait3A_108 = arith.constant 0 : i32
    %dma_wait3A_109 = arith.constant 0 : i32
    %dma_wait3A_110 = tpu.memref_slice %arg2[%dma_wait3A_108, %dma_wait3A_109] : memref<2x327680xi32, #tpu.memory_space<hbm>> -> memref<2x128xi32, #tpu.memory_space<hbm>>
    %dma_wait3A_111 = arith.constant 0 : i32
    %dma_wait3A_112 = arith.constant 0 : i32
    %dma_wait3A_113 = tpu.memref_slice %arg2[%dma_wait3A_111, %dma_wait3A_112] : memref<2x327680xi32, #tpu.memory_space<hbm>> -> memref<2x128xi32, #tpu.memory_space<hbm>>
    tpu.wait_dma2 semaphore(%arg10 : memref<!tpu.dma_semaphore, #tpu.memory_space<semaphore_mem>>) src(%dma_wait3A_113 : memref<2x128xi32, #tpu.memory_space<hbm>>) dst(%arg6 : memref<2x128xi32, #tpu.memory_space<vmem>>)
    %dma_start3A_114 = arith.constant 1 : i32
    %dma_start3A_115 = arith.constant 0 : i32
    %dma_start3A_116 = tpu.memref_slice %arg6[%dma_start3A_114, %dma_start3A_115] : memref<2x128xi32, #tpu.memory_space<vmem>> -> memref<1x128xi32, #tpu.memory_space<vmem>>
    %dma_start3A_117 = tpu.memref_squeeze %dma_start3A_116 : memref<1x128xi32, #tpu.memory_space<vmem>> -> memref<128xi32, #tpu.memory_space<vmem>>
    %dma_start3A_118 = arith.constant 0 : i32
    %dma_start3A_119 = arith.constant 0 : i32
    %dma_start3A_120 = tpu.memref_slice %arg9[%dma_start3A_118, %dma_start3A_119] : memref<10112x128xf32, #tpu.memory_space<vmem_shared>> -> memref<10112x128xf32, #tpu.memory_space<vmem_shared>>
    tpu.enqueue_indirect_dma source(%arg4 : memref<128x128xf32, #tpu.memory_space<vmem>>) target(%dma_start3A_120 : memref<10112x128xf32, #tpu.memory_space<vmem_shared>>) offsets(%dma_start3A_117 : memref<128xi32, #tpu.memory_space<vmem>>) semaphore(%arg13 : memref<!tpu.dma_semaphore, #tpu.memory_space<semaphore_mem>>) {add = true}
    %dma_wait3A_121 = arith.constant 1 : i32
    %dma_wait3A_122 = arith.constant 0 : i32
    %dma_wait3A_123 = tpu.memref_slice %arg6[%dma_wait3A_121, %dma_wait3A_122] : memref<2x128xi32, #tpu.memory_space<vmem>> -> memref<1x128xi32, #tpu.memory_space<vmem>>
    %dma_wait3A_124 = tpu.memref_squeeze %dma_wait3A_123 : memref<1x128xi32, #tpu.memory_space<vmem>> -> memref<128xi32, #tpu.memory_space<vmem>>
    %dma_wait3A_125 = arith.constant 0 : i32
    %dma_wait3A_126 = arith.constant 0 : i32
    %dma_wait3A_127 = tpu.memref_slice %arg9[%dma_wait3A_125, %dma_wait3A_126] : memref<10112x128xf32, #tpu.memory_space<vmem_shared>> -> memref<10112x128xf32, #tpu.memory_space<vmem_shared>>
    tpu.wait_indirect_dma semaphore(%arg13 : memref<!tpu.dma_semaphore, #tpu.memory_space<semaphore_mem>>) src(%arg4 : memref<128x128xf32, #tpu.memory_space<vmem>>) dst(%dma_wait3A_127 : memref<10112x128xf32, #tpu.memory_space<vmem_shared>>)
    %dma_wait3A_128 = arith.constant 0 : i32
    %dma_wait3A_129 = arith.constant 0 : i32
    %dma_wait3A_130 = tpu.memref_slice %arg2[%dma_wait3A_128, %dma_wait3A_129] : memref<2x327680xi32, #tpu.memory_space<hbm>> -> memref<2x128xi32, #tpu.memory_space<hbm>>
    %dma_wait3A_131 = arith.constant 0 : i32
    %dma_wait3A_132 = arith.constant 0 : i32
    %dma_wait3A_133 = tpu.memref_slice %arg2[%dma_wait3A_131, %dma_wait3A_132] : memref<2x327680xi32, #tpu.memory_space<hbm>> -> memref<2x128xi32, #tpu.memory_space<hbm>>
    tpu.wait_dma2 semaphore(%arg11 : memref<!tpu.dma_semaphore, #tpu.memory_space<semaphore_mem>>) src(%dma_wait3A_133 : memref<2x128xi32, #tpu.memory_space<hbm>>) dst(%arg7 : memref<2x128xi32, #tpu.memory_space<vmem>>)
    %dma_start3A_134 = arith.constant 1 : i32
    %dma_start3A_135 = arith.constant 0 : i32
    %dma_start3A_136 = tpu.memref_slice %arg7[%dma_start3A_134, %dma_start3A_135] : memref<2x128xi32, #tpu.memory_space<vmem>> -> memref<1x128xi32, #tpu.memory_space<vmem>>
    %dma_start3A_137 = tpu.memref_squeeze %dma_start3A_136 : memref<1x128xi32, #tpu.memory_space<vmem>> -> memref<128xi32, #tpu.memory_space<vmem>>
    %dma_start3A_138 = arith.constant 0 : i32
    %dma_start3A_139 = arith.constant 0 : i32
    %dma_start3A_140 = tpu.memref_slice %arg9[%dma_start3A_138, %dma_start3A_139] : memref<10112x128xf32, #tpu.memory_space<vmem_shared>> -> memref<10112x128xf32, #tpu.memory_space<vmem_shared>>
    tpu.enqueue_indirect_dma source(%arg4 : memref<128x128xf32, #tpu.memory_space<vmem>>) target(%dma_start3A_140 : memref<10112x128xf32, #tpu.memory_space<vmem_shared>>) offsets(%dma_start3A_137 : memref<128xi32, #tpu.memory_space<vmem>>) semaphore(%arg14 : memref<!tpu.dma_semaphore, #tpu.memory_space<semaphore_mem>>) {add = true}
    %dma_wait3A_141 = arith.constant 1 : i32
    %dma_wait3A_142 = arith.constant 0 : i32
    %dma_wait3A_143 = tpu.memref_slice %arg7[%dma_wait3A_141, %dma_wait3A_142] : memref<2x128xi32, #tpu.memory_space<vmem>> -> memref<1x128xi32, #tpu.memory_space<vmem>>
    %dma_wait3A_144 = tpu.memref_squeeze %dma_wait3A_143 : memref<1x128xi32, #tpu.memory_space<vmem>> -> memref<128xi32, #tpu.memory_space<vmem>>
    %dma_wait3A_145 = arith.constant 0 : i32
    %dma_wait3A_146 = arith.constant 0 : i32
    %dma_wait3A_147 = tpu.memref_slice %arg9[%dma_wait3A_145, %dma_wait3A_146] : memref<10112x128xf32, #tpu.memory_space<vmem_shared>> -> memref<10112x128xf32, #tpu.memory_space<vmem_shared>>
    tpu.wait_indirect_dma semaphore(%arg14 : memref<!tpu.dma_semaphore, #tpu.memory_space<semaphore_mem>>) src(%arg4 : memref<128x128xf32, #tpu.memory_space<vmem>>) dst(%dma_wait3A_147 : memref<10112x128xf32, #tpu.memory_space<vmem_shared>>)
    %barrier3A_148 = arith.constant 0 : index
    tpu.barrier barrier_id(%barrier3A_148)
    %mul3A_149 = arith.constant 10112 : i32
    %mul3A_150 = arith.muli %arg0, %mul3A_149 : i32
    %add3A_151 = arith.addi %mul3A_150, %mul3A_4 : i32
    "tpu.region"() ({
      %run_scoped3A = tpu.sem_alloc : memref<!tpu.dma_semaphore, #tpu.memory_space<semaphore_mem>>
      %dma_start3A_152 = arith.constant 0 : i32
      %dma_start3A_153 = tpu.memref_slice %arg3[%add3A_151, %dma_start3A_152] : memref<20224x128xf32, #tpu.memory_space<hbm>> -> memref<632x128xf32, #tpu.memory_space<hbm>>
      %dma_start3A_154 = arith.constant 0 : i32
      %dma_start3A_155 = tpu.memref_slice %arg9[%mul3A_4, %dma_start3A_154] : memref<10112x128xf32, #tpu.memory_space<vmem_shared>> -> memref<632x128xf32, #tpu.memory_space<vmem_shared>>
      tpu.enqueue_dma source(%dma_start3A_155 : memref<632x128xf32, #tpu.memory_space<vmem_shared>>) target(%dma_start3A_153 : memref<632x128xf32, #tpu.memory_space<hbm>>) target_semaphore(%run_scoped3A : memref<!tpu.dma_semaphore, #tpu.memory_space<semaphore_mem>>)
      %dma_wait3A_156 = arith.constant 0 : i32
      %dma_wait3A_157 = tpu.memref_slice %arg3[%add3A_151, %dma_wait3A_156] : memref<20224x128xf32, #tpu.memory_space<hbm>> -> memref<632x128xf32, #tpu.memory_space<hbm>>
      %dma_wait3A_158 = arith.constant 0 : i32
      %dma_wait3A_159 = tpu.memref_slice %arg9[%mul3A_4, %dma_wait3A_158] : memref<10112x128xf32, #tpu.memory_space<vmem_shared>> -> memref<632x128xf32, #tpu.memory_space<vmem_shared>>
      tpu.wait_dma2 semaphore(%run_scoped3A : memref<!tpu.dma_semaphore, #tpu.memory_space<semaphore_mem>>) src(%dma_wait3A_159 : memref<632x128xf32, #tpu.memory_space<vmem_shared>>) dst(%dma_wait3A_157 : memref<632x128xf32, #tpu.memory_space<hbm>>)
      tpu.yield
    }) : () -> ()
    return
  }
}

#map = affine_map<(d0, d1) -> (0, 0)>
module attributes {stable_mosaic.version = 14 : i64} {
  func.func @k(%arg0: i32, %arg1: i32, %arg2: memref<2x327680xi32, #tpu.memory_space<hbm>>, %arg3: memref<10000x128xf32, #tpu.memory_space<hbm>>, %arg4: memref<20224x128xf32, #tpu.memory_space<hbm>>, %arg5: memref<128x128xf32, #tpu.memory_space<vmem>>, %arg6: memref<128x128xf32, #tpu.memory_space<vmem>>, %arg7: memref<2x128xi32, #tpu.memory_space<vmem>>, %arg8: memref<2x128xi32, #tpu.memory_space<vmem>>, %arg9: memref<2x128xi32, #tpu.memory_space<vmem>>, %arg10: memref<2x128xi32, #tpu.memory_space<vmem>>, %arg11: memref<10112x128xf32, #tpu.memory_space<vmem_shared>>, %arg12: memref<!tpu.dma_semaphore, #tpu.memory_space<semaphore_mem>>, %arg13: memref<!tpu.dma_semaphore, #tpu.memory_space<semaphore_mem>>, %arg14: memref<!tpu.dma_semaphore, #tpu.memory_space<semaphore_mem>>, %arg15: memref<!tpu.dma_semaphore, #tpu.memory_space<semaphore_mem>>, %arg16: memref<!tpu.dma_semaphore, #tpu.memory_space<semaphore_mem>>, %arg17: memref<!tpu.dma_semaphore, #tpu.memory_space<semaphore_mem>>, %arg18: memref<!tpu.dma_semaphore, #tpu.memory_space<semaphore_mem>>, %arg19: memref<!tpu.dma_semaphore, #tpu.memory_space<semaphore_mem>>) attributes {dimension_semantics = [#tpu.dimension_semantics<core_parallel>, #tpu.dimension_semantics<subcore_parallel>], iteration_bounds = array<i64: 2, 16>, scalar_prefetch = 0 : i64, scratch_operands = 15 : i64, tpu.core_type = #tpu.core_type<sc_vector_subcore>, window_params = [{transform_indices = #map}, {transform_indices = #map}, {transform_indices = #map}]} {
    %mul3A = arith.constant 16 : i32
    %mul3A_0 = arith.muli %arg0, %mul3A : i32
    %add3A = arith.addi %mul3A_0, %arg1 : i32
    %mul3A_1 = arith.constant 10240 : i32
    %mul3A_2 = arith.muli %add3A, %mul3A_1 : i32
    %mul3A_3 = arith.constant 632 : i32
    %mul3A_4 = arith.muli %arg1, %mul3A_3 : i32
    %eq3A = arith.constant 15 : i32
    %eq3A_5 = arith.cmpi eq, %arg1, %eq3A : i32
    %eq3A_6 = arith.constant 0 : i32
    %eq3A_7 = arith.cmpi eq, %arg0, %eq3A_6 : i32
    %not3A = arith.constant true
    %not3A_8 = arith.xori %eq3A_5, %not3A : i1
    %and3A = arith.andi %eq3A_7, %not3A_8 : i1
    %convert_element_type3A = arith.extui %and3A : i1 to i32
    %cond3A = arith.constant 0 : i32
    %cond3A_9 = arith.cmpi ne, %convert_element_type3A, %cond3A : i32
    scf.if %cond3A_9 {
      %add3A_186 = arith.constant 0 : i32
      %add3A_187 = arith.addi %mul3A_4, %add3A_186 : i32
      "tpu.region"() ({
        %run_scoped3A = tpu.sem_alloc : memref<!tpu.dma_semaphore, #tpu.memory_space<semaphore_mem>>
        %dma_start3A_206 = arith.constant 0 : i32
        %dma_start3A_207 = tpu.memref_slice %arg3[%add3A_187, %dma_start3A_206] : memref<10000x128xf32, #tpu.memory_space<hbm>> -> memref<128x128xf32, #tpu.memory_space<hbm>>
        %dma_start3A_208 = arith.constant 0 : i32
        %dma_start3A_209 = tpu.memref_slice %arg3[%add3A_187, %dma_start3A_208] : memref<10000x128xf32, #tpu.memory_space<hbm>> -> memref<128x128xf32, #tpu.memory_space<hbm>>
        tpu.enqueue_dma source(%dma_start3A_209 : memref<128x128xf32, #tpu.memory_space<hbm>>) target(%arg5 : memref<128x128xf32, #tpu.memory_space<vmem>>) target_semaphore(%run_scoped3A : memref<!tpu.dma_semaphore, #tpu.memory_space<semaphore_mem>>)
        %dma_wait3A_210 = arith.constant 0 : i32
        %dma_wait3A_211 = tpu.memref_slice %arg3[%add3A_187, %dma_wait3A_210] : memref<10000x128xf32, #tpu.memory_space<hbm>> -> memref<128x128xf32, #tpu.memory_space<hbm>>
        %dma_wait3A_212 = arith.constant 0 : i32
        %dma_wait3A_213 = tpu.memref_slice %arg3[%add3A_187, %dma_wait3A_212] : memref<10000x128xf32, #tpu.memory_space<hbm>> -> memref<128x128xf32, #tpu.memory_space<hbm>>
        tpu.wait_dma2 semaphore(%run_scoped3A : memref<!tpu.dma_semaphore, #tpu.memory_space<semaphore_mem>>) src(%dma_wait3A_213 : memref<128x128xf32, #tpu.memory_space<hbm>>) dst(%arg5 : memref<128x128xf32, #tpu.memory_space<vmem>>)
        tpu.yield
      }) : () -> ()
      %add3A_188 = arith.constant 0 : i32
      %add3A_189 = arith.addi %mul3A_4, %add3A_188 : i32
      "tpu.region"() ({
        %run_scoped3A = tpu.sem_alloc : memref<!tpu.dma_semaphore, #tpu.memory_space<semaphore_mem>>
        %dma_start3A_206 = arith.constant 0 : i32
        %dma_start3A_207 = tpu.memref_slice %arg11[%add3A_189, %dma_start3A_206] : memref<10112x128xf32, #tpu.memory_space<vmem_shared>> -> memref<128x128xf32, #tpu.memory_space<vmem_shared>>
        %dma_start3A_208 = arith.constant 0 : i32
        %dma_start3A_209 = tpu.memref_slice %arg11[%add3A_189, %dma_start3A_208] : memref<10112x128xf32, #tpu.memory_space<vmem_shared>> -> memref<128x128xf32, #tpu.memory_space<vmem_shared>>
        tpu.enqueue_dma source(%arg5 : memref<128x128xf32, #tpu.memory_space<vmem>>) target(%dma_start3A_209 : memref<128x128xf32, #tpu.memory_space<vmem_shared>>) target_semaphore(%run_scoped3A : memref<!tpu.dma_semaphore, #tpu.memory_space<semaphore_mem>>)
        %dma_wait3A_210 = arith.constant 0 : i32
        %dma_wait3A_211 = tpu.memref_slice %arg11[%add3A_189, %dma_wait3A_210] : memref<10112x128xf32, #tpu.memory_space<vmem_shared>> -> memref<128x128xf32, #tpu.memory_space<vmem_shared>>
        %dma_wait3A_212 = arith.constant 0 : i32
        %dma_wait3A_213 = tpu.memref_slice %arg11[%add3A_189, %dma_wait3A_212] : memref<10112x128xf32, #tpu.memory_space<vmem_shared>> -> memref<128x128xf32, #tpu.memory_space<vmem_shared>>
        tpu.wait_dma2 semaphore(%run_scoped3A : memref<!tpu.dma_semaphore, #tpu.memory_space<semaphore_mem>>) src(%arg5 : memref<128x128xf32, #tpu.memory_space<vmem>>) dst(%dma_wait3A_213 : memref<128x128xf32, #tpu.memory_space<vmem_shared>>)
        tpu.yield
      }) : () -> ()
      %add3A_190 = arith.constant 128 : i32
      %add3A_191 = arith.addi %mul3A_4, %add3A_190 : i32
      "tpu.region"() ({
        %run_scoped3A = tpu.sem_alloc : memref<!tpu.dma_semaphore, #tpu.memory_space<semaphore_mem>>
        %dma_start3A_206 = arith.constant 0 : i32
        %dma_start3A_207 = tpu.memref_slice %arg3[%add3A_191, %dma_start3A_206] : memref<10000x128xf32, #tpu.memory_space<hbm>> -> memref<128x128xf32, #tpu.memory_space<hbm>>
        %dma_start3A_208 = arith.constant 0 : i32
        %dma_start3A_209 = tpu.memref_slice %arg3[%add3A_191, %dma_start3A_208] : memref<10000x128xf32, #tpu.memory_space<hbm>> -> memref<128x128xf32, #tpu.memory_space<hbm>>
        tpu.enqueue_dma source(%dma_start3A_209 : memref<128x128xf32, #tpu.memory_space<hbm>>) target(%arg5 : memref<128x128xf32, #tpu.memory_space<vmem>>) target_semaphore(%run_scoped3A : memref<!tpu.dma_semaphore, #tpu.memory_space<semaphore_mem>>)
        %dma_wait3A_210 = arith.constant 0 : i32
        %dma_wait3A_211 = tpu.memref_slice %arg3[%add3A_191, %dma_wait3A_210] : memref<10000x128xf32, #tpu.memory_space<hbm>> -> memref<128x128xf32, #tpu.memory_space<hbm>>
        %dma_wait3A_212 = arith.constant 0 : i32
        %dma_wait3A_213 = tpu.memref_slice %arg3[%add3A_191, %dma_wait3A_212] : memref<10000x128xf32, #tpu.memory_space<hbm>> -> memref<128x128xf32, #tpu.memory_space<hbm>>
        tpu.wait_dma2 semaphore(%run_scoped3A : memref<!tpu.dma_semaphore, #tpu.memory_space<semaphore_mem>>) src(%dma_wait3A_213 : memref<128x128xf32, #tpu.memory_space<hbm>>) dst(%arg5 : memref<128x128xf32, #tpu.memory_space<vmem>>)
        tpu.yield
      }) : () -> ()
      %add3A_192 = arith.constant 128 : i32
      %add3A_193 = arith.addi %mul3A_4, %add3A_192 : i32
      "tpu.region"() ({
        %run_scoped3A = tpu.sem_alloc : memref<!tpu.dma_semaphore, #tpu.memory_space<semaphore_mem>>
        %dma_start3A_206 = arith.constant 0 : i32
        %dma_start3A_207 = tpu.memref_slice %arg11[%add3A_193, %dma_start3A_206] : memref<10112x128xf32, #tpu.memory_space<vmem_shared>> -> memref<128x128xf32, #tpu.memory_space<vmem_shared>>
        %dma_start3A_208 = arith.constant 0 : i32
        %dma_start3A_209 = tpu.memref_slice %arg11[%add3A_193, %dma_start3A_208] : memref<10112x128xf32, #tpu.memory_space<vmem_shared>> -> memref<128x128xf32, #tpu.memory_space<vmem_shared>>
        tpu.enqueue_dma source(%arg5 : memref<128x128xf32, #tpu.memory_space<vmem>>) target(%dma_start3A_209 : memref<128x128xf32, #tpu.memory_space<vmem_shared>>) target_semaphore(%run_scoped3A : memref<!tpu.dma_semaphore, #tpu.memory_space<semaphore_mem>>)
        %dma_wait3A_210 = arith.constant 0 : i32
        %dma_wait3A_211 = tpu.memref_slice %arg11[%add3A_193, %dma_wait3A_210] : memref<10112x128xf32, #tpu.memory_space<vmem_shared>> -> memref<128x128xf32, #tpu.memory_space<vmem_shared>>
        %dma_wait3A_212 = arith.constant 0 : i32
        %dma_wait3A_213 = tpu.memref_slice %arg11[%add3A_193, %dma_wait3A_212] : memref<10112x128xf32, #tpu.memory_space<vmem_shared>> -> memref<128x128xf32, #tpu.memory_space<vmem_shared>>
        tpu.wait_dma2 semaphore(%run_scoped3A : memref<!tpu.dma_semaphore, #tpu.memory_space<semaphore_mem>>) src(%arg5 : memref<128x128xf32, #tpu.memory_space<vmem>>) dst(%dma_wait3A_213 : memref<128x128xf32, #tpu.memory_space<vmem_shared>>)
        tpu.yield
      }) : () -> ()
      %add3A_194 = arith.constant 256 : i32
      %add3A_195 = arith.addi %mul3A_4, %add3A_194 : i32
      "tpu.region"() ({
        %run_scoped3A = tpu.sem_alloc : memref<!tpu.dma_semaphore, #tpu.memory_space<semaphore_mem>>
        %dma_start3A_206 = arith.constant 0 : i32
        %dma_start3A_207 = tpu.memref_slice %arg3[%add3A_195, %dma_start3A_206] : memref<10000x128xf32, #tpu.memory_space<hbm>> -> memref<128x128xf32, #tpu.memory_space<hbm>>
        %dma_start3A_208 = arith.constant 0 : i32
        %dma_start3A_209 = tpu.memref_slice %arg3[%add3A_195, %dma_start3A_208] : memref<10000x128xf32, #tpu.memory_space<hbm>> -> memref<128x128xf32, #tpu.memory_space<hbm>>
        tpu.enqueue_dma source(%dma_start3A_209 : memref<128x128xf32, #tpu.memory_space<hbm>>) target(%arg5 : memref<128x128xf32, #tpu.memory_space<vmem>>) target_semaphore(%run_scoped3A : memref<!tpu.dma_semaphore, #tpu.memory_space<semaphore_mem>>)
        %dma_wait3A_210 = arith.constant 0 : i32
        %dma_wait3A_211 = tpu.memref_slice %arg3[%add3A_195, %dma_wait3A_210] : memref<10000x128xf32, #tpu.memory_space<hbm>> -> memref<128x128xf32, #tpu.memory_space<hbm>>
        %dma_wait3A_212 = arith.constant 0 : i32
        %dma_wait3A_213 = tpu.memref_slice %arg3[%add3A_195, %dma_wait3A_212] : memref<10000x128xf32, #tpu.memory_space<hbm>> -> memref<128x128xf32, #tpu.memory_space<hbm>>
        tpu.wait_dma2 semaphore(%run_scoped3A : memref<!tpu.dma_semaphore, #tpu.memory_space<semaphore_mem>>) src(%dma_wait3A_213 : memref<128x128xf32, #tpu.memory_space<hbm>>) dst(%arg5 : memref<128x128xf32, #tpu.memory_space<vmem>>)
        tpu.yield
      }) : () -> ()
      %add3A_196 = arith.constant 256 : i32
      %add3A_197 = arith.addi %mul3A_4, %add3A_196 : i32
      "tpu.region"() ({
        %run_scoped3A = tpu.sem_alloc : memref<!tpu.dma_semaphore, #tpu.memory_space<semaphore_mem>>
        %dma_start3A_206 = arith.constant 0 : i32
        %dma_start3A_207 = tpu.memref_slice %arg11[%add3A_197, %dma_start3A_206] : memref<10112x128xf32, #tpu.memory_space<vmem_shared>> -> memref<128x128xf32, #tpu.memory_space<vmem_shared>>
        %dma_start3A_208 = arith.constant 0 : i32
        %dma_start3A_209 = tpu.memref_slice %arg11[%add3A_197, %dma_start3A_208] : memref<10112x128xf32, #tpu.memory_space<vmem_shared>> -> memref<128x128xf32, #tpu.memory_space<vmem_shared>>
        tpu.enqueue_dma source(%arg5 : memref<128x128xf32, #tpu.memory_space<vmem>>) target(%dma_start3A_209 : memref<128x128xf32, #tpu.memory_space<vmem_shared>>) target_semaphore(%run_scoped3A : memref<!tpu.dma_semaphore, #tpu.memory_space<semaphore_mem>>)
        %dma_wait3A_210 = arith.constant 0 : i32
        %dma_wait3A_211 = tpu.memref_slice %arg11[%add3A_197, %dma_wait3A_210] : memref<10112x128xf32, #tpu.memory_space<vmem_shared>> -> memref<128x128xf32, #tpu.memory_space<vmem_shared>>
        %dma_wait3A_212 = arith.constant 0 : i32
        %dma_wait3A_213 = tpu.memref_slice %arg11[%add3A_197, %dma_wait3A_212] : memref<10112x128xf32, #tpu.memory_space<vmem_shared>> -> memref<128x128xf32, #tpu.memory_space<vmem_shared>>
        tpu.wait_dma2 semaphore(%run_scoped3A : memref<!tpu.dma_semaphore, #tpu.memory_space<semaphore_mem>>) src(%arg5 : memref<128x128xf32, #tpu.memory_space<vmem>>) dst(%dma_wait3A_213 : memref<128x128xf32, #tpu.memory_space<vmem_shared>>)
        tpu.yield
      }) : () -> ()
      %add3A_198 = arith.constant 384 : i32
      %add3A_199 = arith.addi %mul3A_4, %add3A_198 : i32
      "tpu.region"() ({
        %run_scoped3A = tpu.sem_alloc : memref<!tpu.dma_semaphore, #tpu.memory_space<semaphore_mem>>
        %dma_start3A_206 = arith.constant 0 : i32
        %dma_start3A_207 = tpu.memref_slice %arg3[%add3A_199, %dma_start3A_206] : memref<10000x128xf32, #tpu.memory_space<hbm>> -> memref<128x128xf32, #tpu.memory_space<hbm>>
        %dma_start3A_208 = arith.constant 0 : i32
        %dma_start3A_209 = tpu.memref_slice %arg3[%add3A_199, %dma_start3A_208] : memref<10000x128xf32, #tpu.memory_space<hbm>> -> memref<128x128xf32, #tpu.memory_space<hbm>>
        tpu.enqueue_dma source(%dma_start3A_209 : memref<128x128xf32, #tpu.memory_space<hbm>>) target(%arg5 : memref<128x128xf32, #tpu.memory_space<vmem>>) target_semaphore(%run_scoped3A : memref<!tpu.dma_semaphore, #tpu.memory_space<semaphore_mem>>)
        %dma_wait3A_210 = arith.constant 0 : i32
        %dma_wait3A_211 = tpu.memref_slice %arg3[%add3A_199, %dma_wait3A_210] : memref<10000x128xf32, #tpu.memory_space<hbm>> -> memref<128x128xf32, #tpu.memory_space<hbm>>
        %dma_wait3A_212 = arith.constant 0 : i32
        %dma_wait3A_213 = tpu.memref_slice %arg3[%add3A_199, %dma_wait3A_212] : memref<10000x128xf32, #tpu.memory_space<hbm>> -> memref<128x128xf32, #tpu.memory_space<hbm>>
        tpu.wait_dma2 semaphore(%run_scoped3A : memref<!tpu.dma_semaphore, #tpu.memory_space<semaphore_mem>>) src(%dma_wait3A_213 : memref<128x128xf32, #tpu.memory_space<hbm>>) dst(%arg5 : memref<128x128xf32, #tpu.memory_space<vmem>>)
        tpu.yield
      }) : () -> ()
      %add3A_200 = arith.constant 384 : i32
      %add3A_201 = arith.addi %mul3A_4, %add3A_200 : i32
      "tpu.region"() ({
        %run_scoped3A = tpu.sem_alloc : memref<!tpu.dma_semaphore, #tpu.memory_space<semaphore_mem>>
        %dma_start3A_206 = arith.constant 0 : i32
        %dma_start3A_207 = tpu.memref_slice %arg11[%add3A_201, %dma_start3A_206] : memref<10112x128xf32, #tpu.memory_space<vmem_shared>> -> memref<128x128xf32, #tpu.memory_space<vmem_shared>>
        %dma_start3A_208 = arith.constant 0 : i32
        %dma_start3A_209 = tpu.memref_slice %arg11[%add3A_201, %dma_start3A_208] : memref<10112x128xf32, #tpu.memory_space<vmem_shared>> -> memref<128x128xf32, #tpu.memory_space<vmem_shared>>
        tpu.enqueue_dma source(%arg5 : memref<128x128xf32, #tpu.memory_space<vmem>>) target(%dma_start3A_209 : memref<128x128xf32, #tpu.memory_space<vmem_shared>>) target_semaphore(%run_scoped3A : memref<!tpu.dma_semaphore, #tpu.memory_space<semaphore_mem>>)
        %dma_wait3A_210 = arith.constant 0 : i32
        %dma_wait3A_211 = tpu.memref_slice %arg11[%add3A_201, %dma_wait3A_210] : memref<10112x128xf32, #tpu.memory_space<vmem_shared>> -> memref<128x128xf32, #tpu.memory_space<vmem_shared>>
        %dma_wait3A_212 = arith.constant 0 : i32
        %dma_wait3A_213 = tpu.memref_slice %arg11[%add3A_201, %dma_wait3A_212] : memref<10112x128xf32, #tpu.memory_space<vmem_shared>> -> memref<128x128xf32, #tpu.memory_space<vmem_shared>>
        tpu.wait_dma2 semaphore(%run_scoped3A : memref<!tpu.dma_semaphore, #tpu.memory_space<semaphore_mem>>) src(%arg5 : memref<128x128xf32, #tpu.memory_space<vmem>>) dst(%dma_wait3A_213 : memref<128x128xf32, #tpu.memory_space<vmem_shared>>)
        tpu.yield
      }) : () -> ()
      %add3A_202 = arith.constant 512 : i32
      %add3A_203 = arith.addi %mul3A_4, %add3A_202 : i32
      "tpu.region"() ({
        %run_scoped3A = tpu.sem_alloc : memref<!tpu.dma_semaphore, #tpu.memory_space<semaphore_mem>>
        %dma_start3A_206 = arith.constant 0 : i32
        %dma_start3A_207 = arith.constant 0 : i32
        %dma_start3A_208 = tpu.memref_slice %arg5[%dma_start3A_206, %dma_start3A_207] : memref<128x128xf32, #tpu.memory_space<vmem>> -> memref<120x128xf32, #tpu.memory_space<vmem>>
        %dma_start3A_209 = arith.constant 0 : i32
        %dma_start3A_210 = tpu.memref_slice %arg3[%add3A_203, %dma_start3A_209] : memref<10000x128xf32, #tpu.memory_space<hbm>> -> memref<120x128xf32, #tpu.memory_space<hbm>>
        %dma_start3A_211 = arith.constant 0 : i32
        %dma_start3A_212 = arith.constant 0 : i32
        %dma_start3A_213 = tpu.memref_slice %arg5[%dma_start3A_211, %dma_start3A_212] : memref<128x128xf32, #tpu.memory_space<vmem>> -> memref<120x128xf32, #tpu.memory_space<vmem>>
        %dma_start3A_214 = arith.constant 0 : i32
        %dma_start3A_215 = tpu.memref_slice %arg3[%add3A_203, %dma_start3A_214] : memref<10000x128xf32, #tpu.memory_space<hbm>> -> memref<120x128xf32, #tpu.memory_space<hbm>>
        tpu.enqueue_dma source(%dma_start3A_215 : memref<120x128xf32, #tpu.memory_space<hbm>>) target(%dma_start3A_213 : memref<120x128xf32, #tpu.memory_space<vmem>>) target_semaphore(%run_scoped3A : memref<!tpu.dma_semaphore, #tpu.memory_space<semaphore_mem>>)
        %dma_wait3A_216 = arith.constant 0 : i32
        %dma_wait3A_217 = arith.constant 0 : i32
        %dma_wait3A_218 = tpu.memref_slice %arg5[%dma_wait3A_216, %dma_wait3A_217] : memref<128x128xf32, #tpu.memory_space<vmem>> -> memref<120x128xf32, #tpu.memory_space<vmem>>
        %dma_wait3A_219 = arith.constant 0 : i32
        %dma_wait3A_220 = tpu.memref_slice %arg3[%add3A_203, %dma_wait3A_219] : memref<10000x128xf32, #tpu.memory_space<hbm>> -> memref<120x128xf32, #tpu.memory_space<hbm>>
        %dma_wait3A_221 = arith.constant 0 : i32
        %dma_wait3A_222 = arith.constant 0 : i32
        %dma_wait3A_223 = tpu.memref_slice %arg5[%dma_wait3A_221, %dma_wait3A_222] : memref<128x128xf32, #tpu.memory_space<vmem>> -> memref<120x128xf32, #tpu.memory_space<vmem>>
        %dma_wait3A_224 = arith.constant 0 : i32
        %dma_wait3A_225 = tpu.memref_slice %arg3[%add3A_203, %dma_wait3A_224] : memref<10000x128xf32, #tpu.memory_space<hbm>> -> memref<120x128xf32, #tpu.memory_space<hbm>>
        tpu.wait_dma2 semaphore(%run_scoped3A : memref<!tpu.dma_semaphore, #tpu.memory_space<semaphore_mem>>) src(%dma_wait3A_225 : memref<120x128xf32, #tpu.memory_space<hbm>>) dst(%dma_wait3A_223 : memref<120x128xf32, #tpu.memory_space<vmem>>)
        tpu.yield
      }) : () -> ()
      %add3A_204 = arith.constant 512 : i32
      %add3A_205 = arith.addi %mul3A_4, %add3A_204 : i32
      "tpu.region"() ({
        %run_scoped3A = tpu.sem_alloc : memref<!tpu.dma_semaphore, #tpu.memory_space<semaphore_mem>>
        %dma_start3A_206 = arith.constant 0 : i32
        %dma_start3A_207 = arith.constant 0 : i32
        %dma_start3A_208 = tpu.memref_slice %arg5[%dma_start3A_206, %dma_start3A_207] : memref<128x128xf32, #tpu.memory_space<vmem>> -> memref<120x128xf32, #tpu.memory_space<vmem>>
        %dma_start3A_209 = arith.constant 0 : i32
        %dma_start3A_210 = tpu.memref_slice %arg11[%add3A_205, %dma_start3A_209] : memref<10112x128xf32, #tpu.memory_space<vmem_shared>> -> memref<120x128xf32, #tpu.memory_space<vmem_shared>>
        %dma_start3A_211 = arith.constant 0 : i32
        %dma_start3A_212 = tpu.memref_slice %arg11[%add3A_205, %dma_start3A_211] : memref<10112x128xf32, #tpu.memory_space<vmem_shared>> -> memref<120x128xf32, #tpu.memory_space<vmem_shared>>
        %dma_start3A_213 = arith.constant 0 : i32
        %dma_start3A_214 = arith.constant 0 : i32
        %dma_start3A_215 = tpu.memref_slice %arg5[%dma_start3A_213, %dma_start3A_214] : memref<128x128xf32, #tpu.memory_space<vmem>> -> memref<120x128xf32, #tpu.memory_space<vmem>>
        tpu.enqueue_dma source(%dma_start3A_215 : memref<120x128xf32, #tpu.memory_space<vmem>>) target(%dma_start3A_212 : memref<120x128xf32, #tpu.memory_space<vmem_shared>>) target_semaphore(%run_scoped3A : memref<!tpu.dma_semaphore, #tpu.memory_space<semaphore_mem>>)
        %dma_wait3A_216 = arith.constant 0 : i32
        %dma_wait3A_217 = arith.constant 0 : i32
        %dma_wait3A_218 = tpu.memref_slice %arg5[%dma_wait3A_216, %dma_wait3A_217] : memref<128x128xf32, #tpu.memory_space<vmem>> -> memref<120x128xf32, #tpu.memory_space<vmem>>
        %dma_wait3A_219 = arith.constant 0 : i32
        %dma_wait3A_220 = tpu.memref_slice %arg11[%add3A_205, %dma_wait3A_219] : memref<10112x128xf32, #tpu.memory_space<vmem_shared>> -> memref<120x128xf32, #tpu.memory_space<vmem_shared>>
        %dma_wait3A_221 = arith.constant 0 : i32
        %dma_wait3A_222 = tpu.memref_slice %arg11[%add3A_205, %dma_wait3A_221] : memref<10112x128xf32, #tpu.memory_space<vmem_shared>> -> memref<120x128xf32, #tpu.memory_space<vmem_shared>>
        %dma_wait3A_223 = arith.constant 0 : i32
        %dma_wait3A_224 = arith.constant 0 : i32
        %dma_wait3A_225 = tpu.memref_slice %arg5[%dma_wait3A_223, %dma_wait3A_224] : memref<128x128xf32, #tpu.memory_space<vmem>> -> memref<120x128xf32, #tpu.memory_space<vmem>>
        tpu.wait_dma2 semaphore(%run_scoped3A : memref<!tpu.dma_semaphore, #tpu.memory_space<semaphore_mem>>) src(%dma_wait3A_225 : memref<120x128xf32, #tpu.memory_space<vmem>>) dst(%dma_wait3A_222 : memref<120x128xf32, #tpu.memory_space<vmem_shared>>)
        tpu.yield
      }) : () -> ()
    } else {
    }
    %eq3A_10 = arith.constant 0 : i32
    %eq3A_11 = arith.cmpi eq, %arg0, %eq3A_10 : i32
    %and3A_12 = arith.andi %eq3A_11, %eq3A_5 : i1
    %convert_element_type3A_13 = arith.extui %and3A_12 : i1 to i32
    %cond3A_14 = arith.constant 0 : i32
    %cond3A_15 = arith.cmpi ne, %convert_element_type3A_13, %cond3A_14 : i32
    scf.if %cond3A_15 {
      %add3A_186 = arith.constant 0 : i32
      %add3A_187 = arith.addi %mul3A_4, %add3A_186 : i32
      "tpu.region"() ({
        %run_scoped3A = tpu.sem_alloc : memref<!tpu.dma_semaphore, #tpu.memory_space<semaphore_mem>>
        %dma_start3A_206 = arith.constant 0 : i32
        %dma_start3A_207 = tpu.memref_slice %arg3[%add3A_187, %dma_start3A_206] : memref<10000x128xf32, #tpu.memory_space<hbm>> -> memref<128x128xf32, #tpu.memory_space<hbm>>
        %dma_start3A_208 = arith.constant 0 : i32
        %dma_start3A_209 = tpu.memref_slice %arg3[%add3A_187, %dma_start3A_208] : memref<10000x128xf32, #tpu.memory_space<hbm>> -> memref<128x128xf32, #tpu.memory_space<hbm>>
        tpu.enqueue_dma source(%dma_start3A_209 : memref<128x128xf32, #tpu.memory_space<hbm>>) target(%arg5 : memref<128x128xf32, #tpu.memory_space<vmem>>) target_semaphore(%run_scoped3A : memref<!tpu.dma_semaphore, #tpu.memory_space<semaphore_mem>>)
        %dma_wait3A_210 = arith.constant 0 : i32
        %dma_wait3A_211 = tpu.memref_slice %arg3[%add3A_187, %dma_wait3A_210] : memref<10000x128xf32, #tpu.memory_space<hbm>> -> memref<128x128xf32, #tpu.memory_space<hbm>>
        %dma_wait3A_212 = arith.constant 0 : i32
        %dma_wait3A_213 = tpu.memref_slice %arg3[%add3A_187, %dma_wait3A_212] : memref<10000x128xf32, #tpu.memory_space<hbm>> -> memref<128x128xf32, #tpu.memory_space<hbm>>
        tpu.wait_dma2 semaphore(%run_scoped3A : memref<!tpu.dma_semaphore, #tpu.memory_space<semaphore_mem>>) src(%dma_wait3A_213 : memref<128x128xf32, #tpu.memory_space<hbm>>) dst(%arg5 : memref<128x128xf32, #tpu.memory_space<vmem>>)
        tpu.yield
      }) : () -> ()
      %add3A_188 = arith.constant 0 : i32
      %add3A_189 = arith.addi %mul3A_4, %add3A_188 : i32
      "tpu.region"() ({
        %run_scoped3A = tpu.sem_alloc : memref<!tpu.dma_semaphore, #tpu.memory_space<semaphore_mem>>
        %dma_start3A_206 = arith.constant 0 : i32
        %dma_start3A_207 = tpu.memref_slice %arg11[%add3A_189, %dma_start3A_206] : memref<10112x128xf32, #tpu.memory_space<vmem_shared>> -> memref<128x128xf32, #tpu.memory_space<vmem_shared>>
        %dma_start3A_208 = arith.constant 0 : i32
        %dma_start3A_209 = tpu.memref_slice %arg11[%add3A_189, %dma_start3A_208] : memref<10112x128xf32, #tpu.memory_space<vmem_shared>> -> memref<128x128xf32, #tpu.memory_space<vmem_shared>>
        tpu.enqueue_dma source(%arg5 : memref<128x128xf32, #tpu.memory_space<vmem>>) target(%dma_start3A_209 : memref<128x128xf32, #tpu.memory_space<vmem_shared>>) target_semaphore(%run_scoped3A : memref<!tpu.dma_semaphore, #tpu.memory_space<semaphore_mem>>)
        %dma_wait3A_210 = arith.constant 0 : i32
        %dma_wait3A_211 = tpu.memref_slice %arg11[%add3A_189, %dma_wait3A_210] : memref<10112x128xf32, #tpu.memory_space<vmem_shared>> -> memref<128x128xf32, #tpu.memory_space<vmem_shared>>
        %dma_wait3A_212 = arith.constant 0 : i32
        %dma_wait3A_213 = tpu.memref_slice %arg11[%add3A_189, %dma_wait3A_212] : memref<10112x128xf32, #tpu.memory_space<vmem_shared>> -> memref<128x128xf32, #tpu.memory_space<vmem_shared>>
        tpu.wait_dma2 semaphore(%run_scoped3A : memref<!tpu.dma_semaphore, #tpu.memory_space<semaphore_mem>>) src(%arg5 : memref<128x128xf32, #tpu.memory_space<vmem>>) dst(%dma_wait3A_213 : memref<128x128xf32, #tpu.memory_space<vmem_shared>>)
        tpu.yield
      }) : () -> ()
      %add3A_190 = arith.constant 128 : i32
      %add3A_191 = arith.addi %mul3A_4, %add3A_190 : i32
      "tpu.region"() ({
        %run_scoped3A = tpu.sem_alloc : memref<!tpu.dma_semaphore, #tpu.memory_space<semaphore_mem>>
        %dma_start3A_206 = arith.constant 0 : i32
        %dma_start3A_207 = tpu.memref_slice %arg3[%add3A_191, %dma_start3A_206] : memref<10000x128xf32, #tpu.memory_space<hbm>> -> memref<128x128xf32, #tpu.memory_space<hbm>>
        %dma_start3A_208 = arith.constant 0 : i32
        %dma_start3A_209 = tpu.memref_slice %arg3[%add3A_191, %dma_start3A_208] : memref<10000x128xf32, #tpu.memory_space<hbm>> -> memref<128x128xf32, #tpu.memory_space<hbm>>
        tpu.enqueue_dma source(%dma_start3A_209 : memref<128x128xf32, #tpu.memory_space<hbm>>) target(%arg5 : memref<128x128xf32, #tpu.memory_space<vmem>>) target_semaphore(%run_scoped3A : memref<!tpu.dma_semaphore, #tpu.memory_space<semaphore_mem>>)
        %dma_wait3A_210 = arith.constant 0 : i32
        %dma_wait3A_211 = tpu.memref_slice %arg3[%add3A_191, %dma_wait3A_210] : memref<10000x128xf32, #tpu.memory_space<hbm>> -> memref<128x128xf32, #tpu.memory_space<hbm>>
        %dma_wait3A_212 = arith.constant 0 : i32
        %dma_wait3A_213 = tpu.memref_slice %arg3[%add3A_191, %dma_wait3A_212] : memref<10000x128xf32, #tpu.memory_space<hbm>> -> memref<128x128xf32, #tpu.memory_space<hbm>>
        tpu.wait_dma2 semaphore(%run_scoped3A : memref<!tpu.dma_semaphore, #tpu.memory_space<semaphore_mem>>) src(%dma_wait3A_213 : memref<128x128xf32, #tpu.memory_space<hbm>>) dst(%arg5 : memref<128x128xf32, #tpu.memory_space<vmem>>)
        tpu.yield
      }) : () -> ()
      %add3A_192 = arith.constant 128 : i32
      %add3A_193 = arith.addi %mul3A_4, %add3A_192 : i32
      "tpu.region"() ({
        %run_scoped3A = tpu.sem_alloc : memref<!tpu.dma_semaphore, #tpu.memory_space<semaphore_mem>>
        %dma_start3A_206 = arith.constant 0 : i32
        %dma_start3A_207 = tpu.memref_slice %arg11[%add3A_193, %dma_start3A_206] : memref<10112x128xf32, #tpu.memory_space<vmem_shared>> -> memref<128x128xf32, #tpu.memory_space<vmem_shared>>
        %dma_start3A_208 = arith.constant 0 : i32
        %dma_start3A_209 = tpu.memref_slice %arg11[%add3A_193, %dma_start3A_208] : memref<10112x128xf32, #tpu.memory_space<vmem_shared>> -> memref<128x128xf32, #tpu.memory_space<vmem_shared>>
        tpu.enqueue_dma source(%arg5 : memref<128x128xf32, #tpu.memory_space<vmem>>) target(%dma_start3A_209 : memref<128x128xf32, #tpu.memory_space<vmem_shared>>) target_semaphore(%run_scoped3A : memref<!tpu.dma_semaphore, #tpu.memory_space<semaphore_mem>>)
        %dma_wait3A_210 = arith.constant 0 : i32
        %dma_wait3A_211 = tpu.memref_slice %arg11[%add3A_193, %dma_wait3A_210] : memref<10112x128xf32, #tpu.memory_space<vmem_shared>> -> memref<128x128xf32, #tpu.memory_space<vmem_shared>>
        %dma_wait3A_212 = arith.constant 0 : i32
        %dma_wait3A_213 = tpu.memref_slice %arg11[%add3A_193, %dma_wait3A_212] : memref<10112x128xf32, #tpu.memory_space<vmem_shared>> -> memref<128x128xf32, #tpu.memory_space<vmem_shared>>
        tpu.wait_dma2 semaphore(%run_scoped3A : memref<!tpu.dma_semaphore, #tpu.memory_space<semaphore_mem>>) src(%arg5 : memref<128x128xf32, #tpu.memory_space<vmem>>) dst(%dma_wait3A_213 : memref<128x128xf32, #tpu.memory_space<vmem_shared>>)
        tpu.yield
      }) : () -> ()
      %add3A_194 = arith.constant 256 : i32
      %add3A_195 = arith.addi %mul3A_4, %add3A_194 : i32
      "tpu.region"() ({
        %run_scoped3A = tpu.sem_alloc : memref<!tpu.dma_semaphore, #tpu.memory_space<semaphore_mem>>
        %dma_start3A_206 = arith.constant 0 : i32
        %dma_start3A_207 = tpu.memref_slice %arg3[%add3A_195, %dma_start3A_206] : memref<10000x128xf32, #tpu.memory_space<hbm>> -> memref<128x128xf32, #tpu.memory_space<hbm>>
        %dma_start3A_208 = arith.constant 0 : i32
        %dma_start3A_209 = tpu.memref_slice %arg3[%add3A_195, %dma_start3A_208] : memref<10000x128xf32, #tpu.memory_space<hbm>> -> memref<128x128xf32, #tpu.memory_space<hbm>>
        tpu.enqueue_dma source(%dma_start3A_209 : memref<128x128xf32, #tpu.memory_space<hbm>>) target(%arg5 : memref<128x128xf32, #tpu.memory_space<vmem>>) target_semaphore(%run_scoped3A : memref<!tpu.dma_semaphore, #tpu.memory_space<semaphore_mem>>)
        %dma_wait3A_210 = arith.constant 0 : i32
        %dma_wait3A_211 = tpu.memref_slice %arg3[%add3A_195, %dma_wait3A_210] : memref<10000x128xf32, #tpu.memory_space<hbm>> -> memref<128x128xf32, #tpu.memory_space<hbm>>
        %dma_wait3A_212 = arith.constant 0 : i32
        %dma_wait3A_213 = tpu.memref_slice %arg3[%add3A_195, %dma_wait3A_212] : memref<10000x128xf32, #tpu.memory_space<hbm>> -> memref<128x128xf32, #tpu.memory_space<hbm>>
        tpu.wait_dma2 semaphore(%run_scoped3A : memref<!tpu.dma_semaphore, #tpu.memory_space<semaphore_mem>>) src(%dma_wait3A_213 : memref<128x128xf32, #tpu.memory_space<hbm>>) dst(%arg5 : memref<128x128xf32, #tpu.memory_space<vmem>>)
        tpu.yield
      }) : () -> ()
      %add3A_196 = arith.constant 256 : i32
      %add3A_197 = arith.addi %mul3A_4, %add3A_196 : i32
      "tpu.region"() ({
        %run_scoped3A = tpu.sem_alloc : memref<!tpu.dma_semaphore, #tpu.memory_space<semaphore_mem>>
        %dma_start3A_206 = arith.constant 0 : i32
        %dma_start3A_207 = tpu.memref_slice %arg11[%add3A_197, %dma_start3A_206] : memref<10112x128xf32, #tpu.memory_space<vmem_shared>> -> memref<128x128xf32, #tpu.memory_space<vmem_shared>>
        %dma_start3A_208 = arith.constant 0 : i32
        %dma_start3A_209 = tpu.memref_slice %arg11[%add3A_197, %dma_start3A_208] : memref<10112x128xf32, #tpu.memory_space<vmem_shared>> -> memref<128x128xf32, #tpu.memory_space<vmem_shared>>
        tpu.enqueue_dma source(%arg5 : memref<128x128xf32, #tpu.memory_space<vmem>>) target(%dma_start3A_209 : memref<128x128xf32, #tpu.memory_space<vmem_shared>>) target_semaphore(%run_scoped3A : memref<!tpu.dma_semaphore, #tpu.memory_space<semaphore_mem>>)
        %dma_wait3A_210 = arith.constant 0 : i32
        %dma_wait3A_211 = tpu.memref_slice %arg11[%add3A_197, %dma_wait3A_210] : memref<10112x128xf32, #tpu.memory_space<vmem_shared>> -> memref<128x128xf32, #tpu.memory_space<vmem_shared>>
        %dma_wait3A_212 = arith.constant 0 : i32
        %dma_wait3A_213 = tpu.memref_slice %arg11[%add3A_197, %dma_wait3A_212] : memref<10112x128xf32, #tpu.memory_space<vmem_shared>> -> memref<128x128xf32, #tpu.memory_space<vmem_shared>>
        tpu.wait_dma2 semaphore(%run_scoped3A : memref<!tpu.dma_semaphore, #tpu.memory_space<semaphore_mem>>) src(%arg5 : memref<128x128xf32, #tpu.memory_space<vmem>>) dst(%dma_wait3A_213 : memref<128x128xf32, #tpu.memory_space<vmem_shared>>)
        tpu.yield
      }) : () -> ()
      %add3A_198 = arith.constant 384 : i32
      %add3A_199 = arith.addi %mul3A_4, %add3A_198 : i32
      "tpu.region"() ({
        %run_scoped3A = tpu.sem_alloc : memref<!tpu.dma_semaphore, #tpu.memory_space<semaphore_mem>>
        %dma_start3A_206 = arith.constant 0 : i32
        %dma_start3A_207 = tpu.memref_slice %arg3[%add3A_199, %dma_start3A_206] : memref<10000x128xf32, #tpu.memory_space<hbm>> -> memref<128x128xf32, #tpu.memory_space<hbm>>
        %dma_start3A_208 = arith.constant 0 : i32
        %dma_start3A_209 = tpu.memref_slice %arg3[%add3A_199, %dma_start3A_208] : memref<10000x128xf32, #tpu.memory_space<hbm>> -> memref<128x128xf32, #tpu.memory_space<hbm>>
        tpu.enqueue_dma source(%dma_start3A_209 : memref<128x128xf32, #tpu.memory_space<hbm>>) target(%arg5 : memref<128x128xf32, #tpu.memory_space<vmem>>) target_semaphore(%run_scoped3A : memref<!tpu.dma_semaphore, #tpu.memory_space<semaphore_mem>>)
        %dma_wait3A_210 = arith.constant 0 : i32
        %dma_wait3A_211 = tpu.memref_slice %arg3[%add3A_199, %dma_wait3A_210] : memref<10000x128xf32, #tpu.memory_space<hbm>> -> memref<128x128xf32, #tpu.memory_space<hbm>>
        %dma_wait3A_212 = arith.constant 0 : i32
        %dma_wait3A_213 = tpu.memref_slice %arg3[%add3A_199, %dma_wait3A_212] : memref<10000x128xf32, #tpu.memory_space<hbm>> -> memref<128x128xf32, #tpu.memory_space<hbm>>
        tpu.wait_dma2 semaphore(%run_scoped3A : memref<!tpu.dma_semaphore, #tpu.memory_space<semaphore_mem>>) src(%dma_wait3A_213 : memref<128x128xf32, #tpu.memory_space<hbm>>) dst(%arg5 : memref<128x128xf32, #tpu.memory_space<vmem>>)
        tpu.yield
      }) : () -> ()
      %add3A_200 = arith.constant 384 : i32
      %add3A_201 = arith.addi %mul3A_4, %add3A_200 : i32
      "tpu.region"() ({
        %run_scoped3A = tpu.sem_alloc : memref<!tpu.dma_semaphore, #tpu.memory_space<semaphore_mem>>
        %dma_start3A_206 = arith.constant 0 : i32
        %dma_start3A_207 = tpu.memref_slice %arg11[%add3A_201, %dma_start3A_206] : memref<10112x128xf32, #tpu.memory_space<vmem_shared>> -> memref<128x128xf32, #tpu.memory_space<vmem_shared>>
        %dma_start3A_208 = arith.constant 0 : i32
        %dma_start3A_209 = tpu.memref_slice %arg11[%add3A_201, %dma_start3A_208] : memref<10112x128xf32, #tpu.memory_space<vmem_shared>> -> memref<128x128xf32, #tpu.memory_space<vmem_shared>>
        tpu.enqueue_dma source(%arg5 : memref<128x128xf32, #tpu.memory_space<vmem>>) target(%dma_start3A_209 : memref<128x128xf32, #tpu.memory_space<vmem_shared>>) target_semaphore(%run_scoped3A : memref<!tpu.dma_semaphore, #tpu.memory_space<semaphore_mem>>)
        %dma_wait3A_210 = arith.constant 0 : i32
        %dma_wait3A_211 = tpu.memref_slice %arg11[%add3A_201, %dma_wait3A_210] : memref<10112x128xf32, #tpu.memory_space<vmem_shared>> -> memref<128x128xf32, #tpu.memory_space<vmem_shared>>
        %dma_wait3A_212 = arith.constant 0 : i32
        %dma_wait3A_213 = tpu.memref_slice %arg11[%add3A_201, %dma_wait3A_212] : memref<10112x128xf32, #tpu.memory_space<vmem_shared>> -> memref<128x128xf32, #tpu.memory_space<vmem_shared>>
        tpu.wait_dma2 semaphore(%run_scoped3A : memref<!tpu.dma_semaphore, #tpu.memory_space<semaphore_mem>>) src(%arg5 : memref<128x128xf32, #tpu.memory_space<vmem>>) dst(%dma_wait3A_213 : memref<128x128xf32, #tpu.memory_space<vmem_shared>>)
        tpu.yield
      }) : () -> ()
      %add3A_202 = arith.constant 512 : i32
      %add3A_203 = arith.addi %mul3A_4, %add3A_202 : i32
      "tpu.region"() ({
        %run_scoped3A = tpu.sem_alloc : memref<!tpu.dma_semaphore, #tpu.memory_space<semaphore_mem>>
        %dma_start3A_206 = arith.constant 0 : i32
        %dma_start3A_207 = arith.constant 0 : i32
        %dma_start3A_208 = tpu.memref_slice %arg5[%dma_start3A_206, %dma_start3A_207] : memref<128x128xf32, #tpu.memory_space<vmem>> -> memref<8x128xf32, #tpu.memory_space<vmem>>
        %dma_start3A_209 = arith.constant 0 : i32
        %dma_start3A_210 = tpu.memref_slice %arg3[%add3A_203, %dma_start3A_209] : memref<10000x128xf32, #tpu.memory_space<hbm>> -> memref<8x128xf32, #tpu.memory_space<hbm>>
        %dma_start3A_211 = arith.constant 0 : i32
        %dma_start3A_212 = arith.constant 0 : i32
        %dma_start3A_213 = tpu.memref_slice %arg5[%dma_start3A_211, %dma_start3A_212] : memref<128x128xf32, #tpu.memory_space<vmem>> -> memref<8x128xf32, #tpu.memory_space<vmem>>
        %dma_start3A_214 = arith.constant 0 : i32
        %dma_start3A_215 = tpu.memref_slice %arg3[%add3A_203, %dma_start3A_214] : memref<10000x128xf32, #tpu.memory_space<hbm>> -> memref<8x128xf32, #tpu.memory_space<hbm>>
        tpu.enqueue_dma source(%dma_start3A_215 : memref<8x128xf32, #tpu.memory_space<hbm>>) target(%dma_start3A_213 : memref<8x128xf32, #tpu.memory_space<vmem>>) target_semaphore(%run_scoped3A : memref<!tpu.dma_semaphore, #tpu.memory_space<semaphore_mem>>)
        %dma_wait3A_216 = arith.constant 0 : i32
        %dma_wait3A_217 = arith.constant 0 : i32
        %dma_wait3A_218 = tpu.memref_slice %arg5[%dma_wait3A_216, %dma_wait3A_217] : memref<128x128xf32, #tpu.memory_space<vmem>> -> memref<8x128xf32, #tpu.memory_space<vmem>>
        %dma_wait3A_219 = arith.constant 0 : i32
        %dma_wait3A_220 = tpu.memref_slice %arg3[%add3A_203, %dma_wait3A_219] : memref<10000x128xf32, #tpu.memory_space<hbm>> -> memref<8x128xf32, #tpu.memory_space<hbm>>
        %dma_wait3A_221 = arith.constant 0 : i32
        %dma_wait3A_222 = arith.constant 0 : i32
        %dma_wait3A_223 = tpu.memref_slice %arg5[%dma_wait3A_221, %dma_wait3A_222] : memref<128x128xf32, #tpu.memory_space<vmem>> -> memref<8x128xf32, #tpu.memory_space<vmem>>
        %dma_wait3A_224 = arith.constant 0 : i32
        %dma_wait3A_225 = tpu.memref_slice %arg3[%add3A_203, %dma_wait3A_224] : memref<10000x128xf32, #tpu.memory_space<hbm>> -> memref<8x128xf32, #tpu.memory_space<hbm>>
        tpu.wait_dma2 semaphore(%run_scoped3A : memref<!tpu.dma_semaphore, #tpu.memory_space<semaphore_mem>>) src(%dma_wait3A_225 : memref<8x128xf32, #tpu.memory_space<hbm>>) dst(%dma_wait3A_223 : memref<8x128xf32, #tpu.memory_space<vmem>>)
        tpu.yield
      }) : () -> ()
      %add3A_204 = arith.constant 512 : i32
      %add3A_205 = arith.addi %mul3A_4, %add3A_204 : i32
      "tpu.region"() ({
        %run_scoped3A = tpu.sem_alloc : memref<!tpu.dma_semaphore, #tpu.memory_space<semaphore_mem>>
        %dma_start3A_206 = arith.constant 0 : i32
        %dma_start3A_207 = arith.constant 0 : i32
        %dma_start3A_208 = tpu.memref_slice %arg5[%dma_start3A_206, %dma_start3A_207] : memref<128x128xf32, #tpu.memory_space<vmem>> -> memref<8x128xf32, #tpu.memory_space<vmem>>
        %dma_start3A_209 = arith.constant 0 : i32
        %dma_start3A_210 = tpu.memref_slice %arg11[%add3A_205, %dma_start3A_209] : memref<10112x128xf32, #tpu.memory_space<vmem_shared>> -> memref<8x128xf32, #tpu.memory_space<vmem_shared>>
        %dma_start3A_211 = arith.constant 0 : i32
        %dma_start3A_212 = tpu.memref_slice %arg11[%add3A_205, %dma_start3A_211] : memref<10112x128xf32, #tpu.memory_space<vmem_shared>> -> memref<8x128xf32, #tpu.memory_space<vmem_shared>>
        %dma_start3A_213 = arith.constant 0 : i32
        %dma_start3A_214 = arith.constant 0 : i32
        %dma_start3A_215 = tpu.memref_slice %arg5[%dma_start3A_213, %dma_start3A_214] : memref<128x128xf32, #tpu.memory_space<vmem>> -> memref<8x128xf32, #tpu.memory_space<vmem>>
        tpu.enqueue_dma source(%dma_start3A_215 : memref<8x128xf32, #tpu.memory_space<vmem>>) target(%dma_start3A_212 : memref<8x128xf32, #tpu.memory_space<vmem_shared>>) target_semaphore(%run_scoped3A : memref<!tpu.dma_semaphore, #tpu.memory_space<semaphore_mem>>)
        %dma_wait3A_216 = arith.constant 0 : i32
        %dma_wait3A_217 = arith.constant 0 : i32
        %dma_wait3A_218 = tpu.memref_slice %arg5[%dma_wait3A_216, %dma_wait3A_217] : memref<128x128xf32, #tpu.memory_space<vmem>> -> memref<8x128xf32, #tpu.memory_space<vmem>>
        %dma_wait3A_219 = arith.constant 0 : i32
        %dma_wait3A_220 = tpu.memref_slice %arg11[%add3A_205, %dma_wait3A_219] : memref<10112x128xf32, #tpu.memory_space<vmem_shared>> -> memref<8x128xf32, #tpu.memory_space<vmem_shared>>
        %dma_wait3A_221 = arith.constant 0 : i32
        %dma_wait3A_222 = tpu.memref_slice %arg11[%add3A_205, %dma_wait3A_221] : memref<10112x128xf32, #tpu.memory_space<vmem_shared>> -> memref<8x128xf32, #tpu.memory_space<vmem_shared>>
        %dma_wait3A_223 = arith.constant 0 : i32
        %dma_wait3A_224 = arith.constant 0 : i32
        %dma_wait3A_225 = tpu.memref_slice %arg5[%dma_wait3A_223, %dma_wait3A_224] : memref<128x128xf32, #tpu.memory_space<vmem>> -> memref<8x128xf32, #tpu.memory_space<vmem>>
        tpu.wait_dma2 semaphore(%run_scoped3A : memref<!tpu.dma_semaphore, #tpu.memory_space<semaphore_mem>>) src(%dma_wait3A_225 : memref<8x128xf32, #tpu.memory_space<vmem>>) dst(%dma_wait3A_222 : memref<8x128xf32, #tpu.memory_space<vmem_shared>>)
        tpu.yield
      }) : () -> ()
    } else {
    }
    %ne3A = arith.constant 0 : i32
    %ne3A_16 = arith.cmpi ne, %arg0, %ne3A : i32
    %convert_element_type3A_17 = arith.extui %ne3A_16 : i1 to i32
    %cond3A_18 = arith.constant 0 : i32
    %cond3A_19 = arith.cmpi ne, %convert_element_type3A_17, %cond3A_18 : i32
    scf.if %cond3A_19 {
      %scan3A_186 = arith.constant 0 : i32
      %scan3A_187 = arith.constant 128 : i32
      %scan3A_188 = arith.addi %scan3A_186, %scan3A_187 : i32
      %scan3A_189 = arith.constant 1 : i32
      scf.for %scan3A_201 = %scan3A_186 to %scan3A_188 step %scan3A_189  : i32 {
        %mul3A_202 = arith.constant 1 : i32
        %mul3A_203 = arith.muli %scan3A_201, %mul3A_202 : i32
        %add3A_204 = arith.constant 0 : i32
        %add3A_205 = arith.addi %add3A_204, %mul3A_203 : i32
        %broadcast_in_dim3A = arith.constant 0.000000e+00 : f32
        %broadcast_in_dim3A_206 = vector.broadcast %broadcast_in_dim3A : f32 to vector<16xf32>
        %swap3A = arith.index_cast %add3A_205 : i32 to index
        %swap3A_207 = arith.constant 0 : index
        %swap3A_208 = tpu.vector_load %arg5[%swap3A, %swap3A_207] {strides = array<i32>} : memref<128x128xf32, #tpu.memory_space<vmem>>, vector<1x16xf32>,
        %swap3A_209 = vector.shape_cast %swap3A_208 : vector<1x16xf32> to vector<16xf32>
        %swap3A_210 = vector.shape_cast %broadcast_in_dim3A_206 : vector<16xf32> to vector<1x16xf32>
        tpu.vector_store %arg5[%swap3A, %swap3A_207], %swap3A_210 {strides = array<i32>} : memref<128x128xf32, #tpu.memory_space<vmem>>, vector<1x16xf32>,
        %broadcast_in_dim3A_211 = arith.constant 0.000000e+00 : f32
        %broadcast_in_dim3A_212 = vector.broadcast %broadcast_in_dim3A_211 : f32 to vector<16xf32>
        %swap3A_213 = arith.index_cast %add3A_205 : i32 to index
        %swap3A_214 = arith.constant 16 : index
        %swap3A_215 = tpu.vector_load %arg5[%swap3A_213, %swap3A_214] {strides = array<i32>} : memref<128x128xf32, #tpu.memory_space<vmem>>, vector<1x16xf32>,
        %swap3A_216 = vector.shape_cast %swap3A_215 : vector<1x16xf32> to vector<16xf32>
        %swap3A_217 = vector.shape_cast %broadcast_in_dim3A_212 : vector<16xf32> to vector<1x16xf32>
        tpu.vector_store %arg5[%swap3A_213, %swap3A_214], %swap3A_217 {strides = array<i32>} : memref<128x128xf32, #tpu.memory_space<vmem>>, vector<1x16xf32>,
        %broadcast_in_dim3A_218 = arith.constant 0.000000e+00 : f32
        %broadcast_in_dim3A_219 = vector.broadcast %broadcast_in_dim3A_218 : f32 to vector<16xf32>
        %swap3A_220 = arith.index_cast %add3A_205 : i32 to index
        %swap3A_221 = arith.constant 32 : index
        %swap3A_222 = tpu.vector_load %arg5[%swap3A_220, %swap3A_221] {strides = array<i32>} : memref<128x128xf32, #tpu.memory_space<vmem>>, vector<1x16xf32>,
        %swap3A_223 = vector.shape_cast %swap3A_222 : vector<1x16xf32> to vector<16xf32>
        %swap3A_224 = vector.shape_cast %broadcast_in_dim3A_219 : vector<16xf32> to vector<1x16xf32>
        tpu.vector_store %arg5[%swap3A_220, %swap3A_221], %swap3A_224 {strides = array<i32>} : memref<128x128xf32, #tpu.memory_space<vmem>>, vector<1x16xf32>,
        %broadcast_in_dim3A_225 = arith.constant 0.000000e+00 : f32
        %broadcast_in_dim3A_226 = vector.broadcast %broadcast_in_dim3A_225 : f32 to vector<16xf32>
        %swap3A_227 = arith.index_cast %add3A_205 : i32 to index
        %swap3A_228 = arith.constant 48 : index
        %swap3A_229 = tpu.vector_load %arg5[%swap3A_227, %swap3A_228] {strides = array<i32>} : memref<128x128xf32, #tpu.memory_space<vmem>>, vector<1x16xf32>,
        %swap3A_230 = vector.shape_cast %swap3A_229 : vector<1x16xf32> to vector<16xf32>
        %swap3A_231 = vector.shape_cast %broadcast_in_dim3A_226 : vector<16xf32> to vector<1x16xf32>
        tpu.vector_store %arg5[%swap3A_227, %swap3A_228], %swap3A_231 {strides = array<i32>} : memref<128x128xf32, #tpu.memory_space<vmem>>, vector<1x16xf32>,
        %broadcast_in_dim3A_232 = arith.constant 0.000000e+00 : f32
        %broadcast_in_dim3A_233 = vector.broadcast %broadcast_in_dim3A_232 : f32 to vector<16xf32>
        %swap3A_234 = arith.index_cast %add3A_205 : i32 to index
        %swap3A_235 = arith.constant 64 : index
        %swap3A_236 = tpu.vector_load %arg5[%swap3A_234, %swap3A_235] {strides = array<i32>} : memref<128x128xf32, #tpu.memory_space<vmem>>, vector<1x16xf32>,
        %swap3A_237 = vector.shape_cast %swap3A_236 : vector<1x16xf32> to vector<16xf32>
        %swap3A_238 = vector.shape_cast %broadcast_in_dim3A_233 : vector<16xf32> to vector<1x16xf32>
        tpu.vector_store %arg5[%swap3A_234, %swap3A_235], %swap3A_238 {strides = array<i32>} : memref<128x128xf32, #tpu.memory_space<vmem>>, vector<1x16xf32>,
        %broadcast_in_dim3A_239 = arith.constant 0.000000e+00 : f32
        %broadcast_in_dim3A_240 = vector.broadcast %broadcast_in_dim3A_239 : f32 to vector<16xf32>
        %swap3A_241 = arith.index_cast %add3A_205 : i32 to index
        %swap3A_242 = arith.constant 80 : index
        %swap3A_243 = tpu.vector_load %arg5[%swap3A_241, %swap3A_242] {strides = array<i32>} : memref<128x128xf32, #tpu.memory_space<vmem>>, vector<1x16xf32>,
        %swap3A_244 = vector.shape_cast %swap3A_243 : vector<1x16xf32> to vector<16xf32>
        %swap3A_245 = vector.shape_cast %broadcast_in_dim3A_240 : vector<16xf32> to vector<1x16xf32>
        tpu.vector_store %arg5[%swap3A_241, %swap3A_242], %swap3A_245 {strides = array<i32>} : memref<128x128xf32, #tpu.memory_space<vmem>>, vector<1x16xf32>,
        %broadcast_in_dim3A_246 = arith.constant 0.000000e+00 : f32
        %broadcast_in_dim3A_247 = vector.broadcast %broadcast_in_dim3A_246 : f32 to vector<16xf32>
        %swap3A_248 = arith.index_cast %add3A_205 : i32 to index
        %swap3A_249 = arith.constant 96 : index
        %swap3A_250 = tpu.vector_load %arg5[%swap3A_248, %swap3A_249] {strides = array<i32>} : memref<128x128xf32, #tpu.memory_space<vmem>>, vector<1x16xf32>,
        %swap3A_251 = vector.shape_cast %swap3A_250 : vector<1x16xf32> to vector<16xf32>
        %swap3A_252 = vector.shape_cast %broadcast_in_dim3A_247 : vector<16xf32> to vector<1x16xf32>
        tpu.vector_store %arg5[%swap3A_248, %swap3A_249], %swap3A_252 {strides = array<i32>} : memref<128x128xf32, #tpu.memory_space<vmem>>, vector<1x16xf32>,
        %broadcast_in_dim3A_253 = arith.constant 0.000000e+00 : f32
        %broadcast_in_dim3A_254 = vector.broadcast %broadcast_in_dim3A_253 : f32 to vector<16xf32>
        %swap3A_255 = arith.index_cast %add3A_205 : i32 to index
        %swap3A_256 = arith.constant 112 : index
        %swap3A_257 = tpu.vector_load %arg5[%swap3A_255, %swap3A_256] {strides = array<i32>} : memref<128x128xf32, #tpu.memory_space<vmem>>, vector<1x16xf32>,
        %swap3A_258 = vector.shape_cast %swap3A_257 : vector<1x16xf32> to vector<16xf32>
        %swap3A_259 = vector.shape_cast %broadcast_in_dim3A_254 : vector<16xf32> to vector<1x16xf32>
        tpu.vector_store %arg5[%swap3A_255, %swap3A_256], %swap3A_259 {strides = array<i32>} : memref<128x128xf32, #tpu.memory_space<vmem>>, vector<1x16xf32>,
      }
      %scan3A_190 = arith.constant 128 : i32
      %add3A_191 = arith.constant 0 : i32
      %add3A_192 = arith.addi %mul3A_4, %add3A_191 : i32
      "tpu.region"() ({
        %run_scoped3A = tpu.sem_alloc : memref<!tpu.dma_semaphore, #tpu.memory_space<semaphore_mem>>
        %dma_start3A_201 = arith.constant 0 : i32
        %dma_start3A_202 = tpu.memref_slice %arg11[%add3A_192, %dma_start3A_201] : memref<10112x128xf32, #tpu.memory_space<vmem_shared>> -> memref<128x128xf32, #tpu.memory_space<vmem_shared>>
        %dma_start3A_203 = arith.constant 0 : i32
        %dma_start3A_204 = tpu.memref_slice %arg11[%add3A_192, %dma_start3A_203] : memref<10112x128xf32, #tpu.memory_space<vmem_shared>> -> memref<128x128xf32, #tpu.memory_space<vmem_shared>>
        tpu.enqueue_dma source(%arg5 : memref<128x128xf32, #tpu.memory_space<vmem>>) target(%dma_start3A_204 : memref<128x128xf32, #tpu.memory_space<vmem_shared>>) target_semaphore(%run_scoped3A : memref<!tpu.dma_semaphore, #tpu.memory_space<semaphore_mem>>)
        %dma_wait3A_205 = arith.constant 0 : i32
        %dma_wait3A_206 = tpu.memref_slice %arg11[%add3A_192, %dma_wait3A_205] : memref<10112x128xf32, #tpu.memory_space<vmem_shared>> -> memref<128x128xf32, #tpu.memory_space<vmem_shared>>
        %dma_wait3A_207 = arith.constant 0 : i32
        %dma_wait3A_208 = tpu.memref_slice %arg11[%add3A_192, %dma_wait3A_207] : memref<10112x128xf32, #tpu.memory_space<vmem_shared>> -> memref<128x128xf32, #tpu.memory_space<vmem_shared>>
        tpu.wait_dma2 semaphore(%run_scoped3A : memref<!tpu.dma_semaphore, #tpu.memory_space<semaphore_mem>>) src(%arg5 : memref<128x128xf32, #tpu.memory_space<vmem>>) dst(%dma_wait3A_208 : memref<128x128xf32, #tpu.memory_space<vmem_shared>>)
        tpu.yield
      }) : () -> ()
      %add3A_193 = arith.constant 128 : i32
      %add3A_194 = arith.addi %mul3A_4, %add3A_193 : i32
      "tpu.region"() ({
        %run_scoped3A = tpu.sem_alloc : memref<!tpu.dma_semaphore, #tpu.memory_space<semaphore_mem>>
        %dma_start3A_201 = arith.constant 0 : i32
        %dma_start3A_202 = tpu.memref_slice %arg11[%add3A_194, %dma_start3A_201] : memref<10112x128xf32, #tpu.memory_space<vmem_shared>> -> memref<128x128xf32, #tpu.memory_space<vmem_shared>>
        %dma_start3A_203 = arith.constant 0 : i32
        %dma_start3A_204 = tpu.memref_slice %arg11[%add3A_194, %dma_start3A_203] : memref<10112x128xf32, #tpu.memory_space<vmem_shared>> -> memref<128x128xf32, #tpu.memory_space<vmem_shared>>
        tpu.enqueue_dma source(%arg5 : memref<128x128xf32, #tpu.memory_space<vmem>>) target(%dma_start3A_204 : memref<128x128xf32, #tpu.memory_space<vmem_shared>>) target_semaphore(%run_scoped3A : memref<!tpu.dma_semaphore, #tpu.memory_space<semaphore_mem>>)
        %dma_wait3A_205 = arith.constant 0 : i32
        %dma_wait3A_206 = tpu.memref_slice %arg11[%add3A_194, %dma_wait3A_205] : memref<10112x128xf32, #tpu.memory_space<vmem_shared>> -> memref<128x128xf32, #tpu.memory_space<vmem_shared>>
        %dma_wait3A_207 = arith.constant 0 : i32
        %dma_wait3A_208 = tpu.memref_slice %arg11[%add3A_194, %dma_wait3A_207] : memref<10112x128xf32, #tpu.memory_space<vmem_shared>> -> memref<128x128xf32, #tpu.memory_space<vmem_shared>>
        tpu.wait_dma2 semaphore(%run_scoped3A : memref<!tpu.dma_semaphore, #tpu.memory_space<semaphore_mem>>) src(%arg5 : memref<128x128xf32, #tpu.memory_space<vmem>>) dst(%dma_wait3A_208 : memref<128x128xf32, #tpu.memory_space<vmem_shared>>)
        tpu.yield
      }) : () -> ()
      %add3A_195 = arith.constant 256 : i32
      %add3A_196 = arith.addi %mul3A_4, %add3A_195 : i32
      "tpu.region"() ({
        %run_scoped3A = tpu.sem_alloc : memref<!tpu.dma_semaphore, #tpu.memory_space<semaphore_mem>>
        %dma_start3A_201 = arith.constant 0 : i32
        %dma_start3A_202 = tpu.memref_slice %arg11[%add3A_196, %dma_start3A_201] : memref<10112x128xf32, #tpu.memory_space<vmem_shared>> -> memref<128x128xf32, #tpu.memory_space<vmem_shared>>
        %dma_start3A_203 = arith.constant 0 : i32
        %dma_start3A_204 = tpu.memref_slice %arg11[%add3A_196, %dma_start3A_203] : memref<10112x128xf32, #tpu.memory_space<vmem_shared>> -> memref<128x128xf32, #tpu.memory_space<vmem_shared>>
        tpu.enqueue_dma source(%arg5 : memref<128x128xf32, #tpu.memory_space<vmem>>) target(%dma_start3A_204 : memref<128x128xf32, #tpu.memory_space<vmem_shared>>) target_semaphore(%run_scoped3A : memref<!tpu.dma_semaphore, #tpu.memory_space<semaphore_mem>>)
        %dma_wait3A_205 = arith.constant 0 : i32
        %dma_wait3A_206 = tpu.memref_slice %arg11[%add3A_196, %dma_wait3A_205] : memref<10112x128xf32, #tpu.memory_space<vmem_shared>> -> memref<128x128xf32, #tpu.memory_space<vmem_shared>>
        %dma_wait3A_207 = arith.constant 0 : i32
        %dma_wait3A_208 = tpu.memref_slice %arg11[%add3A_196, %dma_wait3A_207] : memref<10112x128xf32, #tpu.memory_space<vmem_shared>> -> memref<128x128xf32, #tpu.memory_space<vmem_shared>>
        tpu.wait_dma2 semaphore(%run_scoped3A : memref<!tpu.dma_semaphore, #tpu.memory_space<semaphore_mem>>) src(%arg5 : memref<128x128xf32, #tpu.memory_space<vmem>>) dst(%dma_wait3A_208 : memref<128x128xf32, #tpu.memory_space<vmem_shared>>)
        tpu.yield
      }) : () -> ()
      %add3A_197 = arith.constant 384 : i32
      %add3A_198 = arith.addi %mul3A_4, %add3A_197 : i32
      "tpu.region"() ({
        %run_scoped3A = tpu.sem_alloc : memref<!tpu.dma_semaphore, #tpu.memory_space<semaphore_mem>>
        %dma_start3A_201 = arith.constant 0 : i32
        %dma_start3A_202 = tpu.memref_slice %arg11[%add3A_198, %dma_start3A_201] : memref<10112x128xf32, #tpu.memory_space<vmem_shared>> -> memref<128x128xf32, #tpu.memory_space<vmem_shared>>
        %dma_start3A_203 = arith.constant 0 : i32
        %dma_start3A_204 = tpu.memref_slice %arg11[%add3A_198, %dma_start3A_203] : memref<10112x128xf32, #tpu.memory_space<vmem_shared>> -> memref<128x128xf32, #tpu.memory_space<vmem_shared>>
        tpu.enqueue_dma source(%arg5 : memref<128x128xf32, #tpu.memory_space<vmem>>) target(%dma_start3A_204 : memref<128x128xf32, #tpu.memory_space<vmem_shared>>) target_semaphore(%run_scoped3A : memref<!tpu.dma_semaphore, #tpu.memory_space<semaphore_mem>>)
        %dma_wait3A_205 = arith.constant 0 : i32
        %dma_wait3A_206 = tpu.memref_slice %arg11[%add3A_198, %dma_wait3A_205] : memref<10112x128xf32, #tpu.memory_space<vmem_shared>> -> memref<128x128xf32, #tpu.memory_space<vmem_shared>>
        %dma_wait3A_207 = arith.constant 0 : i32
        %dma_wait3A_208 = tpu.memref_slice %arg11[%add3A_198, %dma_wait3A_207] : memref<10112x128xf32, #tpu.memory_space<vmem_shared>> -> memref<128x128xf32, #tpu.memory_space<vmem_shared>>
        tpu.wait_dma2 semaphore(%run_scoped3A : memref<!tpu.dma_semaphore, #tpu.memory_space<semaphore_mem>>) src(%arg5 : memref<128x128xf32, #tpu.memory_space<vmem>>) dst(%dma_wait3A_208 : memref<128x128xf32, #tpu.memory_space<vmem_shared>>)
        tpu.yield
      }) : () -> ()
      %add3A_199 = arith.constant 512 : i32
      %add3A_200 = arith.addi %mul3A_4, %add3A_199 : i32
      "tpu.region"() ({
        %run_scoped3A = tpu.sem_alloc : memref<!tpu.dma_semaphore, #tpu.memory_space<semaphore_mem>>
        %dma_start3A_201 = arith.constant 0 : i32
        %dma_start3A_202 = arith.constant 0 : i32
        %dma_start3A_203 = tpu.memref_slice %arg5[%dma_start3A_201, %dma_start3A_202] : memref<128x128xf32, #tpu.memory_space<vmem>> -> memref<120x128xf32, #tpu.memory_space<vmem>>
        %dma_start3A_204 = arith.constant 0 : i32
        %dma_start3A_205 = tpu.memref_slice %arg11[%add3A_200, %dma_start3A_204] : memref<10112x128xf32, #tpu.memory_space<vmem_shared>> -> memref<120x128xf32, #tpu.memory_space<vmem_shared>>
        %dma_start3A_206 = arith.constant 0 : i32
        %dma_start3A_207 = tpu.memref_slice %arg11[%add3A_200, %dma_start3A_206] : memref<10112x128xf32, #tpu.memory_space<vmem_shared>> -> memref<120x128xf32, #tpu.memory_space<vmem_shared>>
        %dma_start3A_208 = arith.constant 0 : i32
        %dma_start3A_209 = arith.constant 0 : i32
        %dma_start3A_210 = tpu.memref_slice %arg5[%dma_start3A_208, %dma_start3A_209] : memref<128x128xf32, #tpu.memory_space<vmem>> -> memref<120x128xf32, #tpu.memory_space<vmem>>
        tpu.enqueue_dma source(%dma_start3A_210 : memref<120x128xf32, #tpu.memory_space<vmem>>) target(%dma_start3A_207 : memref<120x128xf32, #tpu.memory_space<vmem_shared>>) target_semaphore(%run_scoped3A : memref<!tpu.dma_semaphore, #tpu.memory_space<semaphore_mem>>)
        %dma_wait3A_211 = arith.constant 0 : i32
        %dma_wait3A_212 = arith.constant 0 : i32
        %dma_wait3A_213 = tpu.memref_slice %arg5[%dma_wait3A_211, %dma_wait3A_212] : memref<128x128xf32, #tpu.memory_space<vmem>> -> memref<120x128xf32, #tpu.memory_space<vmem>>
        %dma_wait3A_214 = arith.constant 0 : i32
        %dma_wait3A_215 = tpu.memref_slice %arg11[%add3A_200, %dma_wait3A_214] : memref<10112x128xf32, #tpu.memory_space<vmem_shared>> -> memref<120x128xf32, #tpu.memory_space<vmem_shared>>
        %dma_wait3A_216 = arith.constant 0 : i32
        %dma_wait3A_217 = tpu.memref_slice %arg11[%add3A_200, %dma_wait3A_216] : memref<10112x128xf32, #tpu.memory_space<vmem_shared>> -> memref<120x128xf32, #tpu.memory_space<vmem_shared>>
        %dma_wait3A_218 = arith.constant 0 : i32
        %dma_wait3A_219 = arith.constant 0 : i32
        %dma_wait3A_220 = tpu.memref_slice %arg5[%dma_wait3A_218, %dma_wait3A_219] : memref<128x128xf32, #tpu.memory_space<vmem>> -> memref<120x128xf32, #tpu.memory_space<vmem>>
        tpu.wait_dma2 semaphore(%run_scoped3A : memref<!tpu.dma_semaphore, #tpu.memory_space<semaphore_mem>>) src(%dma_wait3A_220 : memref<120x128xf32, #tpu.memory_space<vmem>>) dst(%dma_wait3A_217 : memref<120x128xf32, #tpu.memory_space<vmem_shared>>)
        tpu.yield
      }) : () -> ()
    } else {
    }
    %barrier3A = arith.constant 0 : index
    tpu.barrier barrier_id(%barrier3A)
    %add3A_20 = arith.constant 0 : i32
    %add3A_21 = arith.addi %mul3A_2, %add3A_20 : i32
    %dma_start3A = arith.constant 0 : i32
    %dma_start3A_22 = tpu.memref_slice %arg2[%dma_start3A, %add3A_21] : memref<2x327680xi32, #tpu.memory_space<hbm>> -> memref<2x128xi32, #tpu.memory_space<hbm>>
    %dma_start3A_23 = arith.constant 0 : i32
    %dma_start3A_24 = tpu.memref_slice %arg2[%dma_start3A_23, %add3A_21] : memref<2x327680xi32, #tpu.memory_space<hbm>> -> memref<2x128xi32, #tpu.memory_space<hbm>>
    tpu.enqueue_dma source(%dma_start3A_24 : memref<2x128xi32, #tpu.memory_space<hbm>>) target(%arg7 : memref<2x128xi32, #tpu.memory_space<vmem>>) target_semaphore(%arg12 : memref<!tpu.dma_semaphore, #tpu.memory_space<semaphore_mem>>)
    %add3A_25 = arith.constant 128 : i32
    %add3A_26 = arith.addi %mul3A_2, %add3A_25 : i32
    %dma_start3A_27 = arith.constant 0 : i32
    %dma_start3A_28 = tpu.memref_slice %arg2[%dma_start3A_27, %add3A_26] : memref<2x327680xi32, #tpu.memory_space<hbm>> -> memref<2x128xi32, #tpu.memory_space<hbm>>
    %dma_start3A_29 = arith.constant 0 : i32
    %dma_start3A_30 = tpu.memref_slice %arg2[%dma_start3A_29, %add3A_26] : memref<2x327680xi32, #tpu.memory_space<hbm>> -> memref<2x128xi32, #tpu.memory_space<hbm>>
    tpu.enqueue_dma source(%dma_start3A_30 : memref<2x128xi32, #tpu.memory_space<hbm>>) target(%arg8 : memref<2x128xi32, #tpu.memory_space<vmem>>) target_semaphore(%arg13 : memref<!tpu.dma_semaphore, #tpu.memory_space<semaphore_mem>>)
    %add3A_31 = arith.constant 256 : i32
    %add3A_32 = arith.addi %mul3A_2, %add3A_31 : i32
    %dma_start3A_33 = arith.constant 0 : i32
    %dma_start3A_34 = tpu.memref_slice %arg2[%dma_start3A_33, %add3A_32] : memref<2x327680xi32, #tpu.memory_space<hbm>> -> memref<2x128xi32, #tpu.memory_space<hbm>>
    %dma_start3A_35 = arith.constant 0 : i32
    %dma_start3A_36 = tpu.memref_slice %arg2[%dma_start3A_35, %add3A_32] : memref<2x327680xi32, #tpu.memory_space<hbm>> -> memref<2x128xi32, #tpu.memory_space<hbm>>
    tpu.enqueue_dma source(%dma_start3A_36 : memref<2x128xi32, #tpu.memory_space<hbm>>) target(%arg9 : memref<2x128xi32, #tpu.memory_space<vmem>>) target_semaphore(%arg14 : memref<!tpu.dma_semaphore, #tpu.memory_space<semaphore_mem>>)
    %add3A_37 = arith.constant 384 : i32
    %add3A_38 = arith.addi %mul3A_2, %add3A_37 : i32
    %dma_start3A_39 = arith.constant 0 : i32
    %dma_start3A_40 = tpu.memref_slice %arg2[%dma_start3A_39, %add3A_38] : memref<2x327680xi32, #tpu.memory_space<hbm>> -> memref<2x128xi32, #tpu.memory_space<hbm>>
    %dma_start3A_41 = arith.constant 0 : i32
    %dma_start3A_42 = tpu.memref_slice %arg2[%dma_start3A_41, %add3A_38] : memref<2x327680xi32, #tpu.memory_space<hbm>> -> memref<2x128xi32, #tpu.memory_space<hbm>>
    tpu.enqueue_dma source(%dma_start3A_42 : memref<2x128xi32, #tpu.memory_space<hbm>>) target(%arg10 : memref<2x128xi32, #tpu.memory_space<vmem>>) target_semaphore(%arg15 : memref<!tpu.dma_semaphore, #tpu.memory_space<semaphore_mem>>)
    %dma_wait3A = arith.constant 0 : i32
    %dma_wait3A_43 = arith.constant 0 : i32
    %dma_wait3A_44 = tpu.memref_slice %arg2[%dma_wait3A, %dma_wait3A_43] : memref<2x327680xi32, #tpu.memory_space<hbm>> -> memref<2x128xi32, #tpu.memory_space<hbm>>
    %dma_wait3A_45 = arith.constant 0 : i32
    %dma_wait3A_46 = arith.constant 0 : i32
    %dma_wait3A_47 = tpu.memref_slice %arg2[%dma_wait3A_45, %dma_wait3A_46] : memref<2x327680xi32, #tpu.memory_space<hbm>> -> memref<2x128xi32, #tpu.memory_space<hbm>>
    tpu.wait_dma2 semaphore(%arg12 : memref<!tpu.dma_semaphore, #tpu.memory_space<semaphore_mem>>) src(%dma_wait3A_47 : memref<2x128xi32, #tpu.memory_space<hbm>>) dst(%arg7 : memref<2x128xi32, #tpu.memory_space<vmem>>)
    %dma_start3A_48 = arith.constant 0 : i32
    %dma_start3A_49 = arith.constant 0 : i32
    %dma_start3A_50 = tpu.memref_slice %arg7[%dma_start3A_48, %dma_start3A_49] : memref<2x128xi32, #tpu.memory_space<vmem>> -> memref<1x128xi32, #tpu.memory_space<vmem>>
    %dma_start3A_51 = tpu.memref_squeeze %dma_start3A_50 : memref<1x128xi32, #tpu.memory_space<vmem>> -> memref<128xi32, #tpu.memory_space<vmem>>
    %dma_start3A_52 = arith.constant 0 : i32
    %dma_start3A_53 = arith.constant 0 : i32
    %dma_start3A_54 = tpu.memref_slice %arg3[%dma_start3A_52, %dma_start3A_53] : memref<10000x128xf32, #tpu.memory_space<hbm>> -> memref<10000x128xf32, #tpu.memory_space<hbm>>
    tpu.enqueue_indirect_dma source(%dma_start3A_54 : memref<10000x128xf32, #tpu.memory_space<hbm>>) target(%arg5 : memref<128x128xf32, #tpu.memory_space<vmem>>) offsets(%dma_start3A_51 : memref<128xi32, #tpu.memory_space<vmem>>) semaphore(%arg16 : memref<!tpu.dma_semaphore, #tpu.memory_space<semaphore_mem>>)
    %dma_wait3A_55 = arith.constant 0 : i32
    %dma_wait3A_56 = arith.constant 0 : i32
    %dma_wait3A_57 = tpu.memref_slice %arg2[%dma_wait3A_55, %dma_wait3A_56] : memref<2x327680xi32, #tpu.memory_space<hbm>> -> memref<2x128xi32, #tpu.memory_space<hbm>>
    %dma_wait3A_58 = arith.constant 0 : i32
    %dma_wait3A_59 = arith.constant 0 : i32
    %dma_wait3A_60 = tpu.memref_slice %arg2[%dma_wait3A_58, %dma_wait3A_59] : memref<2x327680xi32, #tpu.memory_space<hbm>> -> memref<2x128xi32, #tpu.memory_space<hbm>>
    tpu.wait_dma2 semaphore(%arg13 : memref<!tpu.dma_semaphore, #tpu.memory_space<semaphore_mem>>) src(%dma_wait3A_60 : memref<2x128xi32, #tpu.memory_space<hbm>>) dst(%arg8 : memref<2x128xi32, #tpu.memory_space<vmem>>)
    %dma_start3A_61 = arith.constant 0 : i32
    %dma_start3A_62 = arith.constant 0 : i32
    %dma_start3A_63 = tpu.memref_slice %arg8[%dma_start3A_61, %dma_start3A_62] : memref<2x128xi32, #tpu.memory_space<vmem>> -> memref<1x128xi32, #tpu.memory_space<vmem>>
    %dma_start3A_64 = tpu.memref_squeeze %dma_start3A_63 : memref<1x128xi32, #tpu.memory_space<vmem>> -> memref<128xi32, #tpu.memory_space<vmem>>
    %dma_start3A_65 = arith.constant 0 : i32
    %dma_start3A_66 = arith.constant 0 : i32
    %dma_start3A_67 = tpu.memref_slice %arg3[%dma_start3A_65, %dma_start3A_66] : memref<10000x128xf32, #tpu.memory_space<hbm>> -> memref<10000x128xf32, #tpu.memory_space<hbm>>
    tpu.enqueue_indirect_dma source(%dma_start3A_67 : memref<10000x128xf32, #tpu.memory_space<hbm>>) target(%arg6 : memref<128x128xf32, #tpu.memory_space<vmem>>) offsets(%dma_start3A_64 : memref<128xi32, #tpu.memory_space<vmem>>) semaphore(%arg17 : memref<!tpu.dma_semaphore, #tpu.memory_space<semaphore_mem>>)
    %scan3A = arith.constant 0 : i32
    %scan3A_68 = arith.constant 19 : i32
    %scan3A_69 = arith.addi %scan3A, %scan3A_68 : i32
    %scan3A_70 = arith.constant 1 : i32
    scf.for %scan3A_186 = %scan3A to %scan3A_69 step %scan3A_70  : i32 {
      %mul3A_187 = arith.constant 1 : i32
      %mul3A_188 = arith.muli %scan3A_186, %mul3A_187 : i32
      %add3A_189 = arith.constant 0 : i32
      %add3A_190 = arith.addi %add3A_189, %mul3A_188 : i32
      %mul3A_191 = arith.constant 4 : i32
      %mul3A_192 = arith.muli %add3A_190, %mul3A_191 : i32
      %add3A_193 = arith.constant 0 : i32
      %add3A_194 = arith.addi %mul3A_192, %add3A_193 : i32
      %dma_wait3A_195 = arith.constant 0 : i32
      %dma_wait3A_196 = arith.constant 0 : i32
      %dma_wait3A_197 = tpu.memref_slice %arg7[%dma_wait3A_195, %dma_wait3A_196] : memref<2x128xi32, #tpu.memory_space<vmem>> -> memref<1x128xi32, #tpu.memory_space<vmem>>
      %dma_wait3A_198 = tpu.memref_squeeze %dma_wait3A_197 : memref<1x128xi32, #tpu.memory_space<vmem>> -> memref<128xi32, #tpu.memory_space<vmem>>
      %dma_wait3A_199 = arith.constant 0 : i32
      %dma_wait3A_200 = arith.constant 0 : i32
      %dma_wait3A_201 = tpu.memref_slice %arg3[%dma_wait3A_199, %dma_wait3A_200] : memref<10000x128xf32, #tpu.memory_space<hbm>> -> memref<10000x128xf32, #tpu.memory_space<hbm>>
      tpu.wait_indirect_dma semaphore(%arg16 : memref<!tpu.dma_semaphore, #tpu.memory_space<semaphore_mem>>) src(%dma_wait3A_201 : memref<10000x128xf32, #tpu.memory_space<hbm>>) dst(%arg5 : memref<128x128xf32, #tpu.memory_space<vmem>>)
      %dma_start3A_202 = arith.constant 1 : i32
      %dma_start3A_203 = arith.constant 0 : i32
      %dma_start3A_204 = tpu.memref_slice %arg7[%dma_start3A_202, %dma_start3A_203] : memref<2x128xi32, #tpu.memory_space<vmem>> -> memref<1x128xi32, #tpu.memory_space<vmem>>
      %dma_start3A_205 = tpu.memref_squeeze %dma_start3A_204 : memref<1x128xi32, #tpu.memory_space<vmem>> -> memref<128xi32, #tpu.memory_space<vmem>>
      %dma_start3A_206 = arith.constant 0 : i32
      %dma_start3A_207 = arith.constant 0 : i32
      %dma_start3A_208 = tpu.memref_slice %arg11[%dma_start3A_206, %dma_start3A_207] : memref<10112x128xf32, #tpu.memory_space<vmem_shared>> -> memref<10112x128xf32, #tpu.memory_space<vmem_shared>>
      tpu.enqueue_indirect_dma source(%arg5 : memref<128x128xf32, #tpu.memory_space<vmem>>) target(%dma_start3A_208 : memref<10112x128xf32, #tpu.memory_space<vmem_shared>>) offsets(%dma_start3A_205 : memref<128xi32, #tpu.memory_space<vmem>>) semaphore(%arg18 : memref<!tpu.dma_semaphore, #tpu.memory_space<semaphore_mem>>) {add = true}
      %dma_wait3A_209 = arith.constant 1 : i32
      %dma_wait3A_210 = arith.constant 0 : i32
      %dma_wait3A_211 = tpu.memref_slice %arg7[%dma_wait3A_209, %dma_wait3A_210] : memref<2x128xi32, #tpu.memory_space<vmem>> -> memref<1x128xi32, #tpu.memory_space<vmem>>
      %dma_wait3A_212 = tpu.memref_squeeze %dma_wait3A_211 : memref<1x128xi32, #tpu.memory_space<vmem>> -> memref<128xi32, #tpu.memory_space<vmem>>
      %dma_wait3A_213 = arith.constant 0 : i32
      %dma_wait3A_214 = arith.constant 0 : i32
      %dma_wait3A_215 = tpu.memref_slice %arg11[%dma_wait3A_213, %dma_wait3A_214] : memref<10112x128xf32, #tpu.memory_space<vmem_shared>> -> memref<10112x128xf32, #tpu.memory_space<vmem_shared>>
      tpu.wait_indirect_dma semaphore(%arg18 : memref<!tpu.dma_semaphore, #tpu.memory_space<semaphore_mem>>) src(%arg5 : memref<128x128xf32, #tpu.memory_space<vmem>>) dst(%dma_wait3A_215 : memref<10112x128xf32, #tpu.memory_space<vmem_shared>>)
      %add3A_216 = arith.constant 4 : i32
      %add3A_217 = arith.addi %add3A_194, %add3A_216 : i32
      %mul3A_218 = arith.constant 128 : i32
      %mul3A_219 = arith.muli %add3A_217, %mul3A_218 : i32
      %add3A_220 = arith.addi %mul3A_2, %mul3A_219 : i32
      %dma_start3A_221 = arith.constant 0 : i32
      %dma_start3A_222 = tpu.memref_slice %arg2[%dma_start3A_221, %add3A_220] : memref<2x327680xi32, #tpu.memory_space<hbm>> -> memref<2x128xi32, #tpu.memory_space<hbm>>
      %dma_start3A_223 = arith.constant 0 : i32
      %dma_start3A_224 = tpu.memref_slice %arg2[%dma_start3A_223, %add3A_220] : memref<2x327680xi32, #tpu.memory_space<hbm>> -> memref<2x128xi32, #tpu.memory_space<hbm>>
      tpu.enqueue_dma source(%dma_start3A_224 : memref<2x128xi32, #tpu.memory_space<hbm>>) target(%arg7 : memref<2x128xi32, #tpu.memory_space<vmem>>) target_semaphore(%arg12 : memref<!tpu.dma_semaphore, #tpu.memory_space<semaphore_mem>>)
      %dma_wait3A_225 = arith.constant 0 : i32
      %dma_wait3A_226 = arith.constant 0 : i32
      %dma_wait3A_227 = tpu.memref_slice %arg2[%dma_wait3A_225, %dma_wait3A_226] : memref<2x327680xi32, #tpu.memory_space<hbm>> -> memref<2x128xi32, #tpu.memory_space<hbm>>
      %dma_wait3A_228 = arith.constant 0 : i32
      %dma_wait3A_229 = arith.constant 0 : i32
      %dma_wait3A_230 = tpu.memref_slice %arg2[%dma_wait3A_228, %dma_wait3A_229] : memref<2x327680xi32, #tpu.memory_space<hbm>> -> memref<2x128xi32, #tpu.memory_space<hbm>>
      tpu.wait_dma2 semaphore(%arg14 : memref<!tpu.dma_semaphore, #tpu.memory_space<semaphore_mem>>) src(%dma_wait3A_230 : memref<2x128xi32, #tpu.memory_space<hbm>>) dst(%arg9 : memref<2x128xi32, #tpu.memory_space<vmem>>)
      %dma_start3A_231 = arith.constant 0 : i32
      %dma_start3A_232 = arith.constant 0 : i32
      %dma_start3A_233 = tpu.memref_slice %arg9[%dma_start3A_231, %dma_start3A_232] : memref<2x128xi32, #tpu.memory_space<vmem>> -> memref<1x128xi32, #tpu.memory_space<vmem>>
      %dma_start3A_234 = tpu.memref_squeeze %dma_start3A_233 : memref<1x128xi32, #tpu.memory_space<vmem>> -> memref<128xi32, #tpu.memory_space<vmem>>
      %dma_start3A_235 = arith.constant 0 : i32
      %dma_start3A_236 = arith.constant 0 : i32
      %dma_start3A_237 = tpu.memref_slice %arg3[%dma_start3A_235, %dma_start3A_236] : memref<10000x128xf32, #tpu.memory_space<hbm>> -> memref<10000x128xf32, #tpu.memory_space<hbm>>
      tpu.enqueue_indirect_dma source(%dma_start3A_237 : memref<10000x128xf32, #tpu.memory_space<hbm>>) target(%arg5 : memref<128x128xf32, #tpu.memory_space<vmem>>) offsets(%dma_start3A_234 : memref<128xi32, #tpu.memory_space<vmem>>) semaphore(%arg16 : memref<!tpu.dma_semaphore, #tpu.memory_space<semaphore_mem>>)
      %mul3A_238 = arith.constant 4 : i32
      %mul3A_239 = arith.muli %add3A_190, %mul3A_238 : i32
      %add3A_240 = arith.constant 1 : i32
      %add3A_241 = arith.addi %mul3A_239, %add3A_240 : i32
      %dma_wait3A_242 = arith.constant 0 : i32
      %dma_wait3A_243 = arith.constant 0 : i32
      %dma_wait3A_244 = tpu.memref_slice %arg8[%dma_wait3A_242, %dma_wait3A_243] : memref<2x128xi32, #tpu.memory_space<vmem>> -> memref<1x128xi32, #tpu.memory_space<vmem>>
      %dma_wait3A_245 = tpu.memref_squeeze %dma_wait3A_244 : memref<1x128xi32, #tpu.memory_space<vmem>> -> memref<128xi32, #tpu.memory_space<vmem>>
      %dma_wait3A_246 = arith.constant 0 : i32
      %dma_wait3A_247 = arith.constant 0 : i32
      %dma_wait3A_248 = tpu.memref_slice %arg3[%dma_wait3A_246, %dma_wait3A_247] : memref<10000x128xf32, #tpu.memory_space<hbm>> -> memref<10000x128xf32, #tpu.memory_space<hbm>>
      tpu.wait_indirect_dma semaphore(%arg17 : memref<!tpu.dma_semaphore, #tpu.memory_space<semaphore_mem>>) src(%dma_wait3A_248 : memref<10000x128xf32, #tpu.memory_space<hbm>>) dst(%arg6 : memref<128x128xf32, #tpu.memory_space<vmem>>)
      %dma_start3A_249 = arith.constant 1 : i32
      %dma_start3A_250 = arith.constant 0 : i32
      %dma_start3A_251 = tpu.memref_slice %arg8[%dma_start3A_249, %dma_start3A_250] : memref<2x128xi32, #tpu.memory_space<vmem>> -> memref<1x128xi32, #tpu.memory_space<vmem>>
      %dma_start3A_252 = tpu.memref_squeeze %dma_start3A_251 : memref<1x128xi32, #tpu.memory_space<vmem>> -> memref<128xi32, #tpu.memory_space<vmem>>
      %dma_start3A_253 = arith.constant 0 : i32
      %dma_start3A_254 = arith.constant 0 : i32
      %dma_start3A_255 = tpu.memref_slice %arg11[%dma_start3A_253, %dma_start3A_254] : memref<10112x128xf32, #tpu.memory_space<vmem_shared>> -> memref<10112x128xf32, #tpu.memory_space<vmem_shared>>
      tpu.enqueue_indirect_dma source(%arg6 : memref<128x128xf32, #tpu.memory_space<vmem>>) target(%dma_start3A_255 : memref<10112x128xf32, #tpu.memory_space<vmem_shared>>) offsets(%dma_start3A_252 : memref<128xi32, #tpu.memory_space<vmem>>) semaphore(%arg19 : memref<!tpu.dma_semaphore, #tpu.memory_space<semaphore_mem>>) {add = true}
      %dma_wait3A_256 = arith.constant 1 : i32
      %dma_wait3A_257 = arith.constant 0 : i32
      %dma_wait3A_258 = tpu.memref_slice %arg8[%dma_wait3A_256, %dma_wait3A_257] : memref<2x128xi32, #tpu.memory_space<vmem>> -> memref<1x128xi32, #tpu.memory_space<vmem>>
      %dma_wait3A_259 = tpu.memref_squeeze %dma_wait3A_258 : memref<1x128xi32, #tpu.memory_space<vmem>> -> memref<128xi32, #tpu.memory_space<vmem>>
      %dma_wait3A_260 = arith.constant 0 : i32
      %dma_wait3A_261 = arith.constant 0 : i32
      %dma_wait3A_262 = tpu.memref_slice %arg11[%dma_wait3A_260, %dma_wait3A_261] : memref<10112x128xf32, #tpu.memory_space<vmem_shared>> -> memref<10112x128xf32, #tpu.memory_space<vmem_shared>>
      tpu.wait_indirect_dma semaphore(%arg19 : memref<!tpu.dma_semaphore, #tpu.memory_space<semaphore_mem>>) src(%arg6 : memref<128x128xf32, #tpu.memory_space<vmem>>) dst(%dma_wait3A_262 : memref<10112x128xf32, #tpu.memory_space<vmem_shared>>)
      %add3A_263 = arith.constant 4 : i32
      %add3A_264 = arith.addi %add3A_241, %add3A_263 : i32
      %mul3A_265 = arith.constant 128 : i32
      %mul3A_266 = arith.muli %add3A_264, %mul3A_265 : i32
      %add3A_267 = arith.addi %mul3A_2, %mul3A_266 : i32
      %dma_start3A_268 = arith.constant 0 : i32
      %dma_start3A_269 = tpu.memref_slice %arg2[%dma_start3A_268, %add3A_267] : memref<2x327680xi32, #tpu.memory_space<hbm>> -> memref<2x128xi32, #tpu.memory_space<hbm>>
      %dma_start3A_270 = arith.constant 0 : i32
      %dma_start3A_271 = tpu.memref_slice %arg2[%dma_start3A_270, %add3A_267] : memref<2x327680xi32, #tpu.memory_space<hbm>> -> memref<2x128xi32, #tpu.memory_space<hbm>>
      tpu.enqueue_dma source(%dma_start3A_271 : memref<2x128xi32, #tpu.memory_space<hbm>>) target(%arg8 : memref<2x128xi32, #tpu.memory_space<vmem>>) target_semaphore(%arg13 : memref<!tpu.dma_semaphore, #tpu.memory_space<semaphore_mem>>)
      %dma_wait3A_272 = arith.constant 0 : i32
      %dma_wait3A_273 = arith.constant 0 : i32
      %dma_wait3A_274 = tpu.memref_slice %arg2[%dma_wait3A_272, %dma_wait3A_273] : memref<2x327680xi32, #tpu.memory_space<hbm>> -> memref<2x128xi32, #tpu.memory_space<hbm>>
      %dma_wait3A_275 = arith.constant 0 : i32
      %dma_wait3A_276 = arith.constant 0 : i32
      %dma_wait3A_277 = tpu.memref_slice %arg2[%dma_wait3A_275, %dma_wait3A_276] : memref<2x327680xi32, #tpu.memory_space<hbm>> -> memref<2x128xi32, #tpu.memory_space<hbm>>
      tpu.wait_dma2 semaphore(%arg15 : memref<!tpu.dma_semaphore, #tpu.memory_space<semaphore_mem>>) src(%dma_wait3A_277 : memref<2x128xi32, #tpu.memory_space<hbm>>) dst(%arg10 : memref<2x128xi32, #tpu.memory_space<vmem>>)
      %dma_start3A_278 = arith.constant 0 : i32
      %dma_start3A_279 = arith.constant 0 : i32
      %dma_start3A_280 = tpu.memref_slice %arg10[%dma_start3A_278, %dma_start3A_279] : memref<2x128xi32, #tpu.memory_space<vmem>> -> memref<1x128xi32, #tpu.memory_space<vmem>>
      %dma_start3A_281 = tpu.memref_squeeze %dma_start3A_280 : memref<1x128xi32, #tpu.memory_space<vmem>> -> memref<128xi32, #tpu.memory_space<vmem>>
      %dma_start3A_282 = arith.constant 0 : i32
      %dma_start3A_283 = arith.constant 0 : i32
      %dma_start3A_284 = tpu.memref_slice %arg3[%dma_start3A_282, %dma_start3A_283] : memref<10000x128xf32, #tpu.memory_space<hbm>> -> memref<10000x128xf32, #tpu.memory_space<hbm>>
      tpu.enqueue_indirect_dma source(%dma_start3A_284 : memref<10000x128xf32, #tpu.memory_space<hbm>>) target(%arg6 : memref<128x128xf32, #tpu.memory_space<vmem>>) offsets(%dma_start3A_281 : memref<128xi32, #tpu.memory_space<vmem>>) semaphore(%arg17 : memref<!tpu.dma_semaphore, #tpu.memory_space<semaphore_mem>>)
      %mul3A_285 = arith.constant 4 : i32
      %mul3A_286 = arith.muli %add3A_190, %mul3A_285 : i32
      %add3A_287 = arith.constant 2 : i32
      %add3A_288 = arith.addi %mul3A_286, %add3A_287 : i32
      %dma_wait3A_289 = arith.constant 0 : i32
      %dma_wait3A_290 = arith.constant 0 : i32
      %dma_wait3A_291 = tpu.memref_slice %arg9[%dma_wait3A_289, %dma_wait3A_290] : memref<2x128xi32, #tpu.memory_space<vmem>> -> memref<1x128xi32, #tpu.memory_space<vmem>>
      %dma_wait3A_292 = tpu.memref_squeeze %dma_wait3A_291 : memref<1x128xi32, #tpu.memory_space<vmem>> -> memref<128xi32, #tpu.memory_space<vmem>>
      %dma_wait3A_293 = arith.constant 0 : i32
      %dma_wait3A_294 = arith.constant 0 : i32
      %dma_wait3A_295 = tpu.memref_slice %arg3[%dma_wait3A_293, %dma_wait3A_294] : memref<10000x128xf32, #tpu.memory_space<hbm>> -> memref<10000x128xf32, #tpu.memory_space<hbm>>
      tpu.wait_indirect_dma semaphore(%arg16 : memref<!tpu.dma_semaphore, #tpu.memory_space<semaphore_mem>>) src(%dma_wait3A_295 : memref<10000x128xf32, #tpu.memory_space<hbm>>) dst(%arg5 : memref<128x128xf32, #tpu.memory_space<vmem>>)
      %dma_start3A_296 = arith.constant 1 : i32
      %dma_start3A_297 = arith.constant 0 : i32
      %dma_start3A_298 = tpu.memref_slice %arg9[%dma_start3A_296, %dma_start3A_297] : memref<2x128xi32, #tpu.memory_space<vmem>> -> memref<1x128xi32, #tpu.memory_space<vmem>>
      %dma_start3A_299 = tpu.memref_squeeze %dma_start3A_298 : memref<1x128xi32, #tpu.memory_space<vmem>> -> memref<128xi32, #tpu.memory_space<vmem>>
      %dma_start3A_300 = arith.constant 0 : i32
      %dma_start3A_301 = arith.constant 0 : i32
      %dma_start3A_302 = tpu.memref_slice %arg11[%dma_start3A_300, %dma_start3A_301] : memref<10112x128xf32, #tpu.memory_space<vmem_shared>> -> memref<10112x128xf32, #tpu.memory_space<vmem_shared>>
      tpu.enqueue_indirect_dma source(%arg5 : memref<128x128xf32, #tpu.memory_space<vmem>>) target(%dma_start3A_302 : memref<10112x128xf32, #tpu.memory_space<vmem_shared>>) offsets(%dma_start3A_299 : memref<128xi32, #tpu.memory_space<vmem>>) semaphore(%arg18 : memref<!tpu.dma_semaphore, #tpu.memory_space<semaphore_mem>>) {add = true}
      %dma_wait3A_303 = arith.constant 1 : i32
      %dma_wait3A_304 = arith.constant 0 : i32
      %dma_wait3A_305 = tpu.memref_slice %arg9[%dma_wait3A_303, %dma_wait3A_304] : memref<2x128xi32, #tpu.memory_space<vmem>> -> memref<1x128xi32, #tpu.memory_space<vmem>>
      %dma_wait3A_306 = tpu.memref_squeeze %dma_wait3A_305 : memref<1x128xi32, #tpu.memory_space<vmem>> -> memref<128xi32, #tpu.memory_space<vmem>>
      %dma_wait3A_307 = arith.constant 0 : i32
      %dma_wait3A_308 = arith.constant 0 : i32
      %dma_wait3A_309 = tpu.memref_slice %arg11[%dma_wait3A_307, %dma_wait3A_308] : memref<10112x128xf32, #tpu.memory_space<vmem_shared>> -> memref<10112x128xf32, #tpu.memory_space<vmem_shared>>
      tpu.wait_indirect_dma semaphore(%arg18 : memref<!tpu.dma_semaphore, #tpu.memory_space<semaphore_mem>>) src(%arg5 : memref<128x128xf32, #tpu.memory_space<vmem>>) dst(%dma_wait3A_309 : memref<10112x128xf32, #tpu.memory_space<vmem_shared>>)
      %add3A_310 = arith.constant 4 : i32
      %add3A_311 = arith.addi %add3A_288, %add3A_310 : i32
      %mul3A_312 = arith.constant 128 : i32
      %mul3A_313 = arith.muli %add3A_311, %mul3A_312 : i32
      %add3A_314 = arith.addi %mul3A_2, %mul3A_313 : i32
      %dma_start3A_315 = arith.constant 0 : i32
      %dma_start3A_316 = tpu.memref_slice %arg2[%dma_start3A_315, %add3A_314] : memref<2x327680xi32, #tpu.memory_space<hbm>> -> memref<2x128xi32, #tpu.memory_space<hbm>>
      %dma_start3A_317 = arith.constant 0 : i32
      %dma_start3A_318 = tpu.memref_slice %arg2[%dma_start3A_317, %add3A_314] : memref<2x327680xi32, #tpu.memory_space<hbm>> -> memref<2x128xi32, #tpu.memory_space<hbm>>
      tpu.enqueue_dma source(%dma_start3A_318 : memref<2x128xi32, #tpu.memory_space<hbm>>) target(%arg9 : memref<2x128xi32, #tpu.memory_space<vmem>>) target_semaphore(%arg14 : memref<!tpu.dma_semaphore, #tpu.memory_space<semaphore_mem>>)
      %dma_wait3A_319 = arith.constant 0 : i32
      %dma_wait3A_320 = arith.constant 0 : i32
      %dma_wait3A_321 = tpu.memref_slice %arg2[%dma_wait3A_319, %dma_wait3A_320] : memref<2x327680xi32, #tpu.memory_space<hbm>> -> memref<2x128xi32, #tpu.memory_space<hbm>>
      %dma_wait3A_322 = arith.constant 0 : i32
      %dma_wait3A_323 = arith.constant 0 : i32
      %dma_wait3A_324 = tpu.memref_slice %arg2[%dma_wait3A_322, %dma_wait3A_323] : memref<2x327680xi32, #tpu.memory_space<hbm>> -> memref<2x128xi32, #tpu.memory_space<hbm>>
      tpu.wait_dma2 semaphore(%arg12 : memref<!tpu.dma_semaphore, #tpu.memory_space<semaphore_mem>>) src(%dma_wait3A_324 : memref<2x128xi32, #tpu.memory_space<hbm>>) dst(%arg7 : memref<2x128xi32, #tpu.memory_space<vmem>>)
      %dma_start3A_325 = arith.constant 0 : i32
      %dma_start3A_326 = arith.constant 0 : i32
      %dma_start3A_327 = tpu.memref_slice %arg7[%dma_start3A_325, %dma_start3A_326] : memref<2x128xi32, #tpu.memory_space<vmem>> -> memref<1x128xi32, #tpu.memory_space<vmem>>
      %dma_start3A_328 = tpu.memref_squeeze %dma_start3A_327 : memref<1x128xi32, #tpu.memory_space<vmem>> -> memref<128xi32, #tpu.memory_space<vmem>>
      %dma_start3A_329 = arith.constant 0 : i32
      %dma_start3A_330 = arith.constant 0 : i32
      %dma_start3A_331 = tpu.memref_slice %arg3[%dma_start3A_329, %dma_start3A_330] : memref<10000x128xf32, #tpu.memory_space<hbm>> -> memref<10000x128xf32, #tpu.memory_space<hbm>>
      tpu.enqueue_indirect_dma source(%dma_start3A_331 : memref<10000x128xf32, #tpu.memory_space<hbm>>) target(%arg5 : memref<128x128xf32, #tpu.memory_space<vmem>>) offsets(%dma_start3A_328 : memref<128xi32, #tpu.memory_space<vmem>>) semaphore(%arg16 : memref<!tpu.dma_semaphore, #tpu.memory_space<semaphore_mem>>)
      %mul3A_332 = arith.constant 4 : i32
      %mul3A_333 = arith.muli %add3A_190, %mul3A_332 : i32
      %add3A_334 = arith.constant 3 : i32
      %add3A_335 = arith.addi %mul3A_333, %add3A_334 : i32
      %dma_wait3A_336 = arith.constant 0 : i32
      %dma_wait3A_337 = arith.constant 0 : i32
      %dma_wait3A_338 = tpu.memref_slice %arg10[%dma_wait3A_336, %dma_wait3A_337] : memref<2x128xi32, #tpu.memory_space<vmem>> -> memref<1x128xi32, #tpu.memory_space<vmem>>
      %dma_wait3A_339 = tpu.memref_squeeze %dma_wait3A_338 : memref<1x128xi32, #tpu.memory_space<vmem>> -> memref<128xi32, #tpu.memory_space<vmem>>
      %dma_wait3A_340 = arith.constant 0 : i32
      %dma_wait3A_341 = arith.constant 0 : i32
      %dma_wait3A_342 = tpu.memref_slice %arg3[%dma_wait3A_340, %dma_wait3A_341] : memref<10000x128xf32, #tpu.memory_space<hbm>> -> memref<10000x128xf32, #tpu.memory_space<hbm>>
      tpu.wait_indirect_dma semaphore(%arg17 : memref<!tpu.dma_semaphore, #tpu.memory_space<semaphore_mem>>) src(%dma_wait3A_342 : memref<10000x128xf32, #tpu.memory_space<hbm>>) dst(%arg6 : memref<128x128xf32, #tpu.memory_space<vmem>>)
      %dma_start3A_343 = arith.constant 1 : i32
      %dma_start3A_344 = arith.constant 0 : i32
      %dma_start3A_345 = tpu.memref_slice %arg10[%dma_start3A_343, %dma_start3A_344] : memref<2x128xi32, #tpu.memory_space<vmem>> -> memref<1x128xi32, #tpu.memory_space<vmem>>
      %dma_start3A_346 = tpu.memref_squeeze %dma_start3A_345 : memref<1x128xi32, #tpu.memory_space<vmem>> -> memref<128xi32, #tpu.memory_space<vmem>>
      %dma_start3A_347 = arith.constant 0 : i32
      %dma_start3A_348 = arith.constant 0 : i32
      %dma_start3A_349 = tpu.memref_slice %arg11[%dma_start3A_347, %dma_start3A_348] : memref<10112x128xf32, #tpu.memory_space<vmem_shared>> -> memref<10112x128xf32, #tpu.memory_space<vmem_shared>>
      tpu.enqueue_indirect_dma source(%arg6 : memref<128x128xf32, #tpu.memory_space<vmem>>) target(%dma_start3A_349 : memref<10112x128xf32, #tpu.memory_space<vmem_shared>>) offsets(%dma_start3A_346 : memref<128xi32, #tpu.memory_space<vmem>>) semaphore(%arg19 : memref<!tpu.dma_semaphore, #tpu.memory_space<semaphore_mem>>) {add = true}
      %dma_wait3A_350 = arith.constant 1 : i32
      %dma_wait3A_351 = arith.constant 0 : i32
      %dma_wait3A_352 = tpu.memref_slice %arg10[%dma_wait3A_350, %dma_wait3A_351] : memref<2x128xi32, #tpu.memory_space<vmem>> -> memref<1x128xi32, #tpu.memory_space<vmem>>
      %dma_wait3A_353 = tpu.memref_squeeze %dma_wait3A_352 : memref<1x128xi32, #tpu.memory_space<vmem>> -> memref<128xi32, #tpu.memory_space<vmem>>
      %dma_wait3A_354 = arith.constant 0 : i32
      %dma_wait3A_355 = arith.constant 0 : i32
      %dma_wait3A_356 = tpu.memref_slice %arg11[%dma_wait3A_354, %dma_wait3A_355] : memref<10112x128xf32, #tpu.memory_space<vmem_shared>> -> memref<10112x128xf32, #tpu.memory_space<vmem_shared>>
      tpu.wait_indirect_dma semaphore(%arg19 : memref<!tpu.dma_semaphore, #tpu.memory_space<semaphore_mem>>) src(%arg6 : memref<128x128xf32, #tpu.memory_space<vmem>>) dst(%dma_wait3A_356 : memref<10112x128xf32, #tpu.memory_space<vmem_shared>>)
      %add3A_357 = arith.constant 4 : i32
      %add3A_358 = arith.addi %add3A_335, %add3A_357 : i32
      %mul3A_359 = arith.constant 128 : i32
      %mul3A_360 = arith.muli %add3A_358, %mul3A_359 : i32
      %add3A_361 = arith.addi %mul3A_2, %mul3A_360 : i32
      %dma_start3A_362 = arith.constant 0 : i32
      %dma_start3A_363 = tpu.memref_slice %arg2[%dma_start3A_362, %add3A_361] : memref<2x327680xi32, #tpu.memory_space<hbm>> -> memref<2x128xi32, #tpu.memory_space<hbm>>
      %dma_start3A_364 = arith.constant 0 : i32
      %dma_start3A_365 = tpu.memref_slice %arg2[%dma_start3A_364, %add3A_361] : memref<2x327680xi32, #tpu.memory_space<hbm>> -> memref<2x128xi32, #tpu.memory_space<hbm>>
      tpu.enqueue_dma source(%dma_start3A_365 : memref<2x128xi32, #tpu.memory_space<hbm>>) target(%arg10 : memref<2x128xi32, #tpu.memory_space<vmem>>) target_semaphore(%arg15 : memref<!tpu.dma_semaphore, #tpu.memory_space<semaphore_mem>>)
      %dma_wait3A_366 = arith.constant 0 : i32
      %dma_wait3A_367 = arith.constant 0 : i32
      %dma_wait3A_368 = tpu.memref_slice %arg2[%dma_wait3A_366, %dma_wait3A_367] : memref<2x327680xi32, #tpu.memory_space<hbm>> -> memref<2x128xi32, #tpu.memory_space<hbm>>
      %dma_wait3A_369 = arith.constant 0 : i32
      %dma_wait3A_370 = arith.constant 0 : i32
      %dma_wait3A_371 = tpu.memref_slice %arg2[%dma_wait3A_369, %dma_wait3A_370] : memref<2x327680xi32, #tpu.memory_space<hbm>> -> memref<2x128xi32, #tpu.memory_space<hbm>>
      tpu.wait_dma2 semaphore(%arg13 : memref<!tpu.dma_semaphore, #tpu.memory_space<semaphore_mem>>) src(%dma_wait3A_371 : memref<2x128xi32, #tpu.memory_space<hbm>>) dst(%arg8 : memref<2x128xi32, #tpu.memory_space<vmem>>)
      %dma_start3A_372 = arith.constant 0 : i32
      %dma_start3A_373 = arith.constant 0 : i32
      %dma_start3A_374 = tpu.memref_slice %arg8[%dma_start3A_372, %dma_start3A_373] : memref<2x128xi32, #tpu.memory_space<vmem>> -> memref<1x128xi32, #tpu.memory_space<vmem>>
      %dma_start3A_375 = tpu.memref_squeeze %dma_start3A_374 : memref<1x128xi32, #tpu.memory_space<vmem>> -> memref<128xi32, #tpu.memory_space<vmem>>
      %dma_start3A_376 = arith.constant 0 : i32
      %dma_start3A_377 = arith.constant 0 : i32
      %dma_start3A_378 = tpu.memref_slice %arg3[%dma_start3A_376, %dma_start3A_377] : memref<10000x128xf32, #tpu.memory_space<hbm>> -> memref<10000x128xf32, #tpu.memory_space<hbm>>
      tpu.enqueue_indirect_dma source(%dma_start3A_378 : memref<10000x128xf32, #tpu.memory_space<hbm>>) target(%arg6 : memref<128x128xf32, #tpu.memory_space<vmem>>) offsets(%dma_start3A_375 : memref<128xi32, #tpu.memory_space<vmem>>) semaphore(%arg17 : memref<!tpu.dma_semaphore, #tpu.memory_space<semaphore_mem>>)
    }
    %scan3A_71 = arith.constant 19 : i32
    %dma_wait3A_72 = arith.constant 0 : i32
    %dma_wait3A_73 = arith.constant 0 : i32
    %dma_wait3A_74 = tpu.memref_slice %arg7[%dma_wait3A_72, %dma_wait3A_73] : memref<2x128xi32, #tpu.memory_space<vmem>> -> memref<1x128xi32, #tpu.memory_space<vmem>>
    %dma_wait3A_75 = tpu.memref_squeeze %dma_wait3A_74 : memref<1x128xi32, #tpu.memory_space<vmem>> -> memref<128xi32, #tpu.memory_space<vmem>>
    %dma_wait3A_76 = arith.constant 0 : i32
    %dma_wait3A_77 = arith.constant 0 : i32
    %dma_wait3A_78 = tpu.memref_slice %arg3[%dma_wait3A_76, %dma_wait3A_77] : memref<10000x128xf32, #tpu.memory_space<hbm>> -> memref<10000x128xf32, #tpu.memory_space<hbm>>
    tpu.wait_indirect_dma semaphore(%arg16 : memref<!tpu.dma_semaphore, #tpu.memory_space<semaphore_mem>>) src(%dma_wait3A_78 : memref<10000x128xf32, #tpu.memory_space<hbm>>) dst(%arg5 : memref<128x128xf32, #tpu.memory_space<vmem>>)
    %dma_start3A_79 = arith.constant 1 : i32
    %dma_start3A_80 = arith.constant 0 : i32
    %dma_start3A_81 = tpu.memref_slice %arg7[%dma_start3A_79, %dma_start3A_80] : memref<2x128xi32, #tpu.memory_space<vmem>> -> memref<1x128xi32, #tpu.memory_space<vmem>>
    %dma_start3A_82 = tpu.memref_squeeze %dma_start3A_81 : memref<1x128xi32, #tpu.memory_space<vmem>> -> memref<128xi32, #tpu.memory_space<vmem>>
    %dma_start3A_83 = arith.constant 0 : i32
    %dma_start3A_84 = arith.constant 0 : i32
    %dma_start3A_85 = tpu.memref_slice %arg11[%dma_start3A_83, %dma_start3A_84] : memref<10112x128xf32, #tpu.memory_space<vmem_shared>> -> memref<10112x128xf32, #tpu.memory_space<vmem_shared>>
    tpu.enqueue_indirect_dma source(%arg5 : memref<128x128xf32, #tpu.memory_space<vmem>>) target(%dma_start3A_85 : memref<10112x128xf32, #tpu.memory_space<vmem_shared>>) offsets(%dma_start3A_82 : memref<128xi32, #tpu.memory_space<vmem>>) semaphore(%arg18 : memref<!tpu.dma_semaphore, #tpu.memory_space<semaphore_mem>>) {add = true}
    %dma_wait3A_86 = arith.constant 1 : i32
    %dma_wait3A_87 = arith.constant 0 : i32
    %dma_wait3A_88 = tpu.memref_slice %arg7[%dma_wait3A_86, %dma_wait3A_87] : memref<2x128xi32, #tpu.memory_space<vmem>> -> memref<1x128xi32, #tpu.memory_space<vmem>>
    %dma_wait3A_89 = tpu.memref_squeeze %dma_wait3A_88 : memref<1x128xi32, #tpu.memory_space<vmem>> -> memref<128xi32, #tpu.memory_space<vmem>>
    %dma_wait3A_90 = arith.constant 0 : i32
    %dma_wait3A_91 = arith.constant 0 : i32
    %dma_wait3A_92 = tpu.memref_slice %arg11[%dma_wait3A_90, %dma_wait3A_91] : memref<10112x128xf32, #tpu.memory_space<vmem_shared>> -> memref<10112x128xf32, #tpu.memory_space<vmem_shared>>
    tpu.wait_indirect_dma semaphore(%arg18 : memref<!tpu.dma_semaphore, #tpu.memory_space<semaphore_mem>>) src(%arg5 : memref<128x128xf32, #tpu.memory_space<vmem>>) dst(%dma_wait3A_92 : memref<10112x128xf32, #tpu.memory_space<vmem_shared>>)
    %dma_wait3A_93 = arith.constant 0 : i32
    %dma_wait3A_94 = arith.constant 0 : i32
    %dma_wait3A_95 = tpu.memref_slice %arg2[%dma_wait3A_93, %dma_wait3A_94] : memref<2x327680xi32, #tpu.memory_space<hbm>> -> memref<2x128xi32, #tpu.memory_space<hbm>>
    %dma_wait3A_96 = arith.constant 0 : i32
    %dma_wait3A_97 = arith.constant 0 : i32
    %dma_wait3A_98 = tpu.memref_slice %arg2[%dma_wait3A_96, %dma_wait3A_97] : memref<2x327680xi32, #tpu.memory_space<hbm>> -> memref<2x128xi32, #tpu.memory_space<hbm>>
    tpu.wait_dma2 semaphore(%arg14 : memref<!tpu.dma_semaphore, #tpu.memory_space<semaphore_mem>>) src(%dma_wait3A_98 : memref<2x128xi32, #tpu.memory_space<hbm>>) dst(%arg9 : memref<2x128xi32, #tpu.memory_space<vmem>>)
    %dma_start3A_99 = arith.constant 0 : i32
    %dma_start3A_100 = arith.constant 0 : i32
    %dma_start3A_101 = tpu.memref_slice %arg9[%dma_start3A_99, %dma_start3A_100] : memref<2x128xi32, #tpu.memory_space<vmem>> -> memref<1x128xi32, #tpu.memory_space<vmem>>
    %dma_start3A_102 = tpu.memref_squeeze %dma_start3A_101 : memref<1x128xi32, #tpu.memory_space<vmem>> -> memref<128xi32, #tpu.memory_space<vmem>>
    %dma_start3A_103 = arith.constant 0 : i32
    %dma_start3A_104 = arith.constant 0 : i32
    %dma_start3A_105 = tpu.memref_slice %arg3[%dma_start3A_103, %dma_start3A_104] : memref<10000x128xf32, #tpu.memory_space<hbm>> -> memref<10000x128xf32, #tpu.memory_space<hbm>>
    tpu.enqueue_indirect_dma source(%dma_start3A_105 : memref<10000x128xf32, #tpu.memory_space<hbm>>) target(%arg5 : memref<128x128xf32, #tpu.memory_space<vmem>>) offsets(%dma_start3A_102 : memref<128xi32, #tpu.memory_space<vmem>>) semaphore(%arg16 : memref<!tpu.dma_semaphore, #tpu.memory_space<semaphore_mem>>)
    %dma_wait3A_106 = arith.constant 0 : i32
    %dma_wait3A_107 = arith.constant 0 : i32
    %dma_wait3A_108 = tpu.memref_slice %arg8[%dma_wait3A_106, %dma_wait3A_107] : memref<2x128xi32, #tpu.memory_space<vmem>> -> memref<1x128xi32, #tpu.memory_space<vmem>>
    %dma_wait3A_109 = tpu.memref_squeeze %dma_wait3A_108 : memref<1x128xi32, #tpu.memory_space<vmem>> -> memref<128xi32, #tpu.memory_space<vmem>>
    %dma_wait3A_110 = arith.constant 0 : i32
    %dma_wait3A_111 = arith.constant 0 : i32
    %dma_wait3A_112 = tpu.memref_slice %arg3[%dma_wait3A_110, %dma_wait3A_111] : memref<10000x128xf32, #tpu.memory_space<hbm>> -> memref<10000x128xf32, #tpu.memory_space<hbm>>
    tpu.wait_indirect_dma semaphore(%arg17 : memref<!tpu.dma_semaphore, #tpu.memory_space<semaphore_mem>>) src(%dma_wait3A_112 : memref<10000x128xf32, #tpu.memory_space<hbm>>) dst(%arg6 : memref<128x128xf32, #tpu.memory_space<vmem>>)
    %dma_start3A_113 = arith.constant 1 : i32
    %dma_start3A_114 = arith.constant 0 : i32
    %dma_start3A_115 = tpu.memref_slice %arg8[%dma_start3A_113, %dma_start3A_114] : memref<2x128xi32, #tpu.memory_space<vmem>> -> memref<1x128xi32, #tpu.memory_space<vmem>>
    %dma_start3A_116 = tpu.memref_squeeze %dma_start3A_115 : memref<1x128xi32, #tpu.memory_space<vmem>> -> memref<128xi32, #tpu.memory_space<vmem>>
    %dma_start3A_117 = arith.constant 0 : i32
    %dma_start3A_118 = arith.constant 0 : i32
    %dma_start3A_119 = tpu.memref_slice %arg11[%dma_start3A_117, %dma_start3A_118] : memref<10112x128xf32, #tpu.memory_space<vmem_shared>> -> memref<10112x128xf32, #tpu.memory_space<vmem_shared>>
    tpu.enqueue_indirect_dma source(%arg6 : memref<128x128xf32, #tpu.memory_space<vmem>>) target(%dma_start3A_119 : memref<10112x128xf32, #tpu.memory_space<vmem_shared>>) offsets(%dma_start3A_116 : memref<128xi32, #tpu.memory_space<vmem>>) semaphore(%arg19 : memref<!tpu.dma_semaphore, #tpu.memory_space<semaphore_mem>>) {add = true}
    %dma_wait3A_120 = arith.constant 1 : i32
    %dma_wait3A_121 = arith.constant 0 : i32
    %dma_wait3A_122 = tpu.memref_slice %arg8[%dma_wait3A_120, %dma_wait3A_121] : memref<2x128xi32, #tpu.memory_space<vmem>> -> memref<1x128xi32, #tpu.memory_space<vmem>>
    %dma_wait3A_123 = tpu.memref_squeeze %dma_wait3A_122 : memref<1x128xi32, #tpu.memory_space<vmem>> -> memref<128xi32, #tpu.memory_space<vmem>>
    %dma_wait3A_124 = arith.constant 0 : i32
    %dma_wait3A_125 = arith.constant 0 : i32
    %dma_wait3A_126 = tpu.memref_slice %arg11[%dma_wait3A_124, %dma_wait3A_125] : memref<10112x128xf32, #tpu.memory_space<vmem_shared>> -> memref<10112x128xf32, #tpu.memory_space<vmem_shared>>
    tpu.wait_indirect_dma semaphore(%arg19 : memref<!tpu.dma_semaphore, #tpu.memory_space<semaphore_mem>>) src(%arg6 : memref<128x128xf32, #tpu.memory_space<vmem>>) dst(%dma_wait3A_126 : memref<10112x128xf32, #tpu.memory_space<vmem_shared>>)
    %dma_wait3A_127 = arith.constant 0 : i32
    %dma_wait3A_128 = arith.constant 0 : i32
    %dma_wait3A_129 = tpu.memref_slice %arg2[%dma_wait3A_127, %dma_wait3A_128] : memref<2x327680xi32, #tpu.memory_space<hbm>> -> memref<2x128xi32, #tpu.memory_space<hbm>>
    %dma_wait3A_130 = arith.constant 0 : i32
    %dma_wait3A_131 = arith.constant 0 : i32
    %dma_wait3A_132 = tpu.memref_slice %arg2[%dma_wait3A_130, %dma_wait3A_131] : memref<2x327680xi32, #tpu.memory_space<hbm>> -> memref<2x128xi32, #tpu.memory_space<hbm>>
    tpu.wait_dma2 semaphore(%arg15 : memref<!tpu.dma_semaphore, #tpu.memory_space<semaphore_mem>>) src(%dma_wait3A_132 : memref<2x128xi32, #tpu.memory_space<hbm>>) dst(%arg10 : memref<2x128xi32, #tpu.memory_space<vmem>>)
    %dma_start3A_133 = arith.constant 0 : i32
    %dma_start3A_134 = arith.constant 0 : i32
    %dma_start3A_135 = tpu.memref_slice %arg10[%dma_start3A_133, %dma_start3A_134] : memref<2x128xi32, #tpu.memory_space<vmem>> -> memref<1x128xi32, #tpu.memory_space<vmem>>
    %dma_start3A_136 = tpu.memref_squeeze %dma_start3A_135 : memref<1x128xi32, #tpu.memory_space<vmem>> -> memref<128xi32, #tpu.memory_space<vmem>>
    %dma_start3A_137 = arith.constant 0 : i32
    %dma_start3A_138 = arith.constant 0 : i32
    %dma_start3A_139 = tpu.memref_slice %arg3[%dma_start3A_137, %dma_start3A_138] : memref<10000x128xf32, #tpu.memory_space<hbm>> -> memref<10000x128xf32, #tpu.memory_space<hbm>>
    tpu.enqueue_indirect_dma source(%dma_start3A_139 : memref<10000x128xf32, #tpu.memory_space<hbm>>) target(%arg6 : memref<128x128xf32, #tpu.memory_space<vmem>>) offsets(%dma_start3A_136 : memref<128xi32, #tpu.memory_space<vmem>>) semaphore(%arg17 : memref<!tpu.dma_semaphore, #tpu.memory_space<semaphore_mem>>)
    %dma_wait3A_140 = arith.constant 0 : i32
    %dma_wait3A_141 = arith.constant 0 : i32
    %dma_wait3A_142 = tpu.memref_slice %arg9[%dma_wait3A_140, %dma_wait3A_141] : memref<2x128xi32, #tpu.memory_space<vmem>> -> memref<1x128xi32, #tpu.memory_space<vmem>>
    %dma_wait3A_143 = tpu.memref_squeeze %dma_wait3A_142 : memref<1x128xi32, #tpu.memory_space<vmem>> -> memref<128xi32, #tpu.memory_space<vmem>>
    %dma_wait3A_144 = arith.constant 0 : i32
    %dma_wait3A_145 = arith.constant 0 : i32
    %dma_wait3A_146 = tpu.memref_slice %arg3[%dma_wait3A_144, %dma_wait3A_145] : memref<10000x128xf32, #tpu.memory_space<hbm>> -> memref<10000x128xf32, #tpu.memory_space<hbm>>
    tpu.wait_indirect_dma semaphore(%arg16 : memref<!tpu.dma_semaphore, #tpu.memory_space<semaphore_mem>>) src(%dma_wait3A_146 : memref<10000x128xf32, #tpu.memory_space<hbm>>) dst(%arg5 : memref<128x128xf32, #tpu.memory_space<vmem>>)
    %dma_start3A_147 = arith.constant 1 : i32
    %dma_start3A_148 = arith.constant 0 : i32
    %dma_start3A_149 = tpu.memref_slice %arg9[%dma_start3A_147, %dma_start3A_148] : memref<2x128xi32, #tpu.memory_space<vmem>> -> memref<1x128xi32, #tpu.memory_space<vmem>>
    %dma_start3A_150 = tpu.memref_squeeze %dma_start3A_149 : memref<1x128xi32, #tpu.memory_space<vmem>> -> memref<128xi32, #tpu.memory_space<vmem>>
    %dma_start3A_151 = arith.constant 0 : i32
    %dma_start3A_152 = arith.constant 0 : i32
    %dma_start3A_153 = tpu.memref_slice %arg11[%dma_start3A_151, %dma_start3A_152] : memref<10112x128xf32, #tpu.memory_space<vmem_shared>> -> memref<10112x128xf32, #tpu.memory_space<vmem_shared>>
    tpu.enqueue_indirect_dma source(%arg5 : memref<128x128xf32, #tpu.memory_space<vmem>>) target(%dma_start3A_153 : memref<10112x128xf32, #tpu.memory_space<vmem_shared>>) offsets(%dma_start3A_150 : memref<128xi32, #tpu.memory_space<vmem>>) semaphore(%arg18 : memref<!tpu.dma_semaphore, #tpu.memory_space<semaphore_mem>>) {add = true}
    %dma_wait3A_154 = arith.constant 1 : i32
    %dma_wait3A_155 = arith.constant 0 : i32
    %dma_wait3A_156 = tpu.memref_slice %arg9[%dma_wait3A_154, %dma_wait3A_155] : memref<2x128xi32, #tpu.memory_space<vmem>> -> memref<1x128xi32, #tpu.memory_space<vmem>>
    %dma_wait3A_157 = tpu.memref_squeeze %dma_wait3A_156 : memref<1x128xi32, #tpu.memory_space<vmem>> -> memref<128xi32, #tpu.memory_space<vmem>>
    %dma_wait3A_158 = arith.constant 0 : i32
    %dma_wait3A_159 = arith.constant 0 : i32
    %dma_wait3A_160 = tpu.memref_slice %arg11[%dma_wait3A_158, %dma_wait3A_159] : memref<10112x128xf32, #tpu.memory_space<vmem_shared>> -> memref<10112x128xf32, #tpu.memory_space<vmem_shared>>
    tpu.wait_indirect_dma semaphore(%arg18 : memref<!tpu.dma_semaphore, #tpu.memory_space<semaphore_mem>>) src(%arg5 : memref<128x128xf32, #tpu.memory_space<vmem>>) dst(%dma_wait3A_160 : memref<10112x128xf32, #tpu.memory_space<vmem_shared>>)
    %dma_wait3A_161 = arith.constant 0 : i32
    %dma_wait3A_162 = arith.constant 0 : i32
    %dma_wait3A_163 = tpu.memref_slice %arg10[%dma_wait3A_161, %dma_wait3A_162] : memref<2x128xi32, #tpu.memory_space<vmem>> -> memref<1x128xi32, #tpu.memory_space<vmem>>
    %dma_wait3A_164 = tpu.memref_squeeze %dma_wait3A_163 : memref<1x128xi32, #tpu.memory_space<vmem>> -> memref<128xi32, #tpu.memory_space<vmem>>
    %dma_wait3A_165 = arith.constant 0 : i32
    %dma_wait3A_166 = arith.constant 0 : i32
    %dma_wait3A_167 = tpu.memref_slice %arg3[%dma_wait3A_165, %dma_wait3A_166] : memref<10000x128xf32, #tpu.memory_space<hbm>> -> memref<10000x128xf32, #tpu.memory_space<hbm>>
    tpu.wait_indirect_dma semaphore(%arg17 : memref<!tpu.dma_semaphore, #tpu.memory_space<semaphore_mem>>) src(%dma_wait3A_167 : memref<10000x128xf32, #tpu.memory_space<hbm>>) dst(%arg6 : memref<128x128xf32, #tpu.memory_space<vmem>>)
    %dma_start3A_168 = arith.constant 1 : i32
    %dma_start3A_169 = arith.constant 0 : i32
    %dma_start3A_170 = tpu.memref_slice %arg10[%dma_start3A_168, %dma_start3A_169] : memref<2x128xi32, #tpu.memory_space<vmem>> -> memref<1x128xi32, #tpu.memory_space<vmem>>
    %dma_start3A_171 = tpu.memref_squeeze %dma_start3A_170 : memref<1x128xi32, #tpu.memory_space<vmem>> -> memref<128xi32, #tpu.memory_space<vmem>>
    %dma_start3A_172 = arith.constant 0 : i32
    %dma_start3A_173 = arith.constant 0 : i32
    %dma_start3A_174 = tpu.memref_slice %arg11[%dma_start3A_172, %dma_start3A_173] : memref<10112x128xf32, #tpu.memory_space<vmem_shared>> -> memref<10112x128xf32, #tpu.memory_space<vmem_shared>>
    tpu.enqueue_indirect_dma source(%arg6 : memref<128x128xf32, #tpu.memory_space<vmem>>) target(%dma_start3A_174 : memref<10112x128xf32, #tpu.memory_space<vmem_shared>>) offsets(%dma_start3A_171 : memref<128xi32, #tpu.memory_space<vmem>>) semaphore(%arg19 : memref<!tpu.dma_semaphore, #tpu.memory_space<semaphore_mem>>) {add = true}
    %dma_wait3A_175 = arith.constant 1 : i32
    %dma_wait3A_176 = arith.constant 0 : i32
    %dma_wait3A_177 = tpu.memref_slice %arg10[%dma_wait3A_175, %dma_wait3A_176] : memref<2x128xi32, #tpu.memory_space<vmem>> -> memref<1x128xi32, #tpu.memory_space<vmem>>
    %dma_wait3A_178 = tpu.memref_squeeze %dma_wait3A_177 : memref<1x128xi32, #tpu.memory_space<vmem>> -> memref<128xi32, #tpu.memory_space<vmem>>
    %dma_wait3A_179 = arith.constant 0 : i32
    %dma_wait3A_180 = arith.constant 0 : i32
    %dma_wait3A_181 = tpu.memref_slice %arg11[%dma_wait3A_179, %dma_wait3A_180] : memref<10112x128xf32, #tpu.memory_space<vmem_shared>> -> memref<10112x128xf32, #tpu.memory_space<vmem_shared>>
    tpu.wait_indirect_dma semaphore(%arg19 : memref<!tpu.dma_semaphore, #tpu.memory_space<semaphore_mem>>) src(%arg6 : memref<128x128xf32, #tpu.memory_space<vmem>>) dst(%dma_wait3A_181 : memref<10112x128xf32, #tpu.memory_space<vmem_shared>>)
    %barrier3A_182 = arith.constant 0 : index
    tpu.barrier barrier_id(%barrier3A_182)
    %mul3A_183 = arith.constant 10112 : i32
    %mul3A_184 = arith.muli %arg0, %mul3A_183 : i32
    %add3A_185 = arith.addi %mul3A_184, %mul3A_4 : i32
    "tpu.region"() ({
      %run_scoped3A = tpu.sem_alloc : memref<!tpu.dma_semaphore, #tpu.memory_space<semaphore_mem>>
      %dma_start3A_186 = arith.constant 0 : i32
      %dma_start3A_187 = tpu.memref_slice %arg4[%add3A_185, %dma_start3A_186] : memref<20224x128xf32, #tpu.memory_space<hbm>> -> memref<632x128xf32, #tpu.memory_space<hbm>>
      %dma_start3A_188 = arith.constant 0 : i32
      %dma_start3A_189 = tpu.memref_slice %arg11[%mul3A_4, %dma_start3A_188] : memref<10112x128xf32, #tpu.memory_space<vmem_shared>> -> memref<632x128xf32, #tpu.memory_space<vmem_shared>>
      tpu.enqueue_dma source(%dma_start3A_189 : memref<632x128xf32, #tpu.memory_space<vmem_shared>>) target(%dma_start3A_187 : memref<632x128xf32, #tpu.memory_space<hbm>>) target_semaphore(%run_scoped3A : memref<!tpu.dma_semaphore, #tpu.memory_space<semaphore_mem>>)
      %dma_wait3A_190 = arith.constant 0 : i32
      %dma_wait3A_191 = tpu.memref_slice %arg4[%add3A_185, %dma_wait3A_190] : memref<20224x128xf32, #tpu.memory_space<hbm>> -> memref<632x128xf32, #tpu.memory_space<hbm>>
      %dma_wait3A_192 = arith.constant 0 : i32
      %dma_wait3A_193 = tpu.memref_slice %arg11[%mul3A_4, %dma_wait3A_192] : memref<10112x128xf32, #tpu.memory_space<vmem_shared>> -> memref<632x128xf32, #tpu.memory_space<vmem_shared>>
      tpu.wait_dma2 semaphore(%run_scoped3A : memref<!tpu.dma_semaphore, #tpu.memory_space<semaphore_mem>>) src(%dma_wait3A_193 : memref<632x128xf32, #tpu.memory_space<vmem_shared>>) dst(%dma_wait3A_191 : memref<632x128xf32, #tpu.memory_space<hbm>>)
      tpu.yield
    }) : () -> ()
    return
  }
}

#map = affine_map<(d0, d1) -> (0, 0)>
module attributes {stable_mosaic.version = 14 : i64} {
  func.func @k(%arg0: i32, %arg1: i32, %arg2: memref<2x327680xi32, #tpu.memory_space<hbm>>, %arg3: memref<10000x128xf32, #tpu.memory_space<hbm>>, %arg4: memref<20224x128xf32, #tpu.memory_space<hbm>>, %arg5: memref<128x128xf32, #tpu.memory_space<vmem>>, %arg6: memref<128x128xf32, #tpu.memory_space<vmem>>, %arg7: memref<2x128xi32, #tpu.memory_space<vmem>>, %arg8: memref<2x128xi32, #tpu.memory_space<vmem>>, %arg9: memref<2x128xi32, #tpu.memory_space<vmem>>, %arg10: memref<2x128xi32, #tpu.memory_space<vmem>>, %arg11: memref<10112x128xf32, #tpu.memory_space<vmem_shared>>, %arg12: memref<!tpu.dma_semaphore, #tpu.memory_space<semaphore_mem>>, %arg13: memref<!tpu.dma_semaphore, #tpu.memory_space<semaphore_mem>>, %arg14: memref<!tpu.dma_semaphore, #tpu.memory_space<semaphore_mem>>, %arg15: memref<!tpu.dma_semaphore, #tpu.memory_space<semaphore_mem>>, %arg16: memref<!tpu.dma_semaphore, #tpu.memory_space<semaphore_mem>>, %arg17: memref<!tpu.dma_semaphore, #tpu.memory_space<semaphore_mem>>, %arg18: memref<!tpu.dma_semaphore, #tpu.memory_space<semaphore_mem>>, %arg19: memref<!tpu.dma_semaphore, #tpu.memory_space<semaphore_mem>>) attributes {dimension_semantics = [#tpu.dimension_semantics<core_parallel>, #tpu.dimension_semantics<subcore_parallel>], iteration_bounds = array<i64: 2, 16>, scalar_prefetch = 0 : i64, scratch_operands = 15 : i64, tpu.core_type = #tpu.core_type<sc_vector_subcore>, window_params = [{transform_indices = #map}, {transform_indices = #map}, {transform_indices = #map}]} {
    %mul3A = arith.constant 16 : i32
    %mul3A_0 = arith.muli %arg0, %mul3A : i32
    %add3A = arith.addi %mul3A_0, %arg1 : i32
    %mul3A_1 = arith.constant 10240 : i32
    %mul3A_2 = arith.muli %add3A, %mul3A_1 : i32
    %mul3A_3 = arith.constant 632 : i32
    %mul3A_4 = arith.muli %arg1, %mul3A_3 : i32
    %eq3A = arith.constant 15 : i32
    %eq3A_5 = arith.cmpi eq, %arg1, %eq3A : i32
    %eq3A_6 = arith.constant 0 : i32
    %eq3A_7 = arith.cmpi eq, %arg0, %eq3A_6 : i32
    %not3A = arith.constant true
    %not3A_8 = arith.xori %eq3A_5, %not3A : i1
    %and3A = arith.andi %eq3A_7, %not3A_8 : i1
    %convert_element_type3A = arith.extui %and3A : i1 to i32
    %cond3A = arith.constant 0 : i32
    %cond3A_9 = arith.cmpi ne, %convert_element_type3A, %cond3A : i32
    scf.if %cond3A_9 {
      %add3A_186 = arith.constant 0 : i32
      %add3A_187 = arith.addi %mul3A_4, %add3A_186 : i32
      "tpu.region"() ({
        %run_scoped3A = tpu.sem_alloc : memref<!tpu.dma_semaphore, #tpu.memory_space<semaphore_mem>>
        %dma_start3A_206 = arith.constant 0 : i32
        %dma_start3A_207 = tpu.memref_slice %arg3[%add3A_187, %dma_start3A_206] : memref<10000x128xf32, #tpu.memory_space<hbm>> -> memref<128x128xf32, #tpu.memory_space<hbm>>
        %dma_start3A_208 = arith.constant 0 : i32
        %dma_start3A_209 = tpu.memref_slice %arg3[%add3A_187, %dma_start3A_208] : memref<10000x128xf32, #tpu.memory_space<hbm>> -> memref<128x128xf32, #tpu.memory_space<hbm>>
        tpu.enqueue_dma source(%dma_start3A_209 : memref<128x128xf32, #tpu.memory_space<hbm>>) target(%arg5 : memref<128x128xf32, #tpu.memory_space<vmem>>) target_semaphore(%run_scoped3A : memref<!tpu.dma_semaphore, #tpu.memory_space<semaphore_mem>>)
        %dma_wait3A_210 = arith.constant 0 : i32
        %dma_wait3A_211 = tpu.memref_slice %arg3[%add3A_187, %dma_wait3A_210] : memref<10000x128xf32, #tpu.memory_space<hbm>> -> memref<128x128xf32, #tpu.memory_space<hbm>>
        %dma_wait3A_212 = arith.constant 0 : i32
        %dma_wait3A_213 = tpu.memref_slice %arg3[%add3A_187, %dma_wait3A_212] : memref<10000x128xf32, #tpu.memory_space<hbm>> -> memref<128x128xf32, #tpu.memory_space<hbm>>
        tpu.wait_dma2 semaphore(%run_scoped3A : memref<!tpu.dma_semaphore, #tpu.memory_space<semaphore_mem>>) src(%dma_wait3A_213 : memref<128x128xf32, #tpu.memory_space<hbm>>) dst(%arg5 : memref<128x128xf32, #tpu.memory_space<vmem>>)
        tpu.yield
      }) : () -> ()
      %add3A_188 = arith.constant 0 : i32
      %add3A_189 = arith.addi %mul3A_4, %add3A_188 : i32
      "tpu.region"() ({
        %run_scoped3A = tpu.sem_alloc : memref<!tpu.dma_semaphore, #tpu.memory_space<semaphore_mem>>
        %dma_start3A_206 = arith.constant 0 : i32
        %dma_start3A_207 = tpu.memref_slice %arg11[%add3A_189, %dma_start3A_206] : memref<10112x128xf32, #tpu.memory_space<vmem_shared>> -> memref<128x128xf32, #tpu.memory_space<vmem_shared>>
        %dma_start3A_208 = arith.constant 0 : i32
        %dma_start3A_209 = tpu.memref_slice %arg11[%add3A_189, %dma_start3A_208] : memref<10112x128xf32, #tpu.memory_space<vmem_shared>> -> memref<128x128xf32, #tpu.memory_space<vmem_shared>>
        tpu.enqueue_dma source(%arg5 : memref<128x128xf32, #tpu.memory_space<vmem>>) target(%dma_start3A_209 : memref<128x128xf32, #tpu.memory_space<vmem_shared>>) target_semaphore(%run_scoped3A : memref<!tpu.dma_semaphore, #tpu.memory_space<semaphore_mem>>)
        %dma_wait3A_210 = arith.constant 0 : i32
        %dma_wait3A_211 = tpu.memref_slice %arg11[%add3A_189, %dma_wait3A_210] : memref<10112x128xf32, #tpu.memory_space<vmem_shared>> -> memref<128x128xf32, #tpu.memory_space<vmem_shared>>
        %dma_wait3A_212 = arith.constant 0 : i32
        %dma_wait3A_213 = tpu.memref_slice %arg11[%add3A_189, %dma_wait3A_212] : memref<10112x128xf32, #tpu.memory_space<vmem_shared>> -> memref<128x128xf32, #tpu.memory_space<vmem_shared>>
        tpu.wait_dma2 semaphore(%run_scoped3A : memref<!tpu.dma_semaphore, #tpu.memory_space<semaphore_mem>>) src(%arg5 : memref<128x128xf32, #tpu.memory_space<vmem>>) dst(%dma_wait3A_213 : memref<128x128xf32, #tpu.memory_space<vmem_shared>>)
        tpu.yield
      }) : () -> ()
      %add3A_190 = arith.constant 128 : i32
      %add3A_191 = arith.addi %mul3A_4, %add3A_190 : i32
      "tpu.region"() ({
        %run_scoped3A = tpu.sem_alloc : memref<!tpu.dma_semaphore, #tpu.memory_space<semaphore_mem>>
        %dma_start3A_206 = arith.constant 0 : i32
        %dma_start3A_207 = tpu.memref_slice %arg3[%add3A_191, %dma_start3A_206] : memref<10000x128xf32, #tpu.memory_space<hbm>> -> memref<128x128xf32, #tpu.memory_space<hbm>>
        %dma_start3A_208 = arith.constant 0 : i32
        %dma_start3A_209 = tpu.memref_slice %arg3[%add3A_191, %dma_start3A_208] : memref<10000x128xf32, #tpu.memory_space<hbm>> -> memref<128x128xf32, #tpu.memory_space<hbm>>
        tpu.enqueue_dma source(%dma_start3A_209 : memref<128x128xf32, #tpu.memory_space<hbm>>) target(%arg5 : memref<128x128xf32, #tpu.memory_space<vmem>>) target_semaphore(%run_scoped3A : memref<!tpu.dma_semaphore, #tpu.memory_space<semaphore_mem>>)
        %dma_wait3A_210 = arith.constant 0 : i32
        %dma_wait3A_211 = tpu.memref_slice %arg3[%add3A_191, %dma_wait3A_210] : memref<10000x128xf32, #tpu.memory_space<hbm>> -> memref<128x128xf32, #tpu.memory_space<hbm>>
        %dma_wait3A_212 = arith.constant 0 : i32
        %dma_wait3A_213 = tpu.memref_slice %arg3[%add3A_191, %dma_wait3A_212] : memref<10000x128xf32, #tpu.memory_space<hbm>> -> memref<128x128xf32, #tpu.memory_space<hbm>>
        tpu.wait_dma2 semaphore(%run_scoped3A : memref<!tpu.dma_semaphore, #tpu.memory_space<semaphore_mem>>) src(%dma_wait3A_213 : memref<128x128xf32, #tpu.memory_space<hbm>>) dst(%arg5 : memref<128x128xf32, #tpu.memory_space<vmem>>)
        tpu.yield
      }) : () -> ()
      %add3A_192 = arith.constant 128 : i32
      %add3A_193 = arith.addi %mul3A_4, %add3A_192 : i32
      "tpu.region"() ({
        %run_scoped3A = tpu.sem_alloc : memref<!tpu.dma_semaphore, #tpu.memory_space<semaphore_mem>>
        %dma_start3A_206 = arith.constant 0 : i32
        %dma_start3A_207 = tpu.memref_slice %arg11[%add3A_193, %dma_start3A_206] : memref<10112x128xf32, #tpu.memory_space<vmem_shared>> -> memref<128x128xf32, #tpu.memory_space<vmem_shared>>
        %dma_start3A_208 = arith.constant 0 : i32
        %dma_start3A_209 = tpu.memref_slice %arg11[%add3A_193, %dma_start3A_208] : memref<10112x128xf32, #tpu.memory_space<vmem_shared>> -> memref<128x128xf32, #tpu.memory_space<vmem_shared>>
        tpu.enqueue_dma source(%arg5 : memref<128x128xf32, #tpu.memory_space<vmem>>) target(%dma_start3A_209 : memref<128x128xf32, #tpu.memory_space<vmem_shared>>) target_semaphore(%run_scoped3A : memref<!tpu.dma_semaphore, #tpu.memory_space<semaphore_mem>>)
        %dma_wait3A_210 = arith.constant 0 : i32
        %dma_wait3A_211 = tpu.memref_slice %arg11[%add3A_193, %dma_wait3A_210] : memref<10112x128xf32, #tpu.memory_space<vmem_shared>> -> memref<128x128xf32, #tpu.memory_space<vmem_shared>>
        %dma_wait3A_212 = arith.constant 0 : i32
        %dma_wait3A_213 = tpu.memref_slice %arg11[%add3A_193, %dma_wait3A_212] : memref<10112x128xf32, #tpu.memory_space<vmem_shared>> -> memref<128x128xf32, #tpu.memory_space<vmem_shared>>
        tpu.wait_dma2 semaphore(%run_scoped3A : memref<!tpu.dma_semaphore, #tpu.memory_space<semaphore_mem>>) src(%arg5 : memref<128x128xf32, #tpu.memory_space<vmem>>) dst(%dma_wait3A_213 : memref<128x128xf32, #tpu.memory_space<vmem_shared>>)
        tpu.yield
      }) : () -> ()
      %add3A_194 = arith.constant 256 : i32
      %add3A_195 = arith.addi %mul3A_4, %add3A_194 : i32
      "tpu.region"() ({
        %run_scoped3A = tpu.sem_alloc : memref<!tpu.dma_semaphore, #tpu.memory_space<semaphore_mem>>
        %dma_start3A_206 = arith.constant 0 : i32
        %dma_start3A_207 = tpu.memref_slice %arg3[%add3A_195, %dma_start3A_206] : memref<10000x128xf32, #tpu.memory_space<hbm>> -> memref<128x128xf32, #tpu.memory_space<hbm>>
        %dma_start3A_208 = arith.constant 0 : i32
        %dma_start3A_209 = tpu.memref_slice %arg3[%add3A_195, %dma_start3A_208] : memref<10000x128xf32, #tpu.memory_space<hbm>> -> memref<128x128xf32, #tpu.memory_space<hbm>>
        tpu.enqueue_dma source(%dma_start3A_209 : memref<128x128xf32, #tpu.memory_space<hbm>>) target(%arg5 : memref<128x128xf32, #tpu.memory_space<vmem>>) target_semaphore(%run_scoped3A : memref<!tpu.dma_semaphore, #tpu.memory_space<semaphore_mem>>)
        %dma_wait3A_210 = arith.constant 0 : i32
        %dma_wait3A_211 = tpu.memref_slice %arg3[%add3A_195, %dma_wait3A_210] : memref<10000x128xf32, #tpu.memory_space<hbm>> -> memref<128x128xf32, #tpu.memory_space<hbm>>
        %dma_wait3A_212 = arith.constant 0 : i32
        %dma_wait3A_213 = tpu.memref_slice %arg3[%add3A_195, %dma_wait3A_212] : memref<10000x128xf32, #tpu.memory_space<hbm>> -> memref<128x128xf32, #tpu.memory_space<hbm>>
        tpu.wait_dma2 semaphore(%run_scoped3A : memref<!tpu.dma_semaphore, #tpu.memory_space<semaphore_mem>>) src(%dma_wait3A_213 : memref<128x128xf32, #tpu.memory_space<hbm>>) dst(%arg5 : memref<128x128xf32, #tpu.memory_space<vmem>>)
        tpu.yield
      }) : () -> ()
      %add3A_196 = arith.constant 256 : i32
      %add3A_197 = arith.addi %mul3A_4, %add3A_196 : i32
      "tpu.region"() ({
        %run_scoped3A = tpu.sem_alloc : memref<!tpu.dma_semaphore, #tpu.memory_space<semaphore_mem>>
        %dma_start3A_206 = arith.constant 0 : i32
        %dma_start3A_207 = tpu.memref_slice %arg11[%add3A_197, %dma_start3A_206] : memref<10112x128xf32, #tpu.memory_space<vmem_shared>> -> memref<128x128xf32, #tpu.memory_space<vmem_shared>>
        %dma_start3A_208 = arith.constant 0 : i32
        %dma_start3A_209 = tpu.memref_slice %arg11[%add3A_197, %dma_start3A_208] : memref<10112x128xf32, #tpu.memory_space<vmem_shared>> -> memref<128x128xf32, #tpu.memory_space<vmem_shared>>
        tpu.enqueue_dma source(%arg5 : memref<128x128xf32, #tpu.memory_space<vmem>>) target(%dma_start3A_209 : memref<128x128xf32, #tpu.memory_space<vmem_shared>>) target_semaphore(%run_scoped3A : memref<!tpu.dma_semaphore, #tpu.memory_space<semaphore_mem>>)
        %dma_wait3A_210 = arith.constant 0 : i32
        %dma_wait3A_211 = tpu.memref_slice %arg11[%add3A_197, %dma_wait3A_210] : memref<10112x128xf32, #tpu.memory_space<vmem_shared>> -> memref<128x128xf32, #tpu.memory_space<vmem_shared>>
        %dma_wait3A_212 = arith.constant 0 : i32
        %dma_wait3A_213 = tpu.memref_slice %arg11[%add3A_197, %dma_wait3A_212] : memref<10112x128xf32, #tpu.memory_space<vmem_shared>> -> memref<128x128xf32, #tpu.memory_space<vmem_shared>>
        tpu.wait_dma2 semaphore(%run_scoped3A : memref<!tpu.dma_semaphore, #tpu.memory_space<semaphore_mem>>) src(%arg5 : memref<128x128xf32, #tpu.memory_space<vmem>>) dst(%dma_wait3A_213 : memref<128x128xf32, #tpu.memory_space<vmem_shared>>)
        tpu.yield
      }) : () -> ()
      %add3A_198 = arith.constant 384 : i32
      %add3A_199 = arith.addi %mul3A_4, %add3A_198 : i32
      "tpu.region"() ({
        %run_scoped3A = tpu.sem_alloc : memref<!tpu.dma_semaphore, #tpu.memory_space<semaphore_mem>>
        %dma_start3A_206 = arith.constant 0 : i32
        %dma_start3A_207 = tpu.memref_slice %arg3[%add3A_199, %dma_start3A_206] : memref<10000x128xf32, #tpu.memory_space<hbm>> -> memref<128x128xf32, #tpu.memory_space<hbm>>
        %dma_start3A_208 = arith.constant 0 : i32
        %dma_start3A_209 = tpu.memref_slice %arg3[%add3A_199, %dma_start3A_208] : memref<10000x128xf32, #tpu.memory_space<hbm>> -> memref<128x128xf32, #tpu.memory_space<hbm>>
        tpu.enqueue_dma source(%dma_start3A_209 : memref<128x128xf32, #tpu.memory_space<hbm>>) target(%arg5 : memref<128x128xf32, #tpu.memory_space<vmem>>) target_semaphore(%run_scoped3A : memref<!tpu.dma_semaphore, #tpu.memory_space<semaphore_mem>>)
        %dma_wait3A_210 = arith.constant 0 : i32
        %dma_wait3A_211 = tpu.memref_slice %arg3[%add3A_199, %dma_wait3A_210] : memref<10000x128xf32, #tpu.memory_space<hbm>> -> memref<128x128xf32, #tpu.memory_space<hbm>>
        %dma_wait3A_212 = arith.constant 0 : i32
        %dma_wait3A_213 = tpu.memref_slice %arg3[%add3A_199, %dma_wait3A_212] : memref<10000x128xf32, #tpu.memory_space<hbm>> -> memref<128x128xf32, #tpu.memory_space<hbm>>
        tpu.wait_dma2 semaphore(%run_scoped3A : memref<!tpu.dma_semaphore, #tpu.memory_space<semaphore_mem>>) src(%dma_wait3A_213 : memref<128x128xf32, #tpu.memory_space<hbm>>) dst(%arg5 : memref<128x128xf32, #tpu.memory_space<vmem>>)
        tpu.yield
      }) : () -> ()
      %add3A_200 = arith.constant 384 : i32
      %add3A_201 = arith.addi %mul3A_4, %add3A_200 : i32
      "tpu.region"() ({
        %run_scoped3A = tpu.sem_alloc : memref<!tpu.dma_semaphore, #tpu.memory_space<semaphore_mem>>
        %dma_start3A_206 = arith.constant 0 : i32
        %dma_start3A_207 = tpu.memref_slice %arg11[%add3A_201, %dma_start3A_206] : memref<10112x128xf32, #tpu.memory_space<vmem_shared>> -> memref<128x128xf32, #tpu.memory_space<vmem_shared>>
        %dma_start3A_208 = arith.constant 0 : i32
        %dma_start3A_209 = tpu.memref_slice %arg11[%add3A_201, %dma_start3A_208] : memref<10112x128xf32, #tpu.memory_space<vmem_shared>> -> memref<128x128xf32, #tpu.memory_space<vmem_shared>>
        tpu.enqueue_dma source(%arg5 : memref<128x128xf32, #tpu.memory_space<vmem>>) target(%dma_start3A_209 : memref<128x128xf32, #tpu.memory_space<vmem_shared>>) target_semaphore(%run_scoped3A : memref<!tpu.dma_semaphore, #tpu.memory_space<semaphore_mem>>)
        %dma_wait3A_210 = arith.constant 0 : i32
        %dma_wait3A_211 = tpu.memref_slice %arg11[%add3A_201, %dma_wait3A_210] : memref<10112x128xf32, #tpu.memory_space<vmem_shared>> -> memref<128x128xf32, #tpu.memory_space<vmem_shared>>
        %dma_wait3A_212 = arith.constant 0 : i32
        %dma_wait3A_213 = tpu.memref_slice %arg11[%add3A_201, %dma_wait3A_212] : memref<10112x128xf32, #tpu.memory_space<vmem_shared>> -> memref<128x128xf32, #tpu.memory_space<vmem_shared>>
        tpu.wait_dma2 semaphore(%run_scoped3A : memref<!tpu.dma_semaphore, #tpu.memory_space<semaphore_mem>>) src(%arg5 : memref<128x128xf32, #tpu.memory_space<vmem>>) dst(%dma_wait3A_213 : memref<128x128xf32, #tpu.memory_space<vmem_shared>>)
        tpu.yield
      }) : () -> ()
      %add3A_202 = arith.constant 512 : i32
      %add3A_203 = arith.addi %mul3A_4, %add3A_202 : i32
      "tpu.region"() ({
        %run_scoped3A = tpu.sem_alloc : memref<!tpu.dma_semaphore, #tpu.memory_space<semaphore_mem>>
        %dma_start3A_206 = arith.constant 0 : i32
        %dma_start3A_207 = arith.constant 0 : i32
        %dma_start3A_208 = tpu.memref_slice %arg5[%dma_start3A_206, %dma_start3A_207] : memref<128x128xf32, #tpu.memory_space<vmem>> -> memref<120x128xf32, #tpu.memory_space<vmem>>
        %dma_start3A_209 = arith.constant 0 : i32
        %dma_start3A_210 = tpu.memref_slice %arg3[%add3A_203, %dma_start3A_209] : memref<10000x128xf32, #tpu.memory_space<hbm>> -> memref<120x128xf32, #tpu.memory_space<hbm>>
        %dma_start3A_211 = arith.constant 0 : i32
        %dma_start3A_212 = arith.constant 0 : i32
        %dma_start3A_213 = tpu.memref_slice %arg5[%dma_start3A_211, %dma_start3A_212] : memref<128x128xf32, #tpu.memory_space<vmem>> -> memref<120x128xf32, #tpu.memory_space<vmem>>
        %dma_start3A_214 = arith.constant 0 : i32
        %dma_start3A_215 = tpu.memref_slice %arg3[%add3A_203, %dma_start3A_214] : memref<10000x128xf32, #tpu.memory_space<hbm>> -> memref<120x128xf32, #tpu.memory_space<hbm>>
        tpu.enqueue_dma source(%dma_start3A_215 : memref<120x128xf32, #tpu.memory_space<hbm>>) target(%dma_start3A_213 : memref<120x128xf32, #tpu.memory_space<vmem>>) target_semaphore(%run_scoped3A : memref<!tpu.dma_semaphore, #tpu.memory_space<semaphore_mem>>)
        %dma_wait3A_216 = arith.constant 0 : i32
        %dma_wait3A_217 = arith.constant 0 : i32
        %dma_wait3A_218 = tpu.memref_slice %arg5[%dma_wait3A_216, %dma_wait3A_217] : memref<128x128xf32, #tpu.memory_space<vmem>> -> memref<120x128xf32, #tpu.memory_space<vmem>>
        %dma_wait3A_219 = arith.constant 0 : i32
        %dma_wait3A_220 = tpu.memref_slice %arg3[%add3A_203, %dma_wait3A_219] : memref<10000x128xf32, #tpu.memory_space<hbm>> -> memref<120x128xf32, #tpu.memory_space<hbm>>
        %dma_wait3A_221 = arith.constant 0 : i32
        %dma_wait3A_222 = arith.constant 0 : i32
        %dma_wait3A_223 = tpu.memref_slice %arg5[%dma_wait3A_221, %dma_wait3A_222] : memref<128x128xf32, #tpu.memory_space<vmem>> -> memref<120x128xf32, #tpu.memory_space<vmem>>
        %dma_wait3A_224 = arith.constant 0 : i32
        %dma_wait3A_225 = tpu.memref_slice %arg3[%add3A_203, %dma_wait3A_224] : memref<10000x128xf32, #tpu.memory_space<hbm>> -> memref<120x128xf32, #tpu.memory_space<hbm>>
        tpu.wait_dma2 semaphore(%run_scoped3A : memref<!tpu.dma_semaphore, #tpu.memory_space<semaphore_mem>>) src(%dma_wait3A_225 : memref<120x128xf32, #tpu.memory_space<hbm>>) dst(%dma_wait3A_223 : memref<120x128xf32, #tpu.memory_space<vmem>>)
        tpu.yield
      }) : () -> ()
      %add3A_204 = arith.constant 512 : i32
      %add3A_205 = arith.addi %mul3A_4, %add3A_204 : i32
      "tpu.region"() ({
        %run_scoped3A = tpu.sem_alloc : memref<!tpu.dma_semaphore, #tpu.memory_space<semaphore_mem>>
        %dma_start3A_206 = arith.constant 0 : i32
        %dma_start3A_207 = arith.constant 0 : i32
        %dma_start3A_208 = tpu.memref_slice %arg5[%dma_start3A_206, %dma_start3A_207] : memref<128x128xf32, #tpu.memory_space<vmem>> -> memref<120x128xf32, #tpu.memory_space<vmem>>
        %dma_start3A_209 = arith.constant 0 : i32
        %dma_start3A_210 = tpu.memref_slice %arg11[%add3A_205, %dma_start3A_209] : memref<10112x128xf32, #tpu.memory_space<vmem_shared>> -> memref<120x128xf32, #tpu.memory_space<vmem_shared>>
        %dma_start3A_211 = arith.constant 0 : i32
        %dma_start3A_212 = tpu.memref_slice %arg11[%add3A_205, %dma_start3A_211] : memref<10112x128xf32, #tpu.memory_space<vmem_shared>> -> memref<120x128xf32, #tpu.memory_space<vmem_shared>>
        %dma_start3A_213 = arith.constant 0 : i32
        %dma_start3A_214 = arith.constant 0 : i32
        %dma_start3A_215 = tpu.memref_slice %arg5[%dma_start3A_213, %dma_start3A_214] : memref<128x128xf32, #tpu.memory_space<vmem>> -> memref<120x128xf32, #tpu.memory_space<vmem>>
        tpu.enqueue_dma source(%dma_start3A_215 : memref<120x128xf32, #tpu.memory_space<vmem>>) target(%dma_start3A_212 : memref<120x128xf32, #tpu.memory_space<vmem_shared>>) target_semaphore(%run_scoped3A : memref<!tpu.dma_semaphore, #tpu.memory_space<semaphore_mem>>)
        %dma_wait3A_216 = arith.constant 0 : i32
        %dma_wait3A_217 = arith.constant 0 : i32
        %dma_wait3A_218 = tpu.memref_slice %arg5[%dma_wait3A_216, %dma_wait3A_217] : memref<128x128xf32, #tpu.memory_space<vmem>> -> memref<120x128xf32, #tpu.memory_space<vmem>>
        %dma_wait3A_219 = arith.constant 0 : i32
        %dma_wait3A_220 = tpu.memref_slice %arg11[%add3A_205, %dma_wait3A_219] : memref<10112x128xf32, #tpu.memory_space<vmem_shared>> -> memref<120x128xf32, #tpu.memory_space<vmem_shared>>
        %dma_wait3A_221 = arith.constant 0 : i32
        %dma_wait3A_222 = tpu.memref_slice %arg11[%add3A_205, %dma_wait3A_221] : memref<10112x128xf32, #tpu.memory_space<vmem_shared>> -> memref<120x128xf32, #tpu.memory_space<vmem_shared>>
        %dma_wait3A_223 = arith.constant 0 : i32
        %dma_wait3A_224 = arith.constant 0 : i32
        %dma_wait3A_225 = tpu.memref_slice %arg5[%dma_wait3A_223, %dma_wait3A_224] : memref<128x128xf32, #tpu.memory_space<vmem>> -> memref<120x128xf32, #tpu.memory_space<vmem>>
        tpu.wait_dma2 semaphore(%run_scoped3A : memref<!tpu.dma_semaphore, #tpu.memory_space<semaphore_mem>>) src(%dma_wait3A_225 : memref<120x128xf32, #tpu.memory_space<vmem>>) dst(%dma_wait3A_222 : memref<120x128xf32, #tpu.memory_space<vmem_shared>>)
        tpu.yield
      }) : () -> ()
    } else {
    }
    %eq3A_10 = arith.constant 0 : i32
    %eq3A_11 = arith.cmpi eq, %arg0, %eq3A_10 : i32
    %and3A_12 = arith.andi %eq3A_11, %eq3A_5 : i1
    %convert_element_type3A_13 = arith.extui %and3A_12 : i1 to i32
    %cond3A_14 = arith.constant 0 : i32
    %cond3A_15 = arith.cmpi ne, %convert_element_type3A_13, %cond3A_14 : i32
    scf.if %cond3A_15 {
      %add3A_186 = arith.constant 0 : i32
      %add3A_187 = arith.addi %mul3A_4, %add3A_186 : i32
      "tpu.region"() ({
        %run_scoped3A = tpu.sem_alloc : memref<!tpu.dma_semaphore, #tpu.memory_space<semaphore_mem>>
        %dma_start3A_206 = arith.constant 0 : i32
        %dma_start3A_207 = tpu.memref_slice %arg3[%add3A_187, %dma_start3A_206] : memref<10000x128xf32, #tpu.memory_space<hbm>> -> memref<128x128xf32, #tpu.memory_space<hbm>>
        %dma_start3A_208 = arith.constant 0 : i32
        %dma_start3A_209 = tpu.memref_slice %arg3[%add3A_187, %dma_start3A_208] : memref<10000x128xf32, #tpu.memory_space<hbm>> -> memref<128x128xf32, #tpu.memory_space<hbm>>
        tpu.enqueue_dma source(%dma_start3A_209 : memref<128x128xf32, #tpu.memory_space<hbm>>) target(%arg5 : memref<128x128xf32, #tpu.memory_space<vmem>>) target_semaphore(%run_scoped3A : memref<!tpu.dma_semaphore, #tpu.memory_space<semaphore_mem>>)
        %dma_wait3A_210 = arith.constant 0 : i32
        %dma_wait3A_211 = tpu.memref_slice %arg3[%add3A_187, %dma_wait3A_210] : memref<10000x128xf32, #tpu.memory_space<hbm>> -> memref<128x128xf32, #tpu.memory_space<hbm>>
        %dma_wait3A_212 = arith.constant 0 : i32
        %dma_wait3A_213 = tpu.memref_slice %arg3[%add3A_187, %dma_wait3A_212] : memref<10000x128xf32, #tpu.memory_space<hbm>> -> memref<128x128xf32, #tpu.memory_space<hbm>>
        tpu.wait_dma2 semaphore(%run_scoped3A : memref<!tpu.dma_semaphore, #tpu.memory_space<semaphore_mem>>) src(%dma_wait3A_213 : memref<128x128xf32, #tpu.memory_space<hbm>>) dst(%arg5 : memref<128x128xf32, #tpu.memory_space<vmem>>)
        tpu.yield
      }) : () -> ()
      %add3A_188 = arith.constant 0 : i32
      %add3A_189 = arith.addi %mul3A_4, %add3A_188 : i32
      "tpu.region"() ({
        %run_scoped3A = tpu.sem_alloc : memref<!tpu.dma_semaphore, #tpu.memory_space<semaphore_mem>>
        %dma_start3A_206 = arith.constant 0 : i32
        %dma_start3A_207 = tpu.memref_slice %arg11[%add3A_189, %dma_start3A_206] : memref<10112x128xf32, #tpu.memory_space<vmem_shared>> -> memref<128x128xf32, #tpu.memory_space<vmem_shared>>
        %dma_start3A_208 = arith.constant 0 : i32
        %dma_start3A_209 = tpu.memref_slice %arg11[%add3A_189, %dma_start3A_208] : memref<10112x128xf32, #tpu.memory_space<vmem_shared>> -> memref<128x128xf32, #tpu.memory_space<vmem_shared>>
        tpu.enqueue_dma source(%arg5 : memref<128x128xf32, #tpu.memory_space<vmem>>) target(%dma_start3A_209 : memref<128x128xf32, #tpu.memory_space<vmem_shared>>) target_semaphore(%run_scoped3A : memref<!tpu.dma_semaphore, #tpu.memory_space<semaphore_mem>>)
        %dma_wait3A_210 = arith.constant 0 : i32
        %dma_wait3A_211 = tpu.memref_slice %arg11[%add3A_189, %dma_wait3A_210] : memref<10112x128xf32, #tpu.memory_space<vmem_shared>> -> memref<128x128xf32, #tpu.memory_space<vmem_shared>>
        %dma_wait3A_212 = arith.constant 0 : i32
        %dma_wait3A_213 = tpu.memref_slice %arg11[%add3A_189, %dma_wait3A_212] : memref<10112x128xf32, #tpu.memory_space<vmem_shared>> -> memref<128x128xf32, #tpu.memory_space<vmem_shared>>
        tpu.wait_dma2 semaphore(%run_scoped3A : memref<!tpu.dma_semaphore, #tpu.memory_space<semaphore_mem>>) src(%arg5 : memref<128x128xf32, #tpu.memory_space<vmem>>) dst(%dma_wait3A_213 : memref<128x128xf32, #tpu.memory_space<vmem_shared>>)
        tpu.yield
      }) : () -> ()
      %add3A_190 = arith.constant 128 : i32
      %add3A_191 = arith.addi %mul3A_4, %add3A_190 : i32
      "tpu.region"() ({
        %run_scoped3A = tpu.sem_alloc : memref<!tpu.dma_semaphore, #tpu.memory_space<semaphore_mem>>
        %dma_start3A_206 = arith.constant 0 : i32
        %dma_start3A_207 = tpu.memref_slice %arg3[%add3A_191, %dma_start3A_206] : memref<10000x128xf32, #tpu.memory_space<hbm>> -> memref<128x128xf32, #tpu.memory_space<hbm>>
        %dma_start3A_208 = arith.constant 0 : i32
        %dma_start3A_209 = tpu.memref_slice %arg3[%add3A_191, %dma_start3A_208] : memref<10000x128xf32, #tpu.memory_space<hbm>> -> memref<128x128xf32, #tpu.memory_space<hbm>>
        tpu.enqueue_dma source(%dma_start3A_209 : memref<128x128xf32, #tpu.memory_space<hbm>>) target(%arg5 : memref<128x128xf32, #tpu.memory_space<vmem>>) target_semaphore(%run_scoped3A : memref<!tpu.dma_semaphore, #tpu.memory_space<semaphore_mem>>)
        %dma_wait3A_210 = arith.constant 0 : i32
        %dma_wait3A_211 = tpu.memref_slice %arg3[%add3A_191, %dma_wait3A_210] : memref<10000x128xf32, #tpu.memory_space<hbm>> -> memref<128x128xf32, #tpu.memory_space<hbm>>
        %dma_wait3A_212 = arith.constant 0 : i32
        %dma_wait3A_213 = tpu.memref_slice %arg3[%add3A_191, %dma_wait3A_212] : memref<10000x128xf32, #tpu.memory_space<hbm>> -> memref<128x128xf32, #tpu.memory_space<hbm>>
        tpu.wait_dma2 semaphore(%run_scoped3A : memref<!tpu.dma_semaphore, #tpu.memory_space<semaphore_mem>>) src(%dma_wait3A_213 : memref<128x128xf32, #tpu.memory_space<hbm>>) dst(%arg5 : memref<128x128xf32, #tpu.memory_space<vmem>>)
        tpu.yield
      }) : () -> ()
      %add3A_192 = arith.constant 128 : i32
      %add3A_193 = arith.addi %mul3A_4, %add3A_192 : i32
      "tpu.region"() ({
        %run_scoped3A = tpu.sem_alloc : memref<!tpu.dma_semaphore, #tpu.memory_space<semaphore_mem>>
        %dma_start3A_206 = arith.constant 0 : i32
        %dma_start3A_207 = tpu.memref_slice %arg11[%add3A_193, %dma_start3A_206] : memref<10112x128xf32, #tpu.memory_space<vmem_shared>> -> memref<128x128xf32, #tpu.memory_space<vmem_shared>>
        %dma_start3A_208 = arith.constant 0 : i32
        %dma_start3A_209 = tpu.memref_slice %arg11[%add3A_193, %dma_start3A_208] : memref<10112x128xf32, #tpu.memory_space<vmem_shared>> -> memref<128x128xf32, #tpu.memory_space<vmem_shared>>
        tpu.enqueue_dma source(%arg5 : memref<128x128xf32, #tpu.memory_space<vmem>>) target(%dma_start3A_209 : memref<128x128xf32, #tpu.memory_space<vmem_shared>>) target_semaphore(%run_scoped3A : memref<!tpu.dma_semaphore, #tpu.memory_space<semaphore_mem>>)
        %dma_wait3A_210 = arith.constant 0 : i32
        %dma_wait3A_211 = tpu.memref_slice %arg11[%add3A_193, %dma_wait3A_210] : memref<10112x128xf32, #tpu.memory_space<vmem_shared>> -> memref<128x128xf32, #tpu.memory_space<vmem_shared>>
        %dma_wait3A_212 = arith.constant 0 : i32
        %dma_wait3A_213 = tpu.memref_slice %arg11[%add3A_193, %dma_wait3A_212] : memref<10112x128xf32, #tpu.memory_space<vmem_shared>> -> memref<128x128xf32, #tpu.memory_space<vmem_shared>>
        tpu.wait_dma2 semaphore(%run_scoped3A : memref<!tpu.dma_semaphore, #tpu.memory_space<semaphore_mem>>) src(%arg5 : memref<128x128xf32, #tpu.memory_space<vmem>>) dst(%dma_wait3A_213 : memref<128x128xf32, #tpu.memory_space<vmem_shared>>)
        tpu.yield
      }) : () -> ()
      %add3A_194 = arith.constant 256 : i32
      %add3A_195 = arith.addi %mul3A_4, %add3A_194 : i32
      "tpu.region"() ({
        %run_scoped3A = tpu.sem_alloc : memref<!tpu.dma_semaphore, #tpu.memory_space<semaphore_mem>>
        %dma_start3A_206 = arith.constant 0 : i32
        %dma_start3A_207 = tpu.memref_slice %arg3[%add3A_195, %dma_start3A_206] : memref<10000x128xf32, #tpu.memory_space<hbm>> -> memref<128x128xf32, #tpu.memory_space<hbm>>
        %dma_start3A_208 = arith.constant 0 : i32
        %dma_start3A_209 = tpu.memref_slice %arg3[%add3A_195, %dma_start3A_208] : memref<10000x128xf32, #tpu.memory_space<hbm>> -> memref<128x128xf32, #tpu.memory_space<hbm>>
        tpu.enqueue_dma source(%dma_start3A_209 : memref<128x128xf32, #tpu.memory_space<hbm>>) target(%arg5 : memref<128x128xf32, #tpu.memory_space<vmem>>) target_semaphore(%run_scoped3A : memref<!tpu.dma_semaphore, #tpu.memory_space<semaphore_mem>>)
        %dma_wait3A_210 = arith.constant 0 : i32
        %dma_wait3A_211 = tpu.memref_slice %arg3[%add3A_195, %dma_wait3A_210] : memref<10000x128xf32, #tpu.memory_space<hbm>> -> memref<128x128xf32, #tpu.memory_space<hbm>>
        %dma_wait3A_212 = arith.constant 0 : i32
        %dma_wait3A_213 = tpu.memref_slice %arg3[%add3A_195, %dma_wait3A_212] : memref<10000x128xf32, #tpu.memory_space<hbm>> -> memref<128x128xf32, #tpu.memory_space<hbm>>
        tpu.wait_dma2 semaphore(%run_scoped3A : memref<!tpu.dma_semaphore, #tpu.memory_space<semaphore_mem>>) src(%dma_wait3A_213 : memref<128x128xf32, #tpu.memory_space<hbm>>) dst(%arg5 : memref<128x128xf32, #tpu.memory_space<vmem>>)
        tpu.yield
      }) : () -> ()
      %add3A_196 = arith.constant 256 : i32
      %add3A_197 = arith.addi %mul3A_4, %add3A_196 : i32
      "tpu.region"() ({
        %run_scoped3A = tpu.sem_alloc : memref<!tpu.dma_semaphore, #tpu.memory_space<semaphore_mem>>
        %dma_start3A_206 = arith.constant 0 : i32
        %dma_start3A_207 = tpu.memref_slice %arg11[%add3A_197, %dma_start3A_206] : memref<10112x128xf32, #tpu.memory_space<vmem_shared>> -> memref<128x128xf32, #tpu.memory_space<vmem_shared>>
        %dma_start3A_208 = arith.constant 0 : i32
        %dma_start3A_209 = tpu.memref_slice %arg11[%add3A_197, %dma_start3A_208] : memref<10112x128xf32, #tpu.memory_space<vmem_shared>> -> memref<128x128xf32, #tpu.memory_space<vmem_shared>>
        tpu.enqueue_dma source(%arg5 : memref<128x128xf32, #tpu.memory_space<vmem>>) target(%dma_start3A_209 : memref<128x128xf32, #tpu.memory_space<vmem_shared>>) target_semaphore(%run_scoped3A : memref<!tpu.dma_semaphore, #tpu.memory_space<semaphore_mem>>)
        %dma_wait3A_210 = arith.constant 0 : i32
        %dma_wait3A_211 = tpu.memref_slice %arg11[%add3A_197, %dma_wait3A_210] : memref<10112x128xf32, #tpu.memory_space<vmem_shared>> -> memref<128x128xf32, #tpu.memory_space<vmem_shared>>
        %dma_wait3A_212 = arith.constant 0 : i32
        %dma_wait3A_213 = tpu.memref_slice %arg11[%add3A_197, %dma_wait3A_212] : memref<10112x128xf32, #tpu.memory_space<vmem_shared>> -> memref<128x128xf32, #tpu.memory_space<vmem_shared>>
        tpu.wait_dma2 semaphore(%run_scoped3A : memref<!tpu.dma_semaphore, #tpu.memory_space<semaphore_mem>>) src(%arg5 : memref<128x128xf32, #tpu.memory_space<vmem>>) dst(%dma_wait3A_213 : memref<128x128xf32, #tpu.memory_space<vmem_shared>>)
        tpu.yield
      }) : () -> ()
      %add3A_198 = arith.constant 384 : i32
      %add3A_199 = arith.addi %mul3A_4, %add3A_198 : i32
      "tpu.region"() ({
        %run_scoped3A = tpu.sem_alloc : memref<!tpu.dma_semaphore, #tpu.memory_space<semaphore_mem>>
        %dma_start3A_206 = arith.constant 0 : i32
        %dma_start3A_207 = tpu.memref_slice %arg3[%add3A_199, %dma_start3A_206] : memref<10000x128xf32, #tpu.memory_space<hbm>> -> memref<128x128xf32, #tpu.memory_space<hbm>>
        %dma_start3A_208 = arith.constant 0 : i32
        %dma_start3A_209 = tpu.memref_slice %arg3[%add3A_199, %dma_start3A_208] : memref<10000x128xf32, #tpu.memory_space<hbm>> -> memref<128x128xf32, #tpu.memory_space<hbm>>
        tpu.enqueue_dma source(%dma_start3A_209 : memref<128x128xf32, #tpu.memory_space<hbm>>) target(%arg5 : memref<128x128xf32, #tpu.memory_space<vmem>>) target_semaphore(%run_scoped3A : memref<!tpu.dma_semaphore, #tpu.memory_space<semaphore_mem>>)
        %dma_wait3A_210 = arith.constant 0 : i32
        %dma_wait3A_211 = tpu.memref_slice %arg3[%add3A_199, %dma_wait3A_210] : memref<10000x128xf32, #tpu.memory_space<hbm>> -> memref<128x128xf32, #tpu.memory_space<hbm>>
        %dma_wait3A_212 = arith.constant 0 : i32
        %dma_wait3A_213 = tpu.memref_slice %arg3[%add3A_199, %dma_wait3A_212] : memref<10000x128xf32, #tpu.memory_space<hbm>> -> memref<128x128xf32, #tpu.memory_space<hbm>>
        tpu.wait_dma2 semaphore(%run_scoped3A : memref<!tpu.dma_semaphore, #tpu.memory_space<semaphore_mem>>) src(%dma_wait3A_213 : memref<128x128xf32, #tpu.memory_space<hbm>>) dst(%arg5 : memref<128x128xf32, #tpu.memory_space<vmem>>)
        tpu.yield
      }) : () -> ()
      %add3A_200 = arith.constant 384 : i32
      %add3A_201 = arith.addi %mul3A_4, %add3A_200 : i32
      "tpu.region"() ({
        %run_scoped3A = tpu.sem_alloc : memref<!tpu.dma_semaphore, #tpu.memory_space<semaphore_mem>>
        %dma_start3A_206 = arith.constant 0 : i32
        %dma_start3A_207 = tpu.memref_slice %arg11[%add3A_201, %dma_start3A_206] : memref<10112x128xf32, #tpu.memory_space<vmem_shared>> -> memref<128x128xf32, #tpu.memory_space<vmem_shared>>
        %dma_start3A_208 = arith.constant 0 : i32
        %dma_start3A_209 = tpu.memref_slice %arg11[%add3A_201, %dma_start3A_208] : memref<10112x128xf32, #tpu.memory_space<vmem_shared>> -> memref<128x128xf32, #tpu.memory_space<vmem_shared>>
        tpu.enqueue_dma source(%arg5 : memref<128x128xf32, #tpu.memory_space<vmem>>) target(%dma_start3A_209 : memref<128x128xf32, #tpu.memory_space<vmem_shared>>) target_semaphore(%run_scoped3A : memref<!tpu.dma_semaphore, #tpu.memory_space<semaphore_mem>>)
        %dma_wait3A_210 = arith.constant 0 : i32
        %dma_wait3A_211 = tpu.memref_slice %arg11[%add3A_201, %dma_wait3A_210] : memref<10112x128xf32, #tpu.memory_space<vmem_shared>> -> memref<128x128xf32, #tpu.memory_space<vmem_shared>>
        %dma_wait3A_212 = arith.constant 0 : i32
        %dma_wait3A_213 = tpu.memref_slice %arg11[%add3A_201, %dma_wait3A_212] : memref<10112x128xf32, #tpu.memory_space<vmem_shared>> -> memref<128x128xf32, #tpu.memory_space<vmem_shared>>
        tpu.wait_dma2 semaphore(%run_scoped3A : memref<!tpu.dma_semaphore, #tpu.memory_space<semaphore_mem>>) src(%arg5 : memref<128x128xf32, #tpu.memory_space<vmem>>) dst(%dma_wait3A_213 : memref<128x128xf32, #tpu.memory_space<vmem_shared>>)
        tpu.yield
      }) : () -> ()
      %add3A_202 = arith.constant 512 : i32
      %add3A_203 = arith.addi %mul3A_4, %add3A_202 : i32
      "tpu.region"() ({
        %run_scoped3A = tpu.sem_alloc : memref<!tpu.dma_semaphore, #tpu.memory_space<semaphore_mem>>
        %dma_start3A_206 = arith.constant 0 : i32
        %dma_start3A_207 = arith.constant 0 : i32
        %dma_start3A_208 = tpu.memref_slice %arg5[%dma_start3A_206, %dma_start3A_207] : memref<128x128xf32, #tpu.memory_space<vmem>> -> memref<8x128xf32, #tpu.memory_space<vmem>>
        %dma_start3A_209 = arith.constant 0 : i32
        %dma_start3A_210 = tpu.memref_slice %arg3[%add3A_203, %dma_start3A_209] : memref<10000x128xf32, #tpu.memory_space<hbm>> -> memref<8x128xf32, #tpu.memory_space<hbm>>
        %dma_start3A_211 = arith.constant 0 : i32
        %dma_start3A_212 = arith.constant 0 : i32
        %dma_start3A_213 = tpu.memref_slice %arg5[%dma_start3A_211, %dma_start3A_212] : memref<128x128xf32, #tpu.memory_space<vmem>> -> memref<8x128xf32, #tpu.memory_space<vmem>>
        %dma_start3A_214 = arith.constant 0 : i32
        %dma_start3A_215 = tpu.memref_slice %arg3[%add3A_203, %dma_start3A_214] : memref<10000x128xf32, #tpu.memory_space<hbm>> -> memref<8x128xf32, #tpu.memory_space<hbm>>
        tpu.enqueue_dma source(%dma_start3A_215 : memref<8x128xf32, #tpu.memory_space<hbm>>) target(%dma_start3A_213 : memref<8x128xf32, #tpu.memory_space<vmem>>) target_semaphore(%run_scoped3A : memref<!tpu.dma_semaphore, #tpu.memory_space<semaphore_mem>>)
        %dma_wait3A_216 = arith.constant 0 : i32
        %dma_wait3A_217 = arith.constant 0 : i32
        %dma_wait3A_218 = tpu.memref_slice %arg5[%dma_wait3A_216, %dma_wait3A_217] : memref<128x128xf32, #tpu.memory_space<vmem>> -> memref<8x128xf32, #tpu.memory_space<vmem>>
        %dma_wait3A_219 = arith.constant 0 : i32
        %dma_wait3A_220 = tpu.memref_slice %arg3[%add3A_203, %dma_wait3A_219] : memref<10000x128xf32, #tpu.memory_space<hbm>> -> memref<8x128xf32, #tpu.memory_space<hbm>>
        %dma_wait3A_221 = arith.constant 0 : i32
        %dma_wait3A_222 = arith.constant 0 : i32
        %dma_wait3A_223 = tpu.memref_slice %arg5[%dma_wait3A_221, %dma_wait3A_222] : memref<128x128xf32, #tpu.memory_space<vmem>> -> memref<8x128xf32, #tpu.memory_space<vmem>>
        %dma_wait3A_224 = arith.constant 0 : i32
        %dma_wait3A_225 = tpu.memref_slice %arg3[%add3A_203, %dma_wait3A_224] : memref<10000x128xf32, #tpu.memory_space<hbm>> -> memref<8x128xf32, #tpu.memory_space<hbm>>
        tpu.wait_dma2 semaphore(%run_scoped3A : memref<!tpu.dma_semaphore, #tpu.memory_space<semaphore_mem>>) src(%dma_wait3A_225 : memref<8x128xf32, #tpu.memory_space<hbm>>) dst(%dma_wait3A_223 : memref<8x128xf32, #tpu.memory_space<vmem>>)
        tpu.yield
      }) : () -> ()
      %add3A_204 = arith.constant 512 : i32
      %add3A_205 = arith.addi %mul3A_4, %add3A_204 : i32
      "tpu.region"() ({
        %run_scoped3A = tpu.sem_alloc : memref<!tpu.dma_semaphore, #tpu.memory_space<semaphore_mem>>
        %dma_start3A_206 = arith.constant 0 : i32
        %dma_start3A_207 = arith.constant 0 : i32
        %dma_start3A_208 = tpu.memref_slice %arg5[%dma_start3A_206, %dma_start3A_207] : memref<128x128xf32, #tpu.memory_space<vmem>> -> memref<8x128xf32, #tpu.memory_space<vmem>>
        %dma_start3A_209 = arith.constant 0 : i32
        %dma_start3A_210 = tpu.memref_slice %arg11[%add3A_205, %dma_start3A_209] : memref<10112x128xf32, #tpu.memory_space<vmem_shared>> -> memref<8x128xf32, #tpu.memory_space<vmem_shared>>
        %dma_start3A_211 = arith.constant 0 : i32
        %dma_start3A_212 = tpu.memref_slice %arg11[%add3A_205, %dma_start3A_211] : memref<10112x128xf32, #tpu.memory_space<vmem_shared>> -> memref<8x128xf32, #tpu.memory_space<vmem_shared>>
        %dma_start3A_213 = arith.constant 0 : i32
        %dma_start3A_214 = arith.constant 0 : i32
        %dma_start3A_215 = tpu.memref_slice %arg5[%dma_start3A_213, %dma_start3A_214] : memref<128x128xf32, #tpu.memory_space<vmem>> -> memref<8x128xf32, #tpu.memory_space<vmem>>
        tpu.enqueue_dma source(%dma_start3A_215 : memref<8x128xf32, #tpu.memory_space<vmem>>) target(%dma_start3A_212 : memref<8x128xf32, #tpu.memory_space<vmem_shared>>) target_semaphore(%run_scoped3A : memref<!tpu.dma_semaphore, #tpu.memory_space<semaphore_mem>>)
        %dma_wait3A_216 = arith.constant 0 : i32
        %dma_wait3A_217 = arith.constant 0 : i32
        %dma_wait3A_218 = tpu.memref_slice %arg5[%dma_wait3A_216, %dma_wait3A_217] : memref<128x128xf32, #tpu.memory_space<vmem>> -> memref<8x128xf32, #tpu.memory_space<vmem>>
        %dma_wait3A_219 = arith.constant 0 : i32
        %dma_wait3A_220 = tpu.memref_slice %arg11[%add3A_205, %dma_wait3A_219] : memref<10112x128xf32, #tpu.memory_space<vmem_shared>> -> memref<8x128xf32, #tpu.memory_space<vmem_shared>>
        %dma_wait3A_221 = arith.constant 0 : i32
        %dma_wait3A_222 = tpu.memref_slice %arg11[%add3A_205, %dma_wait3A_221] : memref<10112x128xf32, #tpu.memory_space<vmem_shared>> -> memref<8x128xf32, #tpu.memory_space<vmem_shared>>
        %dma_wait3A_223 = arith.constant 0 : i32
        %dma_wait3A_224 = arith.constant 0 : i32
        %dma_wait3A_225 = tpu.memref_slice %arg5[%dma_wait3A_223, %dma_wait3A_224] : memref<128x128xf32, #tpu.memory_space<vmem>> -> memref<8x128xf32, #tpu.memory_space<vmem>>
        tpu.wait_dma2 semaphore(%run_scoped3A : memref<!tpu.dma_semaphore, #tpu.memory_space<semaphore_mem>>) src(%dma_wait3A_225 : memref<8x128xf32, #tpu.memory_space<vmem>>) dst(%dma_wait3A_222 : memref<8x128xf32, #tpu.memory_space<vmem_shared>>)
        tpu.yield
      }) : () -> ()
    } else {
    }
    %ne3A = arith.constant 0 : i32
    %ne3A_16 = arith.cmpi ne, %arg0, %ne3A : i32
    %convert_element_type3A_17 = arith.extui %ne3A_16 : i1 to i32
    %cond3A_18 = arith.constant 0 : i32
    %cond3A_19 = arith.cmpi ne, %convert_element_type3A_17, %cond3A_18 : i32
    scf.if %cond3A_19 {
      %scan3A_186 = arith.constant 0 : i32
      %scan3A_187 = arith.constant 128 : i32
      %scan3A_188 = arith.addi %scan3A_186, %scan3A_187 : i32
      %scan3A_189 = arith.constant 1 : i32
      scf.for %scan3A_201 = %scan3A_186 to %scan3A_188 step %scan3A_189  : i32 {
        %mul3A_202 = arith.constant 1 : i32
        %mul3A_203 = arith.muli %scan3A_201, %mul3A_202 : i32
        %add3A_204 = arith.constant 0 : i32
        %add3A_205 = arith.addi %add3A_204, %mul3A_203 : i32
        %broadcast_in_dim3A = arith.constant 0.000000e+00 : f32
        %broadcast_in_dim3A_206 = vector.broadcast %broadcast_in_dim3A : f32 to vector<16xf32>
        %swap3A = arith.index_cast %add3A_205 : i32 to index
        %swap3A_207 = arith.constant 0 : index
        %swap3A_208 = tpu.vector_load %arg5[%swap3A, %swap3A_207] {strides = array<i32>} : memref<128x128xf32, #tpu.memory_space<vmem>>, vector<1x16xf32>,
        %swap3A_209 = vector.shape_cast %swap3A_208 : vector<1x16xf32> to vector<16xf32>
        %swap3A_210 = vector.shape_cast %broadcast_in_dim3A_206 : vector<16xf32> to vector<1x16xf32>
        tpu.vector_store %arg5[%swap3A, %swap3A_207], %swap3A_210 {strides = array<i32>} : memref<128x128xf32, #tpu.memory_space<vmem>>, vector<1x16xf32>,
        %broadcast_in_dim3A_211 = arith.constant 0.000000e+00 : f32
        %broadcast_in_dim3A_212 = vector.broadcast %broadcast_in_dim3A_211 : f32 to vector<16xf32>
        %swap3A_213 = arith.index_cast %add3A_205 : i32 to index
        %swap3A_214 = arith.constant 16 : index
        %swap3A_215 = tpu.vector_load %arg5[%swap3A_213, %swap3A_214] {strides = array<i32>} : memref<128x128xf32, #tpu.memory_space<vmem>>, vector<1x16xf32>,
        %swap3A_216 = vector.shape_cast %swap3A_215 : vector<1x16xf32> to vector<16xf32>
        %swap3A_217 = vector.shape_cast %broadcast_in_dim3A_212 : vector<16xf32> to vector<1x16xf32>
        tpu.vector_store %arg5[%swap3A_213, %swap3A_214], %swap3A_217 {strides = array<i32>} : memref<128x128xf32, #tpu.memory_space<vmem>>, vector<1x16xf32>,
        %broadcast_in_dim3A_218 = arith.constant 0.000000e+00 : f32
        %broadcast_in_dim3A_219 = vector.broadcast %broadcast_in_dim3A_218 : f32 to vector<16xf32>
        %swap3A_220 = arith.index_cast %add3A_205 : i32 to index
        %swap3A_221 = arith.constant 32 : index
        %swap3A_222 = tpu.vector_load %arg5[%swap3A_220, %swap3A_221] {strides = array<i32>} : memref<128x128xf32, #tpu.memory_space<vmem>>, vector<1x16xf32>,
        %swap3A_223 = vector.shape_cast %swap3A_222 : vector<1x16xf32> to vector<16xf32>
        %swap3A_224 = vector.shape_cast %broadcast_in_dim3A_219 : vector<16xf32> to vector<1x16xf32>
        tpu.vector_store %arg5[%swap3A_220, %swap3A_221], %swap3A_224 {strides = array<i32>} : memref<128x128xf32, #tpu.memory_space<vmem>>, vector<1x16xf32>,
        %broadcast_in_dim3A_225 = arith.constant 0.000000e+00 : f32
        %broadcast_in_dim3A_226 = vector.broadcast %broadcast_in_dim3A_225 : f32 to vector<16xf32>
        %swap3A_227 = arith.index_cast %add3A_205 : i32 to index
        %swap3A_228 = arith.constant 48 : index
        %swap3A_229 = tpu.vector_load %arg5[%swap3A_227, %swap3A_228] {strides = array<i32>} : memref<128x128xf32, #tpu.memory_space<vmem>>, vector<1x16xf32>,
        %swap3A_230 = vector.shape_cast %swap3A_229 : vector<1x16xf32> to vector<16xf32>
        %swap3A_231 = vector.shape_cast %broadcast_in_dim3A_226 : vector<16xf32> to vector<1x16xf32>
        tpu.vector_store %arg5[%swap3A_227, %swap3A_228], %swap3A_231 {strides = array<i32>} : memref<128x128xf32, #tpu.memory_space<vmem>>, vector<1x16xf32>,
        %broadcast_in_dim3A_232 = arith.constant 0.000000e+00 : f32
        %broadcast_in_dim3A_233 = vector.broadcast %broadcast_in_dim3A_232 : f32 to vector<16xf32>
        %swap3A_234 = arith.index_cast %add3A_205 : i32 to index
        %swap3A_235 = arith.constant 64 : index
        %swap3A_236 = tpu.vector_load %arg5[%swap3A_234, %swap3A_235] {strides = array<i32>} : memref<128x128xf32, #tpu.memory_space<vmem>>, vector<1x16xf32>,
        %swap3A_237 = vector.shape_cast %swap3A_236 : vector<1x16xf32> to vector<16xf32>
        %swap3A_238 = vector.shape_cast %broadcast_in_dim3A_233 : vector<16xf32> to vector<1x16xf32>
        tpu.vector_store %arg5[%swap3A_234, %swap3A_235], %swap3A_238 {strides = array<i32>} : memref<128x128xf32, #tpu.memory_space<vmem>>, vector<1x16xf32>,
        %broadcast_in_dim3A_239 = arith.constant 0.000000e+00 : f32
        %broadcast_in_dim3A_240 = vector.broadcast %broadcast_in_dim3A_239 : f32 to vector<16xf32>
        %swap3A_241 = arith.index_cast %add3A_205 : i32 to index
        %swap3A_242 = arith.constant 80 : index
        %swap3A_243 = tpu.vector_load %arg5[%swap3A_241, %swap3A_242] {strides = array<i32>} : memref<128x128xf32, #tpu.memory_space<vmem>>, vector<1x16xf32>,
        %swap3A_244 = vector.shape_cast %swap3A_243 : vector<1x16xf32> to vector<16xf32>
        %swap3A_245 = vector.shape_cast %broadcast_in_dim3A_240 : vector<16xf32> to vector<1x16xf32>
        tpu.vector_store %arg5[%swap3A_241, %swap3A_242], %swap3A_245 {strides = array<i32>} : memref<128x128xf32, #tpu.memory_space<vmem>>, vector<1x16xf32>,
        %broadcast_in_dim3A_246 = arith.constant 0.000000e+00 : f32
        %broadcast_in_dim3A_247 = vector.broadcast %broadcast_in_dim3A_246 : f32 to vector<16xf32>
        %swap3A_248 = arith.index_cast %add3A_205 : i32 to index
        %swap3A_249 = arith.constant 96 : index
        %swap3A_250 = tpu.vector_load %arg5[%swap3A_248, %swap3A_249] {strides = array<i32>} : memref<128x128xf32, #tpu.memory_space<vmem>>, vector<1x16xf32>,
        %swap3A_251 = vector.shape_cast %swap3A_250 : vector<1x16xf32> to vector<16xf32>
        %swap3A_252 = vector.shape_cast %broadcast_in_dim3A_247 : vector<16xf32> to vector<1x16xf32>
        tpu.vector_store %arg5[%swap3A_248, %swap3A_249], %swap3A_252 {strides = array<i32>} : memref<128x128xf32, #tpu.memory_space<vmem>>, vector<1x16xf32>,
        %broadcast_in_dim3A_253 = arith.constant 0.000000e+00 : f32
        %broadcast_in_dim3A_254 = vector.broadcast %broadcast_in_dim3A_253 : f32 to vector<16xf32>
        %swap3A_255 = arith.index_cast %add3A_205 : i32 to index
        %swap3A_256 = arith.constant 112 : index
        %swap3A_257 = tpu.vector_load %arg5[%swap3A_255, %swap3A_256] {strides = array<i32>} : memref<128x128xf32, #tpu.memory_space<vmem>>, vector<1x16xf32>,
        %swap3A_258 = vector.shape_cast %swap3A_257 : vector<1x16xf32> to vector<16xf32>
        %swap3A_259 = vector.shape_cast %broadcast_in_dim3A_254 : vector<16xf32> to vector<1x16xf32>
        tpu.vector_store %arg5[%swap3A_255, %swap3A_256], %swap3A_259 {strides = array<i32>} : memref<128x128xf32, #tpu.memory_space<vmem>>, vector<1x16xf32>,
      }
      %scan3A_190 = arith.constant 128 : i32
      %add3A_191 = arith.constant 0 : i32
      %add3A_192 = arith.addi %mul3A_4, %add3A_191 : i32
      "tpu.region"() ({
        %run_scoped3A = tpu.sem_alloc : memref<!tpu.dma_semaphore, #tpu.memory_space<semaphore_mem>>
        %dma_start3A_201 = arith.constant 0 : i32
        %dma_start3A_202 = tpu.memref_slice %arg11[%add3A_192, %dma_start3A_201] : memref<10112x128xf32, #tpu.memory_space<vmem_shared>> -> memref<128x128xf32, #tpu.memory_space<vmem_shared>>
        %dma_start3A_203 = arith.constant 0 : i32
        %dma_start3A_204 = tpu.memref_slice %arg11[%add3A_192, %dma_start3A_203] : memref<10112x128xf32, #tpu.memory_space<vmem_shared>> -> memref<128x128xf32, #tpu.memory_space<vmem_shared>>
        tpu.enqueue_dma source(%arg5 : memref<128x128xf32, #tpu.memory_space<vmem>>) target(%dma_start3A_204 : memref<128x128xf32, #tpu.memory_space<vmem_shared>>) target_semaphore(%run_scoped3A : memref<!tpu.dma_semaphore, #tpu.memory_space<semaphore_mem>>)
        %dma_wait3A_205 = arith.constant 0 : i32
        %dma_wait3A_206 = tpu.memref_slice %arg11[%add3A_192, %dma_wait3A_205] : memref<10112x128xf32, #tpu.memory_space<vmem_shared>> -> memref<128x128xf32, #tpu.memory_space<vmem_shared>>
        %dma_wait3A_207 = arith.constant 0 : i32
        %dma_wait3A_208 = tpu.memref_slice %arg11[%add3A_192, %dma_wait3A_207] : memref<10112x128xf32, #tpu.memory_space<vmem_shared>> -> memref<128x128xf32, #tpu.memory_space<vmem_shared>>
        tpu.wait_dma2 semaphore(%run_scoped3A : memref<!tpu.dma_semaphore, #tpu.memory_space<semaphore_mem>>) src(%arg5 : memref<128x128xf32, #tpu.memory_space<vmem>>) dst(%dma_wait3A_208 : memref<128x128xf32, #tpu.memory_space<vmem_shared>>)
        tpu.yield
      }) : () -> ()
      %add3A_193 = arith.constant 128 : i32
      %add3A_194 = arith.addi %mul3A_4, %add3A_193 : i32
      "tpu.region"() ({
        %run_scoped3A = tpu.sem_alloc : memref<!tpu.dma_semaphore, #tpu.memory_space<semaphore_mem>>
        %dma_start3A_201 = arith.constant 0 : i32
        %dma_start3A_202 = tpu.memref_slice %arg11[%add3A_194, %dma_start3A_201] : memref<10112x128xf32, #tpu.memory_space<vmem_shared>> -> memref<128x128xf32, #tpu.memory_space<vmem_shared>>
        %dma_start3A_203 = arith.constant 0 : i32
        %dma_start3A_204 = tpu.memref_slice %arg11[%add3A_194, %dma_start3A_203] : memref<10112x128xf32, #tpu.memory_space<vmem_shared>> -> memref<128x128xf32, #tpu.memory_space<vmem_shared>>
        tpu.enqueue_dma source(%arg5 : memref<128x128xf32, #tpu.memory_space<vmem>>) target(%dma_start3A_204 : memref<128x128xf32, #tpu.memory_space<vmem_shared>>) target_semaphore(%run_scoped3A : memref<!tpu.dma_semaphore, #tpu.memory_space<semaphore_mem>>)
        %dma_wait3A_205 = arith.constant 0 : i32
        %dma_wait3A_206 = tpu.memref_slice %arg11[%add3A_194, %dma_wait3A_205] : memref<10112x128xf32, #tpu.memory_space<vmem_shared>> -> memref<128x128xf32, #tpu.memory_space<vmem_shared>>
        %dma_wait3A_207 = arith.constant 0 : i32
        %dma_wait3A_208 = tpu.memref_slice %arg11[%add3A_194, %dma_wait3A_207] : memref<10112x128xf32, #tpu.memory_space<vmem_shared>> -> memref<128x128xf32, #tpu.memory_space<vmem_shared>>
        tpu.wait_dma2 semaphore(%run_scoped3A : memref<!tpu.dma_semaphore, #tpu.memory_space<semaphore_mem>>) src(%arg5 : memref<128x128xf32, #tpu.memory_space<vmem>>) dst(%dma_wait3A_208 : memref<128x128xf32, #tpu.memory_space<vmem_shared>>)
        tpu.yield
      }) : () -> ()
      %add3A_195 = arith.constant 256 : i32
      %add3A_196 = arith.addi %mul3A_4, %add3A_195 : i32
      "tpu.region"() ({
        %run_scoped3A = tpu.sem_alloc : memref<!tpu.dma_semaphore, #tpu.memory_space<semaphore_mem>>
        %dma_start3A_201 = arith.constant 0 : i32
        %dma_start3A_202 = tpu.memref_slice %arg11[%add3A_196, %dma_start3A_201] : memref<10112x128xf32, #tpu.memory_space<vmem_shared>> -> memref<128x128xf32, #tpu.memory_space<vmem_shared>>
        %dma_start3A_203 = arith.constant 0 : i32
        %dma_start3A_204 = tpu.memref_slice %arg11[%add3A_196, %dma_start3A_203] : memref<10112x128xf32, #tpu.memory_space<vmem_shared>> -> memref<128x128xf32, #tpu.memory_space<vmem_shared>>
        tpu.enqueue_dma source(%arg5 : memref<128x128xf32, #tpu.memory_space<vmem>>) target(%dma_start3A_204 : memref<128x128xf32, #tpu.memory_space<vmem_shared>>) target_semaphore(%run_scoped3A : memref<!tpu.dma_semaphore, #tpu.memory_space<semaphore_mem>>)
        %dma_wait3A_205 = arith.constant 0 : i32
        %dma_wait3A_206 = tpu.memref_slice %arg11[%add3A_196, %dma_wait3A_205] : memref<10112x128xf32, #tpu.memory_space<vmem_shared>> -> memref<128x128xf32, #tpu.memory_space<vmem_shared>>
        %dma_wait3A_207 = arith.constant 0 : i32
        %dma_wait3A_208 = tpu.memref_slice %arg11[%add3A_196, %dma_wait3A_207] : memref<10112x128xf32, #tpu.memory_space<vmem_shared>> -> memref<128x128xf32, #tpu.memory_space<vmem_shared>>
        tpu.wait_dma2 semaphore(%run_scoped3A : memref<!tpu.dma_semaphore, #tpu.memory_space<semaphore_mem>>) src(%arg5 : memref<128x128xf32, #tpu.memory_space<vmem>>) dst(%dma_wait3A_208 : memref<128x128xf32, #tpu.memory_space<vmem_shared>>)
        tpu.yield
      }) : () -> ()
      %add3A_197 = arith.constant 384 : i32
      %add3A_198 = arith.addi %mul3A_4, %add3A_197 : i32
      "tpu.region"() ({
        %run_scoped3A = tpu.sem_alloc : memref<!tpu.dma_semaphore, #tpu.memory_space<semaphore_mem>>
        %dma_start3A_201 = arith.constant 0 : i32
        %dma_start3A_202 = tpu.memref_slice %arg11[%add3A_198, %dma_start3A_201] : memref<10112x128xf32, #tpu.memory_space<vmem_shared>> -> memref<128x128xf32, #tpu.memory_space<vmem_shared>>
        %dma_start3A_203 = arith.constant 0 : i32
        %dma_start3A_204 = tpu.memref_slice %arg11[%add3A_198, %dma_start3A_203] : memref<10112x128xf32, #tpu.memory_space<vmem_shared>> -> memref<128x128xf32, #tpu.memory_space<vmem_shared>>
        tpu.enqueue_dma source(%arg5 : memref<128x128xf32, #tpu.memory_space<vmem>>) target(%dma_start3A_204 : memref<128x128xf32, #tpu.memory_space<vmem_shared>>) target_semaphore(%run_scoped3A : memref<!tpu.dma_semaphore, #tpu.memory_space<semaphore_mem>>)
        %dma_wait3A_205 = arith.constant 0 : i32
        %dma_wait3A_206 = tpu.memref_slice %arg11[%add3A_198, %dma_wait3A_205] : memref<10112x128xf32, #tpu.memory_space<vmem_shared>> -> memref<128x128xf32, #tpu.memory_space<vmem_shared>>
        %dma_wait3A_207 = arith.constant 0 : i32
        %dma_wait3A_208 = tpu.memref_slice %arg11[%add3A_198, %dma_wait3A_207] : memref<10112x128xf32, #tpu.memory_space<vmem_shared>> -> memref<128x128xf32, #tpu.memory_space<vmem_shared>>
        tpu.wait_dma2 semaphore(%run_scoped3A : memref<!tpu.dma_semaphore, #tpu.memory_space<semaphore_mem>>) src(%arg5 : memref<128x128xf32, #tpu.memory_space<vmem>>) dst(%dma_wait3A_208 : memref<128x128xf32, #tpu.memory_space<vmem_shared>>)
        tpu.yield
      }) : () -> ()
      %add3A_199 = arith.constant 512 : i32
      %add3A_200 = arith.addi %mul3A_4, %add3A_199 : i32
      "tpu.region"() ({
        %run_scoped3A = tpu.sem_alloc : memref<!tpu.dma_semaphore, #tpu.memory_space<semaphore_mem>>
        %dma_start3A_201 = arith.constant 0 : i32
        %dma_start3A_202 = arith.constant 0 : i32
        %dma_start3A_203 = tpu.memref_slice %arg5[%dma_start3A_201, %dma_start3A_202] : memref<128x128xf32, #tpu.memory_space<vmem>> -> memref<120x128xf32, #tpu.memory_space<vmem>>
        %dma_start3A_204 = arith.constant 0 : i32
        %dma_start3A_205 = tpu.memref_slice %arg11[%add3A_200, %dma_start3A_204] : memref<10112x128xf32, #tpu.memory_space<vmem_shared>> -> memref<120x128xf32, #tpu.memory_space<vmem_shared>>
        %dma_start3A_206 = arith.constant 0 : i32
        %dma_start3A_207 = tpu.memref_slice %arg11[%add3A_200, %dma_start3A_206] : memref<10112x128xf32, #tpu.memory_space<vmem_shared>> -> memref<120x128xf32, #tpu.memory_space<vmem_shared>>
        %dma_start3A_208 = arith.constant 0 : i32
        %dma_start3A_209 = arith.constant 0 : i32
        %dma_start3A_210 = tpu.memref_slice %arg5[%dma_start3A_208, %dma_start3A_209] : memref<128x128xf32, #tpu.memory_space<vmem>> -> memref<120x128xf32, #tpu.memory_space<vmem>>
        tpu.enqueue_dma source(%dma_start3A_210 : memref<120x128xf32, #tpu.memory_space<vmem>>) target(%dma_start3A_207 : memref<120x128xf32, #tpu.memory_space<vmem_shared>>) target_semaphore(%run_scoped3A : memref<!tpu.dma_semaphore, #tpu.memory_space<semaphore_mem>>)
        %dma_wait3A_211 = arith.constant 0 : i32
        %dma_wait3A_212 = arith.constant 0 : i32
        %dma_wait3A_213 = tpu.memref_slice %arg5[%dma_wait3A_211, %dma_wait3A_212] : memref<128x128xf32, #tpu.memory_space<vmem>> -> memref<120x128xf32, #tpu.memory_space<vmem>>
        %dma_wait3A_214 = arith.constant 0 : i32
        %dma_wait3A_215 = tpu.memref_slice %arg11[%add3A_200, %dma_wait3A_214] : memref<10112x128xf32, #tpu.memory_space<vmem_shared>> -> memref<120x128xf32, #tpu.memory_space<vmem_shared>>
        %dma_wait3A_216 = arith.constant 0 : i32
        %dma_wait3A_217 = tpu.memref_slice %arg11[%add3A_200, %dma_wait3A_216] : memref<10112x128xf32, #tpu.memory_space<vmem_shared>> -> memref<120x128xf32, #tpu.memory_space<vmem_shared>>
        %dma_wait3A_218 = arith.constant 0 : i32
        %dma_wait3A_219 = arith.constant 0 : i32
        %dma_wait3A_220 = tpu.memref_slice %arg5[%dma_wait3A_218, %dma_wait3A_219] : memref<128x128xf32, #tpu.memory_space<vmem>> -> memref<120x128xf32, #tpu.memory_space<vmem>>
        tpu.wait_dma2 semaphore(%run_scoped3A : memref<!tpu.dma_semaphore, #tpu.memory_space<semaphore_mem>>) src(%dma_wait3A_220 : memref<120x128xf32, #tpu.memory_space<vmem>>) dst(%dma_wait3A_217 : memref<120x128xf32, #tpu.memory_space<vmem_shared>>)
        tpu.yield
      }) : () -> ()
    } else {
    }
    %barrier3A = arith.constant 0 : index
    tpu.barrier barrier_id(%barrier3A)
    %add3A_20 = arith.constant 0 : i32
    %add3A_21 = arith.addi %mul3A_2, %add3A_20 : i32
    %dma_start3A = arith.constant 0 : i32
    %dma_start3A_22 = tpu.memref_slice %arg2[%dma_start3A, %add3A_21] : memref<2x327680xi32, #tpu.memory_space<hbm>> -> memref<2x128xi32, #tpu.memory_space<hbm>>
    %dma_start3A_23 = arith.constant 0 : i32
    %dma_start3A_24 = tpu.memref_slice %arg2[%dma_start3A_23, %add3A_21] : memref<2x327680xi32, #tpu.memory_space<hbm>> -> memref<2x128xi32, #tpu.memory_space<hbm>>
    tpu.enqueue_dma source(%dma_start3A_24 : memref<2x128xi32, #tpu.memory_space<hbm>>) target(%arg7 : memref<2x128xi32, #tpu.memory_space<vmem>>) target_semaphore(%arg12 : memref<!tpu.dma_semaphore, #tpu.memory_space<semaphore_mem>>)
    %add3A_25 = arith.constant 128 : i32
    %add3A_26 = arith.addi %mul3A_2, %add3A_25 : i32
    %dma_start3A_27 = arith.constant 0 : i32
    %dma_start3A_28 = tpu.memref_slice %arg2[%dma_start3A_27, %add3A_26] : memref<2x327680xi32, #tpu.memory_space<hbm>> -> memref<2x128xi32, #tpu.memory_space<hbm>>
    %dma_start3A_29 = arith.constant 0 : i32
    %dma_start3A_30 = tpu.memref_slice %arg2[%dma_start3A_29, %add3A_26] : memref<2x327680xi32, #tpu.memory_space<hbm>> -> memref<2x128xi32, #tpu.memory_space<hbm>>
    tpu.enqueue_dma source(%dma_start3A_30 : memref<2x128xi32, #tpu.memory_space<hbm>>) target(%arg8 : memref<2x128xi32, #tpu.memory_space<vmem>>) target_semaphore(%arg13 : memref<!tpu.dma_semaphore, #tpu.memory_space<semaphore_mem>>)
    %add3A_31 = arith.constant 256 : i32
    %add3A_32 = arith.addi %mul3A_2, %add3A_31 : i32
    %dma_start3A_33 = arith.constant 0 : i32
    %dma_start3A_34 = tpu.memref_slice %arg2[%dma_start3A_33, %add3A_32] : memref<2x327680xi32, #tpu.memory_space<hbm>> -> memref<2x128xi32, #tpu.memory_space<hbm>>
    %dma_start3A_35 = arith.constant 0 : i32
    %dma_start3A_36 = tpu.memref_slice %arg2[%dma_start3A_35, %add3A_32] : memref<2x327680xi32, #tpu.memory_space<hbm>> -> memref<2x128xi32, #tpu.memory_space<hbm>>
    tpu.enqueue_dma source(%dma_start3A_36 : memref<2x128xi32, #tpu.memory_space<hbm>>) target(%arg9 : memref<2x128xi32, #tpu.memory_space<vmem>>) target_semaphore(%arg14 : memref<!tpu.dma_semaphore, #tpu.memory_space<semaphore_mem>>)
    %add3A_37 = arith.constant 384 : i32
    %add3A_38 = arith.addi %mul3A_2, %add3A_37 : i32
    %dma_start3A_39 = arith.constant 0 : i32
    %dma_start3A_40 = tpu.memref_slice %arg2[%dma_start3A_39, %add3A_38] : memref<2x327680xi32, #tpu.memory_space<hbm>> -> memref<2x128xi32, #tpu.memory_space<hbm>>
    %dma_start3A_41 = arith.constant 0 : i32
    %dma_start3A_42 = tpu.memref_slice %arg2[%dma_start3A_41, %add3A_38] : memref<2x327680xi32, #tpu.memory_space<hbm>> -> memref<2x128xi32, #tpu.memory_space<hbm>>
    tpu.enqueue_dma source(%dma_start3A_42 : memref<2x128xi32, #tpu.memory_space<hbm>>) target(%arg10 : memref<2x128xi32, #tpu.memory_space<vmem>>) target_semaphore(%arg15 : memref<!tpu.dma_semaphore, #tpu.memory_space<semaphore_mem>>)
    %dma_wait3A = arith.constant 0 : i32
    %dma_wait3A_43 = arith.constant 0 : i32
    %dma_wait3A_44 = tpu.memref_slice %arg2[%dma_wait3A, %dma_wait3A_43] : memref<2x327680xi32, #tpu.memory_space<hbm>> -> memref<2x128xi32, #tpu.memory_space<hbm>>
    %dma_wait3A_45 = arith.constant 0 : i32
    %dma_wait3A_46 = arith.constant 0 : i32
    %dma_wait3A_47 = tpu.memref_slice %arg2[%dma_wait3A_45, %dma_wait3A_46] : memref<2x327680xi32, #tpu.memory_space<hbm>> -> memref<2x128xi32, #tpu.memory_space<hbm>>
    tpu.wait_dma2 semaphore(%arg12 : memref<!tpu.dma_semaphore, #tpu.memory_space<semaphore_mem>>) src(%dma_wait3A_47 : memref<2x128xi32, #tpu.memory_space<hbm>>) dst(%arg7 : memref<2x128xi32, #tpu.memory_space<vmem>>)
    %dma_start3A_48 = arith.constant 0 : i32
    %dma_start3A_49 = arith.constant 0 : i32
    %dma_start3A_50 = tpu.memref_slice %arg7[%dma_start3A_48, %dma_start3A_49] : memref<2x128xi32, #tpu.memory_space<vmem>> -> memref<1x128xi32, #tpu.memory_space<vmem>>
    %dma_start3A_51 = tpu.memref_squeeze %dma_start3A_50 : memref<1x128xi32, #tpu.memory_space<vmem>> -> memref<128xi32, #tpu.memory_space<vmem>>
    %dma_start3A_52 = arith.constant 0 : i32
    %dma_start3A_53 = arith.constant 0 : i32
    %dma_start3A_54 = tpu.memref_slice %arg3[%dma_start3A_52, %dma_start3A_53] : memref<10000x128xf32, #tpu.memory_space<hbm>> -> memref<10000x128xf32, #tpu.memory_space<hbm>>
    tpu.enqueue_indirect_dma source(%dma_start3A_54 : memref<10000x128xf32, #tpu.memory_space<hbm>>) target(%arg5 : memref<128x128xf32, #tpu.memory_space<vmem>>) offsets(%dma_start3A_51 : memref<128xi32, #tpu.memory_space<vmem>>) semaphore(%arg16 : memref<!tpu.dma_semaphore, #tpu.memory_space<semaphore_mem>>)
    %dma_wait3A_55 = arith.constant 0 : i32
    %dma_wait3A_56 = arith.constant 0 : i32
    %dma_wait3A_57 = tpu.memref_slice %arg2[%dma_wait3A_55, %dma_wait3A_56] : memref<2x327680xi32, #tpu.memory_space<hbm>> -> memref<2x128xi32, #tpu.memory_space<hbm>>
    %dma_wait3A_58 = arith.constant 0 : i32
    %dma_wait3A_59 = arith.constant 0 : i32
    %dma_wait3A_60 = tpu.memref_slice %arg2[%dma_wait3A_58, %dma_wait3A_59] : memref<2x327680xi32, #tpu.memory_space<hbm>> -> memref<2x128xi32, #tpu.memory_space<hbm>>
    tpu.wait_dma2 semaphore(%arg13 : memref<!tpu.dma_semaphore, #tpu.memory_space<semaphore_mem>>) src(%dma_wait3A_60 : memref<2x128xi32, #tpu.memory_space<hbm>>) dst(%arg8 : memref<2x128xi32, #tpu.memory_space<vmem>>)
    %dma_start3A_61 = arith.constant 0 : i32
    %dma_start3A_62 = arith.constant 0 : i32
    %dma_start3A_63 = tpu.memref_slice %arg8[%dma_start3A_61, %dma_start3A_62] : memref<2x128xi32, #tpu.memory_space<vmem>> -> memref<1x128xi32, #tpu.memory_space<vmem>>
    %dma_start3A_64 = tpu.memref_squeeze %dma_start3A_63 : memref<1x128xi32, #tpu.memory_space<vmem>> -> memref<128xi32, #tpu.memory_space<vmem>>
    %dma_start3A_65 = arith.constant 0 : i32
    %dma_start3A_66 = arith.constant 0 : i32
    %dma_start3A_67 = tpu.memref_slice %arg3[%dma_start3A_65, %dma_start3A_66] : memref<10000x128xf32, #tpu.memory_space<hbm>> -> memref<10000x128xf32, #tpu.memory_space<hbm>>
    tpu.enqueue_indirect_dma source(%dma_start3A_67 : memref<10000x128xf32, #tpu.memory_space<hbm>>) target(%arg6 : memref<128x128xf32, #tpu.memory_space<vmem>>) offsets(%dma_start3A_64 : memref<128xi32, #tpu.memory_space<vmem>>) semaphore(%arg17 : memref<!tpu.dma_semaphore, #tpu.memory_space<semaphore_mem>>)
    %scan3A = arith.constant 0 : i32
    %scan3A_68 = arith.constant 19 : i32
    %scan3A_69 = arith.addi %scan3A, %scan3A_68 : i32
    %scan3A_70 = arith.constant 1 : i32
    scf.for %scan3A_186 = %scan3A to %scan3A_69 step %scan3A_70  : i32 {
      %mul3A_187 = arith.constant 1 : i32
      %mul3A_188 = arith.muli %scan3A_186, %mul3A_187 : i32
      %add3A_189 = arith.constant 0 : i32
      %add3A_190 = arith.addi %add3A_189, %mul3A_188 : i32
      %mul3A_191 = arith.constant 4 : i32
      %mul3A_192 = arith.muli %add3A_190, %mul3A_191 : i32
      %add3A_193 = arith.constant 0 : i32
      %add3A_194 = arith.addi %mul3A_192, %add3A_193 : i32
      %dma_wait3A_195 = arith.constant 0 : i32
      %dma_wait3A_196 = arith.constant 0 : i32
      %dma_wait3A_197 = tpu.memref_slice %arg7[%dma_wait3A_195, %dma_wait3A_196] : memref<2x128xi32, #tpu.memory_space<vmem>> -> memref<1x128xi32, #tpu.memory_space<vmem>>
      %dma_wait3A_198 = tpu.memref_squeeze %dma_wait3A_197 : memref<1x128xi32, #tpu.memory_space<vmem>> -> memref<128xi32, #tpu.memory_space<vmem>>
      %dma_wait3A_199 = arith.constant 0 : i32
      %dma_wait3A_200 = arith.constant 0 : i32
      %dma_wait3A_201 = tpu.memref_slice %arg3[%dma_wait3A_199, %dma_wait3A_200] : memref<10000x128xf32, #tpu.memory_space<hbm>> -> memref<10000x128xf32, #tpu.memory_space<hbm>>
      tpu.wait_indirect_dma semaphore(%arg16 : memref<!tpu.dma_semaphore, #tpu.memory_space<semaphore_mem>>) src(%dma_wait3A_201 : memref<10000x128xf32, #tpu.memory_space<hbm>>) dst(%arg5 : memref<128x128xf32, #tpu.memory_space<vmem>>)
      %dma_start3A_202 = arith.constant 1 : i32
      %dma_start3A_203 = arith.constant 0 : i32
      %dma_start3A_204 = tpu.memref_slice %arg7[%dma_start3A_202, %dma_start3A_203] : memref<2x128xi32, #tpu.memory_space<vmem>> -> memref<1x128xi32, #tpu.memory_space<vmem>>
      %dma_start3A_205 = tpu.memref_squeeze %dma_start3A_204 : memref<1x128xi32, #tpu.memory_space<vmem>> -> memref<128xi32, #tpu.memory_space<vmem>>
      %dma_start3A_206 = arith.constant 0 : i32
      %dma_start3A_207 = arith.constant 0 : i32
      %dma_start3A_208 = tpu.memref_slice %arg11[%dma_start3A_206, %dma_start3A_207] : memref<10112x128xf32, #tpu.memory_space<vmem_shared>> -> memref<10112x128xf32, #tpu.memory_space<vmem_shared>>
      tpu.enqueue_indirect_dma source(%arg5 : memref<128x128xf32, #tpu.memory_space<vmem>>) target(%dma_start3A_208 : memref<10112x128xf32, #tpu.memory_space<vmem_shared>>) offsets(%dma_start3A_205 : memref<128xi32, #tpu.memory_space<vmem>>) semaphore(%arg18 : memref<!tpu.dma_semaphore, #tpu.memory_space<semaphore_mem>>) {add = true}
      %dma_wait3A_209 = arith.constant 1 : i32
      %dma_wait3A_210 = arith.constant 0 : i32
      %dma_wait3A_211 = tpu.memref_slice %arg7[%dma_wait3A_209, %dma_wait3A_210] : memref<2x128xi32, #tpu.memory_space<vmem>> -> memref<1x128xi32, #tpu.memory_space<vmem>>
      %dma_wait3A_212 = tpu.memref_squeeze %dma_wait3A_211 : memref<1x128xi32, #tpu.memory_space<vmem>> -> memref<128xi32, #tpu.memory_space<vmem>>
      %dma_wait3A_213 = arith.constant 0 : i32
      %dma_wait3A_214 = arith.constant 0 : i32
      %dma_wait3A_215 = tpu.memref_slice %arg11[%dma_wait3A_213, %dma_wait3A_214] : memref<10112x128xf32, #tpu.memory_space<vmem_shared>> -> memref<10112x128xf32, #tpu.memory_space<vmem_shared>>
      tpu.wait_indirect_dma semaphore(%arg18 : memref<!tpu.dma_semaphore, #tpu.memory_space<semaphore_mem>>) src(%arg5 : memref<128x128xf32, #tpu.memory_space<vmem>>) dst(%dma_wait3A_215 : memref<10112x128xf32, #tpu.memory_space<vmem_shared>>)
      %add3A_216 = arith.constant 4 : i32
      %add3A_217 = arith.addi %add3A_194, %add3A_216 : i32
      %mul3A_218 = arith.constant 128 : i32
      %mul3A_219 = arith.muli %add3A_217, %mul3A_218 : i32
      %add3A_220 = arith.addi %mul3A_2, %mul3A_219 : i32
      %dma_start3A_221 = arith.constant 0 : i32
      %dma_start3A_222 = tpu.memref_slice %arg2[%dma_start3A_221, %add3A_220] : memref<2x327680xi32, #tpu.memory_space<hbm>> -> memref<2x128xi32, #tpu.memory_space<hbm>>
      %dma_start3A_223 = arith.constant 0 : i32
      %dma_start3A_224 = tpu.memref_slice %arg2[%dma_start3A_223, %add3A_220] : memref<2x327680xi32, #tpu.memory_space<hbm>> -> memref<2x128xi32, #tpu.memory_space<hbm>>
      tpu.enqueue_dma source(%dma_start3A_224 : memref<2x128xi32, #tpu.memory_space<hbm>>) target(%arg7 : memref<2x128xi32, #tpu.memory_space<vmem>>) target_semaphore(%arg12 : memref<!tpu.dma_semaphore, #tpu.memory_space<semaphore_mem>>)
      %dma_wait3A_225 = arith.constant 0 : i32
      %dma_wait3A_226 = arith.constant 0 : i32
      %dma_wait3A_227 = tpu.memref_slice %arg2[%dma_wait3A_225, %dma_wait3A_226] : memref<2x327680xi32, #tpu.memory_space<hbm>> -> memref<2x128xi32, #tpu.memory_space<hbm>>
      %dma_wait3A_228 = arith.constant 0 : i32
      %dma_wait3A_229 = arith.constant 0 : i32
      %dma_wait3A_230 = tpu.memref_slice %arg2[%dma_wait3A_228, %dma_wait3A_229] : memref<2x327680xi32, #tpu.memory_space<hbm>> -> memref<2x128xi32, #tpu.memory_space<hbm>>
      tpu.wait_dma2 semaphore(%arg14 : memref<!tpu.dma_semaphore, #tpu.memory_space<semaphore_mem>>) src(%dma_wait3A_230 : memref<2x128xi32, #tpu.memory_space<hbm>>) dst(%arg9 : memref<2x128xi32, #tpu.memory_space<vmem>>)
      %dma_start3A_231 = arith.constant 0 : i32
      %dma_start3A_232 = arith.constant 0 : i32
      %dma_start3A_233 = tpu.memref_slice %arg9[%dma_start3A_231, %dma_start3A_232] : memref<2x128xi32, #tpu.memory_space<vmem>> -> memref<1x128xi32, #tpu.memory_space<vmem>>
      %dma_start3A_234 = tpu.memref_squeeze %dma_start3A_233 : memref<1x128xi32, #tpu.memory_space<vmem>> -> memref<128xi32, #tpu.memory_space<vmem>>
      %dma_start3A_235 = arith.constant 0 : i32
      %dma_start3A_236 = arith.constant 0 : i32
      %dma_start3A_237 = tpu.memref_slice %arg3[%dma_start3A_235, %dma_start3A_236] : memref<10000x128xf32, #tpu.memory_space<hbm>> -> memref<10000x128xf32, #tpu.memory_space<hbm>>
      tpu.enqueue_indirect_dma source(%dma_start3A_237 : memref<10000x128xf32, #tpu.memory_space<hbm>>) target(%arg5 : memref<128x128xf32, #tpu.memory_space<vmem>>) offsets(%dma_start3A_234 : memref<128xi32, #tpu.memory_space<vmem>>) semaphore(%arg16 : memref<!tpu.dma_semaphore, #tpu.memory_space<semaphore_mem>>)
      %mul3A_238 = arith.constant 4 : i32
      %mul3A_239 = arith.muli %add3A_190, %mul3A_238 : i32
      %add3A_240 = arith.constant 1 : i32
      %add3A_241 = arith.addi %mul3A_239, %add3A_240 : i32
      %dma_wait3A_242 = arith.constant 0 : i32
      %dma_wait3A_243 = arith.constant 0 : i32
      %dma_wait3A_244 = tpu.memref_slice %arg8[%dma_wait3A_242, %dma_wait3A_243] : memref<2x128xi32, #tpu.memory_space<vmem>> -> memref<1x128xi32, #tpu.memory_space<vmem>>
      %dma_wait3A_245 = tpu.memref_squeeze %dma_wait3A_244 : memref<1x128xi32, #tpu.memory_space<vmem>> -> memref<128xi32, #tpu.memory_space<vmem>>
      %dma_wait3A_246 = arith.constant 0 : i32
      %dma_wait3A_247 = arith.constant 0 : i32
      %dma_wait3A_248 = tpu.memref_slice %arg3[%dma_wait3A_246, %dma_wait3A_247] : memref<10000x128xf32, #tpu.memory_space<hbm>> -> memref<10000x128xf32, #tpu.memory_space<hbm>>
      tpu.wait_indirect_dma semaphore(%arg17 : memref<!tpu.dma_semaphore, #tpu.memory_space<semaphore_mem>>) src(%dma_wait3A_248 : memref<10000x128xf32, #tpu.memory_space<hbm>>) dst(%arg6 : memref<128x128xf32, #tpu.memory_space<vmem>>)
      %dma_start3A_249 = arith.constant 1 : i32
      %dma_start3A_250 = arith.constant 0 : i32
      %dma_start3A_251 = tpu.memref_slice %arg8[%dma_start3A_249, %dma_start3A_250] : memref<2x128xi32, #tpu.memory_space<vmem>> -> memref<1x128xi32, #tpu.memory_space<vmem>>
      %dma_start3A_252 = tpu.memref_squeeze %dma_start3A_251 : memref<1x128xi32, #tpu.memory_space<vmem>> -> memref<128xi32, #tpu.memory_space<vmem>>
      %dma_start3A_253 = arith.constant 0 : i32
      %dma_start3A_254 = arith.constant 0 : i32
      %dma_start3A_255 = tpu.memref_slice %arg11[%dma_start3A_253, %dma_start3A_254] : memref<10112x128xf32, #tpu.memory_space<vmem_shared>> -> memref<10112x128xf32, #tpu.memory_space<vmem_shared>>
      tpu.enqueue_indirect_dma source(%arg6 : memref<128x128xf32, #tpu.memory_space<vmem>>) target(%dma_start3A_255 : memref<10112x128xf32, #tpu.memory_space<vmem_shared>>) offsets(%dma_start3A_252 : memref<128xi32, #tpu.memory_space<vmem>>) semaphore(%arg19 : memref<!tpu.dma_semaphore, #tpu.memory_space<semaphore_mem>>) {add = true}
      %dma_wait3A_256 = arith.constant 1 : i32
      %dma_wait3A_257 = arith.constant 0 : i32
      %dma_wait3A_258 = tpu.memref_slice %arg8[%dma_wait3A_256, %dma_wait3A_257] : memref<2x128xi32, #tpu.memory_space<vmem>> -> memref<1x128xi32, #tpu.memory_space<vmem>>
      %dma_wait3A_259 = tpu.memref_squeeze %dma_wait3A_258 : memref<1x128xi32, #tpu.memory_space<vmem>> -> memref<128xi32, #tpu.memory_space<vmem>>
      %dma_wait3A_260 = arith.constant 0 : i32
      %dma_wait3A_261 = arith.constant 0 : i32
      %dma_wait3A_262 = tpu.memref_slice %arg11[%dma_wait3A_260, %dma_wait3A_261] : memref<10112x128xf32, #tpu.memory_space<vmem_shared>> -> memref<10112x128xf32, #tpu.memory_space<vmem_shared>>
      tpu.wait_indirect_dma semaphore(%arg19 : memref<!tpu.dma_semaphore, #tpu.memory_space<semaphore_mem>>) src(%arg6 : memref<128x128xf32, #tpu.memory_space<vmem>>) dst(%dma_wait3A_262 : memref<10112x128xf32, #tpu.memory_space<vmem_shared>>)
      %add3A_263 = arith.constant 4 : i32
      %add3A_264 = arith.addi %add3A_241, %add3A_263 : i32
      %mul3A_265 = arith.constant 128 : i32
      %mul3A_266 = arith.muli %add3A_264, %mul3A_265 : i32
      %add3A_267 = arith.addi %mul3A_2, %mul3A_266 : i32
      %dma_start3A_268 = arith.constant 0 : i32
      %dma_start3A_269 = tpu.memref_slice %arg2[%dma_start3A_268, %add3A_267] : memref<2x327680xi32, #tpu.memory_space<hbm>> -> memref<2x128xi32, #tpu.memory_space<hbm>>
      %dma_start3A_270 = arith.constant 0 : i32
      %dma_start3A_271 = tpu.memref_slice %arg2[%dma_start3A_270, %add3A_267] : memref<2x327680xi32, #tpu.memory_space<hbm>> -> memref<2x128xi32, #tpu.memory_space<hbm>>
      tpu.enqueue_dma source(%dma_start3A_271 : memref<2x128xi32, #tpu.memory_space<hbm>>) target(%arg8 : memref<2x128xi32, #tpu.memory_space<vmem>>) target_semaphore(%arg13 : memref<!tpu.dma_semaphore, #tpu.memory_space<semaphore_mem>>)
      %dma_wait3A_272 = arith.constant 0 : i32
      %dma_wait3A_273 = arith.constant 0 : i32
      %dma_wait3A_274 = tpu.memref_slice %arg2[%dma_wait3A_272, %dma_wait3A_273] : memref<2x327680xi32, #tpu.memory_space<hbm>> -> memref<2x128xi32, #tpu.memory_space<hbm>>
      %dma_wait3A_275 = arith.constant 0 : i32
      %dma_wait3A_276 = arith.constant 0 : i32
      %dma_wait3A_277 = tpu.memref_slice %arg2[%dma_wait3A_275, %dma_wait3A_276] : memref<2x327680xi32, #tpu.memory_space<hbm>> -> memref<2x128xi32, #tpu.memory_space<hbm>>
      tpu.wait_dma2 semaphore(%arg15 : memref<!tpu.dma_semaphore, #tpu.memory_space<semaphore_mem>>) src(%dma_wait3A_277 : memref<2x128xi32, #tpu.memory_space<hbm>>) dst(%arg10 : memref<2x128xi32, #tpu.memory_space<vmem>>)
      %dma_start3A_278 = arith.constant 0 : i32
      %dma_start3A_279 = arith.constant 0 : i32
      %dma_start3A_280 = tpu.memref_slice %arg10[%dma_start3A_278, %dma_start3A_279] : memref<2x128xi32, #tpu.memory_space<vmem>> -> memref<1x128xi32, #tpu.memory_space<vmem>>
      %dma_start3A_281 = tpu.memref_squeeze %dma_start3A_280 : memref<1x128xi32, #tpu.memory_space<vmem>> -> memref<128xi32, #tpu.memory_space<vmem>>
      %dma_start3A_282 = arith.constant 0 : i32
      %dma_start3A_283 = arith.constant 0 : i32
      %dma_start3A_284 = tpu.memref_slice %arg3[%dma_start3A_282, %dma_start3A_283] : memref<10000x128xf32, #tpu.memory_space<hbm>> -> memref<10000x128xf32, #tpu.memory_space<hbm>>
      tpu.enqueue_indirect_dma source(%dma_start3A_284 : memref<10000x128xf32, #tpu.memory_space<hbm>>) target(%arg6 : memref<128x128xf32, #tpu.memory_space<vmem>>) offsets(%dma_start3A_281 : memref<128xi32, #tpu.memory_space<vmem>>) semaphore(%arg17 : memref<!tpu.dma_semaphore, #tpu.memory_space<semaphore_mem>>)
      %mul3A_285 = arith.constant 4 : i32
      %mul3A_286 = arith.muli %add3A_190, %mul3A_285 : i32
      %add3A_287 = arith.constant 2 : i32
      %add3A_288 = arith.addi %mul3A_286, %add3A_287 : i32
      %dma_wait3A_289 = arith.constant 0 : i32
      %dma_wait3A_290 = arith.constant 0 : i32
      %dma_wait3A_291 = tpu.memref_slice %arg9[%dma_wait3A_289, %dma_wait3A_290] : memref<2x128xi32, #tpu.memory_space<vmem>> -> memref<1x128xi32, #tpu.memory_space<vmem>>
      %dma_wait3A_292 = tpu.memref_squeeze %dma_wait3A_291 : memref<1x128xi32, #tpu.memory_space<vmem>> -> memref<128xi32, #tpu.memory_space<vmem>>
      %dma_wait3A_293 = arith.constant 0 : i32
      %dma_wait3A_294 = arith.constant 0 : i32
      %dma_wait3A_295 = tpu.memref_slice %arg3[%dma_wait3A_293, %dma_wait3A_294] : memref<10000x128xf32, #tpu.memory_space<hbm>> -> memref<10000x128xf32, #tpu.memory_space<hbm>>
      tpu.wait_indirect_dma semaphore(%arg16 : memref<!tpu.dma_semaphore, #tpu.memory_space<semaphore_mem>>) src(%dma_wait3A_295 : memref<10000x128xf32, #tpu.memory_space<hbm>>) dst(%arg5 : memref<128x128xf32, #tpu.memory_space<vmem>>)
      %dma_start3A_296 = arith.constant 1 : i32
      %dma_start3A_297 = arith.constant 0 : i32
      %dma_start3A_298 = tpu.memref_slice %arg9[%dma_start3A_296, %dma_start3A_297] : memref<2x128xi32, #tpu.memory_space<vmem>> -> memref<1x128xi32, #tpu.memory_space<vmem>>
      %dma_start3A_299 = tpu.memref_squeeze %dma_start3A_298 : memref<1x128xi32, #tpu.memory_space<vmem>> -> memref<128xi32, #tpu.memory_space<vmem>>
      %dma_start3A_300 = arith.constant 0 : i32
      %dma_start3A_301 = arith.constant 0 : i32
      %dma_start3A_302 = tpu.memref_slice %arg11[%dma_start3A_300, %dma_start3A_301] : memref<10112x128xf32, #tpu.memory_space<vmem_shared>> -> memref<10112x128xf32, #tpu.memory_space<vmem_shared>>
      tpu.enqueue_indirect_dma source(%arg5 : memref<128x128xf32, #tpu.memory_space<vmem>>) target(%dma_start3A_302 : memref<10112x128xf32, #tpu.memory_space<vmem_shared>>) offsets(%dma_start3A_299 : memref<128xi32, #tpu.memory_space<vmem>>) semaphore(%arg18 : memref<!tpu.dma_semaphore, #tpu.memory_space<semaphore_mem>>) {add = true}
      %dma_wait3A_303 = arith.constant 1 : i32
      %dma_wait3A_304 = arith.constant 0 : i32
      %dma_wait3A_305 = tpu.memref_slice %arg9[%dma_wait3A_303, %dma_wait3A_304] : memref<2x128xi32, #tpu.memory_space<vmem>> -> memref<1x128xi32, #tpu.memory_space<vmem>>
      %dma_wait3A_306 = tpu.memref_squeeze %dma_wait3A_305 : memref<1x128xi32, #tpu.memory_space<vmem>> -> memref<128xi32, #tpu.memory_space<vmem>>
      %dma_wait3A_307 = arith.constant 0 : i32
      %dma_wait3A_308 = arith.constant 0 : i32
      %dma_wait3A_309 = tpu.memref_slice %arg11[%dma_wait3A_307, %dma_wait3A_308] : memref<10112x128xf32, #tpu.memory_space<vmem_shared>> -> memref<10112x128xf32, #tpu.memory_space<vmem_shared>>
      tpu.wait_indirect_dma semaphore(%arg18 : memref<!tpu.dma_semaphore, #tpu.memory_space<semaphore_mem>>) src(%arg5 : memref<128x128xf32, #tpu.memory_space<vmem>>) dst(%dma_wait3A_309 : memref<10112x128xf32, #tpu.memory_space<vmem_shared>>)
      %add3A_310 = arith.constant 4 : i32
      %add3A_311 = arith.addi %add3A_288, %add3A_310 : i32
      %mul3A_312 = arith.constant 128 : i32
      %mul3A_313 = arith.muli %add3A_311, %mul3A_312 : i32
      %add3A_314 = arith.addi %mul3A_2, %mul3A_313 : i32
      %dma_start3A_315 = arith.constant 0 : i32
      %dma_start3A_316 = tpu.memref_slice %arg2[%dma_start3A_315, %add3A_314] : memref<2x327680xi32, #tpu.memory_space<hbm>> -> memref<2x128xi32, #tpu.memory_space<hbm>>
      %dma_start3A_317 = arith.constant 0 : i32
      %dma_start3A_318 = tpu.memref_slice %arg2[%dma_start3A_317, %add3A_314] : memref<2x327680xi32, #tpu.memory_space<hbm>> -> memref<2x128xi32, #tpu.memory_space<hbm>>
      tpu.enqueue_dma source(%dma_start3A_318 : memref<2x128xi32, #tpu.memory_space<hbm>>) target(%arg9 : memref<2x128xi32, #tpu.memory_space<vmem>>) target_semaphore(%arg14 : memref<!tpu.dma_semaphore, #tpu.memory_space<semaphore_mem>>)
      %dma_wait3A_319 = arith.constant 0 : i32
      %dma_wait3A_320 = arith.constant 0 : i32
      %dma_wait3A_321 = tpu.memref_slice %arg2[%dma_wait3A_319, %dma_wait3A_320] : memref<2x327680xi32, #tpu.memory_space<hbm>> -> memref<2x128xi32, #tpu.memory_space<hbm>>
      %dma_wait3A_322 = arith.constant 0 : i32
      %dma_wait3A_323 = arith.constant 0 : i32
      %dma_wait3A_324 = tpu.memref_slice %arg2[%dma_wait3A_322, %dma_wait3A_323] : memref<2x327680xi32, #tpu.memory_space<hbm>> -> memref<2x128xi32, #tpu.memory_space<hbm>>
      tpu.wait_dma2 semaphore(%arg12 : memref<!tpu.dma_semaphore, #tpu.memory_space<semaphore_mem>>) src(%dma_wait3A_324 : memref<2x128xi32, #tpu.memory_space<hbm>>) dst(%arg7 : memref<2x128xi32, #tpu.memory_space<vmem>>)
      %dma_start3A_325 = arith.constant 0 : i32
      %dma_start3A_326 = arith.constant 0 : i32
      %dma_start3A_327 = tpu.memref_slice %arg7[%dma_start3A_325, %dma_start3A_326] : memref<2x128xi32, #tpu.memory_space<vmem>> -> memref<1x128xi32, #tpu.memory_space<vmem>>
      %dma_start3A_328 = tpu.memref_squeeze %dma_start3A_327 : memref<1x128xi32, #tpu.memory_space<vmem>> -> memref<128xi32, #tpu.memory_space<vmem>>
      %dma_start3A_329 = arith.constant 0 : i32
      %dma_start3A_330 = arith.constant 0 : i32
      %dma_start3A_331 = tpu.memref_slice %arg3[%dma_start3A_329, %dma_start3A_330] : memref<10000x128xf32, #tpu.memory_space<hbm>> -> memref<10000x128xf32, #tpu.memory_space<hbm>>
      tpu.enqueue_indirect_dma source(%dma_start3A_331 : memref<10000x128xf32, #tpu.memory_space<hbm>>) target(%arg5 : memref<128x128xf32, #tpu.memory_space<vmem>>) offsets(%dma_start3A_328 : memref<128xi32, #tpu.memory_space<vmem>>) semaphore(%arg16 : memref<!tpu.dma_semaphore, #tpu.memory_space<semaphore_mem>>)
      %mul3A_332 = arith.constant 4 : i32
      %mul3A_333 = arith.muli %add3A_190, %mul3A_332 : i32
      %add3A_334 = arith.constant 3 : i32
      %add3A_335 = arith.addi %mul3A_333, %add3A_334 : i32
      %dma_wait3A_336 = arith.constant 0 : i32
      %dma_wait3A_337 = arith.constant 0 : i32
      %dma_wait3A_338 = tpu.memref_slice %arg10[%dma_wait3A_336, %dma_wait3A_337] : memref<2x128xi32, #tpu.memory_space<vmem>> -> memref<1x128xi32, #tpu.memory_space<vmem>>
      %dma_wait3A_339 = tpu.memref_squeeze %dma_wait3A_338 : memref<1x128xi32, #tpu.memory_space<vmem>> -> memref<128xi32, #tpu.memory_space<vmem>>
      %dma_wait3A_340 = arith.constant 0 : i32
      %dma_wait3A_341 = arith.constant 0 : i32
      %dma_wait3A_342 = tpu.memref_slice %arg3[%dma_wait3A_340, %dma_wait3A_341] : memref<10000x128xf32, #tpu.memory_space<hbm>> -> memref<10000x128xf32, #tpu.memory_space<hbm>>
      tpu.wait_indirect_dma semaphore(%arg17 : memref<!tpu.dma_semaphore, #tpu.memory_space<semaphore_mem>>) src(%dma_wait3A_342 : memref<10000x128xf32, #tpu.memory_space<hbm>>) dst(%arg6 : memref<128x128xf32, #tpu.memory_space<vmem>>)
      %dma_start3A_343 = arith.constant 1 : i32
      %dma_start3A_344 = arith.constant 0 : i32
      %dma_start3A_345 = tpu.memref_slice %arg10[%dma_start3A_343, %dma_start3A_344] : memref<2x128xi32, #tpu.memory_space<vmem>> -> memref<1x128xi32, #tpu.memory_space<vmem>>
      %dma_start3A_346 = tpu.memref_squeeze %dma_start3A_345 : memref<1x128xi32, #tpu.memory_space<vmem>> -> memref<128xi32, #tpu.memory_space<vmem>>
      %dma_start3A_347 = arith.constant 0 : i32
      %dma_start3A_348 = arith.constant 0 : i32
      %dma_start3A_349 = tpu.memref_slice %arg11[%dma_start3A_347, %dma_start3A_348] : memref<10112x128xf32, #tpu.memory_space<vmem_shared>> -> memref<10112x128xf32, #tpu.memory_space<vmem_shared>>
      tpu.enqueue_indirect_dma source(%arg6 : memref<128x128xf32, #tpu.memory_space<vmem>>) target(%dma_start3A_349 : memref<10112x128xf32, #tpu.memory_space<vmem_shared>>) offsets(%dma_start3A_346 : memref<128xi32, #tpu.memory_space<vmem>>) semaphore(%arg19 : memref<!tpu.dma_semaphore, #tpu.memory_space<semaphore_mem>>) {add = true}
      %dma_wait3A_350 = arith.constant 1 : i32
      %dma_wait3A_351 = arith.constant 0 : i32
      %dma_wait3A_352 = tpu.memref_slice %arg10[%dma_wait3A_350, %dma_wait3A_351] : memref<2x128xi32, #tpu.memory_space<vmem>> -> memref<1x128xi32, #tpu.memory_space<vmem>>
      %dma_wait3A_353 = tpu.memref_squeeze %dma_wait3A_352 : memref<1x128xi32, #tpu.memory_space<vmem>> -> memref<128xi32, #tpu.memory_space<vmem>>
      %dma_wait3A_354 = arith.constant 0 : i32
      %dma_wait3A_355 = arith.constant 0 : i32
      %dma_wait3A_356 = tpu.memref_slice %arg11[%dma_wait3A_354, %dma_wait3A_355] : memref<10112x128xf32, #tpu.memory_space<vmem_shared>> -> memref<10112x128xf32, #tpu.memory_space<vmem_shared>>
      tpu.wait_indirect_dma semaphore(%arg19 : memref<!tpu.dma_semaphore, #tpu.memory_space<semaphore_mem>>) src(%arg6 : memref<128x128xf32, #tpu.memory_space<vmem>>) dst(%dma_wait3A_356 : memref<10112x128xf32, #tpu.memory_space<vmem_shared>>)
      %add3A_357 = arith.constant 4 : i32
      %add3A_358 = arith.addi %add3A_335, %add3A_357 : i32
      %mul3A_359 = arith.constant 128 : i32
      %mul3A_360 = arith.muli %add3A_358, %mul3A_359 : i32
      %add3A_361 = arith.addi %mul3A_2, %mul3A_360 : i32
      %dma_start3A_362 = arith.constant 0 : i32
      %dma_start3A_363 = tpu.memref_slice %arg2[%dma_start3A_362, %add3A_361] : memref<2x327680xi32, #tpu.memory_space<hbm>> -> memref<2x128xi32, #tpu.memory_space<hbm>>
      %dma_start3A_364 = arith.constant 0 : i32
      %dma_start3A_365 = tpu.memref_slice %arg2[%dma_start3A_364, %add3A_361] : memref<2x327680xi32, #tpu.memory_space<hbm>> -> memref<2x128xi32, #tpu.memory_space<hbm>>
      tpu.enqueue_dma source(%dma_start3A_365 : memref<2x128xi32, #tpu.memory_space<hbm>>) target(%arg10 : memref<2x128xi32, #tpu.memory_space<vmem>>) target_semaphore(%arg15 : memref<!tpu.dma_semaphore, #tpu.memory_space<semaphore_mem>>)
      %dma_wait3A_366 = arith.constant 0 : i32
      %dma_wait3A_367 = arith.constant 0 : i32
      %dma_wait3A_368 = tpu.memref_slice %arg2[%dma_wait3A_366, %dma_wait3A_367] : memref<2x327680xi32, #tpu.memory_space<hbm>> -> memref<2x128xi32, #tpu.memory_space<hbm>>
      %dma_wait3A_369 = arith.constant 0 : i32
      %dma_wait3A_370 = arith.constant 0 : i32
      %dma_wait3A_371 = tpu.memref_slice %arg2[%dma_wait3A_369, %dma_wait3A_370] : memref<2x327680xi32, #tpu.memory_space<hbm>> -> memref<2x128xi32, #tpu.memory_space<hbm>>
      tpu.wait_dma2 semaphore(%arg13 : memref<!tpu.dma_semaphore, #tpu.memory_space<semaphore_mem>>) src(%dma_wait3A_371 : memref<2x128xi32, #tpu.memory_space<hbm>>) dst(%arg8 : memref<2x128xi32, #tpu.memory_space<vmem>>)
      %dma_start3A_372 = arith.constant 0 : i32
      %dma_start3A_373 = arith.constant 0 : i32
      %dma_start3A_374 = tpu.memref_slice %arg8[%dma_start3A_372, %dma_start3A_373] : memref<2x128xi32, #tpu.memory_space<vmem>> -> memref<1x128xi32, #tpu.memory_space<vmem>>
      %dma_start3A_375 = tpu.memref_squeeze %dma_start3A_374 : memref<1x128xi32, #tpu.memory_space<vmem>> -> memref<128xi32, #tpu.memory_space<vmem>>
      %dma_start3A_376 = arith.constant 0 : i32
      %dma_start3A_377 = arith.constant 0 : i32
      %dma_start3A_378 = tpu.memref_slice %arg3[%dma_start3A_376, %dma_start3A_377] : memref<10000x128xf32, #tpu.memory_space<hbm>> -> memref<10000x128xf32, #tpu.memory_space<hbm>>
      tpu.enqueue_indirect_dma source(%dma_start3A_378 : memref<10000x128xf32, #tpu.memory_space<hbm>>) target(%arg6 : memref<128x128xf32, #tpu.memory_space<vmem>>) offsets(%dma_start3A_375 : memref<128xi32, #tpu.memory_space<vmem>>) semaphore(%arg17 : memref<!tpu.dma_semaphore, #tpu.memory_space<semaphore_mem>>)
    }
    %scan3A_71 = arith.constant 19 : i32
    %dma_wait3A_72 = arith.constant 0 : i32
    %dma_wait3A_73 = arith.constant 0 : i32
    %dma_wait3A_74 = tpu.memref_slice %arg7[%dma_wait3A_72, %dma_wait3A_73] : memref<2x128xi32, #tpu.memory_space<vmem>> -> memref<1x128xi32, #tpu.memory_space<vmem>>
    %dma_wait3A_75 = tpu.memref_squeeze %dma_wait3A_74 : memref<1x128xi32, #tpu.memory_space<vmem>> -> memref<128xi32, #tpu.memory_space<vmem>>
    %dma_wait3A_76 = arith.constant 0 : i32
    %dma_wait3A_77 = arith.constant 0 : i32
    %dma_wait3A_78 = tpu.memref_slice %arg3[%dma_wait3A_76, %dma_wait3A_77] : memref<10000x128xf32, #tpu.memory_space<hbm>> -> memref<10000x128xf32, #tpu.memory_space<hbm>>
    tpu.wait_indirect_dma semaphore(%arg16 : memref<!tpu.dma_semaphore, #tpu.memory_space<semaphore_mem>>) src(%dma_wait3A_78 : memref<10000x128xf32, #tpu.memory_space<hbm>>) dst(%arg5 : memref<128x128xf32, #tpu.memory_space<vmem>>)
    %dma_start3A_79 = arith.constant 1 : i32
    %dma_start3A_80 = arith.constant 0 : i32
    %dma_start3A_81 = tpu.memref_slice %arg7[%dma_start3A_79, %dma_start3A_80] : memref<2x128xi32, #tpu.memory_space<vmem>> -> memref<1x128xi32, #tpu.memory_space<vmem>>
    %dma_start3A_82 = tpu.memref_squeeze %dma_start3A_81 : memref<1x128xi32, #tpu.memory_space<vmem>> -> memref<128xi32, #tpu.memory_space<vmem>>
    %dma_start3A_83 = arith.constant 0 : i32
    %dma_start3A_84 = arith.constant 0 : i32
    %dma_start3A_85 = tpu.memref_slice %arg11[%dma_start3A_83, %dma_start3A_84] : memref<10112x128xf32, #tpu.memory_space<vmem_shared>> -> memref<10112x128xf32, #tpu.memory_space<vmem_shared>>
    tpu.enqueue_indirect_dma source(%arg5 : memref<128x128xf32, #tpu.memory_space<vmem>>) target(%dma_start3A_85 : memref<10112x128xf32, #tpu.memory_space<vmem_shared>>) offsets(%dma_start3A_82 : memref<128xi32, #tpu.memory_space<vmem>>) semaphore(%arg18 : memref<!tpu.dma_semaphore, #tpu.memory_space<semaphore_mem>>) {add = true}
    %dma_wait3A_86 = arith.constant 1 : i32
    %dma_wait3A_87 = arith.constant 0 : i32
    %dma_wait3A_88 = tpu.memref_slice %arg7[%dma_wait3A_86, %dma_wait3A_87] : memref<2x128xi32, #tpu.memory_space<vmem>> -> memref<1x128xi32, #tpu.memory_space<vmem>>
    %dma_wait3A_89 = tpu.memref_squeeze %dma_wait3A_88 : memref<1x128xi32, #tpu.memory_space<vmem>> -> memref<128xi32, #tpu.memory_space<vmem>>
    %dma_wait3A_90 = arith.constant 0 : i32
    %dma_wait3A_91 = arith.constant 0 : i32
    %dma_wait3A_92 = tpu.memref_slice %arg11[%dma_wait3A_90, %dma_wait3A_91] : memref<10112x128xf32, #tpu.memory_space<vmem_shared>> -> memref<10112x128xf32, #tpu.memory_space<vmem_shared>>
    tpu.wait_indirect_dma semaphore(%arg18 : memref<!tpu.dma_semaphore, #tpu.memory_space<semaphore_mem>>) src(%arg5 : memref<128x128xf32, #tpu.memory_space<vmem>>) dst(%dma_wait3A_92 : memref<10112x128xf32, #tpu.memory_space<vmem_shared>>)
    %dma_wait3A_93 = arith.constant 0 : i32
    %dma_wait3A_94 = arith.constant 0 : i32
    %dma_wait3A_95 = tpu.memref_slice %arg2[%dma_wait3A_93, %dma_wait3A_94] : memref<2x327680xi32, #tpu.memory_space<hbm>> -> memref<2x128xi32, #tpu.memory_space<hbm>>
    %dma_wait3A_96 = arith.constant 0 : i32
    %dma_wait3A_97 = arith.constant 0 : i32
    %dma_wait3A_98 = tpu.memref_slice %arg2[%dma_wait3A_96, %dma_wait3A_97] : memref<2x327680xi32, #tpu.memory_space<hbm>> -> memref<2x128xi32, #tpu.memory_space<hbm>>
    tpu.wait_dma2 semaphore(%arg14 : memref<!tpu.dma_semaphore, #tpu.memory_space<semaphore_mem>>) src(%dma_wait3A_98 : memref<2x128xi32, #tpu.memory_space<hbm>>) dst(%arg9 : memref<2x128xi32, #tpu.memory_space<vmem>>)
    %dma_start3A_99 = arith.constant 0 : i32
    %dma_start3A_100 = arith.constant 0 : i32
    %dma_start3A_101 = tpu.memref_slice %arg9[%dma_start3A_99, %dma_start3A_100] : memref<2x128xi32, #tpu.memory_space<vmem>> -> memref<1x128xi32, #tpu.memory_space<vmem>>
    %dma_start3A_102 = tpu.memref_squeeze %dma_start3A_101 : memref<1x128xi32, #tpu.memory_space<vmem>> -> memref<128xi32, #tpu.memory_space<vmem>>
    %dma_start3A_103 = arith.constant 0 : i32
    %dma_start3A_104 = arith.constant 0 : i32
    %dma_start3A_105 = tpu.memref_slice %arg3[%dma_start3A_103, %dma_start3A_104] : memref<10000x128xf32, #tpu.memory_space<hbm>> -> memref<10000x128xf32, #tpu.memory_space<hbm>>
    tpu.enqueue_indirect_dma source(%dma_start3A_105 : memref<10000x128xf32, #tpu.memory_space<hbm>>) target(%arg5 : memref<128x128xf32, #tpu.memory_space<vmem>>) offsets(%dma_start3A_102 : memref<128xi32, #tpu.memory_space<vmem>>) semaphore(%arg16 : memref<!tpu.dma_semaphore, #tpu.memory_space<semaphore_mem>>)
    %dma_wait3A_106 = arith.constant 0 : i32
    %dma_wait3A_107 = arith.constant 0 : i32
    %dma_wait3A_108 = tpu.memref_slice %arg8[%dma_wait3A_106, %dma_wait3A_107] : memref<2x128xi32, #tpu.memory_space<vmem>> -> memref<1x128xi32, #tpu.memory_space<vmem>>
    %dma_wait3A_109 = tpu.memref_squeeze %dma_wait3A_108 : memref<1x128xi32, #tpu.memory_space<vmem>> -> memref<128xi32, #tpu.memory_space<vmem>>
    %dma_wait3A_110 = arith.constant 0 : i32
    %dma_wait3A_111 = arith.constant 0 : i32
    %dma_wait3A_112 = tpu.memref_slice %arg3[%dma_wait3A_110, %dma_wait3A_111] : memref<10000x128xf32, #tpu.memory_space<hbm>> -> memref<10000x128xf32, #tpu.memory_space<hbm>>
    tpu.wait_indirect_dma semaphore(%arg17 : memref<!tpu.dma_semaphore, #tpu.memory_space<semaphore_mem>>) src(%dma_wait3A_112 : memref<10000x128xf32, #tpu.memory_space<hbm>>) dst(%arg6 : memref<128x128xf32, #tpu.memory_space<vmem>>)
    %dma_start3A_113 = arith.constant 1 : i32
    %dma_start3A_114 = arith.constant 0 : i32
    %dma_start3A_115 = tpu.memref_slice %arg8[%dma_start3A_113, %dma_start3A_114] : memref<2x128xi32, #tpu.memory_space<vmem>> -> memref<1x128xi32, #tpu.memory_space<vmem>>
    %dma_start3A_116 = tpu.memref_squeeze %dma_start3A_115 : memref<1x128xi32, #tpu.memory_space<vmem>> -> memref<128xi32, #tpu.memory_space<vmem>>
    %dma_start3A_117 = arith.constant 0 : i32
    %dma_start3A_118 = arith.constant 0 : i32
    %dma_start3A_119 = tpu.memref_slice %arg11[%dma_start3A_117, %dma_start3A_118] : memref<10112x128xf32, #tpu.memory_space<vmem_shared>> -> memref<10112x128xf32, #tpu.memory_space<vmem_shared>>
    tpu.enqueue_indirect_dma source(%arg6 : memref<128x128xf32, #tpu.memory_space<vmem>>) target(%dma_start3A_119 : memref<10112x128xf32, #tpu.memory_space<vmem_shared>>) offsets(%dma_start3A_116 : memref<128xi32, #tpu.memory_space<vmem>>) semaphore(%arg19 : memref<!tpu.dma_semaphore, #tpu.memory_space<semaphore_mem>>) {add = true}
    %dma_wait3A_120 = arith.constant 1 : i32
    %dma_wait3A_121 = arith.constant 0 : i32
    %dma_wait3A_122 = tpu.memref_slice %arg8[%dma_wait3A_120, %dma_wait3A_121] : memref<2x128xi32, #tpu.memory_space<vmem>> -> memref<1x128xi32, #tpu.memory_space<vmem>>
    %dma_wait3A_123 = tpu.memref_squeeze %dma_wait3A_122 : memref<1x128xi32, #tpu.memory_space<vmem>> -> memref<128xi32, #tpu.memory_space<vmem>>
    %dma_wait3A_124 = arith.constant 0 : i32
    %dma_wait3A_125 = arith.constant 0 : i32
    %dma_wait3A_126 = tpu.memref_slice %arg11[%dma_wait3A_124, %dma_wait3A_125] : memref<10112x128xf32, #tpu.memory_space<vmem_shared>> -> memref<10112x128xf32, #tpu.memory_space<vmem_shared>>
    tpu.wait_indirect_dma semaphore(%arg19 : memref<!tpu.dma_semaphore, #tpu.memory_space<semaphore_mem>>) src(%arg6 : memref<128x128xf32, #tpu.memory_space<vmem>>) dst(%dma_wait3A_126 : memref<10112x128xf32, #tpu.memory_space<vmem_shared>>)
    %dma_wait3A_127 = arith.constant 0 : i32
    %dma_wait3A_128 = arith.constant 0 : i32
    %dma_wait3A_129 = tpu.memref_slice %arg2[%dma_wait3A_127, %dma_wait3A_128] : memref<2x327680xi32, #tpu.memory_space<hbm>> -> memref<2x128xi32, #tpu.memory_space<hbm>>
    %dma_wait3A_130 = arith.constant 0 : i32
    %dma_wait3A_131 = arith.constant 0 : i32
    %dma_wait3A_132 = tpu.memref_slice %arg2[%dma_wait3A_130, %dma_wait3A_131] : memref<2x327680xi32, #tpu.memory_space<hbm>> -> memref<2x128xi32, #tpu.memory_space<hbm>>
    tpu.wait_dma2 semaphore(%arg15 : memref<!tpu.dma_semaphore, #tpu.memory_space<semaphore_mem>>) src(%dma_wait3A_132 : memref<2x128xi32, #tpu.memory_space<hbm>>) dst(%arg10 : memref<2x128xi32, #tpu.memory_space<vmem>>)
    %dma_start3A_133 = arith.constant 0 : i32
    %dma_start3A_134 = arith.constant 0 : i32
    %dma_start3A_135 = tpu.memref_slice %arg10[%dma_start3A_133, %dma_start3A_134] : memref<2x128xi32, #tpu.memory_space<vmem>> -> memref<1x128xi32, #tpu.memory_space<vmem>>
    %dma_start3A_136 = tpu.memref_squeeze %dma_start3A_135 : memref<1x128xi32, #tpu.memory_space<vmem>> -> memref<128xi32, #tpu.memory_space<vmem>>
    %dma_start3A_137 = arith.constant 0 : i32
    %dma_start3A_138 = arith.constant 0 : i32
    %dma_start3A_139 = tpu.memref_slice %arg3[%dma_start3A_137, %dma_start3A_138] : memref<10000x128xf32, #tpu.memory_space<hbm>> -> memref<10000x128xf32, #tpu.memory_space<hbm>>
    tpu.enqueue_indirect_dma source(%dma_start3A_139 : memref<10000x128xf32, #tpu.memory_space<hbm>>) target(%arg6 : memref<128x128xf32, #tpu.memory_space<vmem>>) offsets(%dma_start3A_136 : memref<128xi32, #tpu.memory_space<vmem>>) semaphore(%arg17 : memref<!tpu.dma_semaphore, #tpu.memory_space<semaphore_mem>>)
    %dma_wait3A_140 = arith.constant 0 : i32
    %dma_wait3A_141 = arith.constant 0 : i32
    %dma_wait3A_142 = tpu.memref_slice %arg9[%dma_wait3A_140, %dma_wait3A_141] : memref<2x128xi32, #tpu.memory_space<vmem>> -> memref<1x128xi32, #tpu.memory_space<vmem>>
    %dma_wait3A_143 = tpu.memref_squeeze %dma_wait3A_142 : memref<1x128xi32, #tpu.memory_space<vmem>> -> memref<128xi32, #tpu.memory_space<vmem>>
    %dma_wait3A_144 = arith.constant 0 : i32
    %dma_wait3A_145 = arith.constant 0 : i32
    %dma_wait3A_146 = tpu.memref_slice %arg3[%dma_wait3A_144, %dma_wait3A_145] : memref<10000x128xf32, #tpu.memory_space<hbm>> -> memref<10000x128xf32, #tpu.memory_space<hbm>>
    tpu.wait_indirect_dma semaphore(%arg16 : memref<!tpu.dma_semaphore, #tpu.memory_space<semaphore_mem>>) src(%dma_wait3A_146 : memref<10000x128xf32, #tpu.memory_space<hbm>>) dst(%arg5 : memref<128x128xf32, #tpu.memory_space<vmem>>)
    %dma_start3A_147 = arith.constant 1 : i32
    %dma_start3A_148 = arith.constant 0 : i32
    %dma_start3A_149 = tpu.memref_slice %arg9[%dma_start3A_147, %dma_start3A_148] : memref<2x128xi32, #tpu.memory_space<vmem>> -> memref<1x128xi32, #tpu.memory_space<vmem>>
    %dma_start3A_150 = tpu.memref_squeeze %dma_start3A_149 : memref<1x128xi32, #tpu.memory_space<vmem>> -> memref<128xi32, #tpu.memory_space<vmem>>
    %dma_start3A_151 = arith.constant 0 : i32
    %dma_start3A_152 = arith.constant 0 : i32
    %dma_start3A_153 = tpu.memref_slice %arg11[%dma_start3A_151, %dma_start3A_152] : memref<10112x128xf32, #tpu.memory_space<vmem_shared>> -> memref<10112x128xf32, #tpu.memory_space<vmem_shared>>
    tpu.enqueue_indirect_dma source(%arg5 : memref<128x128xf32, #tpu.memory_space<vmem>>) target(%dma_start3A_153 : memref<10112x128xf32, #tpu.memory_space<vmem_shared>>) offsets(%dma_start3A_150 : memref<128xi32, #tpu.memory_space<vmem>>) semaphore(%arg18 : memref<!tpu.dma_semaphore, #tpu.memory_space<semaphore_mem>>) {add = true}
    %dma_wait3A_154 = arith.constant 1 : i32
    %dma_wait3A_155 = arith.constant 0 : i32
    %dma_wait3A_156 = tpu.memref_slice %arg9[%dma_wait3A_154, %dma_wait3A_155] : memref<2x128xi32, #tpu.memory_space<vmem>> -> memref<1x128xi32, #tpu.memory_space<vmem>>
    %dma_wait3A_157 = tpu.memref_squeeze %dma_wait3A_156 : memref<1x128xi32, #tpu.memory_space<vmem>> -> memref<128xi32, #tpu.memory_space<vmem>>
    %dma_wait3A_158 = arith.constant 0 : i32
    %dma_wait3A_159 = arith.constant 0 : i32
    %dma_wait3A_160 = tpu.memref_slice %arg11[%dma_wait3A_158, %dma_wait3A_159] : memref<10112x128xf32, #tpu.memory_space<vmem_shared>> -> memref<10112x128xf32, #tpu.memory_space<vmem_shared>>
    tpu.wait_indirect_dma semaphore(%arg18 : memref<!tpu.dma_semaphore, #tpu.memory_space<semaphore_mem>>) src(%arg5 : memref<128x128xf32, #tpu.memory_space<vmem>>) dst(%dma_wait3A_160 : memref<10112x128xf32, #tpu.memory_space<vmem_shared>>)
    %dma_wait3A_161 = arith.constant 0 : i32
    %dma_wait3A_162 = arith.constant 0 : i32
    %dma_wait3A_163 = tpu.memref_slice %arg10[%dma_wait3A_161, %dma_wait3A_162] : memref<2x128xi32, #tpu.memory_space<vmem>> -> memref<1x128xi32, #tpu.memory_space<vmem>>
    %dma_wait3A_164 = tpu.memref_squeeze %dma_wait3A_163 : memref<1x128xi32, #tpu.memory_space<vmem>> -> memref<128xi32, #tpu.memory_space<vmem>>
    %dma_wait3A_165 = arith.constant 0 : i32
    %dma_wait3A_166 = arith.constant 0 : i32
    %dma_wait3A_167 = tpu.memref_slice %arg3[%dma_wait3A_165, %dma_wait3A_166] : memref<10000x128xf32, #tpu.memory_space<hbm>> -> memref<10000x128xf32, #tpu.memory_space<hbm>>
    tpu.wait_indirect_dma semaphore(%arg17 : memref<!tpu.dma_semaphore, #tpu.memory_space<semaphore_mem>>) src(%dma_wait3A_167 : memref<10000x128xf32, #tpu.memory_space<hbm>>) dst(%arg6 : memref<128x128xf32, #tpu.memory_space<vmem>>)
    %dma_start3A_168 = arith.constant 1 : i32
    %dma_start3A_169 = arith.constant 0 : i32
    %dma_start3A_170 = tpu.memref_slice %arg10[%dma_start3A_168, %dma_start3A_169] : memref<2x128xi32, #tpu.memory_space<vmem>> -> memref<1x128xi32, #tpu.memory_space<vmem>>
    %dma_start3A_171 = tpu.memref_squeeze %dma_start3A_170 : memref<1x128xi32, #tpu.memory_space<vmem>> -> memref<128xi32, #tpu.memory_space<vmem>>
    %dma_start3A_172 = arith.constant 0 : i32
    %dma_start3A_173 = arith.constant 0 : i32
    %dma_start3A_174 = tpu.memref_slice %arg11[%dma_start3A_172, %dma_start3A_173] : memref<10112x128xf32, #tpu.memory_space<vmem_shared>> -> memref<10112x128xf32, #tpu.memory_space<vmem_shared>>
    tpu.enqueue_indirect_dma source(%arg6 : memref<128x128xf32, #tpu.memory_space<vmem>>) target(%dma_start3A_174 : memref<10112x128xf32, #tpu.memory_space<vmem_shared>>) offsets(%dma_start3A_171 : memref<128xi32, #tpu.memory_space<vmem>>) semaphore(%arg19 : memref<!tpu.dma_semaphore, #tpu.memory_space<semaphore_mem>>) {add = true}
    %dma_wait3A_175 = arith.constant 1 : i32
    %dma_wait3A_176 = arith.constant 0 : i32
    %dma_wait3A_177 = tpu.memref_slice %arg10[%dma_wait3A_175, %dma_wait3A_176] : memref<2x128xi32, #tpu.memory_space<vmem>> -> memref<1x128xi32, #tpu.memory_space<vmem>>
    %dma_wait3A_178 = tpu.memref_squeeze %dma_wait3A_177 : memref<1x128xi32, #tpu.memory_space<vmem>> -> memref<128xi32, #tpu.memory_space<vmem>>
    %dma_wait3A_179 = arith.constant 0 : i32
    %dma_wait3A_180 = arith.constant 0 : i32
    %dma_wait3A_181 = tpu.memref_slice %arg11[%dma_wait3A_179, %dma_wait3A_180] : memref<10112x128xf32, #tpu.memory_space<vmem_shared>> -> memref<10112x128xf32, #tpu.memory_space<vmem_shared>>
    tpu.wait_indirect_dma semaphore(%arg19 : memref<!tpu.dma_semaphore, #tpu.memory_space<semaphore_mem>>) src(%arg6 : memref<128x128xf32, #tpu.memory_space<vmem>>) dst(%dma_wait3A_181 : memref<10112x128xf32, #tpu.memory_space<vmem_shared>>)
    %barrier3A_182 = arith.constant 0 : index
    tpu.barrier barrier_id(%barrier3A_182)
    %mul3A_183 = arith.constant 10112 : i32
    %mul3A_184 = arith.muli %arg0, %mul3A_183 : i32
    %add3A_185 = arith.addi %mul3A_184, %mul3A_4 : i32
    "tpu.region"() ({
      %run_scoped3A = tpu.sem_alloc : memref<!tpu.dma_semaphore, #tpu.memory_space<semaphore_mem>>
      %dma_start3A_186 = arith.constant 0 : i32
      %dma_start3A_187 = tpu.memref_slice %arg4[%add3A_185, %dma_start3A_186] : memref<20224x128xf32, #tpu.memory_space<hbm>> -> memref<632x128xf32, #tpu.memory_space<hbm>>
      %dma_start3A_188 = arith.constant 0 : i32
      %dma_start3A_189 = tpu.memref_slice %arg11[%mul3A_4, %dma_start3A_188] : memref<10112x128xf32, #tpu.memory_space<vmem_shared>> -> memref<632x128xf32, #tpu.memory_space<vmem_shared>>
      tpu.enqueue_dma source(%dma_start3A_189 : memref<632x128xf32, #tpu.memory_space<vmem_shared>>) target(%dma_start3A_187 : memref<632x128xf32, #tpu.memory_space<hbm>>) target_semaphore(%run_scoped3A : memref<!tpu.dma_semaphore, #tpu.memory_space<semaphore_mem>>)
      %dma_wait3A_190 = arith.constant 0 : i32
      %dma_wait3A_191 = tpu.memref_slice %arg4[%add3A_185, %dma_wait3A_190] : memref<20224x128xf32, #tpu.memory_space<hbm>> -> memref<632x128xf32, #tpu.memory_space<hbm>>
      %dma_wait3A_192 = arith.constant 0 : i32
      %dma_wait3A_193 = tpu.memref_slice %arg11[%mul3A_4, %dma_wait3A_192] : memref<10112x128xf32, #tpu.memory_space<vmem_shared>> -> memref<632x128xf32, #tpu.memory_space<vmem_shared>>
      tpu.wait_dma2 semaphore(%run_scoped3A : memref<!tpu.dma_semaphore, #tpu.memory_space<semaphore_mem>>) src(%dma_wait3A_193 : memref<632x128xf32, #tpu.memory_space<vmem_shared>>) dst(%dma_wait3A_191 : memref<632x128xf32, #tpu.memory_space<hbm>>)
      tpu.yield
    }) : () -> ()
    return
  }
}

#map = affine_map<(d0, d1) -> (0, 0)>
module attributes {stable_mosaic.version = 14 : i64} {
  func.func @k(%arg0: i32, %arg1: i32, %arg2: memref<2x327680xi32, #tpu.memory_space<hbm>>, %arg3: memref<10000x128xf32, #tpu.memory_space<hbm>>, %arg4: memref<20224x128xf32, #tpu.memory_space<hbm>>, %arg5: memref<128x128xf32, #tpu.memory_space<vmem>>, %arg6: memref<128x128xf32, #tpu.memory_space<vmem>>, %arg7: memref<2x128xi32, #tpu.memory_space<vmem>>, %arg8: memref<2x128xi32, #tpu.memory_space<vmem>>, %arg9: memref<2x128xi32, #tpu.memory_space<vmem>>, %arg10: memref<2x128xi32, #tpu.memory_space<vmem>>, %arg11: memref<10112x128xf32, #tpu.memory_space<vmem_shared>>, %arg12: memref<!tpu.dma_semaphore, #tpu.memory_space<semaphore_mem>>, %arg13: memref<!tpu.dma_semaphore, #tpu.memory_space<semaphore_mem>>, %arg14: memref<!tpu.dma_semaphore, #tpu.memory_space<semaphore_mem>>, %arg15: memref<!tpu.dma_semaphore, #tpu.memory_space<semaphore_mem>>, %arg16: memref<!tpu.dma_semaphore, #tpu.memory_space<semaphore_mem>>, %arg17: memref<!tpu.dma_semaphore, #tpu.memory_space<semaphore_mem>>, %arg18: memref<!tpu.dma_semaphore, #tpu.memory_space<semaphore_mem>>, %arg19: memref<!tpu.dma_semaphore, #tpu.memory_space<semaphore_mem>>) attributes {dimension_semantics = [#tpu.dimension_semantics<core_parallel>, #tpu.dimension_semantics<subcore_parallel>], iteration_bounds = array<i64: 2, 16>, scalar_prefetch = 0 : i64, scratch_operands = 15 : i64, tpu.core_type = #tpu.core_type<sc_vector_subcore>, window_params = [{transform_indices = #map}, {transform_indices = #map}, {transform_indices = #map}]} {
    %mul3A = arith.constant 16 : i32
    %mul3A_0 = arith.muli %arg0, %mul3A : i32
    %add3A = arith.addi %mul3A_0, %arg1 : i32
    %mul3A_1 = arith.constant 10240 : i32
    %mul3A_2 = arith.muli %add3A, %mul3A_1 : i32
    %mul3A_3 = arith.constant 632 : i32
    %mul3A_4 = arith.muli %arg1, %mul3A_3 : i32
    %eq3A = arith.constant 15 : i32
    %eq3A_5 = arith.cmpi eq, %arg1, %eq3A : i32
    %eq3A_6 = arith.constant 0 : i32
    %eq3A_7 = arith.cmpi eq, %arg0, %eq3A_6 : i32
    %not3A = arith.constant true
    %not3A_8 = arith.xori %eq3A_5, %not3A : i1
    %and3A = arith.andi %eq3A_7, %not3A_8 : i1
    %convert_element_type3A = arith.extui %and3A : i1 to i32
    %cond3A = arith.constant 0 : i32
    %cond3A_9 = arith.cmpi ne, %convert_element_type3A, %cond3A : i32
    scf.if %cond3A_9 {
      %add3A_186 = arith.constant 0 : i32
      %add3A_187 = arith.addi %mul3A_4, %add3A_186 : i32
      "tpu.region"() ({
        %run_scoped3A = tpu.sem_alloc : memref<!tpu.dma_semaphore, #tpu.memory_space<semaphore_mem>>
        %dma_start3A_206 = arith.constant 0 : i32
        %dma_start3A_207 = tpu.memref_slice %arg3[%add3A_187, %dma_start3A_206] : memref<10000x128xf32, #tpu.memory_space<hbm>> -> memref<128x128xf32, #tpu.memory_space<hbm>>
        %dma_start3A_208 = arith.constant 0 : i32
        %dma_start3A_209 = tpu.memref_slice %arg3[%add3A_187, %dma_start3A_208] : memref<10000x128xf32, #tpu.memory_space<hbm>> -> memref<128x128xf32, #tpu.memory_space<hbm>>
        tpu.enqueue_dma source(%dma_start3A_209 : memref<128x128xf32, #tpu.memory_space<hbm>>) target(%arg5 : memref<128x128xf32, #tpu.memory_space<vmem>>) target_semaphore(%run_scoped3A : memref<!tpu.dma_semaphore, #tpu.memory_space<semaphore_mem>>)
        %dma_wait3A_210 = arith.constant 0 : i32
        %dma_wait3A_211 = tpu.memref_slice %arg3[%add3A_187, %dma_wait3A_210] : memref<10000x128xf32, #tpu.memory_space<hbm>> -> memref<128x128xf32, #tpu.memory_space<hbm>>
        %dma_wait3A_212 = arith.constant 0 : i32
        %dma_wait3A_213 = tpu.memref_slice %arg3[%add3A_187, %dma_wait3A_212] : memref<10000x128xf32, #tpu.memory_space<hbm>> -> memref<128x128xf32, #tpu.memory_space<hbm>>
        tpu.wait_dma2 semaphore(%run_scoped3A : memref<!tpu.dma_semaphore, #tpu.memory_space<semaphore_mem>>) src(%dma_wait3A_213 : memref<128x128xf32, #tpu.memory_space<hbm>>) dst(%arg5 : memref<128x128xf32, #tpu.memory_space<vmem>>)
        tpu.yield
      }) : () -> ()
      %add3A_188 = arith.constant 0 : i32
      %add3A_189 = arith.addi %mul3A_4, %add3A_188 : i32
      "tpu.region"() ({
        %run_scoped3A = tpu.sem_alloc : memref<!tpu.dma_semaphore, #tpu.memory_space<semaphore_mem>>
        %dma_start3A_206 = arith.constant 0 : i32
        %dma_start3A_207 = tpu.memref_slice %arg11[%add3A_189, %dma_start3A_206] : memref<10112x128xf32, #tpu.memory_space<vmem_shared>> -> memref<128x128xf32, #tpu.memory_space<vmem_shared>>
        %dma_start3A_208 = arith.constant 0 : i32
        %dma_start3A_209 = tpu.memref_slice %arg11[%add3A_189, %dma_start3A_208] : memref<10112x128xf32, #tpu.memory_space<vmem_shared>> -> memref<128x128xf32, #tpu.memory_space<vmem_shared>>
        tpu.enqueue_dma source(%arg5 : memref<128x128xf32, #tpu.memory_space<vmem>>) target(%dma_start3A_209 : memref<128x128xf32, #tpu.memory_space<vmem_shared>>) target_semaphore(%run_scoped3A : memref<!tpu.dma_semaphore, #tpu.memory_space<semaphore_mem>>)
        %dma_wait3A_210 = arith.constant 0 : i32
        %dma_wait3A_211 = tpu.memref_slice %arg11[%add3A_189, %dma_wait3A_210] : memref<10112x128xf32, #tpu.memory_space<vmem_shared>> -> memref<128x128xf32, #tpu.memory_space<vmem_shared>>
        %dma_wait3A_212 = arith.constant 0 : i32
        %dma_wait3A_213 = tpu.memref_slice %arg11[%add3A_189, %dma_wait3A_212] : memref<10112x128xf32, #tpu.memory_space<vmem_shared>> -> memref<128x128xf32, #tpu.memory_space<vmem_shared>>
        tpu.wait_dma2 semaphore(%run_scoped3A : memref<!tpu.dma_semaphore, #tpu.memory_space<semaphore_mem>>) src(%arg5 : memref<128x128xf32, #tpu.memory_space<vmem>>) dst(%dma_wait3A_213 : memref<128x128xf32, #tpu.memory_space<vmem_shared>>)
        tpu.yield
      }) : () -> ()
      %add3A_190 = arith.constant 128 : i32
      %add3A_191 = arith.addi %mul3A_4, %add3A_190 : i32
      "tpu.region"() ({
        %run_scoped3A = tpu.sem_alloc : memref<!tpu.dma_semaphore, #tpu.memory_space<semaphore_mem>>
        %dma_start3A_206 = arith.constant 0 : i32
        %dma_start3A_207 = tpu.memref_slice %arg3[%add3A_191, %dma_start3A_206] : memref<10000x128xf32, #tpu.memory_space<hbm>> -> memref<128x128xf32, #tpu.memory_space<hbm>>
        %dma_start3A_208 = arith.constant 0 : i32
        %dma_start3A_209 = tpu.memref_slice %arg3[%add3A_191, %dma_start3A_208] : memref<10000x128xf32, #tpu.memory_space<hbm>> -> memref<128x128xf32, #tpu.memory_space<hbm>>
        tpu.enqueue_dma source(%dma_start3A_209 : memref<128x128xf32, #tpu.memory_space<hbm>>) target(%arg5 : memref<128x128xf32, #tpu.memory_space<vmem>>) target_semaphore(%run_scoped3A : memref<!tpu.dma_semaphore, #tpu.memory_space<semaphore_mem>>)
        %dma_wait3A_210 = arith.constant 0 : i32
        %dma_wait3A_211 = tpu.memref_slice %arg3[%add3A_191, %dma_wait3A_210] : memref<10000x128xf32, #tpu.memory_space<hbm>> -> memref<128x128xf32, #tpu.memory_space<hbm>>
        %dma_wait3A_212 = arith.constant 0 : i32
        %dma_wait3A_213 = tpu.memref_slice %arg3[%add3A_191, %dma_wait3A_212] : memref<10000x128xf32, #tpu.memory_space<hbm>> -> memref<128x128xf32, #tpu.memory_space<hbm>>
        tpu.wait_dma2 semaphore(%run_scoped3A : memref<!tpu.dma_semaphore, #tpu.memory_space<semaphore_mem>>) src(%dma_wait3A_213 : memref<128x128xf32, #tpu.memory_space<hbm>>) dst(%arg5 : memref<128x128xf32, #tpu.memory_space<vmem>>)
        tpu.yield
      }) : () -> ()
      %add3A_192 = arith.constant 128 : i32
      %add3A_193 = arith.addi %mul3A_4, %add3A_192 : i32
      "tpu.region"() ({
        %run_scoped3A = tpu.sem_alloc : memref<!tpu.dma_semaphore, #tpu.memory_space<semaphore_mem>>
        %dma_start3A_206 = arith.constant 0 : i32
        %dma_start3A_207 = tpu.memref_slice %arg11[%add3A_193, %dma_start3A_206] : memref<10112x128xf32, #tpu.memory_space<vmem_shared>> -> memref<128x128xf32, #tpu.memory_space<vmem_shared>>
        %dma_start3A_208 = arith.constant 0 : i32
        %dma_start3A_209 = tpu.memref_slice %arg11[%add3A_193, %dma_start3A_208] : memref<10112x128xf32, #tpu.memory_space<vmem_shared>> -> memref<128x128xf32, #tpu.memory_space<vmem_shared>>
        tpu.enqueue_dma source(%arg5 : memref<128x128xf32, #tpu.memory_space<vmem>>) target(%dma_start3A_209 : memref<128x128xf32, #tpu.memory_space<vmem_shared>>) target_semaphore(%run_scoped3A : memref<!tpu.dma_semaphore, #tpu.memory_space<semaphore_mem>>)
        %dma_wait3A_210 = arith.constant 0 : i32
        %dma_wait3A_211 = tpu.memref_slice %arg11[%add3A_193, %dma_wait3A_210] : memref<10112x128xf32, #tpu.memory_space<vmem_shared>> -> memref<128x128xf32, #tpu.memory_space<vmem_shared>>
        %dma_wait3A_212 = arith.constant 0 : i32
        %dma_wait3A_213 = tpu.memref_slice %arg11[%add3A_193, %dma_wait3A_212] : memref<10112x128xf32, #tpu.memory_space<vmem_shared>> -> memref<128x128xf32, #tpu.memory_space<vmem_shared>>
        tpu.wait_dma2 semaphore(%run_scoped3A : memref<!tpu.dma_semaphore, #tpu.memory_space<semaphore_mem>>) src(%arg5 : memref<128x128xf32, #tpu.memory_space<vmem>>) dst(%dma_wait3A_213 : memref<128x128xf32, #tpu.memory_space<vmem_shared>>)
        tpu.yield
      }) : () -> ()
      %add3A_194 = arith.constant 256 : i32
      %add3A_195 = arith.addi %mul3A_4, %add3A_194 : i32
      "tpu.region"() ({
        %run_scoped3A = tpu.sem_alloc : memref<!tpu.dma_semaphore, #tpu.memory_space<semaphore_mem>>
        %dma_start3A_206 = arith.constant 0 : i32
        %dma_start3A_207 = tpu.memref_slice %arg3[%add3A_195, %dma_start3A_206] : memref<10000x128xf32, #tpu.memory_space<hbm>> -> memref<128x128xf32, #tpu.memory_space<hbm>>
        %dma_start3A_208 = arith.constant 0 : i32
        %dma_start3A_209 = tpu.memref_slice %arg3[%add3A_195, %dma_start3A_208] : memref<10000x128xf32, #tpu.memory_space<hbm>> -> memref<128x128xf32, #tpu.memory_space<hbm>>
        tpu.enqueue_dma source(%dma_start3A_209 : memref<128x128xf32, #tpu.memory_space<hbm>>) target(%arg5 : memref<128x128xf32, #tpu.memory_space<vmem>>) target_semaphore(%run_scoped3A : memref<!tpu.dma_semaphore, #tpu.memory_space<semaphore_mem>>)
        %dma_wait3A_210 = arith.constant 0 : i32
        %dma_wait3A_211 = tpu.memref_slice %arg3[%add3A_195, %dma_wait3A_210] : memref<10000x128xf32, #tpu.memory_space<hbm>> -> memref<128x128xf32, #tpu.memory_space<hbm>>
        %dma_wait3A_212 = arith.constant 0 : i32
        %dma_wait3A_213 = tpu.memref_slice %arg3[%add3A_195, %dma_wait3A_212] : memref<10000x128xf32, #tpu.memory_space<hbm>> -> memref<128x128xf32, #tpu.memory_space<hbm>>
        tpu.wait_dma2 semaphore(%run_scoped3A : memref<!tpu.dma_semaphore, #tpu.memory_space<semaphore_mem>>) src(%dma_wait3A_213 : memref<128x128xf32, #tpu.memory_space<hbm>>) dst(%arg5 : memref<128x128xf32, #tpu.memory_space<vmem>>)
        tpu.yield
      }) : () -> ()
      %add3A_196 = arith.constant 256 : i32
      %add3A_197 = arith.addi %mul3A_4, %add3A_196 : i32
      "tpu.region"() ({
        %run_scoped3A = tpu.sem_alloc : memref<!tpu.dma_semaphore, #tpu.memory_space<semaphore_mem>>
        %dma_start3A_206 = arith.constant 0 : i32
        %dma_start3A_207 = tpu.memref_slice %arg11[%add3A_197, %dma_start3A_206] : memref<10112x128xf32, #tpu.memory_space<vmem_shared>> -> memref<128x128xf32, #tpu.memory_space<vmem_shared>>
        %dma_start3A_208 = arith.constant 0 : i32
        %dma_start3A_209 = tpu.memref_slice %arg11[%add3A_197, %dma_start3A_208] : memref<10112x128xf32, #tpu.memory_space<vmem_shared>> -> memref<128x128xf32, #tpu.memory_space<vmem_shared>>
        tpu.enqueue_dma source(%arg5 : memref<128x128xf32, #tpu.memory_space<vmem>>) target(%dma_start3A_209 : memref<128x128xf32, #tpu.memory_space<vmem_shared>>) target_semaphore(%run_scoped3A : memref<!tpu.dma_semaphore, #tpu.memory_space<semaphore_mem>>)
        %dma_wait3A_210 = arith.constant 0 : i32
        %dma_wait3A_211 = tpu.memref_slice %arg11[%add3A_197, %dma_wait3A_210] : memref<10112x128xf32, #tpu.memory_space<vmem_shared>> -> memref<128x128xf32, #tpu.memory_space<vmem_shared>>
        %dma_wait3A_212 = arith.constant 0 : i32
        %dma_wait3A_213 = tpu.memref_slice %arg11[%add3A_197, %dma_wait3A_212] : memref<10112x128xf32, #tpu.memory_space<vmem_shared>> -> memref<128x128xf32, #tpu.memory_space<vmem_shared>>
        tpu.wait_dma2 semaphore(%run_scoped3A : memref<!tpu.dma_semaphore, #tpu.memory_space<semaphore_mem>>) src(%arg5 : memref<128x128xf32, #tpu.memory_space<vmem>>) dst(%dma_wait3A_213 : memref<128x128xf32, #tpu.memory_space<vmem_shared>>)
        tpu.yield
      }) : () -> ()
      %add3A_198 = arith.constant 384 : i32
      %add3A_199 = arith.addi %mul3A_4, %add3A_198 : i32
      "tpu.region"() ({
        %run_scoped3A = tpu.sem_alloc : memref<!tpu.dma_semaphore, #tpu.memory_space<semaphore_mem>>
        %dma_start3A_206 = arith.constant 0 : i32
        %dma_start3A_207 = tpu.memref_slice %arg3[%add3A_199, %dma_start3A_206] : memref<10000x128xf32, #tpu.memory_space<hbm>> -> memref<128x128xf32, #tpu.memory_space<hbm>>
        %dma_start3A_208 = arith.constant 0 : i32
        %dma_start3A_209 = tpu.memref_slice %arg3[%add3A_199, %dma_start3A_208] : memref<10000x128xf32, #tpu.memory_space<hbm>> -> memref<128x128xf32, #tpu.memory_space<hbm>>
        tpu.enqueue_dma source(%dma_start3A_209 : memref<128x128xf32, #tpu.memory_space<hbm>>) target(%arg5 : memref<128x128xf32, #tpu.memory_space<vmem>>) target_semaphore(%run_scoped3A : memref<!tpu.dma_semaphore, #tpu.memory_space<semaphore_mem>>)
        %dma_wait3A_210 = arith.constant 0 : i32
        %dma_wait3A_211 = tpu.memref_slice %arg3[%add3A_199, %dma_wait3A_210] : memref<10000x128xf32, #tpu.memory_space<hbm>> -> memref<128x128xf32, #tpu.memory_space<hbm>>
        %dma_wait3A_212 = arith.constant 0 : i32
        %dma_wait3A_213 = tpu.memref_slice %arg3[%add3A_199, %dma_wait3A_212] : memref<10000x128xf32, #tpu.memory_space<hbm>> -> memref<128x128xf32, #tpu.memory_space<hbm>>
        tpu.wait_dma2 semaphore(%run_scoped3A : memref<!tpu.dma_semaphore, #tpu.memory_space<semaphore_mem>>) src(%dma_wait3A_213 : memref<128x128xf32, #tpu.memory_space<hbm>>) dst(%arg5 : memref<128x128xf32, #tpu.memory_space<vmem>>)
        tpu.yield
      }) : () -> ()
      %add3A_200 = arith.constant 384 : i32
      %add3A_201 = arith.addi %mul3A_4, %add3A_200 : i32
      "tpu.region"() ({
        %run_scoped3A = tpu.sem_alloc : memref<!tpu.dma_semaphore, #tpu.memory_space<semaphore_mem>>
        %dma_start3A_206 = arith.constant 0 : i32
        %dma_start3A_207 = tpu.memref_slice %arg11[%add3A_201, %dma_start3A_206] : memref<10112x128xf32, #tpu.memory_space<vmem_shared>> -> memref<128x128xf32, #tpu.memory_space<vmem_shared>>
        %dma_start3A_208 = arith.constant 0 : i32
        %dma_start3A_209 = tpu.memref_slice %arg11[%add3A_201, %dma_start3A_208] : memref<10112x128xf32, #tpu.memory_space<vmem_shared>> -> memref<128x128xf32, #tpu.memory_space<vmem_shared>>
        tpu.enqueue_dma source(%arg5 : memref<128x128xf32, #tpu.memory_space<vmem>>) target(%dma_start3A_209 : memref<128x128xf32, #tpu.memory_space<vmem_shared>>) target_semaphore(%run_scoped3A : memref<!tpu.dma_semaphore, #tpu.memory_space<semaphore_mem>>)
        %dma_wait3A_210 = arith.constant 0 : i32
        %dma_wait3A_211 = tpu.memref_slice %arg11[%add3A_201, %dma_wait3A_210] : memref<10112x128xf32, #tpu.memory_space<vmem_shared>> -> memref<128x128xf32, #tpu.memory_space<vmem_shared>>
        %dma_wait3A_212 = arith.constant 0 : i32
        %dma_wait3A_213 = tpu.memref_slice %arg11[%add3A_201, %dma_wait3A_212] : memref<10112x128xf32, #tpu.memory_space<vmem_shared>> -> memref<128x128xf32, #tpu.memory_space<vmem_shared>>
        tpu.wait_dma2 semaphore(%run_scoped3A : memref<!tpu.dma_semaphore, #tpu.memory_space<semaphore_mem>>) src(%arg5 : memref<128x128xf32, #tpu.memory_space<vmem>>) dst(%dma_wait3A_213 : memref<128x128xf32, #tpu.memory_space<vmem_shared>>)
        tpu.yield
      }) : () -> ()
      %add3A_202 = arith.constant 512 : i32
      %add3A_203 = arith.addi %mul3A_4, %add3A_202 : i32
      "tpu.region"() ({
        %run_scoped3A = tpu.sem_alloc : memref<!tpu.dma_semaphore, #tpu.memory_space<semaphore_mem>>
        %dma_start3A_206 = arith.constant 0 : i32
        %dma_start3A_207 = arith.constant 0 : i32
        %dma_start3A_208 = tpu.memref_slice %arg5[%dma_start3A_206, %dma_start3A_207] : memref<128x128xf32, #tpu.memory_space<vmem>> -> memref<120x128xf32, #tpu.memory_space<vmem>>
        %dma_start3A_209 = arith.constant 0 : i32
        %dma_start3A_210 = tpu.memref_slice %arg3[%add3A_203, %dma_start3A_209] : memref<10000x128xf32, #tpu.memory_space<hbm>> -> memref<120x128xf32, #tpu.memory_space<hbm>>
        %dma_start3A_211 = arith.constant 0 : i32
        %dma_start3A_212 = arith.constant 0 : i32
        %dma_start3A_213 = tpu.memref_slice %arg5[%dma_start3A_211, %dma_start3A_212] : memref<128x128xf32, #tpu.memory_space<vmem>> -> memref<120x128xf32, #tpu.memory_space<vmem>>
        %dma_start3A_214 = arith.constant 0 : i32
        %dma_start3A_215 = tpu.memref_slice %arg3[%add3A_203, %dma_start3A_214] : memref<10000x128xf32, #tpu.memory_space<hbm>> -> memref<120x128xf32, #tpu.memory_space<hbm>>
        tpu.enqueue_dma source(%dma_start3A_215 : memref<120x128xf32, #tpu.memory_space<hbm>>) target(%dma_start3A_213 : memref<120x128xf32, #tpu.memory_space<vmem>>) target_semaphore(%run_scoped3A : memref<!tpu.dma_semaphore, #tpu.memory_space<semaphore_mem>>)
        %dma_wait3A_216 = arith.constant 0 : i32
        %dma_wait3A_217 = arith.constant 0 : i32
        %dma_wait3A_218 = tpu.memref_slice %arg5[%dma_wait3A_216, %dma_wait3A_217] : memref<128x128xf32, #tpu.memory_space<vmem>> -> memref<120x128xf32, #tpu.memory_space<vmem>>
        %dma_wait3A_219 = arith.constant 0 : i32
        %dma_wait3A_220 = tpu.memref_slice %arg3[%add3A_203, %dma_wait3A_219] : memref<10000x128xf32, #tpu.memory_space<hbm>> -> memref<120x128xf32, #tpu.memory_space<hbm>>
        %dma_wait3A_221 = arith.constant 0 : i32
        %dma_wait3A_222 = arith.constant 0 : i32
        %dma_wait3A_223 = tpu.memref_slice %arg5[%dma_wait3A_221, %dma_wait3A_222] : memref<128x128xf32, #tpu.memory_space<vmem>> -> memref<120x128xf32, #tpu.memory_space<vmem>>
        %dma_wait3A_224 = arith.constant 0 : i32
        %dma_wait3A_225 = tpu.memref_slice %arg3[%add3A_203, %dma_wait3A_224] : memref<10000x128xf32, #tpu.memory_space<hbm>> -> memref<120x128xf32, #tpu.memory_space<hbm>>
        tpu.wait_dma2 semaphore(%run_scoped3A : memref<!tpu.dma_semaphore, #tpu.memory_space<semaphore_mem>>) src(%dma_wait3A_225 : memref<120x128xf32, #tpu.memory_space<hbm>>) dst(%dma_wait3A_223 : memref<120x128xf32, #tpu.memory_space<vmem>>)
        tpu.yield
      }) : () -> ()
      %add3A_204 = arith.constant 512 : i32
      %add3A_205 = arith.addi %mul3A_4, %add3A_204 : i32
      "tpu.region"() ({
        %run_scoped3A = tpu.sem_alloc : memref<!tpu.dma_semaphore, #tpu.memory_space<semaphore_mem>>
        %dma_start3A_206 = arith.constant 0 : i32
        %dma_start3A_207 = arith.constant 0 : i32
        %dma_start3A_208 = tpu.memref_slice %arg5[%dma_start3A_206, %dma_start3A_207] : memref<128x128xf32, #tpu.memory_space<vmem>> -> memref<120x128xf32, #tpu.memory_space<vmem>>
        %dma_start3A_209 = arith.constant 0 : i32
        %dma_start3A_210 = tpu.memref_slice %arg11[%add3A_205, %dma_start3A_209] : memref<10112x128xf32, #tpu.memory_space<vmem_shared>> -> memref<120x128xf32, #tpu.memory_space<vmem_shared>>
        %dma_start3A_211 = arith.constant 0 : i32
        %dma_start3A_212 = tpu.memref_slice %arg11[%add3A_205, %dma_start3A_211] : memref<10112x128xf32, #tpu.memory_space<vmem_shared>> -> memref<120x128xf32, #tpu.memory_space<vmem_shared>>
        %dma_start3A_213 = arith.constant 0 : i32
        %dma_start3A_214 = arith.constant 0 : i32
        %dma_start3A_215 = tpu.memref_slice %arg5[%dma_start3A_213, %dma_start3A_214] : memref<128x128xf32, #tpu.memory_space<vmem>> -> memref<120x128xf32, #tpu.memory_space<vmem>>
        tpu.enqueue_dma source(%dma_start3A_215 : memref<120x128xf32, #tpu.memory_space<vmem>>) target(%dma_start3A_212 : memref<120x128xf32, #tpu.memory_space<vmem_shared>>) target_semaphore(%run_scoped3A : memref<!tpu.dma_semaphore, #tpu.memory_space<semaphore_mem>>)
        %dma_wait3A_216 = arith.constant 0 : i32
        %dma_wait3A_217 = arith.constant 0 : i32
        %dma_wait3A_218 = tpu.memref_slice %arg5[%dma_wait3A_216, %dma_wait3A_217] : memref<128x128xf32, #tpu.memory_space<vmem>> -> memref<120x128xf32, #tpu.memory_space<vmem>>
        %dma_wait3A_219 = arith.constant 0 : i32
        %dma_wait3A_220 = tpu.memref_slice %arg11[%add3A_205, %dma_wait3A_219] : memref<10112x128xf32, #tpu.memory_space<vmem_shared>> -> memref<120x128xf32, #tpu.memory_space<vmem_shared>>
        %dma_wait3A_221 = arith.constant 0 : i32
        %dma_wait3A_222 = tpu.memref_slice %arg11[%add3A_205, %dma_wait3A_221] : memref<10112x128xf32, #tpu.memory_space<vmem_shared>> -> memref<120x128xf32, #tpu.memory_space<vmem_shared>>
        %dma_wait3A_223 = arith.constant 0 : i32
        %dma_wait3A_224 = arith.constant 0 : i32
        %dma_wait3A_225 = tpu.memref_slice %arg5[%dma_wait3A_223, %dma_wait3A_224] : memref<128x128xf32, #tpu.memory_space<vmem>> -> memref<120x128xf32, #tpu.memory_space<vmem>>
        tpu.wait_dma2 semaphore(%run_scoped3A : memref<!tpu.dma_semaphore, #tpu.memory_space<semaphore_mem>>) src(%dma_wait3A_225 : memref<120x128xf32, #tpu.memory_space<vmem>>) dst(%dma_wait3A_222 : memref<120x128xf32, #tpu.memory_space<vmem_shared>>)
        tpu.yield
      }) : () -> ()
    } else {
    }
    %eq3A_10 = arith.constant 0 : i32
    %eq3A_11 = arith.cmpi eq, %arg0, %eq3A_10 : i32
    %and3A_12 = arith.andi %eq3A_11, %eq3A_5 : i1
    %convert_element_type3A_13 = arith.extui %and3A_12 : i1 to i32
    %cond3A_14 = arith.constant 0 : i32
    %cond3A_15 = arith.cmpi ne, %convert_element_type3A_13, %cond3A_14 : i32
    scf.if %cond3A_15 {
      %add3A_186 = arith.constant 0 : i32
      %add3A_187 = arith.addi %mul3A_4, %add3A_186 : i32
      "tpu.region"() ({
        %run_scoped3A = tpu.sem_alloc : memref<!tpu.dma_semaphore, #tpu.memory_space<semaphore_mem>>
        %dma_start3A_206 = arith.constant 0 : i32
        %dma_start3A_207 = tpu.memref_slice %arg3[%add3A_187, %dma_start3A_206] : memref<10000x128xf32, #tpu.memory_space<hbm>> -> memref<128x128xf32, #tpu.memory_space<hbm>>
        %dma_start3A_208 = arith.constant 0 : i32
        %dma_start3A_209 = tpu.memref_slice %arg3[%add3A_187, %dma_start3A_208] : memref<10000x128xf32, #tpu.memory_space<hbm>> -> memref<128x128xf32, #tpu.memory_space<hbm>>
        tpu.enqueue_dma source(%dma_start3A_209 : memref<128x128xf32, #tpu.memory_space<hbm>>) target(%arg5 : memref<128x128xf32, #tpu.memory_space<vmem>>) target_semaphore(%run_scoped3A : memref<!tpu.dma_semaphore, #tpu.memory_space<semaphore_mem>>)
        %dma_wait3A_210 = arith.constant 0 : i32
        %dma_wait3A_211 = tpu.memref_slice %arg3[%add3A_187, %dma_wait3A_210] : memref<10000x128xf32, #tpu.memory_space<hbm>> -> memref<128x128xf32, #tpu.memory_space<hbm>>
        %dma_wait3A_212 = arith.constant 0 : i32
        %dma_wait3A_213 = tpu.memref_slice %arg3[%add3A_187, %dma_wait3A_212] : memref<10000x128xf32, #tpu.memory_space<hbm>> -> memref<128x128xf32, #tpu.memory_space<hbm>>
        tpu.wait_dma2 semaphore(%run_scoped3A : memref<!tpu.dma_semaphore, #tpu.memory_space<semaphore_mem>>) src(%dma_wait3A_213 : memref<128x128xf32, #tpu.memory_space<hbm>>) dst(%arg5 : memref<128x128xf32, #tpu.memory_space<vmem>>)
        tpu.yield
      }) : () -> ()
      %add3A_188 = arith.constant 0 : i32
      %add3A_189 = arith.addi %mul3A_4, %add3A_188 : i32
      "tpu.region"() ({
        %run_scoped3A = tpu.sem_alloc : memref<!tpu.dma_semaphore, #tpu.memory_space<semaphore_mem>>
        %dma_start3A_206 = arith.constant 0 : i32
        %dma_start3A_207 = tpu.memref_slice %arg11[%add3A_189, %dma_start3A_206] : memref<10112x128xf32, #tpu.memory_space<vmem_shared>> -> memref<128x128xf32, #tpu.memory_space<vmem_shared>>
        %dma_start3A_208 = arith.constant 0 : i32
        %dma_start3A_209 = tpu.memref_slice %arg11[%add3A_189, %dma_start3A_208] : memref<10112x128xf32, #tpu.memory_space<vmem_shared>> -> memref<128x128xf32, #tpu.memory_space<vmem_shared>>
        tpu.enqueue_dma source(%arg5 : memref<128x128xf32, #tpu.memory_space<vmem>>) target(%dma_start3A_209 : memref<128x128xf32, #tpu.memory_space<vmem_shared>>) target_semaphore(%run_scoped3A : memref<!tpu.dma_semaphore, #tpu.memory_space<semaphore_mem>>)
        %dma_wait3A_210 = arith.constant 0 : i32
        %dma_wait3A_211 = tpu.memref_slice %arg11[%add3A_189, %dma_wait3A_210] : memref<10112x128xf32, #tpu.memory_space<vmem_shared>> -> memref<128x128xf32, #tpu.memory_space<vmem_shared>>
        %dma_wait3A_212 = arith.constant 0 : i32
        %dma_wait3A_213 = tpu.memref_slice %arg11[%add3A_189, %dma_wait3A_212] : memref<10112x128xf32, #tpu.memory_space<vmem_shared>> -> memref<128x128xf32, #tpu.memory_space<vmem_shared>>
        tpu.wait_dma2 semaphore(%run_scoped3A : memref<!tpu.dma_semaphore, #tpu.memory_space<semaphore_mem>>) src(%arg5 : memref<128x128xf32, #tpu.memory_space<vmem>>) dst(%dma_wait3A_213 : memref<128x128xf32, #tpu.memory_space<vmem_shared>>)
        tpu.yield
      }) : () -> ()
      %add3A_190 = arith.constant 128 : i32
      %add3A_191 = arith.addi %mul3A_4, %add3A_190 : i32
      "tpu.region"() ({
        %run_scoped3A = tpu.sem_alloc : memref<!tpu.dma_semaphore, #tpu.memory_space<semaphore_mem>>
        %dma_start3A_206 = arith.constant 0 : i32
        %dma_start3A_207 = tpu.memref_slice %arg3[%add3A_191, %dma_start3A_206] : memref<10000x128xf32, #tpu.memory_space<hbm>> -> memref<128x128xf32, #tpu.memory_space<hbm>>
        %dma_start3A_208 = arith.constant 0 : i32
        %dma_start3A_209 = tpu.memref_slice %arg3[%add3A_191, %dma_start3A_208] : memref<10000x128xf32, #tpu.memory_space<hbm>> -> memref<128x128xf32, #tpu.memory_space<hbm>>
        tpu.enqueue_dma source(%dma_start3A_209 : memref<128x128xf32, #tpu.memory_space<hbm>>) target(%arg5 : memref<128x128xf32, #tpu.memory_space<vmem>>) target_semaphore(%run_scoped3A : memref<!tpu.dma_semaphore, #tpu.memory_space<semaphore_mem>>)
        %dma_wait3A_210 = arith.constant 0 : i32
        %dma_wait3A_211 = tpu.memref_slice %arg3[%add3A_191, %dma_wait3A_210] : memref<10000x128xf32, #tpu.memory_space<hbm>> -> memref<128x128xf32, #tpu.memory_space<hbm>>
        %dma_wait3A_212 = arith.constant 0 : i32
        %dma_wait3A_213 = tpu.memref_slice %arg3[%add3A_191, %dma_wait3A_212] : memref<10000x128xf32, #tpu.memory_space<hbm>> -> memref<128x128xf32, #tpu.memory_space<hbm>>
        tpu.wait_dma2 semaphore(%run_scoped3A : memref<!tpu.dma_semaphore, #tpu.memory_space<semaphore_mem>>) src(%dma_wait3A_213 : memref<128x128xf32, #tpu.memory_space<hbm>>) dst(%arg5 : memref<128x128xf32, #tpu.memory_space<vmem>>)
        tpu.yield
      }) : () -> ()
      %add3A_192 = arith.constant 128 : i32
      %add3A_193 = arith.addi %mul3A_4, %add3A_192 : i32
      "tpu.region"() ({
        %run_scoped3A = tpu.sem_alloc : memref<!tpu.dma_semaphore, #tpu.memory_space<semaphore_mem>>
        %dma_start3A_206 = arith.constant 0 : i32
        %dma_start3A_207 = tpu.memref_slice %arg11[%add3A_193, %dma_start3A_206] : memref<10112x128xf32, #tpu.memory_space<vmem_shared>> -> memref<128x128xf32, #tpu.memory_space<vmem_shared>>
        %dma_start3A_208 = arith.constant 0 : i32
        %dma_start3A_209 = tpu.memref_slice %arg11[%add3A_193, %dma_start3A_208] : memref<10112x128xf32, #tpu.memory_space<vmem_shared>> -> memref<128x128xf32, #tpu.memory_space<vmem_shared>>
        tpu.enqueue_dma source(%arg5 : memref<128x128xf32, #tpu.memory_space<vmem>>) target(%dma_start3A_209 : memref<128x128xf32, #tpu.memory_space<vmem_shared>>) target_semaphore(%run_scoped3A : memref<!tpu.dma_semaphore, #tpu.memory_space<semaphore_mem>>)
        %dma_wait3A_210 = arith.constant 0 : i32
        %dma_wait3A_211 = tpu.memref_slice %arg11[%add3A_193, %dma_wait3A_210] : memref<10112x128xf32, #tpu.memory_space<vmem_shared>> -> memref<128x128xf32, #tpu.memory_space<vmem_shared>>
        %dma_wait3A_212 = arith.constant 0 : i32
        %dma_wait3A_213 = tpu.memref_slice %arg11[%add3A_193, %dma_wait3A_212] : memref<10112x128xf32, #tpu.memory_space<vmem_shared>> -> memref<128x128xf32, #tpu.memory_space<vmem_shared>>
        tpu.wait_dma2 semaphore(%run_scoped3A : memref<!tpu.dma_semaphore, #tpu.memory_space<semaphore_mem>>) src(%arg5 : memref<128x128xf32, #tpu.memory_space<vmem>>) dst(%dma_wait3A_213 : memref<128x128xf32, #tpu.memory_space<vmem_shared>>)
        tpu.yield
      }) : () -> ()
      %add3A_194 = arith.constant 256 : i32
      %add3A_195 = arith.addi %mul3A_4, %add3A_194 : i32
      "tpu.region"() ({
        %run_scoped3A = tpu.sem_alloc : memref<!tpu.dma_semaphore, #tpu.memory_space<semaphore_mem>>
        %dma_start3A_206 = arith.constant 0 : i32
        %dma_start3A_207 = tpu.memref_slice %arg3[%add3A_195, %dma_start3A_206] : memref<10000x128xf32, #tpu.memory_space<hbm>> -> memref<128x128xf32, #tpu.memory_space<hbm>>
        %dma_start3A_208 = arith.constant 0 : i32
        %dma_start3A_209 = tpu.memref_slice %arg3[%add3A_195, %dma_start3A_208] : memref<10000x128xf32, #tpu.memory_space<hbm>> -> memref<128x128xf32, #tpu.memory_space<hbm>>
        tpu.enqueue_dma source(%dma_start3A_209 : memref<128x128xf32, #tpu.memory_space<hbm>>) target(%arg5 : memref<128x128xf32, #tpu.memory_space<vmem>>) target_semaphore(%run_scoped3A : memref<!tpu.dma_semaphore, #tpu.memory_space<semaphore_mem>>)
        %dma_wait3A_210 = arith.constant 0 : i32
        %dma_wait3A_211 = tpu.memref_slice %arg3[%add3A_195, %dma_wait3A_210] : memref<10000x128xf32, #tpu.memory_space<hbm>> -> memref<128x128xf32, #tpu.memory_space<hbm>>
        %dma_wait3A_212 = arith.constant 0 : i32
        %dma_wait3A_213 = tpu.memref_slice %arg3[%add3A_195, %dma_wait3A_212] : memref<10000x128xf32, #tpu.memory_space<hbm>> -> memref<128x128xf32, #tpu.memory_space<hbm>>
        tpu.wait_dma2 semaphore(%run_scoped3A : memref<!tpu.dma_semaphore, #tpu.memory_space<semaphore_mem>>) src(%dma_wait3A_213 : memref<128x128xf32, #tpu.memory_space<hbm>>) dst(%arg5 : memref<128x128xf32, #tpu.memory_space<vmem>>)
        tpu.yield
      }) : () -> ()
      %add3A_196 = arith.constant 256 : i32
      %add3A_197 = arith.addi %mul3A_4, %add3A_196 : i32
      "tpu.region"() ({
        %run_scoped3A = tpu.sem_alloc : memref<!tpu.dma_semaphore, #tpu.memory_space<semaphore_mem>>
        %dma_start3A_206 = arith.constant 0 : i32
        %dma_start3A_207 = tpu.memref_slice %arg11[%add3A_197, %dma_start3A_206] : memref<10112x128xf32, #tpu.memory_space<vmem_shared>> -> memref<128x128xf32, #tpu.memory_space<vmem_shared>>
        %dma_start3A_208 = arith.constant 0 : i32
        %dma_start3A_209 = tpu.memref_slice %arg11[%add3A_197, %dma_start3A_208] : memref<10112x128xf32, #tpu.memory_space<vmem_shared>> -> memref<128x128xf32, #tpu.memory_space<vmem_shared>>
        tpu.enqueue_dma source(%arg5 : memref<128x128xf32, #tpu.memory_space<vmem>>) target(%dma_start3A_209 : memref<128x128xf32, #tpu.memory_space<vmem_shared>>) target_semaphore(%run_scoped3A : memref<!tpu.dma_semaphore, #tpu.memory_space<semaphore_mem>>)
        %dma_wait3A_210 = arith.constant 0 : i32
        %dma_wait3A_211 = tpu.memref_slice %arg11[%add3A_197, %dma_wait3A_210] : memref<10112x128xf32, #tpu.memory_space<vmem_shared>> -> memref<128x128xf32, #tpu.memory_space<vmem_shared>>
        %dma_wait3A_212 = arith.constant 0 : i32
        %dma_wait3A_213 = tpu.memref_slice %arg11[%add3A_197, %dma_wait3A_212] : memref<10112x128xf32, #tpu.memory_space<vmem_shared>> -> memref<128x128xf32, #tpu.memory_space<vmem_shared>>
        tpu.wait_dma2 semaphore(%run_scoped3A : memref<!tpu.dma_semaphore, #tpu.memory_space<semaphore_mem>>) src(%arg5 : memref<128x128xf32, #tpu.memory_space<vmem>>) dst(%dma_wait3A_213 : memref<128x128xf32, #tpu.memory_space<vmem_shared>>)
        tpu.yield
      }) : () -> ()
      %add3A_198 = arith.constant 384 : i32
      %add3A_199 = arith.addi %mul3A_4, %add3A_198 : i32
      "tpu.region"() ({
        %run_scoped3A = tpu.sem_alloc : memref<!tpu.dma_semaphore, #tpu.memory_space<semaphore_mem>>
        %dma_start3A_206 = arith.constant 0 : i32
        %dma_start3A_207 = tpu.memref_slice %arg3[%add3A_199, %dma_start3A_206] : memref<10000x128xf32, #tpu.memory_space<hbm>> -> memref<128x128xf32, #tpu.memory_space<hbm>>
        %dma_start3A_208 = arith.constant 0 : i32
        %dma_start3A_209 = tpu.memref_slice %arg3[%add3A_199, %dma_start3A_208] : memref<10000x128xf32, #tpu.memory_space<hbm>> -> memref<128x128xf32, #tpu.memory_space<hbm>>
        tpu.enqueue_dma source(%dma_start3A_209 : memref<128x128xf32, #tpu.memory_space<hbm>>) target(%arg5 : memref<128x128xf32, #tpu.memory_space<vmem>>) target_semaphore(%run_scoped3A : memref<!tpu.dma_semaphore, #tpu.memory_space<semaphore_mem>>)
        %dma_wait3A_210 = arith.constant 0 : i32
        %dma_wait3A_211 = tpu.memref_slice %arg3[%add3A_199, %dma_wait3A_210] : memref<10000x128xf32, #tpu.memory_space<hbm>> -> memref<128x128xf32, #tpu.memory_space<hbm>>
        %dma_wait3A_212 = arith.constant 0 : i32
        %dma_wait3A_213 = tpu.memref_slice %arg3[%add3A_199, %dma_wait3A_212] : memref<10000x128xf32, #tpu.memory_space<hbm>> -> memref<128x128xf32, #tpu.memory_space<hbm>>
        tpu.wait_dma2 semaphore(%run_scoped3A : memref<!tpu.dma_semaphore, #tpu.memory_space<semaphore_mem>>) src(%dma_wait3A_213 : memref<128x128xf32, #tpu.memory_space<hbm>>) dst(%arg5 : memref<128x128xf32, #tpu.memory_space<vmem>>)
        tpu.yield
      }) : () -> ()
      %add3A_200 = arith.constant 384 : i32
      %add3A_201 = arith.addi %mul3A_4, %add3A_200 : i32
      "tpu.region"() ({
        %run_scoped3A = tpu.sem_alloc : memref<!tpu.dma_semaphore, #tpu.memory_space<semaphore_mem>>
        %dma_start3A_206 = arith.constant 0 : i32
        %dma_start3A_207 = tpu.memref_slice %arg11[%add3A_201, %dma_start3A_206] : memref<10112x128xf32, #tpu.memory_space<vmem_shared>> -> memref<128x128xf32, #tpu.memory_space<vmem_shared>>
        %dma_start3A_208 = arith.constant 0 : i32
        %dma_start3A_209 = tpu.memref_slice %arg11[%add3A_201, %dma_start3A_208] : memref<10112x128xf32, #tpu.memory_space<vmem_shared>> -> memref<128x128xf32, #tpu.memory_space<vmem_shared>>
        tpu.enqueue_dma source(%arg5 : memref<128x128xf32, #tpu.memory_space<vmem>>) target(%dma_start3A_209 : memref<128x128xf32, #tpu.memory_space<vmem_shared>>) target_semaphore(%run_scoped3A : memref<!tpu.dma_semaphore, #tpu.memory_space<semaphore_mem>>)
        %dma_wait3A_210 = arith.constant 0 : i32
        %dma_wait3A_211 = tpu.memref_slice %arg11[%add3A_201, %dma_wait3A_210] : memref<10112x128xf32, #tpu.memory_space<vmem_shared>> -> memref<128x128xf32, #tpu.memory_space<vmem_shared>>
        %dma_wait3A_212 = arith.constant 0 : i32
        %dma_wait3A_213 = tpu.memref_slice %arg11[%add3A_201, %dma_wait3A_212] : memref<10112x128xf32, #tpu.memory_space<vmem_shared>> -> memref<128x128xf32, #tpu.memory_space<vmem_shared>>
        tpu.wait_dma2 semaphore(%run_scoped3A : memref<!tpu.dma_semaphore, #tpu.memory_space<semaphore_mem>>) src(%arg5 : memref<128x128xf32, #tpu.memory_space<vmem>>) dst(%dma_wait3A_213 : memref<128x128xf32, #tpu.memory_space<vmem_shared>>)
        tpu.yield
      }) : () -> ()
      %add3A_202 = arith.constant 512 : i32
      %add3A_203 = arith.addi %mul3A_4, %add3A_202 : i32
      "tpu.region"() ({
        %run_scoped3A = tpu.sem_alloc : memref<!tpu.dma_semaphore, #tpu.memory_space<semaphore_mem>>
        %dma_start3A_206 = arith.constant 0 : i32
        %dma_start3A_207 = arith.constant 0 : i32
        %dma_start3A_208 = tpu.memref_slice %arg5[%dma_start3A_206, %dma_start3A_207] : memref<128x128xf32, #tpu.memory_space<vmem>> -> memref<8x128xf32, #tpu.memory_space<vmem>>
        %dma_start3A_209 = arith.constant 0 : i32
        %dma_start3A_210 = tpu.memref_slice %arg3[%add3A_203, %dma_start3A_209] : memref<10000x128xf32, #tpu.memory_space<hbm>> -> memref<8x128xf32, #tpu.memory_space<hbm>>
        %dma_start3A_211 = arith.constant 0 : i32
        %dma_start3A_212 = arith.constant 0 : i32
        %dma_start3A_213 = tpu.memref_slice %arg5[%dma_start3A_211, %dma_start3A_212] : memref<128x128xf32, #tpu.memory_space<vmem>> -> memref<8x128xf32, #tpu.memory_space<vmem>>
        %dma_start3A_214 = arith.constant 0 : i32
        %dma_start3A_215 = tpu.memref_slice %arg3[%add3A_203, %dma_start3A_214] : memref<10000x128xf32, #tpu.memory_space<hbm>> -> memref<8x128xf32, #tpu.memory_space<hbm>>
        tpu.enqueue_dma source(%dma_start3A_215 : memref<8x128xf32, #tpu.memory_space<hbm>>) target(%dma_start3A_213 : memref<8x128xf32, #tpu.memory_space<vmem>>) target_semaphore(%run_scoped3A : memref<!tpu.dma_semaphore, #tpu.memory_space<semaphore_mem>>)
        %dma_wait3A_216 = arith.constant 0 : i32
        %dma_wait3A_217 = arith.constant 0 : i32
        %dma_wait3A_218 = tpu.memref_slice %arg5[%dma_wait3A_216, %dma_wait3A_217] : memref<128x128xf32, #tpu.memory_space<vmem>> -> memref<8x128xf32, #tpu.memory_space<vmem>>
        %dma_wait3A_219 = arith.constant 0 : i32
        %dma_wait3A_220 = tpu.memref_slice %arg3[%add3A_203, %dma_wait3A_219] : memref<10000x128xf32, #tpu.memory_space<hbm>> -> memref<8x128xf32, #tpu.memory_space<hbm>>
        %dma_wait3A_221 = arith.constant 0 : i32
        %dma_wait3A_222 = arith.constant 0 : i32
        %dma_wait3A_223 = tpu.memref_slice %arg5[%dma_wait3A_221, %dma_wait3A_222] : memref<128x128xf32, #tpu.memory_space<vmem>> -> memref<8x128xf32, #tpu.memory_space<vmem>>
        %dma_wait3A_224 = arith.constant 0 : i32
        %dma_wait3A_225 = tpu.memref_slice %arg3[%add3A_203, %dma_wait3A_224] : memref<10000x128xf32, #tpu.memory_space<hbm>> -> memref<8x128xf32, #tpu.memory_space<hbm>>
        tpu.wait_dma2 semaphore(%run_scoped3A : memref<!tpu.dma_semaphore, #tpu.memory_space<semaphore_mem>>) src(%dma_wait3A_225 : memref<8x128xf32, #tpu.memory_space<hbm>>) dst(%dma_wait3A_223 : memref<8x128xf32, #tpu.memory_space<vmem>>)
        tpu.yield
      }) : () -> ()
      %add3A_204 = arith.constant 512 : i32
      %add3A_205 = arith.addi %mul3A_4, %add3A_204 : i32
      "tpu.region"() ({
        %run_scoped3A = tpu.sem_alloc : memref<!tpu.dma_semaphore, #tpu.memory_space<semaphore_mem>>
        %dma_start3A_206 = arith.constant 0 : i32
        %dma_start3A_207 = arith.constant 0 : i32
        %dma_start3A_208 = tpu.memref_slice %arg5[%dma_start3A_206, %dma_start3A_207] : memref<128x128xf32, #tpu.memory_space<vmem>> -> memref<8x128xf32, #tpu.memory_space<vmem>>
        %dma_start3A_209 = arith.constant 0 : i32
        %dma_start3A_210 = tpu.memref_slice %arg11[%add3A_205, %dma_start3A_209] : memref<10112x128xf32, #tpu.memory_space<vmem_shared>> -> memref<8x128xf32, #tpu.memory_space<vmem_shared>>
        %dma_start3A_211 = arith.constant 0 : i32
        %dma_start3A_212 = tpu.memref_slice %arg11[%add3A_205, %dma_start3A_211] : memref<10112x128xf32, #tpu.memory_space<vmem_shared>> -> memref<8x128xf32, #tpu.memory_space<vmem_shared>>
        %dma_start3A_213 = arith.constant 0 : i32
        %dma_start3A_214 = arith.constant 0 : i32
        %dma_start3A_215 = tpu.memref_slice %arg5[%dma_start3A_213, %dma_start3A_214] : memref<128x128xf32, #tpu.memory_space<vmem>> -> memref<8x128xf32, #tpu.memory_space<vmem>>
        tpu.enqueue_dma source(%dma_start3A_215 : memref<8x128xf32, #tpu.memory_space<vmem>>) target(%dma_start3A_212 : memref<8x128xf32, #tpu.memory_space<vmem_shared>>) target_semaphore(%run_scoped3A : memref<!tpu.dma_semaphore, #tpu.memory_space<semaphore_mem>>)
        %dma_wait3A_216 = arith.constant 0 : i32
        %dma_wait3A_217 = arith.constant 0 : i32
        %dma_wait3A_218 = tpu.memref_slice %arg5[%dma_wait3A_216, %dma_wait3A_217] : memref<128x128xf32, #tpu.memory_space<vmem>> -> memref<8x128xf32, #tpu.memory_space<vmem>>
        %dma_wait3A_219 = arith.constant 0 : i32
        %dma_wait3A_220 = tpu.memref_slice %arg11[%add3A_205, %dma_wait3A_219] : memref<10112x128xf32, #tpu.memory_space<vmem_shared>> -> memref<8x128xf32, #tpu.memory_space<vmem_shared>>
        %dma_wait3A_221 = arith.constant 0 : i32
        %dma_wait3A_222 = tpu.memref_slice %arg11[%add3A_205, %dma_wait3A_221] : memref<10112x128xf32, #tpu.memory_space<vmem_shared>> -> memref<8x128xf32, #tpu.memory_space<vmem_shared>>
        %dma_wait3A_223 = arith.constant 0 : i32
        %dma_wait3A_224 = arith.constant 0 : i32
        %dma_wait3A_225 = tpu.memref_slice %arg5[%dma_wait3A_223, %dma_wait3A_224] : memref<128x128xf32, #tpu.memory_space<vmem>> -> memref<8x128xf32, #tpu.memory_space<vmem>>
        tpu.wait_dma2 semaphore(%run_scoped3A : memref<!tpu.dma_semaphore, #tpu.memory_space<semaphore_mem>>) src(%dma_wait3A_225 : memref<8x128xf32, #tpu.memory_space<vmem>>) dst(%dma_wait3A_222 : memref<8x128xf32, #tpu.memory_space<vmem_shared>>)
        tpu.yield
      }) : () -> ()
    } else {
    }
    %ne3A = arith.constant 0 : i32
    %ne3A_16 = arith.cmpi ne, %arg0, %ne3A : i32
    %convert_element_type3A_17 = arith.extui %ne3A_16 : i1 to i32
    %cond3A_18 = arith.constant 0 : i32
    %cond3A_19 = arith.cmpi ne, %convert_element_type3A_17, %cond3A_18 : i32
    scf.if %cond3A_19 {
      %scan3A_186 = arith.constant 0 : i32
      %scan3A_187 = arith.constant 128 : i32
      %scan3A_188 = arith.addi %scan3A_186, %scan3A_187 : i32
      %scan3A_189 = arith.constant 1 : i32
      scf.for %scan3A_201 = %scan3A_186 to %scan3A_188 step %scan3A_189  : i32 {
        %mul3A_202 = arith.constant 1 : i32
        %mul3A_203 = arith.muli %scan3A_201, %mul3A_202 : i32
        %add3A_204 = arith.constant 0 : i32
        %add3A_205 = arith.addi %add3A_204, %mul3A_203 : i32
        %broadcast_in_dim3A = arith.constant 0.000000e+00 : f32
        %broadcast_in_dim3A_206 = vector.broadcast %broadcast_in_dim3A : f32 to vector<16xf32>
        %swap3A = arith.index_cast %add3A_205 : i32 to index
        %swap3A_207 = arith.constant 0 : index
        %swap3A_208 = tpu.vector_load %arg5[%swap3A, %swap3A_207] {strides = array<i32>} : memref<128x128xf32, #tpu.memory_space<vmem>>, vector<1x16xf32>,
        %swap3A_209 = vector.shape_cast %swap3A_208 : vector<1x16xf32> to vector<16xf32>
        %swap3A_210 = vector.shape_cast %broadcast_in_dim3A_206 : vector<16xf32> to vector<1x16xf32>
        tpu.vector_store %arg5[%swap3A, %swap3A_207], %swap3A_210 {strides = array<i32>} : memref<128x128xf32, #tpu.memory_space<vmem>>, vector<1x16xf32>,
        %broadcast_in_dim3A_211 = arith.constant 0.000000e+00 : f32
        %broadcast_in_dim3A_212 = vector.broadcast %broadcast_in_dim3A_211 : f32 to vector<16xf32>
        %swap3A_213 = arith.index_cast %add3A_205 : i32 to index
        %swap3A_214 = arith.constant 16 : index
        %swap3A_215 = tpu.vector_load %arg5[%swap3A_213, %swap3A_214] {strides = array<i32>} : memref<128x128xf32, #tpu.memory_space<vmem>>, vector<1x16xf32>,
        %swap3A_216 = vector.shape_cast %swap3A_215 : vector<1x16xf32> to vector<16xf32>
        %swap3A_217 = vector.shape_cast %broadcast_in_dim3A_212 : vector<16xf32> to vector<1x16xf32>
        tpu.vector_store %arg5[%swap3A_213, %swap3A_214], %swap3A_217 {strides = array<i32>} : memref<128x128xf32, #tpu.memory_space<vmem>>, vector<1x16xf32>,
        %broadcast_in_dim3A_218 = arith.constant 0.000000e+00 : f32
        %broadcast_in_dim3A_219 = vector.broadcast %broadcast_in_dim3A_218 : f32 to vector<16xf32>
        %swap3A_220 = arith.index_cast %add3A_205 : i32 to index
        %swap3A_221 = arith.constant 32 : index
        %swap3A_222 = tpu.vector_load %arg5[%swap3A_220, %swap3A_221] {strides = array<i32>} : memref<128x128xf32, #tpu.memory_space<vmem>>, vector<1x16xf32>,
        %swap3A_223 = vector.shape_cast %swap3A_222 : vector<1x16xf32> to vector<16xf32>
        %swap3A_224 = vector.shape_cast %broadcast_in_dim3A_219 : vector<16xf32> to vector<1x16xf32>
        tpu.vector_store %arg5[%swap3A_220, %swap3A_221], %swap3A_224 {strides = array<i32>} : memref<128x128xf32, #tpu.memory_space<vmem>>, vector<1x16xf32>,
        %broadcast_in_dim3A_225 = arith.constant 0.000000e+00 : f32
        %broadcast_in_dim3A_226 = vector.broadcast %broadcast_in_dim3A_225 : f32 to vector<16xf32>
        %swap3A_227 = arith.index_cast %add3A_205 : i32 to index
        %swap3A_228 = arith.constant 48 : index
        %swap3A_229 = tpu.vector_load %arg5[%swap3A_227, %swap3A_228] {strides = array<i32>} : memref<128x128xf32, #tpu.memory_space<vmem>>, vector<1x16xf32>,
        %swap3A_230 = vector.shape_cast %swap3A_229 : vector<1x16xf32> to vector<16xf32>
        %swap3A_231 = vector.shape_cast %broadcast_in_dim3A_226 : vector<16xf32> to vector<1x16xf32>
        tpu.vector_store %arg5[%swap3A_227, %swap3A_228], %swap3A_231 {strides = array<i32>} : memref<128x128xf32, #tpu.memory_space<vmem>>, vector<1x16xf32>,
        %broadcast_in_dim3A_232 = arith.constant 0.000000e+00 : f32
        %broadcast_in_dim3A_233 = vector.broadcast %broadcast_in_dim3A_232 : f32 to vector<16xf32>
        %swap3A_234 = arith.index_cast %add3A_205 : i32 to index
        %swap3A_235 = arith.constant 64 : index
        %swap3A_236 = tpu.vector_load %arg5[%swap3A_234, %swap3A_235] {strides = array<i32>} : memref<128x128xf32, #tpu.memory_space<vmem>>, vector<1x16xf32>,
        %swap3A_237 = vector.shape_cast %swap3A_236 : vector<1x16xf32> to vector<16xf32>
        %swap3A_238 = vector.shape_cast %broadcast_in_dim3A_233 : vector<16xf32> to vector<1x16xf32>
        tpu.vector_store %arg5[%swap3A_234, %swap3A_235], %swap3A_238 {strides = array<i32>} : memref<128x128xf32, #tpu.memory_space<vmem>>, vector<1x16xf32>,
        %broadcast_in_dim3A_239 = arith.constant 0.000000e+00 : f32
        %broadcast_in_dim3A_240 = vector.broadcast %broadcast_in_dim3A_239 : f32 to vector<16xf32>
        %swap3A_241 = arith.index_cast %add3A_205 : i32 to index
        %swap3A_242 = arith.constant 80 : index
        %swap3A_243 = tpu.vector_load %arg5[%swap3A_241, %swap3A_242] {strides = array<i32>} : memref<128x128xf32, #tpu.memory_space<vmem>>, vector<1x16xf32>,
        %swap3A_244 = vector.shape_cast %swap3A_243 : vector<1x16xf32> to vector<16xf32>
        %swap3A_245 = vector.shape_cast %broadcast_in_dim3A_240 : vector<16xf32> to vector<1x16xf32>
        tpu.vector_store %arg5[%swap3A_241, %swap3A_242], %swap3A_245 {strides = array<i32>} : memref<128x128xf32, #tpu.memory_space<vmem>>, vector<1x16xf32>,
        %broadcast_in_dim3A_246 = arith.constant 0.000000e+00 : f32
        %broadcast_in_dim3A_247 = vector.broadcast %broadcast_in_dim3A_246 : f32 to vector<16xf32>
        %swap3A_248 = arith.index_cast %add3A_205 : i32 to index
        %swap3A_249 = arith.constant 96 : index
        %swap3A_250 = tpu.vector_load %arg5[%swap3A_248, %swap3A_249] {strides = array<i32>} : memref<128x128xf32, #tpu.memory_space<vmem>>, vector<1x16xf32>,
        %swap3A_251 = vector.shape_cast %swap3A_250 : vector<1x16xf32> to vector<16xf32>
        %swap3A_252 = vector.shape_cast %broadcast_in_dim3A_247 : vector<16xf32> to vector<1x16xf32>
        tpu.vector_store %arg5[%swap3A_248, %swap3A_249], %swap3A_252 {strides = array<i32>} : memref<128x128xf32, #tpu.memory_space<vmem>>, vector<1x16xf32>,
        %broadcast_in_dim3A_253 = arith.constant 0.000000e+00 : f32
        %broadcast_in_dim3A_254 = vector.broadcast %broadcast_in_dim3A_253 : f32 to vector<16xf32>
        %swap3A_255 = arith.index_cast %add3A_205 : i32 to index
        %swap3A_256 = arith.constant 112 : index
        %swap3A_257 = tpu.vector_load %arg5[%swap3A_255, %swap3A_256] {strides = array<i32>} : memref<128x128xf32, #tpu.memory_space<vmem>>, vector<1x16xf32>,
        %swap3A_258 = vector.shape_cast %swap3A_257 : vector<1x16xf32> to vector<16xf32>
        %swap3A_259 = vector.shape_cast %broadcast_in_dim3A_254 : vector<16xf32> to vector<1x16xf32>
        tpu.vector_store %arg5[%swap3A_255, %swap3A_256], %swap3A_259 {strides = array<i32>} : memref<128x128xf32, #tpu.memory_space<vmem>>, vector<1x16xf32>,
      }
      %scan3A_190 = arith.constant 128 : i32
      %add3A_191 = arith.constant 0 : i32
      %add3A_192 = arith.addi %mul3A_4, %add3A_191 : i32
      "tpu.region"() ({
        %run_scoped3A = tpu.sem_alloc : memref<!tpu.dma_semaphore, #tpu.memory_space<semaphore_mem>>
        %dma_start3A_201 = arith.constant 0 : i32
        %dma_start3A_202 = tpu.memref_slice %arg11[%add3A_192, %dma_start3A_201] : memref<10112x128xf32, #tpu.memory_space<vmem_shared>> -> memref<128x128xf32, #tpu.memory_space<vmem_shared>>
        %dma_start3A_203 = arith.constant 0 : i32
        %dma_start3A_204 = tpu.memref_slice %arg11[%add3A_192, %dma_start3A_203] : memref<10112x128xf32, #tpu.memory_space<vmem_shared>> -> memref<128x128xf32, #tpu.memory_space<vmem_shared>>
        tpu.enqueue_dma source(%arg5 : memref<128x128xf32, #tpu.memory_space<vmem>>) target(%dma_start3A_204 : memref<128x128xf32, #tpu.memory_space<vmem_shared>>) target_semaphore(%run_scoped3A : memref<!tpu.dma_semaphore, #tpu.memory_space<semaphore_mem>>)
        %dma_wait3A_205 = arith.constant 0 : i32
        %dma_wait3A_206 = tpu.memref_slice %arg11[%add3A_192, %dma_wait3A_205] : memref<10112x128xf32, #tpu.memory_space<vmem_shared>> -> memref<128x128xf32, #tpu.memory_space<vmem_shared>>
        %dma_wait3A_207 = arith.constant 0 : i32
        %dma_wait3A_208 = tpu.memref_slice %arg11[%add3A_192, %dma_wait3A_207] : memref<10112x128xf32, #tpu.memory_space<vmem_shared>> -> memref<128x128xf32, #tpu.memory_space<vmem_shared>>
        tpu.wait_dma2 semaphore(%run_scoped3A : memref<!tpu.dma_semaphore, #tpu.memory_space<semaphore_mem>>) src(%arg5 : memref<128x128xf32, #tpu.memory_space<vmem>>) dst(%dma_wait3A_208 : memref<128x128xf32, #tpu.memory_space<vmem_shared>>)
        tpu.yield
      }) : () -> ()
      %add3A_193 = arith.constant 128 : i32
      %add3A_194 = arith.addi %mul3A_4, %add3A_193 : i32
      "tpu.region"() ({
        %run_scoped3A = tpu.sem_alloc : memref<!tpu.dma_semaphore, #tpu.memory_space<semaphore_mem>>
        %dma_start3A_201 = arith.constant 0 : i32
        %dma_start3A_202 = tpu.memref_slice %arg11[%add3A_194, %dma_start3A_201] : memref<10112x128xf32, #tpu.memory_space<vmem_shared>> -> memref<128x128xf32, #tpu.memory_space<vmem_shared>>
        %dma_start3A_203 = arith.constant 0 : i32
        %dma_start3A_204 = tpu.memref_slice %arg11[%add3A_194, %dma_start3A_203] : memref<10112x128xf32, #tpu.memory_space<vmem_shared>> -> memref<128x128xf32, #tpu.memory_space<vmem_shared>>
        tpu.enqueue_dma source(%arg5 : memref<128x128xf32, #tpu.memory_space<vmem>>) target(%dma_start3A_204 : memref<128x128xf32, #tpu.memory_space<vmem_shared>>) target_semaphore(%run_scoped3A : memref<!tpu.dma_semaphore, #tpu.memory_space<semaphore_mem>>)
        %dma_wait3A_205 = arith.constant 0 : i32
        %dma_wait3A_206 = tpu.memref_slice %arg11[%add3A_194, %dma_wait3A_205] : memref<10112x128xf32, #tpu.memory_space<vmem_shared>> -> memref<128x128xf32, #tpu.memory_space<vmem_shared>>
        %dma_wait3A_207 = arith.constant 0 : i32
        %dma_wait3A_208 = tpu.memref_slice %arg11[%add3A_194, %dma_wait3A_207] : memref<10112x128xf32, #tpu.memory_space<vmem_shared>> -> memref<128x128xf32, #tpu.memory_space<vmem_shared>>
        tpu.wait_dma2 semaphore(%run_scoped3A : memref<!tpu.dma_semaphore, #tpu.memory_space<semaphore_mem>>) src(%arg5 : memref<128x128xf32, #tpu.memory_space<vmem>>) dst(%dma_wait3A_208 : memref<128x128xf32, #tpu.memory_space<vmem_shared>>)
        tpu.yield
      }) : () -> ()
      %add3A_195 = arith.constant 256 : i32
      %add3A_196 = arith.addi %mul3A_4, %add3A_195 : i32
      "tpu.region"() ({
        %run_scoped3A = tpu.sem_alloc : memref<!tpu.dma_semaphore, #tpu.memory_space<semaphore_mem>>
        %dma_start3A_201 = arith.constant 0 : i32
        %dma_start3A_202 = tpu.memref_slice %arg11[%add3A_196, %dma_start3A_201] : memref<10112x128xf32, #tpu.memory_space<vmem_shared>> -> memref<128x128xf32, #tpu.memory_space<vmem_shared>>
        %dma_start3A_203 = arith.constant 0 : i32
        %dma_start3A_204 = tpu.memref_slice %arg11[%add3A_196, %dma_start3A_203] : memref<10112x128xf32, #tpu.memory_space<vmem_shared>> -> memref<128x128xf32, #tpu.memory_space<vmem_shared>>
        tpu.enqueue_dma source(%arg5 : memref<128x128xf32, #tpu.memory_space<vmem>>) target(%dma_start3A_204 : memref<128x128xf32, #tpu.memory_space<vmem_shared>>) target_semaphore(%run_scoped3A : memref<!tpu.dma_semaphore, #tpu.memory_space<semaphore_mem>>)
        %dma_wait3A_205 = arith.constant 0 : i32
        %dma_wait3A_206 = tpu.memref_slice %arg11[%add3A_196, %dma_wait3A_205] : memref<10112x128xf32, #tpu.memory_space<vmem_shared>> -> memref<128x128xf32, #tpu.memory_space<vmem_shared>>
        %dma_wait3A_207 = arith.constant 0 : i32
        %dma_wait3A_208 = tpu.memref_slice %arg11[%add3A_196, %dma_wait3A_207] : memref<10112x128xf32, #tpu.memory_space<vmem_shared>> -> memref<128x128xf32, #tpu.memory_space<vmem_shared>>
        tpu.wait_dma2 semaphore(%run_scoped3A : memref<!tpu.dma_semaphore, #tpu.memory_space<semaphore_mem>>) src(%arg5 : memref<128x128xf32, #tpu.memory_space<vmem>>) dst(%dma_wait3A_208 : memref<128x128xf32, #tpu.memory_space<vmem_shared>>)
        tpu.yield
      }) : () -> ()
      %add3A_197 = arith.constant 384 : i32
      %add3A_198 = arith.addi %mul3A_4, %add3A_197 : i32
      "tpu.region"() ({
        %run_scoped3A = tpu.sem_alloc : memref<!tpu.dma_semaphore, #tpu.memory_space<semaphore_mem>>
        %dma_start3A_201 = arith.constant 0 : i32
        %dma_start3A_202 = tpu.memref_slice %arg11[%add3A_198, %dma_start3A_201] : memref<10112x128xf32, #tpu.memory_space<vmem_shared>> -> memref<128x128xf32, #tpu.memory_space<vmem_shared>>
        %dma_start3A_203 = arith.constant 0 : i32
        %dma_start3A_204 = tpu.memref_slice %arg11[%add3A_198, %dma_start3A_203] : memref<10112x128xf32, #tpu.memory_space<vmem_shared>> -> memref<128x128xf32, #tpu.memory_space<vmem_shared>>
        tpu.enqueue_dma source(%arg5 : memref<128x128xf32, #tpu.memory_space<vmem>>) target(%dma_start3A_204 : memref<128x128xf32, #tpu.memory_space<vmem_shared>>) target_semaphore(%run_scoped3A : memref<!tpu.dma_semaphore, #tpu.memory_space<semaphore_mem>>)
        %dma_wait3A_205 = arith.constant 0 : i32
        %dma_wait3A_206 = tpu.memref_slice %arg11[%add3A_198, %dma_wait3A_205] : memref<10112x128xf32, #tpu.memory_space<vmem_shared>> -> memref<128x128xf32, #tpu.memory_space<vmem_shared>>
        %dma_wait3A_207 = arith.constant 0 : i32
        %dma_wait3A_208 = tpu.memref_slice %arg11[%add3A_198, %dma_wait3A_207] : memref<10112x128xf32, #tpu.memory_space<vmem_shared>> -> memref<128x128xf32, #tpu.memory_space<vmem_shared>>
        tpu.wait_dma2 semaphore(%run_scoped3A : memref<!tpu.dma_semaphore, #tpu.memory_space<semaphore_mem>>) src(%arg5 : memref<128x128xf32, #tpu.memory_space<vmem>>) dst(%dma_wait3A_208 : memref<128x128xf32, #tpu.memory_space<vmem_shared>>)
        tpu.yield
      }) : () -> ()
      %add3A_199 = arith.constant 512 : i32
      %add3A_200 = arith.addi %mul3A_4, %add3A_199 : i32
      "tpu.region"() ({
        %run_scoped3A = tpu.sem_alloc : memref<!tpu.dma_semaphore, #tpu.memory_space<semaphore_mem>>
        %dma_start3A_201 = arith.constant 0 : i32
        %dma_start3A_202 = arith.constant 0 : i32
        %dma_start3A_203 = tpu.memref_slice %arg5[%dma_start3A_201, %dma_start3A_202] : memref<128x128xf32, #tpu.memory_space<vmem>> -> memref<120x128xf32, #tpu.memory_space<vmem>>
        %dma_start3A_204 = arith.constant 0 : i32
        %dma_start3A_205 = tpu.memref_slice %arg11[%add3A_200, %dma_start3A_204] : memref<10112x128xf32, #tpu.memory_space<vmem_shared>> -> memref<120x128xf32, #tpu.memory_space<vmem_shared>>
        %dma_start3A_206 = arith.constant 0 : i32
        %dma_start3A_207 = tpu.memref_slice %arg11[%add3A_200, %dma_start3A_206] : memref<10112x128xf32, #tpu.memory_space<vmem_shared>> -> memref<120x128xf32, #tpu.memory_space<vmem_shared>>
        %dma_start3A_208 = arith.constant 0 : i32
        %dma_start3A_209 = arith.constant 0 : i32
        %dma_start3A_210 = tpu.memref_slice %arg5[%dma_start3A_208, %dma_start3A_209] : memref<128x128xf32, #tpu.memory_space<vmem>> -> memref<120x128xf32, #tpu.memory_space<vmem>>
        tpu.enqueue_dma source(%dma_start3A_210 : memref<120x128xf32, #tpu.memory_space<vmem>>) target(%dma_start3A_207 : memref<120x128xf32, #tpu.memory_space<vmem_shared>>) target_semaphore(%run_scoped3A : memref<!tpu.dma_semaphore, #tpu.memory_space<semaphore_mem>>)
        %dma_wait3A_211 = arith.constant 0 : i32
        %dma_wait3A_212 = arith.constant 0 : i32
        %dma_wait3A_213 = tpu.memref_slice %arg5[%dma_wait3A_211, %dma_wait3A_212] : memref<128x128xf32, #tpu.memory_space<vmem>> -> memref<120x128xf32, #tpu.memory_space<vmem>>
        %dma_wait3A_214 = arith.constant 0 : i32
        %dma_wait3A_215 = tpu.memref_slice %arg11[%add3A_200, %dma_wait3A_214] : memref<10112x128xf32, #tpu.memory_space<vmem_shared>> -> memref<120x128xf32, #tpu.memory_space<vmem_shared>>
        %dma_wait3A_216 = arith.constant 0 : i32
        %dma_wait3A_217 = tpu.memref_slice %arg11[%add3A_200, %dma_wait3A_216] : memref<10112x128xf32, #tpu.memory_space<vmem_shared>> -> memref<120x128xf32, #tpu.memory_space<vmem_shared>>
        %dma_wait3A_218 = arith.constant 0 : i32
        %dma_wait3A_219 = arith.constant 0 : i32
        %dma_wait3A_220 = tpu.memref_slice %arg5[%dma_wait3A_218, %dma_wait3A_219] : memref<128x128xf32, #tpu.memory_space<vmem>> -> memref<120x128xf32, #tpu.memory_space<vmem>>
        tpu.wait_dma2 semaphore(%run_scoped3A : memref<!tpu.dma_semaphore, #tpu.memory_space<semaphore_mem>>) src(%dma_wait3A_220 : memref<120x128xf32, #tpu.memory_space<vmem>>) dst(%dma_wait3A_217 : memref<120x128xf32, #tpu.memory_space<vmem_shared>>)
        tpu.yield
      }) : () -> ()
    } else {
    }
    %barrier3A = arith.constant 0 : index
    tpu.barrier barrier_id(%barrier3A)
    %add3A_20 = arith.constant 0 : i32
    %add3A_21 = arith.addi %mul3A_2, %add3A_20 : i32
    %dma_start3A = arith.constant 0 : i32
    %dma_start3A_22 = tpu.memref_slice %arg2[%dma_start3A, %add3A_21] : memref<2x327680xi32, #tpu.memory_space<hbm>> -> memref<2x128xi32, #tpu.memory_space<hbm>>
    %dma_start3A_23 = arith.constant 0 : i32
    %dma_start3A_24 = tpu.memref_slice %arg2[%dma_start3A_23, %add3A_21] : memref<2x327680xi32, #tpu.memory_space<hbm>> -> memref<2x128xi32, #tpu.memory_space<hbm>>
    tpu.enqueue_dma source(%dma_start3A_24 : memref<2x128xi32, #tpu.memory_space<hbm>>) target(%arg7 : memref<2x128xi32, #tpu.memory_space<vmem>>) target_semaphore(%arg12 : memref<!tpu.dma_semaphore, #tpu.memory_space<semaphore_mem>>)
    %add3A_25 = arith.constant 128 : i32
    %add3A_26 = arith.addi %mul3A_2, %add3A_25 : i32
    %dma_start3A_27 = arith.constant 0 : i32
    %dma_start3A_28 = tpu.memref_slice %arg2[%dma_start3A_27, %add3A_26] : memref<2x327680xi32, #tpu.memory_space<hbm>> -> memref<2x128xi32, #tpu.memory_space<hbm>>
    %dma_start3A_29 = arith.constant 0 : i32
    %dma_start3A_30 = tpu.memref_slice %arg2[%dma_start3A_29, %add3A_26] : memref<2x327680xi32, #tpu.memory_space<hbm>> -> memref<2x128xi32, #tpu.memory_space<hbm>>
    tpu.enqueue_dma source(%dma_start3A_30 : memref<2x128xi32, #tpu.memory_space<hbm>>) target(%arg8 : memref<2x128xi32, #tpu.memory_space<vmem>>) target_semaphore(%arg13 : memref<!tpu.dma_semaphore, #tpu.memory_space<semaphore_mem>>)
    %add3A_31 = arith.constant 256 : i32
    %add3A_32 = arith.addi %mul3A_2, %add3A_31 : i32
    %dma_start3A_33 = arith.constant 0 : i32
    %dma_start3A_34 = tpu.memref_slice %arg2[%dma_start3A_33, %add3A_32] : memref<2x327680xi32, #tpu.memory_space<hbm>> -> memref<2x128xi32, #tpu.memory_space<hbm>>
    %dma_start3A_35 = arith.constant 0 : i32
    %dma_start3A_36 = tpu.memref_slice %arg2[%dma_start3A_35, %add3A_32] : memref<2x327680xi32, #tpu.memory_space<hbm>> -> memref<2x128xi32, #tpu.memory_space<hbm>>
    tpu.enqueue_dma source(%dma_start3A_36 : memref<2x128xi32, #tpu.memory_space<hbm>>) target(%arg9 : memref<2x128xi32, #tpu.memory_space<vmem>>) target_semaphore(%arg14 : memref<!tpu.dma_semaphore, #tpu.memory_space<semaphore_mem>>)
    %add3A_37 = arith.constant 384 : i32
    %add3A_38 = arith.addi %mul3A_2, %add3A_37 : i32
    %dma_start3A_39 = arith.constant 0 : i32
    %dma_start3A_40 = tpu.memref_slice %arg2[%dma_start3A_39, %add3A_38] : memref<2x327680xi32, #tpu.memory_space<hbm>> -> memref<2x128xi32, #tpu.memory_space<hbm>>
    %dma_start3A_41 = arith.constant 0 : i32
    %dma_start3A_42 = tpu.memref_slice %arg2[%dma_start3A_41, %add3A_38] : memref<2x327680xi32, #tpu.memory_space<hbm>> -> memref<2x128xi32, #tpu.memory_space<hbm>>
    tpu.enqueue_dma source(%dma_start3A_42 : memref<2x128xi32, #tpu.memory_space<hbm>>) target(%arg10 : memref<2x128xi32, #tpu.memory_space<vmem>>) target_semaphore(%arg15 : memref<!tpu.dma_semaphore, #tpu.memory_space<semaphore_mem>>)
    %dma_wait3A = arith.constant 0 : i32
    %dma_wait3A_43 = arith.constant 0 : i32
    %dma_wait3A_44 = tpu.memref_slice %arg2[%dma_wait3A, %dma_wait3A_43] : memref<2x327680xi32, #tpu.memory_space<hbm>> -> memref<2x128xi32, #tpu.memory_space<hbm>>
    %dma_wait3A_45 = arith.constant 0 : i32
    %dma_wait3A_46 = arith.constant 0 : i32
    %dma_wait3A_47 = tpu.memref_slice %arg2[%dma_wait3A_45, %dma_wait3A_46] : memref<2x327680xi32, #tpu.memory_space<hbm>> -> memref<2x128xi32, #tpu.memory_space<hbm>>
    tpu.wait_dma2 semaphore(%arg12 : memref<!tpu.dma_semaphore, #tpu.memory_space<semaphore_mem>>) src(%dma_wait3A_47 : memref<2x128xi32, #tpu.memory_space<hbm>>) dst(%arg7 : memref<2x128xi32, #tpu.memory_space<vmem>>)
    %dma_start3A_48 = arith.constant 0 : i32
    %dma_start3A_49 = arith.constant 0 : i32
    %dma_start3A_50 = tpu.memref_slice %arg7[%dma_start3A_48, %dma_start3A_49] : memref<2x128xi32, #tpu.memory_space<vmem>> -> memref<1x128xi32, #tpu.memory_space<vmem>>
    %dma_start3A_51 = tpu.memref_squeeze %dma_start3A_50 : memref<1x128xi32, #tpu.memory_space<vmem>> -> memref<128xi32, #tpu.memory_space<vmem>>
    %dma_start3A_52 = arith.constant 0 : i32
    %dma_start3A_53 = arith.constant 0 : i32
    %dma_start3A_54 = tpu.memref_slice %arg3[%dma_start3A_52, %dma_start3A_53] : memref<10000x128xf32, #tpu.memory_space<hbm>> -> memref<10000x128xf32, #tpu.memory_space<hbm>>
    tpu.enqueue_indirect_dma source(%dma_start3A_54 : memref<10000x128xf32, #tpu.memory_space<hbm>>) target(%arg5 : memref<128x128xf32, #tpu.memory_space<vmem>>) offsets(%dma_start3A_51 : memref<128xi32, #tpu.memory_space<vmem>>) semaphore(%arg16 : memref<!tpu.dma_semaphore, #tpu.memory_space<semaphore_mem>>)
    %dma_wait3A_55 = arith.constant 0 : i32
    %dma_wait3A_56 = arith.constant 0 : i32
    %dma_wait3A_57 = tpu.memref_slice %arg2[%dma_wait3A_55, %dma_wait3A_56] : memref<2x327680xi32, #tpu.memory_space<hbm>> -> memref<2x128xi32, #tpu.memory_space<hbm>>
    %dma_wait3A_58 = arith.constant 0 : i32
    %dma_wait3A_59 = arith.constant 0 : i32
    %dma_wait3A_60 = tpu.memref_slice %arg2[%dma_wait3A_58, %dma_wait3A_59] : memref<2x327680xi32, #tpu.memory_space<hbm>> -> memref<2x128xi32, #tpu.memory_space<hbm>>
    tpu.wait_dma2 semaphore(%arg13 : memref<!tpu.dma_semaphore, #tpu.memory_space<semaphore_mem>>) src(%dma_wait3A_60 : memref<2x128xi32, #tpu.memory_space<hbm>>) dst(%arg8 : memref<2x128xi32, #tpu.memory_space<vmem>>)
    %dma_start3A_61 = arith.constant 0 : i32
    %dma_start3A_62 = arith.constant 0 : i32
    %dma_start3A_63 = tpu.memref_slice %arg8[%dma_start3A_61, %dma_start3A_62] : memref<2x128xi32, #tpu.memory_space<vmem>> -> memref<1x128xi32, #tpu.memory_space<vmem>>
    %dma_start3A_64 = tpu.memref_squeeze %dma_start3A_63 : memref<1x128xi32, #tpu.memory_space<vmem>> -> memref<128xi32, #tpu.memory_space<vmem>>
    %dma_start3A_65 = arith.constant 0 : i32
    %dma_start3A_66 = arith.constant 0 : i32
    %dma_start3A_67 = tpu.memref_slice %arg3[%dma_start3A_65, %dma_start3A_66] : memref<10000x128xf32, #tpu.memory_space<hbm>> -> memref<10000x128xf32, #tpu.memory_space<hbm>>
    tpu.enqueue_indirect_dma source(%dma_start3A_67 : memref<10000x128xf32, #tpu.memory_space<hbm>>) target(%arg6 : memref<128x128xf32, #tpu.memory_space<vmem>>) offsets(%dma_start3A_64 : memref<128xi32, #tpu.memory_space<vmem>>) semaphore(%arg17 : memref<!tpu.dma_semaphore, #tpu.memory_space<semaphore_mem>>)
    %scan3A = arith.constant 0 : i32
    %scan3A_68 = arith.constant 19 : i32
    %scan3A_69 = arith.addi %scan3A, %scan3A_68 : i32
    %scan3A_70 = arith.constant 1 : i32
    scf.for %scan3A_186 = %scan3A to %scan3A_69 step %scan3A_70  : i32 {
      %mul3A_187 = arith.constant 1 : i32
      %mul3A_188 = arith.muli %scan3A_186, %mul3A_187 : i32
      %add3A_189 = arith.constant 0 : i32
      %add3A_190 = arith.addi %add3A_189, %mul3A_188 : i32
      %mul3A_191 = arith.constant 4 : i32
      %mul3A_192 = arith.muli %add3A_190, %mul3A_191 : i32
      %add3A_193 = arith.constant 0 : i32
      %add3A_194 = arith.addi %mul3A_192, %add3A_193 : i32
      %dma_wait3A_195 = arith.constant 0 : i32
      %dma_wait3A_196 = arith.constant 0 : i32
      %dma_wait3A_197 = tpu.memref_slice %arg7[%dma_wait3A_195, %dma_wait3A_196] : memref<2x128xi32, #tpu.memory_space<vmem>> -> memref<1x128xi32, #tpu.memory_space<vmem>>
      %dma_wait3A_198 = tpu.memref_squeeze %dma_wait3A_197 : memref<1x128xi32, #tpu.memory_space<vmem>> -> memref<128xi32, #tpu.memory_space<vmem>>
      %dma_wait3A_199 = arith.constant 0 : i32
      %dma_wait3A_200 = arith.constant 0 : i32
      %dma_wait3A_201 = tpu.memref_slice %arg3[%dma_wait3A_199, %dma_wait3A_200] : memref<10000x128xf32, #tpu.memory_space<hbm>> -> memref<10000x128xf32, #tpu.memory_space<hbm>>
      tpu.wait_indirect_dma semaphore(%arg16 : memref<!tpu.dma_semaphore, #tpu.memory_space<semaphore_mem>>) src(%dma_wait3A_201 : memref<10000x128xf32, #tpu.memory_space<hbm>>) dst(%arg5 : memref<128x128xf32, #tpu.memory_space<vmem>>)
      %dma_start3A_202 = arith.constant 1 : i32
      %dma_start3A_203 = arith.constant 0 : i32
      %dma_start3A_204 = tpu.memref_slice %arg7[%dma_start3A_202, %dma_start3A_203] : memref<2x128xi32, #tpu.memory_space<vmem>> -> memref<1x128xi32, #tpu.memory_space<vmem>>
      %dma_start3A_205 = tpu.memref_squeeze %dma_start3A_204 : memref<1x128xi32, #tpu.memory_space<vmem>> -> memref<128xi32, #tpu.memory_space<vmem>>
      %dma_start3A_206 = arith.constant 0 : i32
      %dma_start3A_207 = arith.constant 0 : i32
      %dma_start3A_208 = tpu.memref_slice %arg11[%dma_start3A_206, %dma_start3A_207] : memref<10112x128xf32, #tpu.memory_space<vmem_shared>> -> memref<10112x128xf32, #tpu.memory_space<vmem_shared>>
      tpu.enqueue_indirect_dma source(%arg5 : memref<128x128xf32, #tpu.memory_space<vmem>>) target(%dma_start3A_208 : memref<10112x128xf32, #tpu.memory_space<vmem_shared>>) offsets(%dma_start3A_205 : memref<128xi32, #tpu.memory_space<vmem>>) semaphore(%arg18 : memref<!tpu.dma_semaphore, #tpu.memory_space<semaphore_mem>>) {add = true}
      %dma_wait3A_209 = arith.constant 1 : i32
      %dma_wait3A_210 = arith.constant 0 : i32
      %dma_wait3A_211 = tpu.memref_slice %arg7[%dma_wait3A_209, %dma_wait3A_210] : memref<2x128xi32, #tpu.memory_space<vmem>> -> memref<1x128xi32, #tpu.memory_space<vmem>>
      %dma_wait3A_212 = tpu.memref_squeeze %dma_wait3A_211 : memref<1x128xi32, #tpu.memory_space<vmem>> -> memref<128xi32, #tpu.memory_space<vmem>>
      %dma_wait3A_213 = arith.constant 0 : i32
      %dma_wait3A_214 = arith.constant 0 : i32
      %dma_wait3A_215 = tpu.memref_slice %arg11[%dma_wait3A_213, %dma_wait3A_214] : memref<10112x128xf32, #tpu.memory_space<vmem_shared>> -> memref<10112x128xf32, #tpu.memory_space<vmem_shared>>
      tpu.wait_indirect_dma semaphore(%arg18 : memref<!tpu.dma_semaphore, #tpu.memory_space<semaphore_mem>>) src(%arg5 : memref<128x128xf32, #tpu.memory_space<vmem>>) dst(%dma_wait3A_215 : memref<10112x128xf32, #tpu.memory_space<vmem_shared>>)
      %add3A_216 = arith.constant 4 : i32
      %add3A_217 = arith.addi %add3A_194, %add3A_216 : i32
      %mul3A_218 = arith.constant 128 : i32
      %mul3A_219 = arith.muli %add3A_217, %mul3A_218 : i32
      %add3A_220 = arith.addi %mul3A_2, %mul3A_219 : i32
      %dma_start3A_221 = arith.constant 0 : i32
      %dma_start3A_222 = tpu.memref_slice %arg2[%dma_start3A_221, %add3A_220] : memref<2x327680xi32, #tpu.memory_space<hbm>> -> memref<2x128xi32, #tpu.memory_space<hbm>>
      %dma_start3A_223 = arith.constant 0 : i32
      %dma_start3A_224 = tpu.memref_slice %arg2[%dma_start3A_223, %add3A_220] : memref<2x327680xi32, #tpu.memory_space<hbm>> -> memref<2x128xi32, #tpu.memory_space<hbm>>
      tpu.enqueue_dma source(%dma_start3A_224 : memref<2x128xi32, #tpu.memory_space<hbm>>) target(%arg7 : memref<2x128xi32, #tpu.memory_space<vmem>>) target_semaphore(%arg12 : memref<!tpu.dma_semaphore, #tpu.memory_space<semaphore_mem>>)
      %dma_wait3A_225 = arith.constant 0 : i32
      %dma_wait3A_226 = arith.constant 0 : i32
      %dma_wait3A_227 = tpu.memref_slice %arg2[%dma_wait3A_225, %dma_wait3A_226] : memref<2x327680xi32, #tpu.memory_space<hbm>> -> memref<2x128xi32, #tpu.memory_space<hbm>>
      %dma_wait3A_228 = arith.constant 0 : i32
      %dma_wait3A_229 = arith.constant 0 : i32
      %dma_wait3A_230 = tpu.memref_slice %arg2[%dma_wait3A_228, %dma_wait3A_229] : memref<2x327680xi32, #tpu.memory_space<hbm>> -> memref<2x128xi32, #tpu.memory_space<hbm>>
      tpu.wait_dma2 semaphore(%arg14 : memref<!tpu.dma_semaphore, #tpu.memory_space<semaphore_mem>>) src(%dma_wait3A_230 : memref<2x128xi32, #tpu.memory_space<hbm>>) dst(%arg9 : memref<2x128xi32, #tpu.memory_space<vmem>>)
      %dma_start3A_231 = arith.constant 0 : i32
      %dma_start3A_232 = arith.constant 0 : i32
      %dma_start3A_233 = tpu.memref_slice %arg9[%dma_start3A_231, %dma_start3A_232] : memref<2x128xi32, #tpu.memory_space<vmem>> -> memref<1x128xi32, #tpu.memory_space<vmem>>
      %dma_start3A_234 = tpu.memref_squeeze %dma_start3A_233 : memref<1x128xi32, #tpu.memory_space<vmem>> -> memref<128xi32, #tpu.memory_space<vmem>>
      %dma_start3A_235 = arith.constant 0 : i32
      %dma_start3A_236 = arith.constant 0 : i32
      %dma_start3A_237 = tpu.memref_slice %arg3[%dma_start3A_235, %dma_start3A_236] : memref<10000x128xf32, #tpu.memory_space<hbm>> -> memref<10000x128xf32, #tpu.memory_space<hbm>>
      tpu.enqueue_indirect_dma source(%dma_start3A_237 : memref<10000x128xf32, #tpu.memory_space<hbm>>) target(%arg5 : memref<128x128xf32, #tpu.memory_space<vmem>>) offsets(%dma_start3A_234 : memref<128xi32, #tpu.memory_space<vmem>>) semaphore(%arg16 : memref<!tpu.dma_semaphore, #tpu.memory_space<semaphore_mem>>)
      %mul3A_238 = arith.constant 4 : i32
      %mul3A_239 = arith.muli %add3A_190, %mul3A_238 : i32
      %add3A_240 = arith.constant 1 : i32
      %add3A_241 = arith.addi %mul3A_239, %add3A_240 : i32
      %dma_wait3A_242 = arith.constant 0 : i32
      %dma_wait3A_243 = arith.constant 0 : i32
      %dma_wait3A_244 = tpu.memref_slice %arg8[%dma_wait3A_242, %dma_wait3A_243] : memref<2x128xi32, #tpu.memory_space<vmem>> -> memref<1x128xi32, #tpu.memory_space<vmem>>
      %dma_wait3A_245 = tpu.memref_squeeze %dma_wait3A_244 : memref<1x128xi32, #tpu.memory_space<vmem>> -> memref<128xi32, #tpu.memory_space<vmem>>
      %dma_wait3A_246 = arith.constant 0 : i32
      %dma_wait3A_247 = arith.constant 0 : i32
      %dma_wait3A_248 = tpu.memref_slice %arg3[%dma_wait3A_246, %dma_wait3A_247] : memref<10000x128xf32, #tpu.memory_space<hbm>> -> memref<10000x128xf32, #tpu.memory_space<hbm>>
      tpu.wait_indirect_dma semaphore(%arg17 : memref<!tpu.dma_semaphore, #tpu.memory_space<semaphore_mem>>) src(%dma_wait3A_248 : memref<10000x128xf32, #tpu.memory_space<hbm>>) dst(%arg6 : memref<128x128xf32, #tpu.memory_space<vmem>>)
      %dma_start3A_249 = arith.constant 1 : i32
      %dma_start3A_250 = arith.constant 0 : i32
      %dma_start3A_251 = tpu.memref_slice %arg8[%dma_start3A_249, %dma_start3A_250] : memref<2x128xi32, #tpu.memory_space<vmem>> -> memref<1x128xi32, #tpu.memory_space<vmem>>
      %dma_start3A_252 = tpu.memref_squeeze %dma_start3A_251 : memref<1x128xi32, #tpu.memory_space<vmem>> -> memref<128xi32, #tpu.memory_space<vmem>>
      %dma_start3A_253 = arith.constant 0 : i32
      %dma_start3A_254 = arith.constant 0 : i32
      %dma_start3A_255 = tpu.memref_slice %arg11[%dma_start3A_253, %dma_start3A_254] : memref<10112x128xf32, #tpu.memory_space<vmem_shared>> -> memref<10112x128xf32, #tpu.memory_space<vmem_shared>>
      tpu.enqueue_indirect_dma source(%arg6 : memref<128x128xf32, #tpu.memory_space<vmem>>) target(%dma_start3A_255 : memref<10112x128xf32, #tpu.memory_space<vmem_shared>>) offsets(%dma_start3A_252 : memref<128xi32, #tpu.memory_space<vmem>>) semaphore(%arg19 : memref<!tpu.dma_semaphore, #tpu.memory_space<semaphore_mem>>) {add = true}
      %dma_wait3A_256 = arith.constant 1 : i32
      %dma_wait3A_257 = arith.constant 0 : i32
      %dma_wait3A_258 = tpu.memref_slice %arg8[%dma_wait3A_256, %dma_wait3A_257] : memref<2x128xi32, #tpu.memory_space<vmem>> -> memref<1x128xi32, #tpu.memory_space<vmem>>
      %dma_wait3A_259 = tpu.memref_squeeze %dma_wait3A_258 : memref<1x128xi32, #tpu.memory_space<vmem>> -> memref<128xi32, #tpu.memory_space<vmem>>
      %dma_wait3A_260 = arith.constant 0 : i32
      %dma_wait3A_261 = arith.constant 0 : i32
      %dma_wait3A_262 = tpu.memref_slice %arg11[%dma_wait3A_260, %dma_wait3A_261] : memref<10112x128xf32, #tpu.memory_space<vmem_shared>> -> memref<10112x128xf32, #tpu.memory_space<vmem_shared>>
      tpu.wait_indirect_dma semaphore(%arg19 : memref<!tpu.dma_semaphore, #tpu.memory_space<semaphore_mem>>) src(%arg6 : memref<128x128xf32, #tpu.memory_space<vmem>>) dst(%dma_wait3A_262 : memref<10112x128xf32, #tpu.memory_space<vmem_shared>>)
      %add3A_263 = arith.constant 4 : i32
      %add3A_264 = arith.addi %add3A_241, %add3A_263 : i32
      %mul3A_265 = arith.constant 128 : i32
      %mul3A_266 = arith.muli %add3A_264, %mul3A_265 : i32
      %add3A_267 = arith.addi %mul3A_2, %mul3A_266 : i32
      %dma_start3A_268 = arith.constant 0 : i32
      %dma_start3A_269 = tpu.memref_slice %arg2[%dma_start3A_268, %add3A_267] : memref<2x327680xi32, #tpu.memory_space<hbm>> -> memref<2x128xi32, #tpu.memory_space<hbm>>
      %dma_start3A_270 = arith.constant 0 : i32
      %dma_start3A_271 = tpu.memref_slice %arg2[%dma_start3A_270, %add3A_267] : memref<2x327680xi32, #tpu.memory_space<hbm>> -> memref<2x128xi32, #tpu.memory_space<hbm>>
      tpu.enqueue_dma source(%dma_start3A_271 : memref<2x128xi32, #tpu.memory_space<hbm>>) target(%arg8 : memref<2x128xi32, #tpu.memory_space<vmem>>) target_semaphore(%arg13 : memref<!tpu.dma_semaphore, #tpu.memory_space<semaphore_mem>>)
      %dma_wait3A_272 = arith.constant 0 : i32
      %dma_wait3A_273 = arith.constant 0 : i32
      %dma_wait3A_274 = tpu.memref_slice %arg2[%dma_wait3A_272, %dma_wait3A_273] : memref<2x327680xi32, #tpu.memory_space<hbm>> -> memref<2x128xi32, #tpu.memory_space<hbm>>
      %dma_wait3A_275 = arith.constant 0 : i32
      %dma_wait3A_276 = arith.constant 0 : i32
      %dma_wait3A_277 = tpu.memref_slice %arg2[%dma_wait3A_275, %dma_wait3A_276] : memref<2x327680xi32, #tpu.memory_space<hbm>> -> memref<2x128xi32, #tpu.memory_space<hbm>>
      tpu.wait_dma2 semaphore(%arg15 : memref<!tpu.dma_semaphore, #tpu.memory_space<semaphore_mem>>) src(%dma_wait3A_277 : memref<2x128xi32, #tpu.memory_space<hbm>>) dst(%arg10 : memref<2x128xi32, #tpu.memory_space<vmem>>)
      %dma_start3A_278 = arith.constant 0 : i32
      %dma_start3A_279 = arith.constant 0 : i32
      %dma_start3A_280 = tpu.memref_slice %arg10[%dma_start3A_278, %dma_start3A_279] : memref<2x128xi32, #tpu.memory_space<vmem>> -> memref<1x128xi32, #tpu.memory_space<vmem>>
      %dma_start3A_281 = tpu.memref_squeeze %dma_start3A_280 : memref<1x128xi32, #tpu.memory_space<vmem>> -> memref<128xi32, #tpu.memory_space<vmem>>
      %dma_start3A_282 = arith.constant 0 : i32
      %dma_start3A_283 = arith.constant 0 : i32
      %dma_start3A_284 = tpu.memref_slice %arg3[%dma_start3A_282, %dma_start3A_283] : memref<10000x128xf32, #tpu.memory_space<hbm>> -> memref<10000x128xf32, #tpu.memory_space<hbm>>
      tpu.enqueue_indirect_dma source(%dma_start3A_284 : memref<10000x128xf32, #tpu.memory_space<hbm>>) target(%arg6 : memref<128x128xf32, #tpu.memory_space<vmem>>) offsets(%dma_start3A_281 : memref<128xi32, #tpu.memory_space<vmem>>) semaphore(%arg17 : memref<!tpu.dma_semaphore, #tpu.memory_space<semaphore_mem>>)
      %mul3A_285 = arith.constant 4 : i32
      %mul3A_286 = arith.muli %add3A_190, %mul3A_285 : i32
      %add3A_287 = arith.constant 2 : i32
      %add3A_288 = arith.addi %mul3A_286, %add3A_287 : i32
      %dma_wait3A_289 = arith.constant 0 : i32
      %dma_wait3A_290 = arith.constant 0 : i32
      %dma_wait3A_291 = tpu.memref_slice %arg9[%dma_wait3A_289, %dma_wait3A_290] : memref<2x128xi32, #tpu.memory_space<vmem>> -> memref<1x128xi32, #tpu.memory_space<vmem>>
      %dma_wait3A_292 = tpu.memref_squeeze %dma_wait3A_291 : memref<1x128xi32, #tpu.memory_space<vmem>> -> memref<128xi32, #tpu.memory_space<vmem>>
      %dma_wait3A_293 = arith.constant 0 : i32
      %dma_wait3A_294 = arith.constant 0 : i32
      %dma_wait3A_295 = tpu.memref_slice %arg3[%dma_wait3A_293, %dma_wait3A_294] : memref<10000x128xf32, #tpu.memory_space<hbm>> -> memref<10000x128xf32, #tpu.memory_space<hbm>>
      tpu.wait_indirect_dma semaphore(%arg16 : memref<!tpu.dma_semaphore, #tpu.memory_space<semaphore_mem>>) src(%dma_wait3A_295 : memref<10000x128xf32, #tpu.memory_space<hbm>>) dst(%arg5 : memref<128x128xf32, #tpu.memory_space<vmem>>)
      %dma_start3A_296 = arith.constant 1 : i32
      %dma_start3A_297 = arith.constant 0 : i32
      %dma_start3A_298 = tpu.memref_slice %arg9[%dma_start3A_296, %dma_start3A_297] : memref<2x128xi32, #tpu.memory_space<vmem>> -> memref<1x128xi32, #tpu.memory_space<vmem>>
      %dma_start3A_299 = tpu.memref_squeeze %dma_start3A_298 : memref<1x128xi32, #tpu.memory_space<vmem>> -> memref<128xi32, #tpu.memory_space<vmem>>
      %dma_start3A_300 = arith.constant 0 : i32
      %dma_start3A_301 = arith.constant 0 : i32
      %dma_start3A_302 = tpu.memref_slice %arg11[%dma_start3A_300, %dma_start3A_301] : memref<10112x128xf32, #tpu.memory_space<vmem_shared>> -> memref<10112x128xf32, #tpu.memory_space<vmem_shared>>
      tpu.enqueue_indirect_dma source(%arg5 : memref<128x128xf32, #tpu.memory_space<vmem>>) target(%dma_start3A_302 : memref<10112x128xf32, #tpu.memory_space<vmem_shared>>) offsets(%dma_start3A_299 : memref<128xi32, #tpu.memory_space<vmem>>) semaphore(%arg18 : memref<!tpu.dma_semaphore, #tpu.memory_space<semaphore_mem>>) {add = true}
      %dma_wait3A_303 = arith.constant 1 : i32
      %dma_wait3A_304 = arith.constant 0 : i32
      %dma_wait3A_305 = tpu.memref_slice %arg9[%dma_wait3A_303, %dma_wait3A_304] : memref<2x128xi32, #tpu.memory_space<vmem>> -> memref<1x128xi32, #tpu.memory_space<vmem>>
      %dma_wait3A_306 = tpu.memref_squeeze %dma_wait3A_305 : memref<1x128xi32, #tpu.memory_space<vmem>> -> memref<128xi32, #tpu.memory_space<vmem>>
      %dma_wait3A_307 = arith.constant 0 : i32
      %dma_wait3A_308 = arith.constant 0 : i32
      %dma_wait3A_309 = tpu.memref_slice %arg11[%dma_wait3A_307, %dma_wait3A_308] : memref<10112x128xf32, #tpu.memory_space<vmem_shared>> -> memref<10112x128xf32, #tpu.memory_space<vmem_shared>>
      tpu.wait_indirect_dma semaphore(%arg18 : memref<!tpu.dma_semaphore, #tpu.memory_space<semaphore_mem>>) src(%arg5 : memref<128x128xf32, #tpu.memory_space<vmem>>) dst(%dma_wait3A_309 : memref<10112x128xf32, #tpu.memory_space<vmem_shared>>)
      %add3A_310 = arith.constant 4 : i32
      %add3A_311 = arith.addi %add3A_288, %add3A_310 : i32
      %mul3A_312 = arith.constant 128 : i32
      %mul3A_313 = arith.muli %add3A_311, %mul3A_312 : i32
      %add3A_314 = arith.addi %mul3A_2, %mul3A_313 : i32
      %dma_start3A_315 = arith.constant 0 : i32
      %dma_start3A_316 = tpu.memref_slice %arg2[%dma_start3A_315, %add3A_314] : memref<2x327680xi32, #tpu.memory_space<hbm>> -> memref<2x128xi32, #tpu.memory_space<hbm>>
      %dma_start3A_317 = arith.constant 0 : i32
      %dma_start3A_318 = tpu.memref_slice %arg2[%dma_start3A_317, %add3A_314] : memref<2x327680xi32, #tpu.memory_space<hbm>> -> memref<2x128xi32, #tpu.memory_space<hbm>>
      tpu.enqueue_dma source(%dma_start3A_318 : memref<2x128xi32, #tpu.memory_space<hbm>>) target(%arg9 : memref<2x128xi32, #tpu.memory_space<vmem>>) target_semaphore(%arg14 : memref<!tpu.dma_semaphore, #tpu.memory_space<semaphore_mem>>)
      %dma_wait3A_319 = arith.constant 0 : i32
      %dma_wait3A_320 = arith.constant 0 : i32
      %dma_wait3A_321 = tpu.memref_slice %arg2[%dma_wait3A_319, %dma_wait3A_320] : memref<2x327680xi32, #tpu.memory_space<hbm>> -> memref<2x128xi32, #tpu.memory_space<hbm>>
      %dma_wait3A_322 = arith.constant 0 : i32
      %dma_wait3A_323 = arith.constant 0 : i32
      %dma_wait3A_324 = tpu.memref_slice %arg2[%dma_wait3A_322, %dma_wait3A_323] : memref<2x327680xi32, #tpu.memory_space<hbm>> -> memref<2x128xi32, #tpu.memory_space<hbm>>
      tpu.wait_dma2 semaphore(%arg12 : memref<!tpu.dma_semaphore, #tpu.memory_space<semaphore_mem>>) src(%dma_wait3A_324 : memref<2x128xi32, #tpu.memory_space<hbm>>) dst(%arg7 : memref<2x128xi32, #tpu.memory_space<vmem>>)
      %dma_start3A_325 = arith.constant 0 : i32
      %dma_start3A_326 = arith.constant 0 : i32
      %dma_start3A_327 = tpu.memref_slice %arg7[%dma_start3A_325, %dma_start3A_326] : memref<2x128xi32, #tpu.memory_space<vmem>> -> memref<1x128xi32, #tpu.memory_space<vmem>>
      %dma_start3A_328 = tpu.memref_squeeze %dma_start3A_327 : memref<1x128xi32, #tpu.memory_space<vmem>> -> memref<128xi32, #tpu.memory_space<vmem>>
      %dma_start3A_329 = arith.constant 0 : i32
      %dma_start3A_330 = arith.constant 0 : i32
      %dma_start3A_331 = tpu.memref_slice %arg3[%dma_start3A_329, %dma_start3A_330] : memref<10000x128xf32, #tpu.memory_space<hbm>> -> memref<10000x128xf32, #tpu.memory_space<hbm>>
      tpu.enqueue_indirect_dma source(%dma_start3A_331 : memref<10000x128xf32, #tpu.memory_space<hbm>>) target(%arg5 : memref<128x128xf32, #tpu.memory_space<vmem>>) offsets(%dma_start3A_328 : memref<128xi32, #tpu.memory_space<vmem>>) semaphore(%arg16 : memref<!tpu.dma_semaphore, #tpu.memory_space<semaphore_mem>>)
      %mul3A_332 = arith.constant 4 : i32
      %mul3A_333 = arith.muli %add3A_190, %mul3A_332 : i32
      %add3A_334 = arith.constant 3 : i32
      %add3A_335 = arith.addi %mul3A_333, %add3A_334 : i32
      %dma_wait3A_336 = arith.constant 0 : i32
      %dma_wait3A_337 = arith.constant 0 : i32
      %dma_wait3A_338 = tpu.memref_slice %arg10[%dma_wait3A_336, %dma_wait3A_337] : memref<2x128xi32, #tpu.memory_space<vmem>> -> memref<1x128xi32, #tpu.memory_space<vmem>>
      %dma_wait3A_339 = tpu.memref_squeeze %dma_wait3A_338 : memref<1x128xi32, #tpu.memory_space<vmem>> -> memref<128xi32, #tpu.memory_space<vmem>>
      %dma_wait3A_340 = arith.constant 0 : i32
      %dma_wait3A_341 = arith.constant 0 : i32
      %dma_wait3A_342 = tpu.memref_slice %arg3[%dma_wait3A_340, %dma_wait3A_341] : memref<10000x128xf32, #tpu.memory_space<hbm>> -> memref<10000x128xf32, #tpu.memory_space<hbm>>
      tpu.wait_indirect_dma semaphore(%arg17 : memref<!tpu.dma_semaphore, #tpu.memory_space<semaphore_mem>>) src(%dma_wait3A_342 : memref<10000x128xf32, #tpu.memory_space<hbm>>) dst(%arg6 : memref<128x128xf32, #tpu.memory_space<vmem>>)
      %dma_start3A_343 = arith.constant 1 : i32
      %dma_start3A_344 = arith.constant 0 : i32
      %dma_start3A_345 = tpu.memref_slice %arg10[%dma_start3A_343, %dma_start3A_344] : memref<2x128xi32, #tpu.memory_space<vmem>> -> memref<1x128xi32, #tpu.memory_space<vmem>>
      %dma_start3A_346 = tpu.memref_squeeze %dma_start3A_345 : memref<1x128xi32, #tpu.memory_space<vmem>> -> memref<128xi32, #tpu.memory_space<vmem>>
      %dma_start3A_347 = arith.constant 0 : i32
      %dma_start3A_348 = arith.constant 0 : i32
      %dma_start3A_349 = tpu.memref_slice %arg11[%dma_start3A_347, %dma_start3A_348] : memref<10112x128xf32, #tpu.memory_space<vmem_shared>> -> memref<10112x128xf32, #tpu.memory_space<vmem_shared>>
      tpu.enqueue_indirect_dma source(%arg6 : memref<128x128xf32, #tpu.memory_space<vmem>>) target(%dma_start3A_349 : memref<10112x128xf32, #tpu.memory_space<vmem_shared>>) offsets(%dma_start3A_346 : memref<128xi32, #tpu.memory_space<vmem>>) semaphore(%arg19 : memref<!tpu.dma_semaphore, #tpu.memory_space<semaphore_mem>>) {add = true}
      %dma_wait3A_350 = arith.constant 1 : i32
      %dma_wait3A_351 = arith.constant 0 : i32
      %dma_wait3A_352 = tpu.memref_slice %arg10[%dma_wait3A_350, %dma_wait3A_351] : memref<2x128xi32, #tpu.memory_space<vmem>> -> memref<1x128xi32, #tpu.memory_space<vmem>>
      %dma_wait3A_353 = tpu.memref_squeeze %dma_wait3A_352 : memref<1x128xi32, #tpu.memory_space<vmem>> -> memref<128xi32, #tpu.memory_space<vmem>>
      %dma_wait3A_354 = arith.constant 0 : i32
      %dma_wait3A_355 = arith.constant 0 : i32
      %dma_wait3A_356 = tpu.memref_slice %arg11[%dma_wait3A_354, %dma_wait3A_355] : memref<10112x128xf32, #tpu.memory_space<vmem_shared>> -> memref<10112x128xf32, #tpu.memory_space<vmem_shared>>
      tpu.wait_indirect_dma semaphore(%arg19 : memref<!tpu.dma_semaphore, #tpu.memory_space<semaphore_mem>>) src(%arg6 : memref<128x128xf32, #tpu.memory_space<vmem>>) dst(%dma_wait3A_356 : memref<10112x128xf32, #tpu.memory_space<vmem_shared>>)
      %add3A_357 = arith.constant 4 : i32
      %add3A_358 = arith.addi %add3A_335, %add3A_357 : i32
      %mul3A_359 = arith.constant 128 : i32
      %mul3A_360 = arith.muli %add3A_358, %mul3A_359 : i32
      %add3A_361 = arith.addi %mul3A_2, %mul3A_360 : i32
      %dma_start3A_362 = arith.constant 0 : i32
      %dma_start3A_363 = tpu.memref_slice %arg2[%dma_start3A_362, %add3A_361] : memref<2x327680xi32, #tpu.memory_space<hbm>> -> memref<2x128xi32, #tpu.memory_space<hbm>>
      %dma_start3A_364 = arith.constant 0 : i32
      %dma_start3A_365 = tpu.memref_slice %arg2[%dma_start3A_364, %add3A_361] : memref<2x327680xi32, #tpu.memory_space<hbm>> -> memref<2x128xi32, #tpu.memory_space<hbm>>
      tpu.enqueue_dma source(%dma_start3A_365 : memref<2x128xi32, #tpu.memory_space<hbm>>) target(%arg10 : memref<2x128xi32, #tpu.memory_space<vmem>>) target_semaphore(%arg15 : memref<!tpu.dma_semaphore, #tpu.memory_space<semaphore_mem>>)
      %dma_wait3A_366 = arith.constant 0 : i32
      %dma_wait3A_367 = arith.constant 0 : i32
      %dma_wait3A_368 = tpu.memref_slice %arg2[%dma_wait3A_366, %dma_wait3A_367] : memref<2x327680xi32, #tpu.memory_space<hbm>> -> memref<2x128xi32, #tpu.memory_space<hbm>>
      %dma_wait3A_369 = arith.constant 0 : i32
      %dma_wait3A_370 = arith.constant 0 : i32
      %dma_wait3A_371 = tpu.memref_slice %arg2[%dma_wait3A_369, %dma_wait3A_370] : memref<2x327680xi32, #tpu.memory_space<hbm>> -> memref<2x128xi32, #tpu.memory_space<hbm>>
      tpu.wait_dma2 semaphore(%arg13 : memref<!tpu.dma_semaphore, #tpu.memory_space<semaphore_mem>>) src(%dma_wait3A_371 : memref<2x128xi32, #tpu.memory_space<hbm>>) dst(%arg8 : memref<2x128xi32, #tpu.memory_space<vmem>>)
      %dma_start3A_372 = arith.constant 0 : i32
      %dma_start3A_373 = arith.constant 0 : i32
      %dma_start3A_374 = tpu.memref_slice %arg8[%dma_start3A_372, %dma_start3A_373] : memref<2x128xi32, #tpu.memory_space<vmem>> -> memref<1x128xi32, #tpu.memory_space<vmem>>
      %dma_start3A_375 = tpu.memref_squeeze %dma_start3A_374 : memref<1x128xi32, #tpu.memory_space<vmem>> -> memref<128xi32, #tpu.memory_space<vmem>>
      %dma_start3A_376 = arith.constant 0 : i32
      %dma_start3A_377 = arith.constant 0 : i32
      %dma_start3A_378 = tpu.memref_slice %arg3[%dma_start3A_376, %dma_start3A_377] : memref<10000x128xf32, #tpu.memory_space<hbm>> -> memref<10000x128xf32, #tpu.memory_space<hbm>>
      tpu.enqueue_indirect_dma source(%dma_start3A_378 : memref<10000x128xf32, #tpu.memory_space<hbm>>) target(%arg6 : memref<128x128xf32, #tpu.memory_space<vmem>>) offsets(%dma_start3A_375 : memref<128xi32, #tpu.memory_space<vmem>>) semaphore(%arg17 : memref<!tpu.dma_semaphore, #tpu.memory_space<semaphore_mem>>)
    }
    %scan3A_71 = arith.constant 19 : i32
    %dma_wait3A_72 = arith.constant 0 : i32
    %dma_wait3A_73 = arith.constant 0 : i32
    %dma_wait3A_74 = tpu.memref_slice %arg7[%dma_wait3A_72, %dma_wait3A_73] : memref<2x128xi32, #tpu.memory_space<vmem>> -> memref<1x128xi32, #tpu.memory_space<vmem>>
    %dma_wait3A_75 = tpu.memref_squeeze %dma_wait3A_74 : memref<1x128xi32, #tpu.memory_space<vmem>> -> memref<128xi32, #tpu.memory_space<vmem>>
    %dma_wait3A_76 = arith.constant 0 : i32
    %dma_wait3A_77 = arith.constant 0 : i32
    %dma_wait3A_78 = tpu.memref_slice %arg3[%dma_wait3A_76, %dma_wait3A_77] : memref<10000x128xf32, #tpu.memory_space<hbm>> -> memref<10000x128xf32, #tpu.memory_space<hbm>>
    tpu.wait_indirect_dma semaphore(%arg16 : memref<!tpu.dma_semaphore, #tpu.memory_space<semaphore_mem>>) src(%dma_wait3A_78 : memref<10000x128xf32, #tpu.memory_space<hbm>>) dst(%arg5 : memref<128x128xf32, #tpu.memory_space<vmem>>)
    %dma_start3A_79 = arith.constant 1 : i32
    %dma_start3A_80 = arith.constant 0 : i32
    %dma_start3A_81 = tpu.memref_slice %arg7[%dma_start3A_79, %dma_start3A_80] : memref<2x128xi32, #tpu.memory_space<vmem>> -> memref<1x128xi32, #tpu.memory_space<vmem>>
    %dma_start3A_82 = tpu.memref_squeeze %dma_start3A_81 : memref<1x128xi32, #tpu.memory_space<vmem>> -> memref<128xi32, #tpu.memory_space<vmem>>
    %dma_start3A_83 = arith.constant 0 : i32
    %dma_start3A_84 = arith.constant 0 : i32
    %dma_start3A_85 = tpu.memref_slice %arg11[%dma_start3A_83, %dma_start3A_84] : memref<10112x128xf32, #tpu.memory_space<vmem_shared>> -> memref<10112x128xf32, #tpu.memory_space<vmem_shared>>
    tpu.enqueue_indirect_dma source(%arg5 : memref<128x128xf32, #tpu.memory_space<vmem>>) target(%dma_start3A_85 : memref<10112x128xf32, #tpu.memory_space<vmem_shared>>) offsets(%dma_start3A_82 : memref<128xi32, #tpu.memory_space<vmem>>) semaphore(%arg18 : memref<!tpu.dma_semaphore, #tpu.memory_space<semaphore_mem>>) {add = true}
    %dma_wait3A_86 = arith.constant 1 : i32
    %dma_wait3A_87 = arith.constant 0 : i32
    %dma_wait3A_88 = tpu.memref_slice %arg7[%dma_wait3A_86, %dma_wait3A_87] : memref<2x128xi32, #tpu.memory_space<vmem>> -> memref<1x128xi32, #tpu.memory_space<vmem>>
    %dma_wait3A_89 = tpu.memref_squeeze %dma_wait3A_88 : memref<1x128xi32, #tpu.memory_space<vmem>> -> memref<128xi32, #tpu.memory_space<vmem>>
    %dma_wait3A_90 = arith.constant 0 : i32
    %dma_wait3A_91 = arith.constant 0 : i32
    %dma_wait3A_92 = tpu.memref_slice %arg11[%dma_wait3A_90, %dma_wait3A_91] : memref<10112x128xf32, #tpu.memory_space<vmem_shared>> -> memref<10112x128xf32, #tpu.memory_space<vmem_shared>>
    tpu.wait_indirect_dma semaphore(%arg18 : memref<!tpu.dma_semaphore, #tpu.memory_space<semaphore_mem>>) src(%arg5 : memref<128x128xf32, #tpu.memory_space<vmem>>) dst(%dma_wait3A_92 : memref<10112x128xf32, #tpu.memory_space<vmem_shared>>)
    %dma_wait3A_93 = arith.constant 0 : i32
    %dma_wait3A_94 = arith.constant 0 : i32
    %dma_wait3A_95 = tpu.memref_slice %arg2[%dma_wait3A_93, %dma_wait3A_94] : memref<2x327680xi32, #tpu.memory_space<hbm>> -> memref<2x128xi32, #tpu.memory_space<hbm>>
    %dma_wait3A_96 = arith.constant 0 : i32
    %dma_wait3A_97 = arith.constant 0 : i32
    %dma_wait3A_98 = tpu.memref_slice %arg2[%dma_wait3A_96, %dma_wait3A_97] : memref<2x327680xi32, #tpu.memory_space<hbm>> -> memref<2x128xi32, #tpu.memory_space<hbm>>
    tpu.wait_dma2 semaphore(%arg14 : memref<!tpu.dma_semaphore, #tpu.memory_space<semaphore_mem>>) src(%dma_wait3A_98 : memref<2x128xi32, #tpu.memory_space<hbm>>) dst(%arg9 : memref<2x128xi32, #tpu.memory_space<vmem>>)
    %dma_start3A_99 = arith.constant 0 : i32
    %dma_start3A_100 = arith.constant 0 : i32
    %dma_start3A_101 = tpu.memref_slice %arg9[%dma_start3A_99, %dma_start3A_100] : memref<2x128xi32, #tpu.memory_space<vmem>> -> memref<1x128xi32, #tpu.memory_space<vmem>>
    %dma_start3A_102 = tpu.memref_squeeze %dma_start3A_101 : memref<1x128xi32, #tpu.memory_space<vmem>> -> memref<128xi32, #tpu.memory_space<vmem>>
    %dma_start3A_103 = arith.constant 0 : i32
    %dma_start3A_104 = arith.constant 0 : i32
    %dma_start3A_105 = tpu.memref_slice %arg3[%dma_start3A_103, %dma_start3A_104] : memref<10000x128xf32, #tpu.memory_space<hbm>> -> memref<10000x128xf32, #tpu.memory_space<hbm>>
    tpu.enqueue_indirect_dma source(%dma_start3A_105 : memref<10000x128xf32, #tpu.memory_space<hbm>>) target(%arg5 : memref<128x128xf32, #tpu.memory_space<vmem>>) offsets(%dma_start3A_102 : memref<128xi32, #tpu.memory_space<vmem>>) semaphore(%arg16 : memref<!tpu.dma_semaphore, #tpu.memory_space<semaphore_mem>>)
    %dma_wait3A_106 = arith.constant 0 : i32
    %dma_wait3A_107 = arith.constant 0 : i32
    %dma_wait3A_108 = tpu.memref_slice %arg8[%dma_wait3A_106, %dma_wait3A_107] : memref<2x128xi32, #tpu.memory_space<vmem>> -> memref<1x128xi32, #tpu.memory_space<vmem>>
    %dma_wait3A_109 = tpu.memref_squeeze %dma_wait3A_108 : memref<1x128xi32, #tpu.memory_space<vmem>> -> memref<128xi32, #tpu.memory_space<vmem>>
    %dma_wait3A_110 = arith.constant 0 : i32
    %dma_wait3A_111 = arith.constant 0 : i32
    %dma_wait3A_112 = tpu.memref_slice %arg3[%dma_wait3A_110, %dma_wait3A_111] : memref<10000x128xf32, #tpu.memory_space<hbm>> -> memref<10000x128xf32, #tpu.memory_space<hbm>>
    tpu.wait_indirect_dma semaphore(%arg17 : memref<!tpu.dma_semaphore, #tpu.memory_space<semaphore_mem>>) src(%dma_wait3A_112 : memref<10000x128xf32, #tpu.memory_space<hbm>>) dst(%arg6 : memref<128x128xf32, #tpu.memory_space<vmem>>)
    %dma_start3A_113 = arith.constant 1 : i32
    %dma_start3A_114 = arith.constant 0 : i32
    %dma_start3A_115 = tpu.memref_slice %arg8[%dma_start3A_113, %dma_start3A_114] : memref<2x128xi32, #tpu.memory_space<vmem>> -> memref<1x128xi32, #tpu.memory_space<vmem>>
    %dma_start3A_116 = tpu.memref_squeeze %dma_start3A_115 : memref<1x128xi32, #tpu.memory_space<vmem>> -> memref<128xi32, #tpu.memory_space<vmem>>
    %dma_start3A_117 = arith.constant 0 : i32
    %dma_start3A_118 = arith.constant 0 : i32
    %dma_start3A_119 = tpu.memref_slice %arg11[%dma_start3A_117, %dma_start3A_118] : memref<10112x128xf32, #tpu.memory_space<vmem_shared>> -> memref<10112x128xf32, #tpu.memory_space<vmem_shared>>
    tpu.enqueue_indirect_dma source(%arg6 : memref<128x128xf32, #tpu.memory_space<vmem>>) target(%dma_start3A_119 : memref<10112x128xf32, #tpu.memory_space<vmem_shared>>) offsets(%dma_start3A_116 : memref<128xi32, #tpu.memory_space<vmem>>) semaphore(%arg19 : memref<!tpu.dma_semaphore, #tpu.memory_space<semaphore_mem>>) {add = true}
    %dma_wait3A_120 = arith.constant 1 : i32
    %dma_wait3A_121 = arith.constant 0 : i32
    %dma_wait3A_122 = tpu.memref_slice %arg8[%dma_wait3A_120, %dma_wait3A_121] : memref<2x128xi32, #tpu.memory_space<vmem>> -> memref<1x128xi32, #tpu.memory_space<vmem>>
    %dma_wait3A_123 = tpu.memref_squeeze %dma_wait3A_122 : memref<1x128xi32, #tpu.memory_space<vmem>> -> memref<128xi32, #tpu.memory_space<vmem>>
    %dma_wait3A_124 = arith.constant 0 : i32
    %dma_wait3A_125 = arith.constant 0 : i32
    %dma_wait3A_126 = tpu.memref_slice %arg11[%dma_wait3A_124, %dma_wait3A_125] : memref<10112x128xf32, #tpu.memory_space<vmem_shared>> -> memref<10112x128xf32, #tpu.memory_space<vmem_shared>>
    tpu.wait_indirect_dma semaphore(%arg19 : memref<!tpu.dma_semaphore, #tpu.memory_space<semaphore_mem>>) src(%arg6 : memref<128x128xf32, #tpu.memory_space<vmem>>) dst(%dma_wait3A_126 : memref<10112x128xf32, #tpu.memory_space<vmem_shared>>)
    %dma_wait3A_127 = arith.constant 0 : i32
    %dma_wait3A_128 = arith.constant 0 : i32
    %dma_wait3A_129 = tpu.memref_slice %arg2[%dma_wait3A_127, %dma_wait3A_128] : memref<2x327680xi32, #tpu.memory_space<hbm>> -> memref<2x128xi32, #tpu.memory_space<hbm>>
    %dma_wait3A_130 = arith.constant 0 : i32
    %dma_wait3A_131 = arith.constant 0 : i32
    %dma_wait3A_132 = tpu.memref_slice %arg2[%dma_wait3A_130, %dma_wait3A_131] : memref<2x327680xi32, #tpu.memory_space<hbm>> -> memref<2x128xi32, #tpu.memory_space<hbm>>
    tpu.wait_dma2 semaphore(%arg15 : memref<!tpu.dma_semaphore, #tpu.memory_space<semaphore_mem>>) src(%dma_wait3A_132 : memref<2x128xi32, #tpu.memory_space<hbm>>) dst(%arg10 : memref<2x128xi32, #tpu.memory_space<vmem>>)
    %dma_start3A_133 = arith.constant 0 : i32
    %dma_start3A_134 = arith.constant 0 : i32
    %dma_start3A_135 = tpu.memref_slice %arg10[%dma_start3A_133, %dma_start3A_134] : memref<2x128xi32, #tpu.memory_space<vmem>> -> memref<1x128xi32, #tpu.memory_space<vmem>>
    %dma_start3A_136 = tpu.memref_squeeze %dma_start3A_135 : memref<1x128xi32, #tpu.memory_space<vmem>> -> memref<128xi32, #tpu.memory_space<vmem>>
    %dma_start3A_137 = arith.constant 0 : i32
    %dma_start3A_138 = arith.constant 0 : i32
    %dma_start3A_139 = tpu.memref_slice %arg3[%dma_start3A_137, %dma_start3A_138] : memref<10000x128xf32, #tpu.memory_space<hbm>> -> memref<10000x128xf32, #tpu.memory_space<hbm>>
    tpu.enqueue_indirect_dma source(%dma_start3A_139 : memref<10000x128xf32, #tpu.memory_space<hbm>>) target(%arg6 : memref<128x128xf32, #tpu.memory_space<vmem>>) offsets(%dma_start3A_136 : memref<128xi32, #tpu.memory_space<vmem>>) semaphore(%arg17 : memref<!tpu.dma_semaphore, #tpu.memory_space<semaphore_mem>>)
    %dma_wait3A_140 = arith.constant 0 : i32
    %dma_wait3A_141 = arith.constant 0 : i32
    %dma_wait3A_142 = tpu.memref_slice %arg9[%dma_wait3A_140, %dma_wait3A_141] : memref<2x128xi32, #tpu.memory_space<vmem>> -> memref<1x128xi32, #tpu.memory_space<vmem>>
    %dma_wait3A_143 = tpu.memref_squeeze %dma_wait3A_142 : memref<1x128xi32, #tpu.memory_space<vmem>> -> memref<128xi32, #tpu.memory_space<vmem>>
    %dma_wait3A_144 = arith.constant 0 : i32
    %dma_wait3A_145 = arith.constant 0 : i32
    %dma_wait3A_146 = tpu.memref_slice %arg3[%dma_wait3A_144, %dma_wait3A_145] : memref<10000x128xf32, #tpu.memory_space<hbm>> -> memref<10000x128xf32, #tpu.memory_space<hbm>>
    tpu.wait_indirect_dma semaphore(%arg16 : memref<!tpu.dma_semaphore, #tpu.memory_space<semaphore_mem>>) src(%dma_wait3A_146 : memref<10000x128xf32, #tpu.memory_space<hbm>>) dst(%arg5 : memref<128x128xf32, #tpu.memory_space<vmem>>)
    %dma_start3A_147 = arith.constant 1 : i32
    %dma_start3A_148 = arith.constant 0 : i32
    %dma_start3A_149 = tpu.memref_slice %arg9[%dma_start3A_147, %dma_start3A_148] : memref<2x128xi32, #tpu.memory_space<vmem>> -> memref<1x128xi32, #tpu.memory_space<vmem>>
    %dma_start3A_150 = tpu.memref_squeeze %dma_start3A_149 : memref<1x128xi32, #tpu.memory_space<vmem>> -> memref<128xi32, #tpu.memory_space<vmem>>
    %dma_start3A_151 = arith.constant 0 : i32
    %dma_start3A_152 = arith.constant 0 : i32
    %dma_start3A_153 = tpu.memref_slice %arg11[%dma_start3A_151, %dma_start3A_152] : memref<10112x128xf32, #tpu.memory_space<vmem_shared>> -> memref<10112x128xf32, #tpu.memory_space<vmem_shared>>
    tpu.enqueue_indirect_dma source(%arg5 : memref<128x128xf32, #tpu.memory_space<vmem>>) target(%dma_start3A_153 : memref<10112x128xf32, #tpu.memory_space<vmem_shared>>) offsets(%dma_start3A_150 : memref<128xi32, #tpu.memory_space<vmem>>) semaphore(%arg18 : memref<!tpu.dma_semaphore, #tpu.memory_space<semaphore_mem>>) {add = true}
    %dma_wait3A_154 = arith.constant 1 : i32
    %dma_wait3A_155 = arith.constant 0 : i32
    %dma_wait3A_156 = tpu.memref_slice %arg9[%dma_wait3A_154, %dma_wait3A_155] : memref<2x128xi32, #tpu.memory_space<vmem>> -> memref<1x128xi32, #tpu.memory_space<vmem>>
    %dma_wait3A_157 = tpu.memref_squeeze %dma_wait3A_156 : memref<1x128xi32, #tpu.memory_space<vmem>> -> memref<128xi32, #tpu.memory_space<vmem>>
    %dma_wait3A_158 = arith.constant 0 : i32
    %dma_wait3A_159 = arith.constant 0 : i32
    %dma_wait3A_160 = tpu.memref_slice %arg11[%dma_wait3A_158, %dma_wait3A_159] : memref<10112x128xf32, #tpu.memory_space<vmem_shared>> -> memref<10112x128xf32, #tpu.memory_space<vmem_shared>>
    tpu.wait_indirect_dma semaphore(%arg18 : memref<!tpu.dma_semaphore, #tpu.memory_space<semaphore_mem>>) src(%arg5 : memref<128x128xf32, #tpu.memory_space<vmem>>) dst(%dma_wait3A_160 : memref<10112x128xf32, #tpu.memory_space<vmem_shared>>)
    %dma_wait3A_161 = arith.constant 0 : i32
    %dma_wait3A_162 = arith.constant 0 : i32
    %dma_wait3A_163 = tpu.memref_slice %arg10[%dma_wait3A_161, %dma_wait3A_162] : memref<2x128xi32, #tpu.memory_space<vmem>> -> memref<1x128xi32, #tpu.memory_space<vmem>>
    %dma_wait3A_164 = tpu.memref_squeeze %dma_wait3A_163 : memref<1x128xi32, #tpu.memory_space<vmem>> -> memref<128xi32, #tpu.memory_space<vmem>>
    %dma_wait3A_165 = arith.constant 0 : i32
    %dma_wait3A_166 = arith.constant 0 : i32
    %dma_wait3A_167 = tpu.memref_slice %arg3[%dma_wait3A_165, %dma_wait3A_166] : memref<10000x128xf32, #tpu.memory_space<hbm>> -> memref<10000x128xf32, #tpu.memory_space<hbm>>
    tpu.wait_indirect_dma semaphore(%arg17 : memref<!tpu.dma_semaphore, #tpu.memory_space<semaphore_mem>>) src(%dma_wait3A_167 : memref<10000x128xf32, #tpu.memory_space<hbm>>) dst(%arg6 : memref<128x128xf32, #tpu.memory_space<vmem>>)
    %dma_start3A_168 = arith.constant 1 : i32
    %dma_start3A_169 = arith.constant 0 : i32
    %dma_start3A_170 = tpu.memref_slice %arg10[%dma_start3A_168, %dma_start3A_169] : memref<2x128xi32, #tpu.memory_space<vmem>> -> memref<1x128xi32, #tpu.memory_space<vmem>>
    %dma_start3A_171 = tpu.memref_squeeze %dma_start3A_170 : memref<1x128xi32, #tpu.memory_space<vmem>> -> memref<128xi32, #tpu.memory_space<vmem>>
    %dma_start3A_172 = arith.constant 0 : i32
    %dma_start3A_173 = arith.constant 0 : i32
    %dma_start3A_174 = tpu.memref_slice %arg11[%dma_start3A_172, %dma_start3A_173] : memref<10112x128xf32, #tpu.memory_space<vmem_shared>> -> memref<10112x128xf32, #tpu.memory_space<vmem_shared>>
    tpu.enqueue_indirect_dma source(%arg6 : memref<128x128xf32, #tpu.memory_space<vmem>>) target(%dma_start3A_174 : memref<10112x128xf32, #tpu.memory_space<vmem_shared>>) offsets(%dma_start3A_171 : memref<128xi32, #tpu.memory_space<vmem>>) semaphore(%arg19 : memref<!tpu.dma_semaphore, #tpu.memory_space<semaphore_mem>>) {add = true}
    %dma_wait3A_175 = arith.constant 1 : i32
    %dma_wait3A_176 = arith.constant 0 : i32
    %dma_wait3A_177 = tpu.memref_slice %arg10[%dma_wait3A_175, %dma_wait3A_176] : memref<2x128xi32, #tpu.memory_space<vmem>> -> memref<1x128xi32, #tpu.memory_space<vmem>>
    %dma_wait3A_178 = tpu.memref_squeeze %dma_wait3A_177 : memref<1x128xi32, #tpu.memory_space<vmem>> -> memref<128xi32, #tpu.memory_space<vmem>>
    %dma_wait3A_179 = arith.constant 0 : i32
    %dma_wait3A_180 = arith.constant 0 : i32
    %dma_wait3A_181 = tpu.memref_slice %arg11[%dma_wait3A_179, %dma_wait3A_180] : memref<10112x128xf32, #tpu.memory_space<vmem_shared>> -> memref<10112x128xf32, #tpu.memory_space<vmem_shared>>
    tpu.wait_indirect_dma semaphore(%arg19 : memref<!tpu.dma_semaphore, #tpu.memory_space<semaphore_mem>>) src(%arg6 : memref<128x128xf32, #tpu.memory_space<vmem>>) dst(%dma_wait3A_181 : memref<10112x128xf32, #tpu.memory_space<vmem_shared>>)
    %barrier3A_182 = arith.constant 0 : index
    tpu.barrier barrier_id(%barrier3A_182)
    %mul3A_183 = arith.constant 10112 : i32
    %mul3A_184 = arith.muli %arg0, %mul3A_183 : i32
    %add3A_185 = arith.addi %mul3A_184, %mul3A_4 : i32
    "tpu.region"() ({
      %run_scoped3A = tpu.sem_alloc : memref<!tpu.dma_semaphore, #tpu.memory_space<semaphore_mem>>
      %dma_start3A_186 = arith.constant 0 : i32
      %dma_start3A_187 = tpu.memref_slice %arg4[%add3A_185, %dma_start3A_186] : memref<20224x128xf32, #tpu.memory_space<hbm>> -> memref<632x128xf32, #tpu.memory_space<hbm>>
      %dma_start3A_188 = arith.constant 0 : i32
      %dma_start3A_189 = tpu.memref_slice %arg11[%mul3A_4, %dma_start3A_188] : memref<10112x128xf32, #tpu.memory_space<vmem_shared>> -> memref<632x128xf32, #tpu.memory_space<vmem_shared>>
      tpu.enqueue_dma source(%dma_start3A_189 : memref<632x128xf32, #tpu.memory_space<vmem_shared>>) target(%dma_start3A_187 : memref<632x128xf32, #tpu.memory_space<hbm>>) target_semaphore(%run_scoped3A : memref<!tpu.dma_semaphore, #tpu.memory_space<semaphore_mem>>)
      %dma_wait3A_190 = arith.constant 0 : i32
      %dma_wait3A_191 = tpu.memref_slice %arg4[%add3A_185, %dma_wait3A_190] : memref<20224x128xf32, #tpu.memory_space<hbm>> -> memref<632x128xf32, #tpu.memory_space<hbm>>
      %dma_wait3A_192 = arith.constant 0 : i32
      %dma_wait3A_193 = tpu.memref_slice %arg11[%mul3A_4, %dma_wait3A_192] : memref<10112x128xf32, #tpu.memory_space<vmem_shared>> -> memref<632x128xf32, #tpu.memory_space<vmem_shared>>
      tpu.wait_dma2 semaphore(%run_scoped3A : memref<!tpu.dma_semaphore, #tpu.memory_space<semaphore_mem>>) src(%dma_wait3A_193 : memref<632x128xf32, #tpu.memory_space<vmem_shared>>) dst(%dma_wait3A_191 : memref<632x128xf32, #tpu.memory_space<hbm>>)
      tpu.yield
    }) : () -> ()
    return
  }
}

module attributes {stable_mosaic.version = 14 : i64} {
  func.func @body(%arg0: memref<10000x128xf32, #tpu.memory_space<vmem>>, %arg1: memref<128x128xf32, #tpu.memory_space<vmem>>, %arg2: memref<20224x128xf32, #tpu.memory_space<vmem>>, %arg3: memref<10000x128xf32, #tpu.memory_space<vmem>>) attributes {dimension_semantics = [], scalar_prefetch = 0 : i64, scratch_operands = 0 : i64, tpu.core_type = #tpu.core_type<tc>} {
    %get3A = arith.constant 0 : index
    %get3A_0 = arith.constant 0 : index
    %get3A_1 = vector.load %arg0[%get3A, %get3A_0] : memref<10000x128xf32, #tpu.memory_space<vmem>>, vector<10000x128xf32>
    %get3A_2 = arith.constant 0 : index
    %get3A_3 = arith.constant 0 : index
    %get3A_4 = vector.load %arg1[%get3A_2, %get3A_3] : memref<128x128xf32, #tpu.memory_space<vmem>>, vector<128x128xf32>
    %dot_general3A = arith.constant dense<0.000000e+00> : vector<10000x128xf32>
    %dot_general3A_5 = tpu.matmul %get3A_1, %get3A_4, %dot_general3A {dimension_numbers = #tpu.dot_dimension_numbers<[1], [0], [0], [1], [0, 0, 1, 1], [], []>, transpose_lhs_hint = false} : vector<10000x128xf32>, vector<128x128xf32>, vector<10000x128xf32> -> vector<10000x128xf32>
    %get3A_6 = arith.constant 0 : index
    %get3A_7 = arith.constant 0 : index
    %get3A_8 = vector.load %arg2[%get3A_6, %get3A_7] : memref<20224x128xf32, #tpu.memory_space<vmem>>, vector<10000x1xf32>
    %get3A_9 = arith.constant 10112 : index
    %get3A_10 = arith.constant 0 : index
    %get3A_11 = vector.load %arg2[%get3A_9, %get3A_10] : memref<20224x128xf32, #tpu.memory_space<vmem>>, vector<10000x1xf32>
    %add3A = arith.addf %get3A_8, %get3A_11 : vector<10000x1xf32>
    %rsqrt3A = math.rsqrt %add3A : vector<10000x1xf32>
    %mul3A = vector.broadcast %rsqrt3A : vector<10000x1xf32> to vector<10000x128xf32>
    %mul3A_12 = arith.mulf %dot_general3A_5, %mul3A : vector<10000x128xf32>
    %swap3A = arith.constant 0 : index
    %swap3A_13 = arith.constant 0 : index
    %swap3A_14 = vector.load %arg3[%swap3A, %swap3A_13] : memref<10000x128xf32, #tpu.memory_space<vmem>>, vector<10000x128xf32>
    tpu.vector_store %arg3[%swap3A, %swap3A_13], %mul3A_12 {strides = array<i32>} : memref<10000x128xf32, #tpu.memory_space<vmem>>, vector<10000x128xf32>,
    return
  }
}

module attributes {stable_mosaic.version = 14 : i64} {
  func.func @body(%arg0: memref<20224x128xf32, #tpu.memory_space<vmem>>, %arg1: memref<20224x128xf32, #tpu.memory_space<vmem>>, %arg2: memref<1x128xf32, #tpu.memory_space<vmem>>, %arg3: memref<128x128xf32, #tpu.memory_space<vmem>>, %arg4: memref<10000x128xf32, #tpu.memory_space<vmem>>) attributes {dimension_semantics = [], scalar_prefetch = 0 : i64, scratch_operands = 0 : i64, tpu.core_type = #tpu.core_type<tc>} {
    %get3A = arith.constant 0 : index
    %get3A_0 = arith.constant 0 : index
    %get3A_1 = vector.load %arg0[%get3A, %get3A_0] : memref<20224x128xf32, #tpu.memory_space<vmem>>, vector<10000x128xf32>
    %get3A_2 = arith.constant 10112 : index
    %get3A_3 = arith.constant 0 : index
    %get3A_4 = vector.load %arg0[%get3A_2, %get3A_3] : memref<20224x128xf32, #tpu.memory_space<vmem>>, vector<10000x128xf32>
    %add3A = arith.addf %get3A_1, %get3A_4 : vector<10000x128xf32>
    %get3A_5 = arith.constant 0 : index
    %get3A_6 = arith.constant 0 : index
    %get3A_7 = vector.load %arg1[%get3A_5, %get3A_6] : memref<20224x128xf32, #tpu.memory_space<vmem>>, vector<10000x1xf32>
    %get3A_8 = arith.constant 10112 : index
    %get3A_9 = arith.constant 0 : index
    %get3A_10 = vector.load %arg1[%get3A_8, %get3A_9] : memref<20224x128xf32, #tpu.memory_space<vmem>>, vector<10000x1xf32>
    %add3A_11 = arith.addf %get3A_7, %get3A_10 : vector<10000x1xf32>
    %rsqrt3A = math.rsqrt %add3A_11 : vector<10000x1xf32>
    %mul3A = vector.broadcast %rsqrt3A : vector<10000x1xf32> to vector<10000x128xf32>
    %mul3A_12 = arith.mulf %add3A, %mul3A : vector<10000x128xf32>
    %get3A_13 = arith.constant 0 : index
    %get3A_14 = arith.constant 0 : index
    %get3A_15 = vector.load %arg2[%get3A_13, %get3A_14] : memref<1x128xf32, #tpu.memory_space<vmem>>, vector<1x128xf32>
    %add3A_16 = vector.broadcast %get3A_15 : vector<1x128xf32> to vector<10000x128xf32>
    %add3A_17 = arith.addf %mul3A_12, %add3A_16 : vector<10000x128xf32>
    %max3A = arith.constant 0.000000e+00 : f32
    %max3A_18 = vector.broadcast %max3A : f32 to vector<10000x128xf32>
    %max3A_19 = arith.maximumf %add3A_17, %max3A_18 : vector<10000x128xf32>
    %get3A_20 = arith.constant 0 : index
    %get3A_21 = arith.constant 0 : index
    %get3A_22 = vector.load %arg3[%get3A_20, %get3A_21] : memref<128x128xf32, #tpu.memory_space<vmem>>, vector<128x128xf32>
    %dot_general3A = arith.constant dense<0.000000e+00> : vector<10000x128xf32>
    %dot_general3A_23 = tpu.matmul %max3A_19, %get3A_22, %dot_general3A {dimension_numbers = #tpu.dot_dimension_numbers<[1], [0], [0], [1], [0, 0, 1, 1], [], []>, transpose_lhs_hint = false} : vector<10000x128xf32>, vector<128x128xf32>, vector<10000x128xf32> -> vector<10000x128xf32>
    %mul3A_24 = vector.broadcast %rsqrt3A : vector<10000x1xf32> to vector<10000x128xf32>
    %mul3A_25 = arith.mulf %dot_general3A_23, %mul3A_24 : vector<10000x128xf32>
    %swap3A = arith.constant 0 : index
    %swap3A_26 = arith.constant 0 : index
    %swap3A_27 = vector.load %arg4[%swap3A, %swap3A_26] : memref<10000x128xf32, #tpu.memory_space<vmem>>, vector<10000x128xf32>
    tpu.vector_store %arg4[%swap3A, %swap3A_26], %mul3A_25 {strides = array<i32>} : memref<10000x128xf32, #tpu.memory_space<vmem>>, vector<10000x128xf32>,
    return
  }
}

module attributes {stable_mosaic.version = 14 : i64} {
  func.func @body(%arg0: memref<20224x128xf32, #tpu.memory_space<vmem>>, %arg1: memref<20224x128xf32, #tpu.memory_space<vmem>>, %arg2: memref<1x128xf32, #tpu.memory_space<vmem>>, %arg3: memref<8x10000xf32, #tpu.memory_space<vmem>>, %arg4: memref<16x128xf32, #tpu.memory_space<vmem>>) attributes {dimension_semantics = [], scalar_prefetch = 0 : i64, scratch_operands = 0 : i64, tpu.core_type = #tpu.core_type<tc>} {
    %get3A = arith.constant 0 : index
    %get3A_0 = arith.constant 0 : index
    %get3A_1 = vector.load %arg0[%get3A, %get3A_0] : memref<20224x128xf32, #tpu.memory_space<vmem>>, vector<10000x128xf32>
    %get3A_2 = arith.constant 10112 : index
    %get3A_3 = arith.constant 0 : index
    %get3A_4 = vector.load %arg0[%get3A_2, %get3A_3] : memref<20224x128xf32, #tpu.memory_space<vmem>>, vector<10000x128xf32>
    %add3A = arith.addf %get3A_1, %get3A_4 : vector<10000x128xf32>
    %get3A_5 = arith.constant 0 : index
    %get3A_6 = arith.constant 0 : index
    %get3A_7 = vector.load %arg1[%get3A_5, %get3A_6] : memref<20224x128xf32, #tpu.memory_space<vmem>>, vector<10000x1xf32>
    %get3A_8 = arith.constant 10112 : index
    %get3A_9 = arith.constant 0 : index
    %get3A_10 = vector.load %arg1[%get3A_8, %get3A_9] : memref<20224x128xf32, #tpu.memory_space<vmem>>, vector<10000x1xf32>
    %add3A_11 = arith.addf %get3A_7, %get3A_10 : vector<10000x1xf32>
    %rsqrt3A = math.rsqrt %add3A_11 : vector<10000x1xf32>
    %mul3A = vector.broadcast %rsqrt3A : vector<10000x1xf32> to vector<10000x128xf32>
    %mul3A_12 = arith.mulf %add3A, %mul3A : vector<10000x128xf32>
    %get3A_13 = arith.constant 0 : index
    %get3A_14 = arith.constant 0 : index
    %get3A_15 = vector.load %arg2[%get3A_13, %get3A_14] : memref<1x128xf32, #tpu.memory_space<vmem>>, vector<1x128xf32>
    %add3A_16 = vector.broadcast %get3A_15 : vector<1x128xf32> to vector<10000x128xf32>
    %add3A_17 = arith.addf %mul3A_12, %add3A_16 : vector<10000x128xf32>
    %max3A = arith.constant 0.000000e+00 : f32
    %max3A_18 = vector.broadcast %max3A : f32 to vector<10000x128xf32>
    %max3A_19 = arith.maximumf %add3A_17, %max3A_18 : vector<10000x128xf32>
    %iota3A = tpu.iota {dimensions = array<i32: 0>} : vector<16x10000xi32>
    %convert_element_type3A = arith.sitofp %iota3A : vector<16x10000xi32> to vector<16x10000xf32>
    %get3A_20 = arith.constant 0 : index
    %get3A_21 = arith.constant 0 : index
    %get3A_22 = vector.load %arg3[%get3A_20, %get3A_21] : memref<8x10000xf32, #tpu.memory_space<vmem>>, vector<1x10000xf32>
    %eq3A = vector.broadcast %get3A_22 : vector<1x10000xf32> to vector<16x10000xf32>
    %eq3A_23 = arith.cmpf oeq, %convert_element_type3A, %eq3A : vector<16x10000xf32>
    %jit3A = arith.constant 1.000000e+00 : f32
    %jit3A_24 = arith.constant 0.000000e+00 : f32
    %broadcast_in_dim3A = vector.broadcast %jit3A : f32 to vector<16x10000xf32>
    %broadcast_in_dim3A_25 = vector.broadcast %jit3A_24 : f32 to vector<16x10000xf32>
    %select_n3A = arith.select %eq3A_23, %broadcast_in_dim3A, %broadcast_in_dim3A_25 : vector<16x10000xi1>, vector<16x10000xf32>
    %dot_general3A = arith.constant dense<0.000000e+00> : vector<16x128xf32>
    %dot_general3A_26 = tpu.matmul %select_n3A, %max3A_19, %dot_general3A {dimension_numbers = #tpu.dot_dimension_numbers<[1], [0], [0], [1], [0, 0, 1, 1], [], []>, transpose_lhs_hint = false} : vector<16x10000xf32>, vector<10000x128xf32>, vector<16x128xf32> -> vector<16x128xf32>
    %reduce_sum3A = arith.constant dense<0.000000e+00> : vector<16xf32>
    %reduce_sum3A_27 = vector.multi_reduction <add>, %select_n3A, %reduce_sum3A [1] : vector<16x10000xf32> to vector<16xf32>
    %broadcast_in_dim3A_28 = vector.shape_cast %reduce_sum3A_27 : vector<16xf32> to vector<16x1xf32>
    %max3A_29 = arith.constant 1.000000e+00 : f32
    %max3A_30 = vector.broadcast %max3A_29 : f32 to vector<16x1xf32>
    %max3A_31 = arith.maximumf %broadcast_in_dim3A_28, %max3A_30 : vector<16x1xf32>
    %div3A = vector.broadcast %max3A_31 : vector<16x1xf32> to vector<16x128xf32>
    %div3A_32 = arith.divf %dot_general3A_26, %div3A : vector<16x128xf32>
    %swap3A = arith.constant 0 : index
    %swap3A_33 = arith.constant 0 : index
    %swap3A_34 = vector.load %arg4[%swap3A, %swap3A_33] : memref<16x128xf32, #tpu.memory_space<vmem>>, vector<16x128xf32>
    tpu.vector_store %arg4[%swap3A, %swap3A_33], %div3A_32 {strides = array<i32>} : memref<16x128xf32, #tpu.memory_space<vmem>>, vector<16x128xf32>,
    return
  }
}

</mosaic_0001>

<sc_bundles>
// kernel: kernel.10.cloned.1.call-start
scs
__scs_entry_jumppad:
0x0: {  	(pc) =	sbr.rel $0x88, $3  }
0x1: {  	(tag) =	ssettag $0x0;
	lr =	simm.s32 $0x1  }
0x2: {  	[smem:$0x3F98] =	sst lr;
	_ =	strace $0xD0000000  }
0x3: {  	_ = 	snop  }
0x4: {  	_ = 	snop  }
0x5: {  	_ = 	snop  }
0x6: {  	_ = 	snop  }
0x7: {  	_ = 	snop  }
__scs_overlays_trampoline_lowered:
0x8: {  	[smem:$0x3FA7] =	sst s0  }
0x9: {  	[smem:$0x3FA8] =	sst s1  }
0xa: {  	[smem:$0x3FA9] =	sst s2  }
0xb: {  	[smem:$0x3FAA] =	sst s3  }
0xc: {  	[smem:$0x3FAB] =	sst s4  }
0xd: {  	[smem:$0x3FAC] =	sst s5  }
0xe: {  	[smem:$0x3FAD] =	sst s6  }
0xf: {  	[smem:$0x3FAE] =	sst s7  }
0x10: {  	[smem:$0x3FAF] =	sst s8  }
0x11: {  	[smem:$0x3FB0] =	sst s9;
	s0 =	simm.s32 @!p0 $0x0  }
0x12: {  	s1 =	sld [smem:$0x3F96];
	s0 =	simm.s32 @p0 $0x1  }
0x13: {  	[smem:$0x3FB1] =	sst s0;
	s0 =	simm.s32 @!p1 $0x0  }
0x14: {  	s2 =	sld [smem:$0x3F95];
	s0 =	simm.s32 @p1 $0x1  }
0x15: {  	[smem:$0x3FB2] =	sst s0;
	s0 =	simm.s32 @!p2 $0x0  }
0x16: {  	s3 =	sld [smem:$0x3FDB];
	s0 =	simm.s32 @p2 $0x1  }
0x17: {  	s4 =	simm.s32 $0x1BF5;
	[smem:$0x3FB4] =	sst s0  }
0x18: {  	s0 =	sld [smem:$0x3F97];
	_ =	swait.ge [sflag:s4], $0x0  }
0x19: {  	s7 =	sld [smem:$0x3F98]  }
0x1a: {  	s8 =	sadd.s32 $0xFFFFE003, lr  }
0x1b: {  	s9 =	sadd.s32 $0xFFFFFEF7, lr;
	s5 =	simm.s32 $0xFFFFFFFF;
	p2 =	slt.u32 s8, $0xFFFFF086  }
0x1c: {  	p1 =	slt.u32 s9, $0xF7A;
	s5 =	simm.s32 @!p2 $0x0  }
0x1d: {  	s5 =	simm.s32 @p1 $0x1;
	p0 =	seq.s32 s7, s2  }
0x1e: {  	s7 =	smul.u32 @!p0 $0xF7A, s2;
	p2 =	seq.s32 @!p0 s5, $0x0  }
0x1f: {  	s9 =	smul.u32 $0xF7A, s1;
	s8 =	simm.s32 @!p0 $0x1BF5;
	p2 =	por !p2, p0  }
0x20: {  	[sflag:s8] =	ssyncset.s32 @!p0 $0xFFFFF086;
	s6 =	sadd.s32 @!p0 s3, s7;
	s7 =	simm.s32 @!p0 $0x108  }
0x21: {  	s3 =	sadd.s32 s3, s9;
	s6 =	sadd.s32 @!p0 $0x88, s6;
	s7 =	simm.s32 @p2 $0x1082  }
0x22: {  	[simem:s7], [sflag:s8] =	dma.local @!p0 [hbm:s6], $0xF7A  }
0x23: {  	s9 =	sor.u32 $0xD0000000, s2;
	s6 =	simm.s32 $0x108;
	_ =	swait.ge @!p0 [sflag:s8], $0x0  }
0x24: {  	s3 =	sadd.s32 $0x88, s3;
	s6 =	simm.s32 @!p1 $0x1082;
	[sflag:s4] =	ssyncset.s32 $0xFFFFF086  }
0x25: {  	[simem:s6], [sflag:s4] =	dma.local [hbm:s3], $0xF7A  }
0x26: {  	[smem:$0x3F98] =	sst s1;
	(tag) =	ssettag s2;
	_ =	strace s9  }
0x27: {  	s1 =	sld [smem:$0x3FA8]  }
0x28: {  	s2 =	sld [smem:$0x3FA9]  }
0x29: {  	s4 =	sld [smem:$0x3FAB]  }
0x2a: {  	p0 =	seq.s32 s5, $0x0;
	s5 =	sld [smem:$0x3FAC]  }
0x2b: {  	s6 =	sld [smem:$0x3FAD]  }
0x2c: {  	s7 =	sld [smem:$0x3FAE]  }
0x2d: {  	s3 =	simm.s32 $0x108;
	s8 =	sld [smem:$0x3FAF]  }
0x2e: {  	s3 =	simm.s32 @!p0 $0x1082;
	s9 =	sld [smem:$0x3FB0]  }
0x2f: {  	lr =	sadd.s32 s0, s3;
	s0 =	sld [smem:$0x3FA7]  }
0x30: {  	s3 =	sld [smem:$0x3FAA]  }
0x31: {  	[smem:$0x3FB3] =	sst s10  }
0x32: {  	s10 =	sld [smem:$0x3FB1];
	_ =	sdelay $0x3  }
0x33: {  	p0 =	seq.s32 s10, $0x1;
	s10 =	sld [smem:$0x3FB3];
	_ =	sdelay $0x3  }
0x34: {  	[smem:$0x3FB3] =	sst s10  }
0x35: {  	s10 =	sld [smem:$0x3FB2];
	_ =	sdelay $0x3  }
0x36: {  	p1 =	seq.s32 s10, $0x1;
	s10 =	sld [smem:$0x3FB3];
	_ =	sdelay $0x3  }
0x37: {  	[smem:$0x3FB3] =	sst s10  }
0x38: {  	s10 =	sld [smem:$0x3FB4]  }
0x39: {  	_ = 	snop;
	(pc) =	sbr.ind lr, $3  }
0x3a: {  	_ = 	snop  }
0x3b: {  	_ = 	snop  }
0x3c: {  	p2 =	seq.s32 s10, $0x1;
	s10 =	sld [smem:$0x3FB3]  }
0x3d: {  	_ =	shalt  }
0x3e: {  	_ =	shalt  }
0x3f: {  	_ =	shalt  }
0x40: {  	_ =	shalt  }
0x41: {  	_ =	shalt  }
0x42: {  	_ =	shalt  }
0x43: {  	_ =	shalt  }
0x44: {  	_ =	shalt  }
0x45: {  	_ =	shalt  }
0x46: {  	_ =	shalt  }
0x47: {  	_ =	shalt  }
0x48: {  	_ =	shalt  }
0x49: {  	_ =	shalt  }
0x4a: {  	_ =	shalt  }
0x4b: {  	_ =	shalt  }
0x4c: {  	_ =	shalt  }
0x4d: {  	_ =	shalt  }
0x4e: {  	_ =	shalt  }
0x4f: {  	_ =	shalt  }
0x50: {  	_ =	shalt  }
0x51: {  	_ =	shalt  }
0x52: {  	_ =	shalt  }
0x53: {  	_ =	shalt  }
0x54: {  	_ =	shalt  }
0x55: {  	_ =	shalt  }
0x56: {  	_ =	shalt  }
0x57: {  	_ =	shalt  }
0x58: {  	_ =	shalt  }
0x59: {  	_ =	shalt  }
0x5a: {  	_ =	shalt  }
0x5b: {  	_ =	shalt  }
0x5c: {  	_ =	shalt  }
0x5d: {  	_ =	shalt  }
0x5e: {  	_ =	shalt  }
0x5f: {  	_ =	shalt  }
0x60: {  	_ =	shalt  }
0x61: {  	_ =	shalt  }
0x62: {  	_ =	shalt  }
0x63: {  	_ =	shalt  }
0x64: {  	_ =	shalt  }
0x65: {  	_ =	shalt  }
0x66: {  	_ =	shalt  }
0x67: {  	_ =	shalt  }
0x68: {  	_ =	shalt  }
0x69: {  	_ =	shalt  }
0x6a: {  	_ =	shalt  }
0x6b: {  	_ =	shalt  }
0x6c: {  	_ =	shalt  }
0x6d: {  	_ =	shalt  }
0x6e: {  	_ =	shalt  }
0x6f: {  	_ =	shalt  }
0x70: {  	_ =	shalt  }
0x71: {  	_ =	shalt  }
0x72: {  	_ =	shalt  }
0x73: {  	_ =	shalt  }
0x74: {  	_ =	shalt  }
0x75: {  	_ =	shalt  }
0x76: {  	_ =	shalt  }
0x77: {  	_ =	shalt  }
0x78: {  	_ =	shalt  }
0x79: {  	_ =	shalt  }
0x7a: {  	_ =	shalt  }
0x7b: {  	_ =	shalt  }
0x7c: {  	_ =	shalt  }
0x7d: {  	_ =	shalt  }
0x7e: {  	_ =	shalt  }
0x7f: {  	_ =	shalt  }
0x80: {  	_ =	shalt  }
0x81: {  	_ =	shalt  }
0x82: {  	_ =	shalt  }
0x83: {  	_ =	shalt  }
0x84: {  	_ =	shalt  }
0x85: {  	_ =	shalt  }
0x86: {  	_ =	shalt  }
0x87: {  	_ =	shalt  }
.Lfunc_end0:
.L_simem_size_0:
called_computation_lowered:
.L_overlay_start_0:
0x88: {  	s2 =	sld [smem:$0x3FD9]  }
0x89: {  	s3 =	sld [smem:$0x3FFE];
	_ =	sdelay $0x1  }
0x8a: {  	s1 =	srdreg.scid  }
0x8b: {  	s0 =	sand.u32 $0x1, s1  }
0x8c: {  	s16 =	sshll.u32 s0, $0xA;
	s2 =	sadd.s32 s3, s2  }
0x8d: {  	s2 =	sadd.s32 s2, s16  }
0x8e: {  	[smem:$0x3FBF] =	sst s2  }
0x8f: {  	_ = 	snop  }
0x90: {  	(tm) =	ssettm $0x1  }
0x91: {  	s17 =	sld [smem:$0x3FFB];
	_ =	sdelay $0x3  }
0x92: {  	_ =	strace s17  }
0x93: {  	s2 =	sld [smem:$0x3FFC];
	_ =	sdelay $0x3  }
0x94: {  	_ =	strace s2  }
0x95: {  	s2 =	sld [smem:$0x3FFD];
	_ =	sdelay $0x3  }
0x96: {  	_ =	strace s2  }
0x97: {  	_ =	strace $0x8FFFFFFF  }
0x98: {  	s18 =	sld [smem:$0x3FDB];
	_ =	sdelay $0x1  }
0x99: {  	s19 =	simm.s32 $_scs_section_size  }
0x9a: {  	s4 =	simm.s32 $_size__tile_overlayer_lowered;
	s5 =	simm.s32 $_tile_overlayer_lowered  }
0x9b: {  	s22 =	simm.s32 $0x1BFF;
	s21 =	sshll.u32 s5, $0x1;
	s2 =	sadd.s32 s19, s18  }
0x9c: {  	s6 =	simm.s32 $0x0;
	s20 =	sshll.u32 s4, $0x1;
	s4 =	sadd.s32 s21, s2  }
0x9d: {  	[timem:s6], [sflag:s22] =	dma.local [hbm:s4], s20  }
0x9e: {  	_ =	swait.ge [sflag:s22], s20  }
0x9f: {  	s3 =	ssub.s32 $0x0, s20;
	[sflag:s22] =	ssyncset.done $0x0  }
0xa0: {  	[sflag:s22] =	ssyncadd.s32 s3;
	_ =	sdelay $0x1  }
0xa1: {  	s23 =	simm.s32 $0x1B8B  }
0xa2: {  	_ =	swait.ge [sflag:s23], $0x1  }
0xa3: {  	[sflag:s23] =	ssyncset.done $0x0  }
0xa4: {  	s25 =	simm.s32 $0x1B8E;
	s24 =	sld [smem:$0x3FFE];
	[sflag:s23] =	ssyncadd.s32 $0xFFFFFFFF  }
0xa5: {  	s26 =	simm.s32 $execute0_lowered;
	[smem:$0x3FD2] =	sst s25  }
0xa6: {  	s4 =	sshll.u32 s26, $0x1;
	_ =	strace $0x80000046;
	[dreg:$0x1] =	wrdreg $0xFFFFFFFF  }
0xa7: {  	s28 =	simm.s32 $_size_execute0_lowered;
	s2 =	sadd.s32 s2, s4;
	[dreg:$0x0] =	wrdreg $0x0  }
0xa8: {  	s4 =	sshll.u32 s28, $0x1;
	[dreg:$0x2] =	wrdreg s2  }
0xa9: {  	[dreg:$0x3] =	wrdreg s4  }
0xaa: {  	[dreg:$0x4] =	wrdreg $0xC0  }
0xab: {  	_ =	task [dreg:s6], $0x5FFFF  }
0xac: {  	[dreg:$0x1] =	wrdreg $0xFFFFFFFF  }
0xad: {  	[dreg:$0x0] =	wrdreg $0x60  }
0xae: {  	[dreg:$0x2] =	wrdreg s24  }
0xaf: {  	[dreg:$0x3] =	wrdreg $0x83000  }
0xb0: {  	[dreg:$0x4] =	wrdreg $0x9  }
0xb1: {  	_ =	task.clear_ibuf [dreg:s6], $0x5FFFF;
	_ =	strace $0x90000046  }
0xb2: {  	s29 =	simm.s32 $0x9;
	_ =	strace $0x80000048  }
0xb3: {  	_ =	swait.ge [sflag:s29], $0x1  }
0xb4: {  	[sflag:s29] =	ssyncadd.s32 $0xFFFFFFFF  }
0xb5: {  	_ =	strace $0x90000048  }
0xb6: {  	_ =	sfence  }
0xb7: {  	s30 =	sld [smem:$0x0];
	_ =	sdelay $0x2  }
0xb8: {  	s31 =	sshll.u32 s1, $0xD;
	s1 =	sshrl.u32 s1, $0x2  }
0xb9: {  	s3 =	sand.u32 $0x4000, s31;
	s1 =	sadd.s32 s1, s30  }
0xba: {  	s0 =	sor.u32 s3, s0;
	s1 =	sshll.u32 s1, $0x11  }
0xbb: {  	s0 =	sor.u32 s1, s0  }
0xbc: {  	s0 =	sadd.s32 $0x8F2B, s0  }
0xbd: {  	[sflag:s0] =	ssyncadd.remote.s32 $0x1  }
0xbe: {  	_ =	sfence.sel $0xFFFF  }
0xbf: {  	[dreg:$0x0] =	wrdreg $0xFFFFFFFF;
	(pc) =	sbr.abs _section_cstart, $3  }
0xc0: {  	[dreg:$0x1] =	wrdreg $0xFFFFFFFF  }
0xc1: {  	_ =	task.clear_ibuf [dreg:s6], $0x2FFFF;
	_ =	strace $0x9FFFFFFF  }
0xc2: {  	(tm) =	ssettm $0x7FFFFFFF  }
0xc3: {  	_ =	shalt  }
tec
execute0_lowered:
.L_overlay_start_1:
0x0: {  	(tag) =	ssettag $0x1  }
0x1: {  	s0 =	rddreg [dreg:$0x0];
	s1 =	srdreg.scid  }
0x2: {  	s10 =	stileid.u32;
	s2 =	rddreg [dreg:$0x1]  }
0x3: {  	s3 =	simm.s32 $0x0;
	s28 =	simm.s32 $0x4;
	s4 =	smul.u32 $0x2780, s10  }
0x4: {  	s29 =	simm.s32 $0x2;
	s30 =	simm.s32 $0x8180;
	s19 =	smul.u32 $0x4F000, s10  }
0x5: {  	s1 =	sand.u32 $0x1, s1;
	[smem:$0x7FF] =	sst s3;
	s17 =	smul.u32 $0x2800, s10  }
0x6: {  	s31 =	simm.s32 $0x5;
	s5 =	smul.u32 $0x27800, s1;
	_ =	strace $0x80000047  }
0x7: {  	s6 =	ssub.s32 $0x0, s1;
	s7 =	ssub.s32 $0x2, s1;
	s8 =	sshll.u32 s1, $0x4  }
0x8: {  	s1 =	smul.u32 $0x28000, s1;
	s9 =	sshrl.u32 s7, $0x1;
	s8 =	sor.u32 s10, s8  }
0x9: {  	s16 =	sand.u32 $0x4000, s6;
	s4 =	sadd.s32 s4, s5;
	s20 =	smul.u32 $0xA00, s8  }
0xa: {  	s5 =	sadd.s32 $0x4000, s0;
	s7 =	ssub.s32 s7, s9;
	s8 =	smul.u32 $0x5000, s8  }
0xb: {  	s25 =	sadd.s32 s17, s1;
	s0 =	sadd.s32 s4, s0;
	s4 =	sshrl.u32 s19, $0x2  }
0xc: {  	s15 =	smax.u32 s7, $0x1;
	s1 =	sor.u32 $0x280, s25;
	s26 =	sor.u32 $0x200, s25  }
0xd: {  	s4 =	sadd.s32 s4, s2;
	s9 =	sadd.s32 s5, s20;
	s8 =	sshrl.u32 s8, $0x3  }
0xe: {  	s14 =	sadd.s32 $0x18000, s0;
	s0 =	sor.u32 $0x180, s25;
	s1 =	sshrl.u32 s1, $0x2  }
0xf: {  	s6 =	sshrl.u32 s26, $0x2;
	s20 =	simm.s32 $0x7;
	s25 =	simm.s32 $0x80  }
0x10: {  	s26 =	simm.s32 $0x8080;
	s11 =	sadd.s32 $0x4000, s4;
	s21 =	sadd.s32 $0x8000, s4  }
0x11: {  	s22 =	sadd.s32 $0xC000, s4;
	s23 =	sadd.s32 $0x10000, s4;
	[dreg:$0x3] =	wrdreg s11  }
0x12: {  	s24 =	sadd.s32 $0x20, s9;
	s8 =	sadd.s32 s5, s8;
	[dreg:$0x4] =	wrdreg s21  }
0x13: {  	s0 =	sshrl.u32 s0, $0x2;
	s17 =	sadd.s32 s1, s5;
	[dreg:$0x5] =	wrdreg s22  }
0x14: {  	s18 =	sadd.s32 s6, s5;
	s1 =	simm.s32 $0x3;
	[dreg:$0x6] =	wrdreg s23  }
0x15: {  	s6 =	simm.s32 $0x0;
	[dreg:$0x7] =	wrdreg s24;
	s11 =	sadd.s32 $0x40, s9  }
0x16: {  	s12 =	sadd.s32 $0x9C0, s8;
	s13 =	sadd.s32 $0x9E0, s8;
	s19 =	sadd.s32 s0, s5  }
0x17: {  	s21 =	simm.s32 $0x8000;
	s22 =	simm.s32 $0x8100;
	s23 =	simm.s32 $0x8200  }
0x18: {  	v0 =	vimm.f32 $1.000000000e+00;
	v1 =	vimm.f32 $0.0e+00;
	s24 =	simm.s32 $0x1;
	s0 =	simm.s32 $0x8280;
	s5 =	simm.s32 $0x6  }
.LBB2_1:
0x19: {  	s7 =	simm.s32 $0x0;
	s8 =	simm.s32 $0x200  }
.LBB2_2:
0x1a: {  	p0 =	sne.s32 s8, $0xFE00;
	[tilespmem:s7+$0x4070] =	vst v1  }
0x1b: {  	[tilespmem:s7+$0x0] =	vst v0  }
0x1c: {  	[tilespmem:s7+$0x4000] =	vst v1  }
0x1d: {  	[tilespmem:s7+$0x10] =	vst v0  }
0x1e: {  	[tilespmem:s7+$0x4010] =	vst v1  }
0x1f: {  	[tilespmem:s7+$0x20] =	vst v0  }
0x20: {  	[tilespmem:s7+$0x4020] =	vst v1  }
0x21: {  	[tilespmem:s7+$0x30] =	vst v0  }
0x22: {  	[tilespmem:s7+$0x4030] =	vst v1  }
0x23: {  	[tilespmem:s7+$0x40] =	vst v0  }
0x24: {  	[tilespmem:s7+$0x4040] =	vst v1  }
.Ltmp0:
0x25: {  	[tilespmem:s7+$0x50] =	vst v0;
	(pc) =	sbr.rel @p0 .LBB2_2-.Ltmp0, $4  }
0x26: {  	[tilespmem:s7+$0x4050] =	vst v1  }
0x27: {  	[tilespmem:s7+$0x60] =	vst v0  }
0x28: {  	[tilespmem:s7+$0x4060] =	vst v1  }
0x29: {  	[tilespmem:s7+$0x70] =	vst v0;
	s7 =	sshra.s32 s8, $0x2;
	s8 =	sadd.s32 $0x200, s8  }
0x2a: {  	[tilespmem:s7+$0x4070] =	vst v1  }
0x2b: {  	[tilespmem:s7+$0x0] =	vst v0  }
0x2c: {  	[tilespmem:s7+$0x4000] =	vst v1  }
0x2d: {  	[tilespmem:s7+$0x10] =	vst v0  }
0x2e: {  	[tilespmem:s7+$0x4010] =	vst v1  }
0x2f: {  	[tilespmem:s7+$0x20] =	vst v0  }
0x30: {  	[tilespmem:s7+$0x4020] =	vst v1  }
0x31: {  	[tilespmem:s7+$0x30] =	vst v0  }
0x32: {  	[tilespmem:s7+$0x4030] =	vst v1  }
0x33: {  	[tilespmem:s7+$0x40] =	vst v0  }
0x34: {  	[tilespmem:s7+$0x4040] =	vst v1  }
0x35: {  	[tilespmem:s7+$0x50] =	vst v0  }
0x36: {  	[tilespmem:s7+$0x4050] =	vst v1  }
0x37: {  	[tilespmem:s7+$0x60] =	vst v0  }
0x38: {  	[tilespmem:s7+$0x4060] =	vst v1  }
0x39: {  	[tilespmem:s7+$0x70] =	vst v0  }
0x3a: {  	[spmem:s4] =	stream.linear.scatter [tilespmem:s16], [sflag:$0x7], $0x4000, $0x38;
	[tilespmem:$0x1BF00] =	vst v63  }
0x3b: {  	_ =	swait.ge [sflag:s20], $0x4000  }
0x3c: {  	[sflag:s20] =	ssyncset.done $0x0  }
0x3d: {  	s10 =	rddreg [dreg:$0x3];
	[sflag:s20] =	ssyncadd.s32 $0xFFFFC000  }
0x3e: {  	[spmem:s10] =	stream.linear.scatter [tilespmem:s16], [sflag:$0x7], $0x4000, $0x38;
	[tilespmem:$0x1BF00] =	vst v63  }
0x3f: {  	_ =	swait.ge [sflag:s20], $0x4000  }
0x40: {  	[sflag:s20] =	ssyncset.done $0x0  }
0x41: {  	s8 =	rddreg [dreg:$0x4];
	[sflag:s20] =	ssyncadd.s32 $0xFFFFC000  }
0x42: {  	[spmem:s8] =	stream.linear.scatter [tilespmem:s16], [sflag:$0x7], $0x4000, $0x38;
	[tilespmem:$0x1BF00] =	vst v63  }
0x43: {  	_ =	swait.ge [sflag:s20], $0x4000  }
0x44: {  	[sflag:s20] =	ssyncset.done $0x0  }
0x45: {  	s10 =	rddreg [dreg:$0x5];
	[sflag:s20] =	ssyncadd.s32 $0xFFFFC000  }
0x46: {  	[spmem:s10] =	stream.linear.scatter [tilespmem:s16], [sflag:$0x7], $0x4000, $0x38;
	[tilespmem:$0x1BF00] =	vst v63  }
0x47: {  	_ =	swait.ge [sflag:s20], $0x4000  }
0x48: {  	[sflag:s20] =	ssyncset.done $0x0  }
0x49: {  	s8 =	rddreg [dreg:$0x6];
	[sflag:s20] =	ssyncadd.s32 $0xFFFFC000  }
0x4a: {  	[spmem:s8] =	stream.linear.scatter [tilespmem:s16], [sflag:$0x7], $0x3C00, $0x38;
	[tilespmem:$0x1BF00] =	vst v63  }
0x4b: {  	_ =	swait.ge [sflag:s20], $0x3C00  }
0x4c: {  	[sflag:s20] =	ssyncset.done $0x0  }
0x4d: {  	[sflag:s20] =	ssyncadd.s32 $0xFFFFC400  }
0x4e: {  	s10 =	simm.s32 $0x0;
	[bflag:$0x0] =	sbarrier.arrive $0xFFFF  }
0x4f: {  	[tilespmem:s21], [sflag:$0x1] =	stream.linear.gather [hbm4b:s9+s10], $0x100, $0x38;
	[tilespmem:$0x1BF00] =	vst v63  }
0x50: {  	s8 =	rddreg [dreg:$0x7]  }
0x51: {  	[tilespmem:s22], [sflag:$0x2] =	stream.linear.gather [hbm4b:s8+s10], $0x100, $0x38;
	[tilespmem:$0x1BF00] =	vst v63  }
0x52: {  	_ = 	snop  }
0x53: {  	[tilespmem:s23], [sflag:$0x3] =	stream.linear.gather [hbm4b:s11+s10], $0x100, $0x38;
	[tilespmem:$0x1BF00] =	vst v63  }
0x54: {  	_ =	swait.ge [sflag:s24], $0x100  }
0x55: {  	[sflag:s24] =	ssyncset.done $0x0  }
0x56: {  	[sflag:s24] =	ssyncadd.s32 $0xFFFFFF00  }
0x57: {  	[spmem:s2] =	stream.indirect.scatter.add.f32 [tilespmem:s3], [sflag:$0x4], $0x80, s26, s25, $0xb8;
	[tilespmem:$0x1BF00] =	vst v63  }
0x58: {  	_ =	swait.ge [sflag:s28], $0x4000  }
0x59: {  	[sflag:s28] =	ssyncset.done $0x0  }
0x5a: {  	s8 =	sadd.s32 $0x0, s19;
	[sflag:s28] =	ssyncadd.s32 $0xFFFFC000  }
0x5b: {  	[tilespmem:s21], [sflag:$0x1] =	stream.linear.gather [hbm4b:s8+s3], $0x100, $0x38;
	[tilespmem:$0x1BF00] =	vst v63  }
0x5c: {  	_ =	swait.ge [sflag:s29], $0x100  }
0x5d: {  	[sflag:s29] =	ssyncset.done $0x0  }
0x5e: {  	[sflag:s29] =	ssyncadd.s32 $0xFFFFFF00  }
0x5f: {  	[spmem:s2] =	stream.indirect.scatter.add.f32 [tilespmem:s3], [sflag:$0x5], $0x80, s30, s25, $0xb8;
	[tilespmem:$0x1BF00] =	vst v63  }
0x60: {  	_ =	swait.ge [sflag:s31], $0x4000  }
0x61: {  	[sflag:s31] =	ssyncset.done $0x0  }
0x62: {  	s10 =	sadd.s32 $0x0, s18;
	[sflag:s31] =	ssyncadd.s32 $0xFFFFC000  }
0x63: {  	[tilespmem:s22], [sflag:$0x2] =	stream.linear.gather [hbm4b:s10+s3], $0x100, $0x38;
	[tilespmem:$0x1BF00] =	vst v63  }
0x64: {  	_ =	swait.ge [sflag:s1], $0x100  }
0x65: {  	[sflag:s1] =	ssyncset.done $0x0  }
0x66: {  	[sflag:s1] =	ssyncadd.s32 $0xFFFFFF00  }
0x67: {  	[spmem:s2] =	stream.indirect.scatter.add.f32 [tilespmem:s3], [sflag:$0x6], $0x80, s0, s25, $0xb8;
	[tilespmem:$0x1BF00] =	vst v63  }
0x68: {  	_ =	swait.ge [sflag:s5], $0x4000  }
0x69: {  	[sflag:s5] =	ssyncset.done $0x0  }
0x6a: {  	s7 =	simm.s32 $0x60;
	s8 =	sadd.s32 $0x0, s17;
	[sflag:s5] =	ssyncadd.s32 $0xFFFFC000  }
.LBB2_4:
0x6b: {  	[tilespmem:s23], [sflag:$0x3] =	stream.linear.gather [hbm4b:s8+s3], $0x100, $0x38;
	[tilespmem:$0x1BF00] =	vst v63  }
0x6c: {  	s8 =	smov.u32 s7  }
0x6d: {  	p0 =	sne.s32 s7, $0x900;
	s7 =	sadd.s32 $0x60, s7;
	_ =	swait.ge [sflag:s24], $0x100  }
0x6e: {  	[sflag:s24] =	ssyncset.done $0x0  }
0x6f: {  	[sflag:s24] =	ssyncadd.s32 $0xFFFFFF00  }
0x70: {  	[spmem:s2] =	stream.indirect.scatter.add.f32 [tilespmem:s3], [sflag:$0x4], $0x80, s26, s25, $0xb8;
	[tilespmem:$0x1BF00] =	vst v63  }
0x71: {  	_ =	swait.ge [sflag:s28], $0x4000  }
0x72: {  	[sflag:s28] =	ssyncset.done $0x0  }
0x73: {  	s10 =	sadd.s32 s8, s19;
	[sflag:s28] =	ssyncadd.s32 $0xFFFFC000  }
0x74: {  	[tilespmem:s21], [sflag:$0x1] =	stream.linear.gather [hbm4b:s10+s3], $0x100, $0x38;
	[tilespmem:$0x1BF00] =	vst v63  }
0x75: {  	_ =	swait.ge [sflag:s29], $0x100  }
0x76: {  	[sflag:s29] =	ssyncset.done $0x0  }
0x77: {  	[sflag:s29] =	ssyncadd.s32 $0xFFFFFF00  }
0x78: {  	[spmem:s2] =	stream.indirect.scatter.add.f32 [tilespmem:s3], [sflag:$0x5], $0x80, s30, s25, $0xb8;
	[tilespmem:$0x1BF00] =	vst v63  }
0x79: {  	_ =	swait.ge [sflag:s31], $0x4000  }
0x7a: {  	[sflag:s31] =	ssyncset.done $0x0  }
0x7b: {  	s10 =	sadd.s32 s8, s18;
	[sflag:s31] =	ssyncadd.s32 $0xFFFFC000  }
0x7c: {  	[tilespmem:s22], [sflag:$0x2] =	stream.linear.gather [hbm4b:s10+s3], $0x100, $0x38;
	[tilespmem:$0x1BF00] =	vst v63  }
0x7d: {  	_ =	swait.ge [sflag:s1], $0x100  }
0x7e: {  	[sflag:s1] =	ssyncset.done $0x0  }
.Ltmp1:
0x7f: {  	[sflag:s1] =	ssyncadd.s32 $0xFFFFFF00;
	(pc) =	sbr.rel @p0 .LBB2_4-.Ltmp1, $4  }
0x80: {  	[spmem:s2] =	stream.indirect.scatter.add.f32 [tilespmem:s3], [sflag:$0x6], $0x80, s0, s25, $0xb8;
	[tilespmem:$0x1BF00] =	vst v63  }
0x81: {  	_ =	swait.ge [sflag:s5], $0x4000  }
0x82: {  	[sflag:s5] =	ssyncset.done $0x0  }
0x83: {  	s8 =	sadd.s32 s8, s17;
	[sflag:s5] =	ssyncadd.s32 $0xFFFFC000  }
0x84: {  	[tilespmem:s23], [sflag:$0x3] =	stream.linear.gather [hbm4b:s8+s3], $0x100, $0x38;
	[tilespmem:$0x1BF00] =	vst v63  }
0x85: {  	_ =	swait.ge [sflag:s24], $0x100  }
0x86: {  	[sflag:s24] =	ssyncset.done $0x0  }
0x87: {  	[sflag:s24] =	ssyncadd.s32 $0xFFFFFF00  }
0x88: {  	[spmem:s2] =	stream.indirect.scatter.add.f32 [tilespmem:s3], [sflag:$0x4], $0x80, s26, s25, $0xb8;
	[tilespmem:$0x1BF00] =	vst v63  }
0x89: {  	_ =	swait.ge [sflag:s28], $0x4000  }
0x8a: {  	[sflag:s28] =	ssyncset.done $0x0  }
0x8b: {  	[sflag:s28] =	ssyncadd.s32 $0xFFFFC000  }
0x8c: {  	[tilespmem:s21], [sflag:$0x1] =	stream.linear.gather [hbm4b:s12+s3], $0x100, $0x38;
	[tilespmem:$0x1BF00] =	vst v63  }
0x8d: {  	_ =	swait.ge [sflag:s29], $0x100  }
0x8e: {  	[sflag:s29] =	ssyncset.done $0x0  }
0x8f: {  	[sflag:s29] =	ssyncadd.s32 $0xFFFFFF00  }
0x90: {  	[spmem:s2] =	stream.indirect.scatter.add.f32 [tilespmem:s3], [sflag:$0x5], $0x80, s30, s25, $0xb8;
	[tilespmem:$0x1BF00] =	vst v63  }
0x91: {  	_ =	swait.ge [sflag:s31], $0x4000  }
0x92: {  	[sflag:s31] =	ssyncset.done $0x0  }
0x93: {  	[sflag:s31] =	ssyncadd.s32 $0xFFFFC000  }
0x94: {  	[tilespmem:s22], [sflag:$0x2] =	stream.linear.gather [hbm4b:s13+s3], $0x100, $0x38;
	[tilespmem:$0x1BF00] =	vst v63  }
0x95: {  	_ =	swait.ge [sflag:s1], $0x100  }
0x96: {  	[sflag:s1] =	ssyncset.done $0x0  }
0x97: {  	[sflag:s1] =	ssyncadd.s32 $0xFFFFFF00  }
0x98: {  	[spmem:s2] =	stream.indirect.scatter.add.f32 [tilespmem:s3], [sflag:$0x6], $0x80, s0, s25, $0xb8;
	[tilespmem:$0x1BF00] =	vst v63  }
0x99: {  	_ =	swait.ge [sflag:s5], $0x4000  }
0x9a: {  	[sflag:s5] =	ssyncset.done $0x0  }
0x9b: {  	[sflag:s5] =	ssyncadd.s32 $0xFFFFC000  }
0x9c: {  	_ =	swait.ge [sflag:s24], $0x100  }
0x9d: {  	[sflag:s24] =	ssyncset.done $0x0  }
0x9e: {  	[sflag:s24] =	ssyncadd.s32 $0xFFFFFF00  }
0x9f: {  	[spmem:s2] =	stream.indirect.scatter.add.f32 [tilespmem:s3], [sflag:$0x4], $0x80, s26, s25, $0xb8;
	[tilespmem:$0x1BF00] =	vst v63  }
0xa0: {  	_ =	swait.ge [sflag:s28], $0x4000  }
0xa1: {  	[sflag:s28] =	ssyncset.done $0x0  }
0xa2: {  	[sflag:s28] =	ssyncadd.s32 $0xFFFFC000  }
0xa3: {  	_ =	swait.ge [sflag:s29], $0x100  }
0xa4: {  	[sflag:s29] =	ssyncset.done $0x0  }
0xa5: {  	[sflag:s29] =	ssyncadd.s32 $0xFFFFFF00  }
0xa6: {  	[spmem:s2] =	stream.indirect.scatter.add.f32 [tilespmem:s3], [sflag:$0x5], $0x80, s30, s25, $0xb8;
	[tilespmem:$0x1BF00] =	vst v63  }
0xa7: {  	s7 =	stileid.u32;
	_ =	swait.ge [sflag:s31], $0x4000  }
0xa8: {  	s10 =	sshrl.u32 s4, $0x3;
	s6 =	sadd.s32 $0x1, s6;
	[sflag:s31] =	ssyncset.done $0x0  }
0xa9: {  	s7 =	sshll.u32 s7, $0x6;
	p0 =	sne.s32 s6, s15;
	[sflag:s31] =	ssyncadd.s32 $0xFFFFC000  }
.Ltmp2:
0xaa: {  	s7 =	sor.u32 $0x1C07, s7;
	[bflag:$0x0] =	sbarrier.arrive $0xFFFF;
	(pc) =	sbr.rel @p0 .LBB2_1-.Ltmp2, $4  }
0xab: {  	[hbm:s14], [sflag:s7] =	dma.local [spmem:s10], $0x2780  }
0xac: {  	_ =	swait.ge [sflag:s20], $0x2780  }
0xad: {  	[sflag:s20] =	ssyncset.done $0x0  }
0xae: {  	[sflag:s20] =	ssyncadd.s32 $0xFFFFD880  }
0xaf: {  	_ =	sfence.sel $0x180000  }
0xb0: {  	[bflag:$0x0] =	sbarrier.arrive $0xFFFF  }
0xb1: {  	_ =	strace $0x90000047  }
0xb2: {  	s0 =	stileid.u32;
	[bflag:$0x2] =	sbarrier.arrive $0xFFFF  }
0xb3: {  	p0 =	sne.s32 s0, $0x0;
	s0 =	rddreg [dreg:$0x2]  }
0xb4: {  	s0 =	sadd.s32 @!p0 $0x100000, s0  }
0xb5: {  	[sflag:s0] =	ssyncadd.tile.s32 @!p0 $0x1;
	_ =	shalt  }
.Lfunc_end2:
_tile_overlayer_lowered:
.L_overlay_start_2:
0xb6: {  	(tag) =	ssettag $0x2  }
0xb7: {  	s0 =	rddreg [dreg:$0x0];
	s2 =	stileid.u32  }
0xb8: {  	s1 =	rddreg [dreg:$0x1];
	p0 =	sne.s32 s2, $0x0  }
0xb9: {  	s3 =	rddreg [dreg:$0x2];
	[bflag:$0x3] =	sbarrier.arrive $0xFFFF;
	s2 =	simm.s32 @!p0 $0x1C07  }
0xba: {  	[timem:s3], [sflag:s2] =	dma.local @!p0 [hbm:s0], s1  }
0xbb: {  	s0 =	simm.s32 @!p0 $0x7  }
0xbc: {  	_ =	swait.ge @!p0 [sflag:s0], s1  }
0xbd: {  	s1 =	ssub.s32 @!p0 $0x0, s1;
	[sflag:s0] =	ssyncset.done @!p0 $0x0  }
0xbe: {  	[sflag:s0] =	ssyncadd.s32 @!p0 s1  }
0xbf: {  	[bflag:$0x3] =	sbarrier.arrive $0xFFFF  }
0xc0: {  	_ =	shalt  }

// kernel: kernel.13.cloned.1.call-start
scs
__scs_entry_jumppad:
0x0: {  	(pc) =	sbr.rel $0x88, $3  }
0x1: {  	(tag) =	ssettag $0x0;
	lr =	simm.s32 $0x1  }
0x2: {  	[smem:$0x3F98] =	sst lr;
	_ =	strace $0xD0000000  }
0x3: {  	_ = 	snop  }
0x4: {  	_ = 	snop  }
0x5: {  	_ = 	snop  }
0x6: {  	_ = 	snop  }
0x7: {  	_ = 	snop  }
__scs_overlays_trampoline_lowered:
0x8: {  	[smem:$0x3FA7] =	sst s0  }
0x9: {  	[smem:$0x3FA8] =	sst s1  }
0xa: {  	[smem:$0x3FA9] =	sst s2  }
0xb: {  	[smem:$0x3FAA] =	sst s3  }
0xc: {  	[smem:$0x3FAB] =	sst s4  }
0xd: {  	[smem:$0x3FAC] =	sst s5  }
0xe: {  	[smem:$0x3FAD] =	sst s6  }
0xf: {  	[smem:$0x3FAE] =	sst s7  }
0x10: {  	[smem:$0x3FAF] =	sst s8  }
0x11: {  	[smem:$0x3FB0] =	sst s9;
	s0 =	simm.s32 @!p0 $0x0  }
0x12: {  	s1 =	sld [smem:$0x3F96];
	s0 =	simm.s32 @p0 $0x1  }
0x13: {  	[smem:$0x3FB1] =	sst s0;
	s0 =	simm.s32 @!p1 $0x0  }
0x14: {  	s2 =	sld [smem:$0x3F95];
	s0 =	simm.s32 @p1 $0x1  }
0x15: {  	[smem:$0x3FB2] =	sst s0;
	s0 =	simm.s32 @!p2 $0x0  }
0x16: {  	s3 =	sld [smem:$0x3FDB];
	s0 =	simm.s32 @p2 $0x1  }
0x17: {  	s4 =	simm.s32 $0x1BF5;
	[smem:$0x3FB4] =	sst s0  }
0x18: {  	s0 =	sld [smem:$0x3F97];
	_ =	swait.ge [sflag:s4], $0x0  }
0x19: {  	s7 =	sld [smem:$0x3F98]  }
0x1a: {  	s8 =	sadd.s32 $0xFFFFE003, lr  }
0x1b: {  	s9 =	sadd.s32 $0xFFFFFEF7, lr;
	s5 =	simm.s32 $0xFFFFFFFF;
	p2 =	slt.u32 s8, $0xFFFFF086  }
0x1c: {  	p1 =	slt.u32 s9, $0xF7A;
	s5 =	simm.s32 @!p2 $0x0  }
0x1d: {  	s5 =	simm.s32 @p1 $0x1;
	p0 =	seq.s32 s7, s2  }
0x1e: {  	s7 =	smul.u32 @!p0 $0xF7A, s2;
	p2 =	seq.s32 @!p0 s5, $0x0  }
0x1f: {  	s9 =	smul.u32 $0xF7A, s1;
	s8 =	simm.s32 @!p0 $0x1BF5;
	p2 =	por !p2, p0  }
0x20: {  	[sflag:s8] =	ssyncset.s32 @!p0 $0xFFFFF086;
	s6 =	sadd.s32 @!p0 s3, s7;
	s7 =	simm.s32 @!p0 $0x108  }
0x21: {  	s3 =	sadd.s32 s3, s9;
	s6 =	sadd.s32 @!p0 $0x88, s6;
	s7 =	simm.s32 @p2 $0x1082  }
0x22: {  	[simem:s7], [sflag:s8] =	dma.local @!p0 [hbm:s6], $0xF7A  }
0x23: {  	s9 =	sor.u32 $0xD0000000, s2;
	s6 =	simm.s32 $0x108;
	_ =	swait.ge @!p0 [sflag:s8], $0x0  }
0x24: {  	s3 =	sadd.s32 $0x88, s3;
	s6 =	simm.s32 @!p1 $0x1082;
	[sflag:s4] =	ssyncset.s32 $0xFFFFF086  }
0x25: {  	[simem:s6], [sflag:s4] =	dma.local [hbm:s3], $0xF7A  }
0x26: {  	[smem:$0x3F98] =	sst s1;
	(tag) =	ssettag s2;
	_ =	strace s9  }
0x27: {  	s1 =	sld [smem:$0x3FA8]  }
0x28: {  	s2 =	sld [smem:$0x3FA9]  }
0x29: {  	s4 =	sld [smem:$0x3FAB]  }
0x2a: {  	p0 =	seq.s32 s5, $0x0;
	s5 =	sld [smem:$0x3FAC]  }
0x2b: {  	s6 =	sld [smem:$0x3FAD]  }
0x2c: {  	s7 =	sld [smem:$0x3FAE]  }
0x2d: {  	s3 =	simm.s32 $0x108;
	s8 =	sld [smem:$0x3FAF]  }
0x2e: {  	s3 =	simm.s32 @!p0 $0x1082;
	s9 =	sld [smem:$0x3FB0]  }
0x2f: {  	lr =	sadd.s32 s0, s3;
	s0 =	sld [smem:$0x3FA7]  }
0x30: {  	s3 =	sld [smem:$0x3FAA]  }
0x31: {  	[smem:$0x3FB3] =	sst s10  }
0x32: {  	s10 =	sld [smem:$0x3FB1];
	_ =	sdelay $0x3  }
0x33: {  	p0 =	seq.s32 s10, $0x1;
	s10 =	sld [smem:$0x3FB3];
	_ =	sdelay $0x3  }
0x34: {  	[smem:$0x3FB3] =	sst s10  }
0x35: {  	s10 =	sld [smem:$0x3FB2];
	_ =	sdelay $0x3  }
0x36: {  	p1 =	seq.s32 s10, $0x1;
	s10 =	sld [smem:$0x3FB3];
	_ =	sdelay $0x3  }
0x37: {  	[smem:$0x3FB3] =	sst s10  }
0x38: {  	s10 =	sld [smem:$0x3FB4]  }
0x39: {  	_ = 	snop;
	(pc) =	sbr.ind lr, $3  }
0x3a: {  	_ = 	snop  }
0x3b: {  	_ = 	snop  }
0x3c: {  	p2 =	seq.s32 s10, $0x1;
	s10 =	sld [smem:$0x3FB3]  }
0x3d: {  	_ =	shalt  }
0x3e: {  	_ =	shalt  }
0x3f: {  	_ =	shalt  }
0x40: {  	_ =	shalt  }
0x41: {  	_ =	shalt  }
0x42: {  	_ =	shalt  }
0x43: {  	_ =	shalt  }
0x44: {  	_ =	shalt  }
0x45: {  	_ =	shalt  }
0x46: {  	_ =	shalt  }
0x47: {  	_ =	shalt  }
0x48: {  	_ =	shalt  }
0x49: {  	_ =	shalt  }
0x4a: {  	_ =	shalt  }
0x4b: {  	_ =	shalt  }
0x4c: {  	_ =	shalt  }
0x4d: {  	_ =	shalt  }
0x4e: {  	_ =	shalt  }
0x4f: {  	_ =	shalt  }
0x50: {  	_ =	shalt  }
0x51: {  	_ =	shalt  }
0x52: {  	_ =	shalt  }
0x53: {  	_ =	shalt  }
0x54: {  	_ =	shalt  }
0x55: {  	_ =	shalt  }
0x56: {  	_ =	shalt  }
0x57: {  	_ =	shalt  }
0x58: {  	_ =	shalt  }
0x59: {  	_ =	shalt  }
0x5a: {  	_ =	shalt  }
0x5b: {  	_ =	shalt  }
0x5c: {  	_ =	shalt  }
0x5d: {  	_ =	shalt  }
0x5e: {  	_ =	shalt  }
0x5f: {  	_ =	shalt  }
0x60: {  	_ =	shalt  }
0x61: {  	_ =	shalt  }
0x62: {  	_ =	shalt  }
0x63: {  	_ =	shalt  }
0x64: {  	_ =	shalt  }
0x65: {  	_ =	shalt  }
0x66: {  	_ =	shalt  }
0x67: {  	_ =	shalt  }
0x68: {  	_ =	shalt  }
0x69: {  	_ =	shalt  }
0x6a: {  	_ =	shalt  }
0x6b: {  	_ =	shalt  }
0x6c: {  	_ =	shalt  }
0x6d: {  	_ =	shalt  }
0x6e: {  	_ =	shalt  }
0x6f: {  	_ =	shalt  }
0x70: {  	_ =	shalt  }
0x71: {  	_ =	shalt  }
0x72: {  	_ =	shalt  }
0x73: {  	_ =	shalt  }
0x74: {  	_ =	shalt  }
0x75: {  	_ =	shalt  }
0x76: {  	_ =	shalt  }
0x77: {  	_ =	shalt  }
0x78: {  	_ =	shalt  }
0x79: {  	_ =	shalt  }
0x7a: {  	_ =	shalt  }
0x7b: {  	_ =	shalt  }
0x7c: {  	_ =	shalt  }
0x7d: {  	_ =	shalt  }
0x7e: {  	_ =	shalt  }
0x7f: {  	_ =	shalt  }
0x80: {  	_ =	shalt  }
0x81: {  	_ =	shalt  }
0x82: {  	_ =	shalt  }
0x83: {  	_ =	shalt  }
0x84: {  	_ =	shalt  }
0x85: {  	_ =	shalt  }
0x86: {  	_ =	shalt  }
0x87: {  	_ =	shalt  }
.Lfunc_end0:
.L_simem_size_0:
called_computation.1_lowered:
.L_overlay_start_0:
0x88: {  	s2 =	sld [smem:$0x3FD9]  }
0x89: {  	s3 =	sld [smem:$0x3FFE];
	_ =	sdelay $0x1  }
0x8a: {  	s1 =	srdreg.scid  }
0x8b: {  	s0 =	sand.u32 $0x1, s1  }
0x8c: {  	s16 =	sshll.u32 s0, $0xA;
	s2 =	sadd.s32 s3, s2  }
0x8d: {  	s2 =	sadd.s32 s2, s16  }
0x8e: {  	[smem:$0x3FBF] =	sst s2  }
0x8f: {  	_ = 	snop  }
0x90: {  	(tm) =	ssettm $0x1  }
0x91: {  	s17 =	sld [smem:$0x3FFB];
	_ =	sdelay $0x3  }
0x92: {  	_ =	strace s17  }
0x93: {  	s2 =	sld [smem:$0x3FFC];
	_ =	sdelay $0x3  }
0x94: {  	_ =	strace s2  }
0x95: {  	s2 =	sld [smem:$0x3FFD];
	_ =	sdelay $0x3  }
0x96: {  	_ =	strace s2  }
0x97: {  	_ =	strace $0x8FFFFFFF  }
0x98: {  	s18 =	sld [smem:$0x3FDB];
	_ =	sdelay $0x1  }
0x99: {  	s19 =	simm.s32 $_scs_section_size  }
0x9a: {  	s4 =	simm.s32 $_size__tile_overlayer_lowered;
	s5 =	simm.s32 $_tile_overlayer_lowered  }
0x9b: {  	s22 =	simm.s32 $0x1BFF;
	s21 =	sshll.u32 s5, $0x1;
	s2 =	sadd.s32 s19, s18  }
0x9c: {  	s6 =	simm.s32 $0x0;
	s20 =	sshll.u32 s4, $0x1;
	s4 =	sadd.s32 s21, s2  }
0x9d: {  	[timem:s6], [sflag:s22] =	dma.local [hbm:s4], s20  }
0x9e: {  	_ =	swait.ge [sflag:s22], s20  }
0x9f: {  	s3 =	ssub.s32 $0x0, s20;
	[sflag:s22] =	ssyncset.done $0x0  }
0xa0: {  	[sflag:s22] =	ssyncadd.s32 s3;
	_ =	sdelay $0x1  }
0xa1: {  	s23 =	simm.s32 $0x1B8B  }
0xa2: {  	_ =	swait.ge [sflag:s23], $0x1  }
0xa3: {  	[sflag:s23] =	ssyncset.done $0x0  }
0xa4: {  	s25 =	simm.s32 $0x1B8E;
	s24 =	sld [smem:$0x3FFE];
	[sflag:s23] =	ssyncadd.s32 $0xFFFFFFFF  }
0xa5: {  	s26 =	simm.s32 $execute0_lowered;
	[smem:$0x3FD2] =	sst s25  }
0xa6: {  	s4 =	sshll.u32 s26, $0x1;
	_ =	strace $0x80000049;
	[dreg:$0x1] =	wrdreg $0xFFFFFFFF  }
0xa7: {  	s28 =	simm.s32 $_size_execute0_lowered;
	s2 =	sadd.s32 s2, s4;
	[dreg:$0x0] =	wrdreg $0x0  }
0xa8: {  	s4 =	sshll.u32 s28, $0x1;
	[dreg:$0x2] =	wrdreg s2  }
0xa9: {  	[dreg:$0x3] =	wrdreg s4  }
0xaa: {  	[dreg:$0x4] =	wrdreg $0xC0  }
0xab: {  	_ =	task [dreg:s6], $0x5FFFF  }
0xac: {  	[dreg:$0x1] =	wrdreg $0xFFFFFFFF  }
0xad: {  	[dreg:$0x0] =	wrdreg $0x60  }
0xae: {  	[dreg:$0x2] =	wrdreg s24  }
0xaf: {  	[dreg:$0x3] =	wrdreg $0x84000  }
0xb0: {  	[dreg:$0x4] =	wrdreg $0x9  }
0xb1: {  	_ =	task.clear_ibuf [dreg:s6], $0x5FFFF;
	_ =	strace $0x90000049  }
0xb2: {  	s29 =	simm.s32 $0x9;
	_ =	strace $0x8000004B  }
0xb3: {  	_ =	swait.ge [sflag:s29], $0x1  }
0xb4: {  	[sflag:s29] =	ssyncadd.s32 $0xFFFFFFFF  }
0xb5: {  	_ =	strace $0x9000004B  }
0xb6: {  	_ =	sfence  }
0xb7: {  	s30 =	sld [smem:$0x0];
	_ =	sdelay $0x2  }
0xb8: {  	s31 =	sshll.u32 s1, $0xD;
	s1 =	sshrl.u32 s1, $0x2  }
0xb9: {  	s3 =	sand.u32 $0x4000, s31;
	s1 =	sadd.s32 s1, s30  }
0xba: {  	s0 =	sor.u32 s3, s0;
	s1 =	sshll.u32 s1, $0x11  }
0xbb: {  	s0 =	sor.u32 s1, s0  }
0xbc: {  	s0 =	sadd.s32 $0x8F2B, s0  }
0xbd: {  	[sflag:s0] =	ssyncadd.remote.s32 $0x1  }
0xbe: {  	_ =	sfence.sel $0xFFFF  }
0xbf: {  	[dreg:$0x0] =	wrdreg $0xFFFFFFFF;
	(pc) =	sbr.abs _section_cstart, $3  }
0xc0: {  	[dreg:$0x1] =	wrdreg $0xFFFFFFFF  }
0xc1: {  	_ =	task.clear_ibuf [dreg:s6], $0x2FFFF;
	_ =	strace $0x9FFFFFFF  }
0xc2: {  	(tm) =	ssettm $0x7FFFFFFF  }
0xc3: {  	_ =	shalt  }
tec
execute0_lowered:
.L_overlay_start_1:
0x0: {  	(tag) =	ssettag $0x1  }
0x1: {  	s1 =	rddreg [dreg:$0x0];
	s0 =	srdreg.scid  }
0x2: {  	s13 =	stileid.u32;
	s2 =	rddreg [dreg:$0x1];
	s3 =	simm.s32 $0x0  }
0x3: {  	s31 =	simm.s32 $0x8100;
	s28 =	simm.s32 $0x1;
	s29 =	simm.s32 $0x80  }
0x4: {  	s30 =	simm.s32 $0x8;
	s6 =	sand.u32 $0x1, s0;
	s7 =	smul.u32 $0x278, s13  }
0x5: {  	[smem:$0x7FF] =	sst s3;
	s8 =	sadd.s32 $0x4000, s1;
	s4 =	sadd.s32 $0x67000, s1  }
0x6: {  	s23 =	smul.u32 $0x4F000, s13;
	p1 =	sne.s32 s13, $0xF;
	p2 =	seq.s32 s13, $0xF  }
0x7: {  	s11 =	sadd.s32 $0x8C080, s1;
	s24 =	sadd.s32 $0x8C880, s1;
	s25 =	smul.u32 $0x2780, s13  }
0x8: {  	s12 =	sadd.s32 $0x8D080, s1;
	_ =	strace $0x8000004A;
	[dreg:$0x3] =	wrdreg s11  }
0x9: {  	s26 =	sadd.s32 $0x8D880, s1;
	s0 =	smul.u32 $0x2780, s6;
	[dreg:$0x4] =	wrdreg s24  }
0xa: {  	s5 =	ssub.s32 $0x2, s6;
	s10 =	sshll.u32 s6, $0x4;
	[dreg:$0x5] =	wrdreg s12  }
0xb: {  	p0 =	seq.s32 s6, $0x0;
	[dreg:$0x6] =	wrdreg s26;
	s6 =	smul.u32 $0x28000, s6  }
0xc: {  	s22 =	sshrl.u32 s5, $0x1;
	s10 =	sor.u32 s13, s10;
	p1 =	por !p0, !p1  }
0xd: {  	p2 =	por !p0, !p2;
	s11 =	sadd.s32 s4, s25;
	s12 =	sadd.s32 $0x80, s7  }
0xe: {  	s15 =	sadd.s32 $0x100, s7;
	s13 =	smul.u32 $0x2800, s13;
	s21 =	sadd.s32 $0x180, s7  }
0xf: {  	s0 =	sadd.s32 s7, s0;
	p1 =	por !p1, !p1;
	p2 =	por !p2, !p2  }
0x10: {  	[dreg:$0x8] =	wrdreg s11;
	s14 =	sshll.u32 s12, $0x4;
	s16 =	sshll.u32 s15, $0x4  }
0x11: {  	s19 =	sshll.u32 s15, $0x7;
	s10 =	smul.u32 $0xA00, s10;
	s7 =	sadd.s32 $0x200, s7  }
0x12: {  	s24 =	sshll.u32 s21, $0x4;
	s15 =	sadd.s32 $0x128400, s2;
	s0 =	sshll.u32 s0, $0x4  }
0x13: {  	s11 =	sadd.s32 s4, s14;
	s17 =	sadd.s32 s4, s16;
	s18 =	sadd.s32 s13, s6  }
0x14: {  	s6 =	sadd.s32 s19, s2;
	s25 =	sshll.u32 s7, $0x4;
	[dreg:$0x17] =	wrdreg s15  }
0x15: {  	s16 =	sadd.s32 $0x12C400, s2;
	s15 =	simm.s32 $0x7;
	s9 =	sadd.s32 s0, s1  }
0x16: {  	s0 =	ssub.s32 s5, s22;
	s5 =	sshrl.u32 s23, $0x2;
	[dreg:$0x9] =	wrdreg s11  }
0x17: {  	s1 =	sadd.s32 $0x8E080, s1;
	[dreg:$0xb] =	wrdreg s17;
	s20 =	sor.u32 $0x380, s18  }
0x18: {  	[dreg:$0xc] =	wrdreg s6;
	s22 =	sor.u32 $0x300, s18;
	s23 =	sor.u32 $0x280, s18  }
0x19: {  	s6 =	sshll.u32 s21, $0x7;
	[dreg:$0x18] =	wrdreg s16;
	s21 =	sadd.s32 $0x130400, s2  }
0x1a: {  	s5 =	sadd.s32 s5, s2;
	[dreg:$0x7] =	wrdreg s1;
	s1 =	sshll.u32 s12, $0x7  }
0x1b: {  	s11 =	sshrl.u32 s20, $0x2;
	s26 =	sadd.s32 s6, s2;
	[dreg:$0x1a] =	wrdreg s21  }
0x1c: {  	s12 =	sadd.s32 s8, s10;
	s6 =	sadd.s32 s4, s25;
	[dreg:$0xf] =	wrdreg s26  }
0x1d: {  	s10 =	sshrl.u32 s22, $0x2;
	s9 =	sadd.s32 $0x8E200, s9;
	[dreg:$0x10] =	wrdreg s6  }
0x1e: {  	s0 =	smax.u32 s0, $0x1;
	s22 =	sadd.s32 $0x134400, s2;
	[dreg:$0x11] =	wrdreg s9  }
0x1f: {  	s21 =	simm.s32 $0x3;
	s1 =	sadd.s32 s1, s2;
	[dreg:$0x19] =	wrdreg s0  }
0x20: {  	s17 =	sadd.s32 s11, s8;
	s11 =	sshrl.u32 s23, $0x2;
	[dreg:$0x1b] =	wrdreg s22  }
0x21: {  	s13 =	sadd.s32 $0xC000, s5;
	s14 =	sadd.s32 $0x10000, s5;
	[dreg:$0xd] =	wrdreg s12  }
0x22: {  	s23 =	sadd.s32 $0x138400, s2;
	s25 =	sadd.s32 $0x40, s12;
	[dreg:$0xa] =	wrdreg s1  }
0x23: {  	s26 =	sadd.s32 $0x60, s12;
	s9 =	simm.s32 $0x9;
	[dreg:$0x14] =	wrdreg s13  }
0x24: {  	s22 =	simm.s32 $0x6;
	s0 =	simm.s32 $0x4;
	[dreg:$0x15] =	wrdreg s14  }
0x25: {  	s6 =	simm.s32 $0x0;
	s1 =	sor.u32 $0x200, s18;
	[dreg:$0x1c] =	wrdreg s23  }
0x26: {  	s18 =	sadd.s32 s10, s8;
	s19 =	sadd.s32 s11, s8;
	[dreg:$0x1e] =	wrdreg s25  }
0x27: {  	s10 =	sadd.s32 $0x4000, s5;
	s11 =	sadd.s32 $0x8000, s5;
	[dreg:$0x1f] =	wrdreg s26  }
0x28: {  	s26 =	simm.s32 $0x8300;
	s13 =	simm.s32 $0x5;
	s14 =	simm.s32 $0x8080  }
0x29: {  	s23 =	simm.s32 $0x8180;
	s25 =	simm.s32 $0x8380;
	[dreg:$0x12] =	wrdreg s10  }
0x2a: {  	s1 =	sshrl.u32 s1, $0x2;
	[dreg:$0x13] =	wrdreg s11;
	s10 =	simm.s32 $0x8000  }
0x2b: {  	s11 =	simm.s32 $0x2;
	s20 =	sadd.s32 s1, s8;
	s1 =	sadd.s32 s4, s24  }
0x2c: {  	s8 =	sshll.u32 s7, $0x7;
	s24 =	sadd.s32 $0x20, s12;
	[dreg:$0xe] =	wrdreg s1  }
0x2d: {  	s12 =	simm.s32 $0x4000;
	s1 =	sadd.s32 s8, s2;
	[dreg:$0x1d] =	wrdreg s24  }
0x2e: {  	v0 =	vimm.f32 $0.0e+00;
	s24 =	simm.s32 $0x8280;
	[dreg:$0x16] =	wrdreg s1;
	s1 =	simm.s32 $0x8200  }
.LBB2_1:
.Ltmp0:
0x2f: {  	(pc) =	sbr.rel @!p1 .LBB2_3-.Ltmp0, $1  }
0x30: {  	_ =	sdelay $0x3  }
0x31: {  	s7 =	rddreg [dreg:$0x8]  }
0x32: {  	[tilespmem:s3], [sflag:$0x9] =	stream.linear.gather [hbm4b:s7+s3], $0x4000, $0x38;
	[tilespmem:$0x1C000] =	vst v63  }
0x33: {  	_ =	swait.ge [sflag:s9], $0x4000  }
0x34: {  	[sflag:s9] =	ssyncset.done $0x0  }
0x35: {  	[sflag:s9] =	ssyncadd.s32 $0xFFFFC000  }
0x36: {  	[spmem:s5] =	stream.linear.scatter [tilespmem:s3], [sflag:$0x9], $0x4000, $0x38;
	[tilespmem:$0x1C000] =	vst v63  }
0x37: {  	_ =	swait.ge [sflag:s9], $0x4000  }
0x38: {  	[sflag:s9] =	ssyncset.done $0x0  }
0x39: {  	s8 =	rddreg [dreg:$0x9];
	[sflag:s9] =	ssyncadd.s32 $0xFFFFC000  }
0x3a: {  	[tilespmem:s3], [sflag:$0x9] =	stream.linear.gather [hbm4b:s8+s3], $0x4000, $0x38;
	[tilespmem:$0x1C000] =	vst v63  }
0x3b: {  	_ =	swait.ge [sflag:s9], $0x4000  }
0x3c: {  	[sflag:s9] =	ssyncset.done $0x0  }
0x3d: {  	s16 =	rddreg [dreg:$0xa];
	[sflag:s9] =	ssyncadd.s32 $0xFFFFC000  }
0x3e: {  	[spmem:s16] =	stream.linear.scatter [tilespmem:s3], [sflag:$0x9], $0x4000, $0x38;
	[tilespmem:$0x1C000] =	vst v63  }
0x3f: {  	_ =	swait.ge [sflag:s9], $0x4000  }
0x40: {  	[sflag:s9] =	ssyncset.done $0x0  }
0x41: {  	s8 =	rddreg [dreg:$0xb];
	[sflag:s9] =	ssyncadd.s32 $0xFFFFC000  }
0x42: {  	[tilespmem:s3], [sflag:$0x9] =	stream.linear.gather [hbm4b:s8+s3], $0x4000, $0x38;
	[tilespmem:$0x1C000] =	vst v63  }
0x43: {  	_ =	swait.ge [sflag:s9], $0x4000  }
0x44: {  	[sflag:s9] =	ssyncset.done $0x0  }
0x45: {  	s16 =	rddreg [dreg:$0xc];
	[sflag:s9] =	ssyncadd.s32 $0xFFFFC000  }
0x46: {  	[spmem:s16] =	stream.linear.scatter [tilespmem:s3], [sflag:$0x9], $0x4000, $0x38;
	[tilespmem:$0x1C000] =	vst v63  }
0x47: {  	_ =	swait.ge [sflag:s9], $0x4000  }
0x48: {  	[sflag:s9] =	ssyncset.done $0x0  }
0x49: {  	s8 =	rddreg [dreg:$0xe];
	[sflag:s9] =	ssyncadd.s32 $0xFFFFC000  }
0x4a: {  	[tilespmem:s3], [sflag:$0x9] =	stream.linear.gather [hbm4b:s8+s3], $0x4000, $0x38;
	[tilespmem:$0x1C000] =	vst v63  }
0x4b: {  	_ =	swait.ge [sflag:s9], $0x4000  }
0x4c: {  	[sflag:s9] =	ssyncset.done $0x0  }
0x4d: {  	s16 =	rddreg [dreg:$0xf];
	[sflag:s9] =	ssyncadd.s32 $0xFFFFC000  }
0x4e: {  	[spmem:s16] =	stream.linear.scatter [tilespmem:s3], [sflag:$0x9], $0x4000, $0x38;
	[tilespmem:$0x1C000] =	vst v63  }
0x4f: {  	_ =	swait.ge [sflag:s9], $0x4000  }
0x50: {  	[sflag:s9] =	ssyncset.done $0x0  }
0x51: {  	s8 =	rddreg [dreg:$0x10];
	[sflag:s9] =	ssyncadd.s32 $0xFFFFC000  }
0x52: {  	[tilespmem:s3], [sflag:$0x9] =	stream.linear.gather [hbm4b:s8+s3], $0x3C00, $0x38;
	[tilespmem:$0x1C000] =	vst v63  }
0x53: {  	_ =	swait.ge [sflag:s9], $0x3C00  }
0x54: {  	[sflag:s9] =	ssyncset.done $0x0  }
.Ltmp1:
0x55: {  	s16 =	rddreg [dreg:$0x16];
	[sflag:s9] =	ssyncadd.s32 $0xFFFFC400;
	(pc) =	sbr.rel .LBB2_9-.Ltmp1, $4  }
0x56: {  	[spmem:s16] =	stream.linear.scatter [tilespmem:s3], [sflag:$0x9], $0x3C00, $0x38;
	[tilespmem:$0x1C000] =	vst v63  }
0x57: {  	_ =	swait.ge [sflag:s9], $0x3C00  }
0x58: {  	[sflag:s9] =	ssyncset.done $0x0  }
0x59: {  	[sflag:s9] =	ssyncadd.s32 $0xFFFFC400  }
.LBB2_3:
.Ltmp2:
0x5a: {  	(pc) =	sbr.rel @!p2 .LBB2_5-.Ltmp2, $1  }
0x5b: {  	_ =	sdelay $0x3  }
0x5c: {  	s7 =	rddreg [dreg:$0x3]  }
0x5d: {  	[tilespmem:s3], [sflag:$0x9] =	stream.linear.gather [hbm4b:s7+s3], $0x4000, $0x38;
	[tilespmem:$0x1C000] =	vst v63  }
0x5e: {  	_ =	swait.ge [sflag:s9], $0x4000  }
0x5f: {  	[sflag:s9] =	ssyncset.done $0x0  }
0x60: {  	s16 =	rddreg [dreg:$0x17];
	[sflag:s9] =	ssyncadd.s32 $0xFFFFC000  }
0x61: {  	[spmem:s16] =	stream.linear.scatter [tilespmem:s3], [sflag:$0x9], $0x4000, $0x38;
	[tilespmem:$0x1C000] =	vst v63  }
0x62: {  	_ =	swait.ge [sflag:s9], $0x4000  }
0x63: {  	[sflag:s9] =	ssyncset.done $0x0  }
0x64: {  	s8 =	rddreg [dreg:$0x4];
	[sflag:s9] =	ssyncadd.s32 $0xFFFFC000  }
0x65: {  	[tilespmem:s3], [sflag:$0x9] =	stream.linear.gather [hbm4b:s8+s3], $0x4000, $0x38;
	[tilespmem:$0x1C000] =	vst v63  }
0x66: {  	_ =	swait.ge [sflag:s9], $0x4000  }
0x67: {  	[sflag:s9] =	ssyncset.done $0x0  }
0x68: {  	s16 =	rddreg [dreg:$0x18];
	[sflag:s9] =	ssyncadd.s32 $0xFFFFC000  }
0x69: {  	[spmem:s16] =	stream.linear.scatter [tilespmem:s3], [sflag:$0x9], $0x4000, $0x38;
	[tilespmem:$0x1C000] =	vst v63  }
0x6a: {  	_ =	swait.ge [sflag:s9], $0x4000  }
0x6b: {  	[sflag:s9] =	ssyncset.done $0x0  }
0x6c: {  	s8 =	rddreg [dreg:$0x5];
	[sflag:s9] =	ssyncadd.s32 $0xFFFFC000  }
0x6d: {  	[tilespmem:s3], [sflag:$0x9] =	stream.linear.gather [hbm4b:s8+s3], $0x4000, $0x38;
	[tilespmem:$0x1C000] =	vst v63  }
0x6e: {  	_ =	swait.ge [sflag:s9], $0x4000  }
0x6f: {  	[sflag:s9] =	ssyncset.done $0x0  }
0x70: {  	s16 =	rddreg [dreg:$0x1a];
	[sflag:s9] =	ssyncadd.s32 $0xFFFFC000  }
0x71: {  	[spmem:s16] =	stream.linear.scatter [tilespmem:s3], [sflag:$0x9], $0x4000, $0x38;
	[tilespmem:$0x1C000] =	vst v63  }
0x72: {  	_ =	swait.ge [sflag:s9], $0x4000  }
0x73: {  	[sflag:s9] =	ssyncset.done $0x0  }
0x74: {  	s8 =	rddreg [dreg:$0x6];
	[sflag:s9] =	ssyncadd.s32 $0xFFFFC000  }
0x75: {  	[tilespmem:s3], [sflag:$0x9] =	stream.linear.gather [hbm4b:s8+s3], $0x4000, $0x38;
	[tilespmem:$0x1C000] =	vst v63  }
0x76: {  	_ =	swait.ge [sflag:s9], $0x4000  }
0x77: {  	[sflag:s9] =	ssyncset.done $0x0  }
0x78: {  	s16 =	rddreg [dreg:$0x1b];
	[sflag:s9] =	ssyncadd.s32 $0xFFFFC000  }
0x79: {  	[spmem:s16] =	stream.linear.scatter [tilespmem:s3], [sflag:$0x9], $0x4000, $0x38;
	[tilespmem:$0x1C000] =	vst v63  }
0x7a: {  	_ =	swait.ge [sflag:s9], $0x4000  }
0x7b: {  	[sflag:s9] =	ssyncset.done $0x0  }
0x7c: {  	s8 =	rddreg [dreg:$0x7];
	[sflag:s9] =	ssyncadd.s32 $0xFFFFC000  }
0x7d: {  	[tilespmem:s3], [sflag:$0x9] =	stream.linear.gather [hbm4b:s8+s3], $0x400, $0x38;
	[tilespmem:$0x1C000] =	vst v63  }
0x7e: {  	_ =	swait.ge [sflag:s9], $0x400  }
0x7f: {  	[sflag:s9] =	ssyncset.done $0x0  }
.Ltmp3:
0x80: {  	s16 =	rddreg [dreg:$0x1c];
	[sflag:s9] =	ssyncadd.s32 $0xFFFFFC00;
	(pc) =	sbr.rel .LBB2_9-.Ltmp3, $4  }
0x81: {  	[spmem:s16] =	stream.linear.scatter [tilespmem:s3], [sflag:$0x9], $0x400, $0x38;
	[tilespmem:$0x1C000] =	vst v63  }
0x82: {  	_ =	swait.ge [sflag:s9], $0x400  }
0x83: {  	[sflag:s9] =	ssyncset.done $0x0  }
0x84: {  	[sflag:s9] =	ssyncadd.s32 $0xFFFFFC00  }
.LBB2_5:
.Ltmp4:
0x85: {  	(pc) =	sbr.rel @p0 .LBB2_9-.Ltmp4, $2  }
0x86: {  	_ =	sdelay $0x2  }
0x87: {  	s8 =	simm.s32 $0x0  }
0x88: {  	s7 =	sshra.s32 s8, $0x2;
	s8 =	sadd.s32 $0x200, s8  }
.LBB2_7:
0x89: {  	p3 =	sne.s32 s8, $0xFE00;
	[tilespmem:s7+$0x70] =	vst v0  }
0x8a: {  	[tilespmem:s7+$0x0] =	vst v0  }
0x8b: {  	[tilespmem:s7+$0x10] =	vst v0  }
.Ltmp5:
0x8c: {  	[tilespmem:s7+$0x20] =	vst v0;
	(pc) =	sbr.rel @p3 .LBB2_7-.Ltmp5, $4  }
0x8d: {  	[tilespmem:s7+$0x30] =	vst v0  }
0x8e: {  	[tilespmem:s7+$0x40] =	vst v0  }
0x8f: {  	[tilespmem:s7+$0x50] =	vst v0  }
0x90: {  	[tilespmem:s7+$0x60] =	vst v0;
	s7 =	sshra.s32 s8, $0x2;
	s8 =	sadd.s32 $0x200, s8  }
0x91: {  	[tilespmem:s7+$0x70] =	vst v0  }
0x92: {  	[tilespmem:s7+$0x0] =	vst v0  }
0x93: {  	[tilespmem:s7+$0x10] =	vst v0  }
0x94: {  	[tilespmem:s7+$0x20] =	vst v0  }
0x95: {  	[tilespmem:s7+$0x30] =	vst v0  }
0x96: {  	[tilespmem:s7+$0x40] =	vst v0  }
0x97: {  	[tilespmem:s7+$0x50] =	vst v0  }
0x98: {  	[tilespmem:s7+$0x60] =	vst v0  }
0x99: {  	[spmem:s5] =	stream.linear.scatter [tilespmem:s3], [sflag:$0x9], $0x4000, $0x38;
	[tilespmem:$0x1C000] =	vst v63  }
0x9a: {  	_ =	swait.ge [sflag:s9], $0x4000  }
0x9b: {  	[sflag:s9] =	ssyncset.done $0x0  }
0x9c: {  	s8 =	rddreg [dreg:$0x12];
	[sflag:s9] =	ssyncadd.s32 $0xFFFFC000  }
0x9d: {  	[spmem:s8] =	stream.linear.scatter [tilespmem:s3], [sflag:$0x9], $0x4000, $0x38;
	[tilespmem:$0x1C000] =	vst v63  }
0x9e: {  	_ =	swait.ge [sflag:s9], $0x4000  }
0x9f: {  	[sflag:s9] =	ssyncset.done $0x0  }
0xa0: {  	s16 =	rddreg [dreg:$0x13];
	[sflag:s9] =	ssyncadd.s32 $0xFFFFC000  }
0xa1: {  	[spmem:s16] =	stream.linear.scatter [tilespmem:s3], [sflag:$0x9], $0x4000, $0x38;
	[tilespmem:$0x1C000] =	vst v63  }
0xa2: {  	_ =	swait.ge [sflag:s9], $0x4000  }
0xa3: {  	[sflag:s9] =	ssyncset.done $0x0  }
0xa4: {  	s8 =	rddreg [dreg:$0x14];
	[sflag:s9] =	ssyncadd.s32 $0xFFFFC000  }
0xa5: {  	[spmem:s8] =	stream.linear.scatter [tilespmem:s3], [sflag:$0x9], $0x4000, $0x38;
	[tilespmem:$0x1C000] =	vst v63  }
0xa6: {  	_ =	swait.ge [sflag:s9], $0x4000  }
0xa7: {  	[sflag:s9] =	ssyncset.done $0x0  }
0xa8: {  	s16 =	rddreg [dreg:$0x15];
	[sflag:s9] =	ssyncadd.s32 $0xFFFFC000  }
0xa9: {  	[spmem:s16] =	stream.linear.scatter [tilespmem:s3], [sflag:$0x9], $0x3C00, $0x38;
	[tilespmem:$0x1C000] =	vst v63  }
0xaa: {  	_ =	swait.ge [sflag:s9], $0x3C00  }
0xab: {  	[sflag:s9] =	ssyncset.done $0x0  }
0xac: {  	[sflag:s9] =	ssyncadd.s32 $0xFFFFC400  }
.LBB2_9:
0xad: {  	[bflag:$0x0] =	sbarrier.arrive $0xFFFF  }
0xae: {  	s7 =	simm.s32 $0x0;
	s8 =	rddreg [dreg:$0xd]  }
0xaf: {  	[tilespmem:s10], [sflag:$0x1] =	stream.linear.gather [hbm4b:s8+s7], $0x100, $0x38;
	[tilespmem:$0x1C000] =	vst v63  }
0xb0: {  	s16 =	rddreg [dreg:$0x1d]  }
0xb1: {  	[tilespmem:s31], [sflag:$0x2] =	stream.linear.gather [hbm4b:s16+s7], $0x100, $0x38;
	[tilespmem:$0x1C000] =	vst v63  }
0xb2: {  	s16 =	rddreg [dreg:$0x1e]  }
0xb3: {  	[tilespmem:s1], [sflag:$0x3] =	stream.linear.gather [hbm4b:s16+s7], $0x100, $0x38;
	[tilespmem:$0x1C000] =	vst v63  }
0xb4: {  	s16 =	rddreg [dreg:$0x1f]  }
0xb5: {  	[tilespmem:s26], [sflag:$0x4] =	stream.linear.gather [hbm4b:s16+s7], $0x100, $0x38;
	[tilespmem:$0x1C000] =	vst v63  }
0xb6: {  	_ =	swait.ge [sflag:s28], $0x100  }
0xb7: {  	[sflag:s28] =	ssyncset.done $0x0  }
0xb8: {  	[sflag:s28] =	ssyncadd.s32 $0xFFFFFF00  }
0xb9: {  	[tilespmem:s7], [sflag:$0x5] =	stream.indirect.gather [hbm4b:s4+s29], $0x80, s10, s29, $0xb8;
	[tilespmem:$0x1C000] =	vst v63  }
0xba: {  	_ =	swait.ge [sflag:s11], $0x100  }
0xbb: {  	[sflag:s11] =	ssyncset.done $0x0  }
0xbc: {  	[sflag:s11] =	ssyncadd.s32 $0xFFFFFF00  }
0xbd: {  	[tilespmem:s12], [sflag:$0x6] =	stream.indirect.gather [hbm4b:s4+s29], $0x80, s31, s29, $0xb8;
	[tilespmem:$0x1C000] =	vst v63  }
0xbe: {  	_ =	swait.ge [sflag:s13], $0x4000  }
0xbf: {  	[sflag:s13] =	ssyncset.done $0x0  }
0xc0: {  	[sflag:s13] =	ssyncadd.s32 $0xFFFFC000  }
0xc1: {  	[spmem:s2] =	stream.indirect.scatter.add.f32 [tilespmem:s3], [sflag:$0x7], $0x80, s14, s29, $0xb8;
	[tilespmem:$0x1C000] =	vst v63  }
0xc2: {  	_ =	swait.ge [sflag:s15], $0x4000  }
0xc3: {  	[sflag:s15] =	ssyncset.done $0x0  }
0xc4: {  	s8 =	sadd.s32 $0x0, s20;
	[sflag:s15] =	ssyncadd.s32 $0xFFFFC000  }
0xc5: {  	[tilespmem:s10], [sflag:$0x1] =	stream.linear.gather [hbm4b:s8+s3], $0x100, $0x38;
	[tilespmem:$0x1C000] =	vst v63  }
0xc6: {  	_ =	swait.ge [sflag:s21], $0x100  }
0xc7: {  	[sflag:s21] =	ssyncset.done $0x0  }
0xc8: {  	[sflag:s21] =	ssyncadd.s32 $0xFFFFFF00  }
0xc9: {  	[tilespmem:s3], [sflag:$0x5] =	stream.indirect.gather [hbm4b:s4+s29], $0x80, s1, s29, $0xb8;
	[tilespmem:$0x1C000] =	vst v63  }
0xca: {  	_ =	swait.ge [sflag:s22], $0x4000  }
0xcb: {  	[sflag:s22] =	ssyncset.done $0x0  }
0xcc: {  	[sflag:s22] =	ssyncadd.s32 $0xFFFFC000  }
0xcd: {  	[spmem:s2] =	stream.indirect.scatter.add.f32 [tilespmem:s12], [sflag:$0x8], $0x80, s23, s29, $0xb8;
	[tilespmem:$0x1C000] =	vst v63  }
0xce: {  	_ =	swait.ge [sflag:s30], $0x4000  }
0xcf: {  	[sflag:s30] =	ssyncset.done $0x0  }
0xd0: {  	s16 =	sadd.s32 $0x0, s19;
	[sflag:s30] =	ssyncadd.s32 $0xFFFFC000  }
0xd1: {  	[tilespmem:s31], [sflag:$0x2] =	stream.linear.gather [hbm4b:s16+s3], $0x100, $0x38;
	[tilespmem:$0x1C000] =	vst v63  }
0xd2: {  	_ =	swait.ge [sflag:s0], $0x100  }
0xd3: {  	[sflag:s0] =	ssyncset.done $0x0  }
0xd4: {  	[sflag:s0] =	ssyncadd.s32 $0xFFFFFF00  }
0xd5: {  	[tilespmem:s12], [sflag:$0x6] =	stream.indirect.gather [hbm4b:s4+s29], $0x80, s26, s29, $0xb8;
	[tilespmem:$0x1C000] =	vst v63  }
0xd6: {  	_ =	swait.ge [sflag:s13], $0x4000  }
0xd7: {  	[sflag:s13] =	ssyncset.done $0x0  }
0xd8: {  	[sflag:s13] =	ssyncadd.s32 $0xFFFFC000  }
0xd9: {  	[spmem:s2] =	stream.indirect.scatter.add.f32 [tilespmem:s3], [sflag:$0x7], $0x80, s24, s29, $0xb8;
	[tilespmem:$0x1C000] =	vst v63  }
0xda: {  	_ =	swait.ge [sflag:s15], $0x4000  }
0xdb: {  	[sflag:s15] =	ssyncset.done $0x0  }
0xdc: {  	s8 =	sadd.s32 $0x0, s18;
	[sflag:s15] =	ssyncadd.s32 $0xFFFFC000  }
0xdd: {  	[tilespmem:s1], [sflag:$0x3] =	stream.linear.gather [hbm4b:s8+s3], $0x100, $0x38;
	[tilespmem:$0x1C000] =	vst v63  }
0xde: {  	_ =	swait.ge [sflag:s28], $0x100  }
0xdf: {  	[sflag:s28] =	ssyncset.done $0x0  }
0xe0: {  	[sflag:s28] =	ssyncadd.s32 $0xFFFFFF00  }
0xe1: {  	[tilespmem:s3], [sflag:$0x5] =	stream.indirect.gather [hbm4b:s4+s29], $0x80, s10, s29, $0xb8;
	[tilespmem:$0x1C000] =	vst v63  }
0xe2: {  	_ =	swait.ge [sflag:s22], $0x4000  }
0xe3: {  	[sflag:s22] =	ssyncset.done $0x0  }
0xe4: {  	[sflag:s22] =	ssyncadd.s32 $0xFFFFC000  }
0xe5: {  	[spmem:s2] =	stream.indirect.scatter.add.f32 [tilespmem:s12], [sflag:$0x8], $0x80, s25, s29, $0xb8;
	[tilespmem:$0x1C000] =	vst v63  }
0xe6: {  	_ =	swait.ge [sflag:s30], $0x4000  }
0xe7: {  	[sflag:s30] =	ssyncset.done $0x0  }
0xe8: {  	s16 =	sadd.s32 $0x0, s17;
	[sflag:s30] =	ssyncadd.s32 $0xFFFFC000  }
0xe9: {  	[tilespmem:s26], [sflag:$0x4] =	stream.linear.gather [hbm4b:s16+s3], $0x100, $0x38;
	[tilespmem:$0x1C000] =	vst v63  }
0xea: {  	_ =	swait.ge [sflag:s11], $0x100  }
0xeb: {  	[sflag:s11] =	ssyncset.done $0x0  }
0xec: {  	s7 =	simm.s32 $0x80;
	[sflag:s11] =	ssyncadd.s32 $0xFFFFFF00  }
.LBB2_10:
0xed: {  	[tilespmem:s12], [sflag:$0x6] =	stream.indirect.gather [hbm4b:s4+s29], $0x80, s31, s29, $0xb8;
	[tilespmem:$0x1C000] =	vst v63  }
0xee: {  	s8 =	smov.u32 s7  }
0xef: {  	p3 =	sne.s32 s7, $0x900;
	s7 =	sadd.s32 $0x80, s7;
	_ =	swait.ge [sflag:s13], $0x4000  }
0xf0: {  	[sflag:s13] =	ssyncset.done $0x0  }
0xf1: {  	[sflag:s13] =	ssyncadd.s32 $0xFFFFC000  }
0xf2: {  	[spmem:s2] =	stream.indirect.scatter.add.f32 [tilespmem:s3], [sflag:$0x7], $0x80, s14, s29, $0xb8;
	[tilespmem:$0x1C000] =	vst v63  }
0xf3: {  	_ =	swait.ge [sflag:s15], $0x4000  }
0xf4: {  	[sflag:s15] =	ssyncset.done $0x0  }
0xf5: {  	s16 =	sadd.s32 s8, s20;
	[sflag:s15] =	ssyncadd.s32 $0xFFFFC000  }
0xf6: {  	[tilespmem:s10], [sflag:$0x1] =	stream.linear.gather [hbm4b:s16+s3], $0x100, $0x38;
	[tilespmem:$0x1C000] =	vst v63  }
0xf7: {  	_ =	swait.ge [sflag:s21], $0x100  }
0xf8: {  	[sflag:s21] =	ssyncset.done $0x0  }
0xf9: {  	[sflag:s21] =	ssyncadd.s32 $0xFFFFFF00  }
0xfa: {  	[tilespmem:s3], [sflag:$0x5] =	stream.indirect.gather [hbm4b:s4+s29], $0x80, s1, s29, $0xb8;
	[tilespmem:$0x1C000] =	vst v63  }
0xfb: {  	_ =	swait.ge [sflag:s22], $0x4000  }
0xfc: {  	[sflag:s22] =	ssyncset.done $0x0  }
0xfd: {  	[sflag:s22] =	ssyncadd.s32 $0xFFFFC000  }
0xfe: {  	[spmem:s2] =	stream.indirect.scatter.add.f32 [tilespmem:s12], [sflag:$0x8], $0x80, s23, s29, $0xb8;
	[tilespmem:$0x1C000] =	vst v63  }
0xff: {  	_ =	swait.ge [sflag:s30], $0x4000  }
0x100: {  	[sflag:s30] =	ssyncset.done $0x0  }
0x101: {  	s16 =	sadd.s32 s8, s19;
	[sflag:s30] =	ssyncadd.s32 $0xFFFFC000  }
0x102: {  	[tilespmem:s31], [sflag:$0x2] =	stream.linear.gather [hbm4b:s16+s3], $0x100, $0x38;
	[tilespmem:$0x1C000] =	vst v63  }
0x103: {  	_ =	swait.ge [sflag:s0], $0x100  }
0x104: {  	[sflag:s0] =	ssyncset.done $0x0  }
0x105: {  	[sflag:s0] =	ssyncadd.s32 $0xFFFFFF00  }
0x106: {  	[tilespmem:s12], [sflag:$0x6] =	stream.indirect.gather [hbm4b:s4+s29], $0x80, s26, s29, $0xb8;
	[tilespmem:$0x1C000] =	vst v63  }
0x107: {  	_ =	swait.ge [sflag:s13], $0x4000  }
0x108: {  	[sflag:s13] =	ssyncset.done $0x0  }
0x109: {  	[sflag:s13] =	ssyncadd.s32 $0xFFFFC000  }
0x10a: {  	[spmem:s2] =	stream.indirect.scatter.add.f32 [tilespmem:s3], [sflag:$0x7], $0x80, s24, s29, $0xb8;
	[tilespmem:$0x1C000] =	vst v63  }
0x10b: {  	_ =	swait.ge [sflag:s15], $0x4000  }
0x10c: {  	[sflag:s15] =	ssyncset.done $0x0  }
0x10d: {  	s16 =	sadd.s32 s8, s18;
	[sflag:s15] =	ssyncadd.s32 $0xFFFFC000  }
0x10e: {  	[tilespmem:s1], [sflag:$0x3] =	stream.linear.gather [hbm4b:s16+s3], $0x100, $0x38;
	[tilespmem:$0x1C000] =	vst v63  }
0x10f: {  	_ =	swait.ge [sflag:s28], $0x100  }
0x110: {  	[sflag:s28] =	ssyncset.done $0x0  }
0x111: {  	[sflag:s28] =	ssyncadd.s32 $0xFFFFFF00  }
0x112: {  	[tilespmem:s3], [sflag:$0x5] =	stream.indirect.gather [hbm4b:s4+s29], $0x80, s10, s29, $0xb8;
	[tilespmem:$0x1C000] =	vst v63  }
0x113: {  	_ =	swait.ge [sflag:s22], $0x4000  }
0x114: {  	[sflag:s22] =	ssyncset.done $0x0  }
0x115: {  	[sflag:s22] =	ssyncadd.s32 $0xFFFFC000  }
0x116: {  	[spmem:s2] =	stream.indirect.scatter.add.f32 [tilespmem:s12], [sflag:$0x8], $0x80, s25, s29, $0xb8;
	[tilespmem:$0x1C000] =	vst v63  }
0x117: {  	_ =	swait.ge [sflag:s30], $0x4000  }
0x118: {  	[sflag:s30] =	ssyncset.done $0x0  }
.Ltmp6:
0x119: {  	s8 =	sadd.s32 s8, s17;
	[sflag:s30] =	ssyncadd.s32 $0xFFFFC000;
	(pc) =	sbr.rel @p3 .LBB2_10-.Ltmp6, $4  }
0x11a: {  	[tilespmem:s26], [sflag:$0x4] =	stream.linear.gather [hbm4b:s8+s3], $0x100, $0x38;
	[tilespmem:$0x1C000] =	vst v63  }
0x11b: {  	_ =	swait.ge [sflag:s11], $0x100  }
0x11c: {  	[sflag:s11] =	ssyncset.done $0x0  }
0x11d: {  	[sflag:s11] =	ssyncadd.s32 $0xFFFFFF00  }
0x11e: {  	[tilespmem:s12], [sflag:$0x6] =	stream.indirect.gather [hbm4b:s4+s29], $0x80, s31, s29, $0xb8;
	[tilespmem:$0x1C000] =	vst v63  }
0x11f: {  	_ =	swait.ge [sflag:s13], $0x4000  }
0x120: {  	[sflag:s13] =	ssyncset.done $0x0  }
0x121: {  	[sflag:s13] =	ssyncadd.s32 $0xFFFFC000  }
0x122: {  	[spmem:s2] =	stream.indirect.scatter.add.f32 [tilespmem:s3], [sflag:$0x7], $0x80, s14, s29, $0xb8;
	[tilespmem:$0x1C000] =	vst v63  }
0x123: {  	_ =	swait.ge [sflag:s15], $0x4000  }
0x124: {  	[sflag:s15] =	ssyncset.done $0x0  }
0x125: {  	[sflag:s15] =	ssyncadd.s32 $0xFFFFC000  }
0x126: {  	_ =	swait.ge [sflag:s21], $0x100  }
0x127: {  	[sflag:s21] =	ssyncset.done $0x0  }
0x128: {  	[sflag:s21] =	ssyncadd.s32 $0xFFFFFF00  }
0x129: {  	[tilespmem:s3], [sflag:$0x5] =	stream.indirect.gather [hbm4b:s4+s29], $0x80, s1, s29, $0xb8;
	[tilespmem:$0x1C000] =	vst v63  }
0x12a: {  	_ =	swait.ge [sflag:s22], $0x4000  }
0x12b: {  	[sflag:s22] =	ssyncset.done $0x0  }
0x12c: {  	[sflag:s22] =	ssyncadd.s32 $0xFFFFC000  }
0x12d: {  	[spmem:s2] =	stream.indirect.scatter.add.f32 [tilespmem:s12], [sflag:$0x8], $0x80, s23, s29, $0xb8;
	[tilespmem:$0x1C000] =	vst v63  }
0x12e: {  	_ =	swait.ge [sflag:s30], $0x4000  }
0x12f: {  	[sflag:s30] =	ssyncset.done $0x0  }
0x130: {  	[sflag:s30] =	ssyncadd.s32 $0xFFFFC000  }
0x131: {  	_ =	swait.ge [sflag:s0], $0x100  }
0x132: {  	[sflag:s0] =	ssyncset.done $0x0  }
0x133: {  	[sflag:s0] =	ssyncadd.s32 $0xFFFFFF00  }
0x134: {  	[tilespmem:s12], [sflag:$0x6] =	stream.indirect.gather [hbm4b:s4+s29], $0x80, s26, s29, $0xb8;
	[tilespmem:$0x1C000] =	vst v63  }
0x135: {  	_ =	swait.ge [sflag:s13], $0x4000  }
0x136: {  	[sflag:s13] =	ssyncset.done $0x0  }
0x137: {  	[sflag:s13] =	ssyncadd.s32 $0xFFFFC000  }
0x138: {  	[spmem:s2] =	stream.indirect.scatter.add.f32 [tilespmem:s3], [sflag:$0x7], $0x80, s24, s29, $0xb8;
	[tilespmem:$0x1C000] =	vst v63  }
0x139: {  	_ =	swait.ge [sflag:s15], $0x4000  }
0x13a: {  	[sflag:s15] =	ssyncset.done $0x0  }
0x13b: {  	[sflag:s15] =	ssyncadd.s32 $0xFFFFC000  }
0x13c: {  	_ =	swait.ge [sflag:s22], $0x4000  }
0x13d: {  	[sflag:s22] =	ssyncset.done $0x0  }
0x13e: {  	[sflag:s22] =	ssyncadd.s32 $0xFFFFC000  }
0x13f: {  	[spmem:s2] =	stream.indirect.scatter.add.f32 [tilespmem:s12], [sflag:$0x8], $0x80, s25, s29, $0xb8;
	[tilespmem:$0x1C000] =	vst v63  }
0x140: {  	_ =	swait.ge [sflag:s30], $0x4000  }
0x141: {  	[sflag:s30] =	ssyncset.done $0x0  }
0x142: {  	s7 =	stileid.u32;
	[sflag:s30] =	ssyncadd.s32 $0xFFFFC000  }
0x143: {  	s7 =	sshll.u32 s7, $0x6;
	[bflag:$0x0] =	sbarrier.arrive $0xFFFF  }
0x144: {  	s8 =	sshrl.u32 s5, $0x3;
	s7 =	sor.u32 $0x1C09, s7;
	s16 =	rddreg [dreg:$0x11]  }
0x145: {  	[hbm:s16], [sflag:s7] =	dma.local [spmem:s8], $0x2780  }
0x146: {  	_ =	swait.ge [sflag:s9], $0x2780  }
0x147: {  	s6 =	sadd.s32 $0x1, s6;
	s16 =	rddreg [dreg:$0x19]  }
0x148: {  	p3 =	sne.s32 s6, s16  }
.Ltmp7:
0x149: {  	_ = 	snop;
	(pc) =	sbr.rel @p3 .LBB2_1-.Ltmp7, $3  }
0x14a: {  	_ =	sdelay $0x1  }
0x14b: {  	[sflag:s9] =	ssyncset.done $0x0  }
0x14c: {  	[sflag:s9] =	ssyncadd.s32 $0xFFFFD880  }
0x14d: {  	_ =	sfence.sel $0x180000  }
0x14e: {  	[bflag:$0x0] =	sbarrier.arrive $0xFFFF  }
0x14f: {  	_ =	strace $0x9000004A  }
0x150: {  	s0 =	stileid.u32;
	[bflag:$0x2] =	sbarrier.arrive $0xFFFF  }
0x151: {  	p0 =	sne.s32 s0, $0x0;
	s0 =	rddreg [dreg:$0x2]  }
0x152: {  	s0 =	sadd.s32 @!p0 $0x100000, s0  }
0x153: {  	[sflag:s0] =	ssyncadd.tile.s32 @!p0 $0x1;
	_ =	shalt  }
.Lfunc_end2:
_tile_overlayer_lowered:
.L_overlay_start_2:
0x154: {  	(tag) =	ssettag $0x2  }
0x155: {  	s0 =	rddreg [dreg:$0x0];
	s2 =	stileid.u32  }
0x156: {  	s1 =	rddreg [dreg:$0x1];
	p0 =	sne.s32 s2, $0x0  }
0x157: {  	s3 =	rddreg [dreg:$0x2];
	[bflag:$0x3] =	sbarrier.arrive $0xFFFF;
	s2 =	simm.s32 @!p0 $0x1C09  }
0x158: {  	[timem:s3], [sflag:s2] =	dma.local @!p0 [hbm:s0], s1  }
0x159: {  	s0 =	simm.s32 @!p0 $0x9  }
0x15a: {  	_ =	swait.ge @!p0 [sflag:s0], s1  }
0x15b: {  	s1 =	ssub.s32 @!p0 $0x0, s1;
	[sflag:s0] =	ssyncset.done @!p0 $0x0  }
0x15c: {  	[sflag:s0] =	ssyncadd.s32 @!p0 s1  }
0x15d: {  	[bflag:$0x3] =	sbarrier.arrive $0xFFFF  }
0x15e: {  	_ =	shalt  }

// kernel: kernel.16.cloned.1.call-start
scs
__scs_entry_jumppad:
0x0: {  	(pc) =	sbr.rel $0x88, $3  }
0x1: {  	(tag) =	ssettag $0x0;
	lr =	simm.s32 $0x1  }
0x2: {  	[smem:$0x3F98] =	sst lr;
	_ =	strace $0xD0000000  }
0x3: {  	_ = 	snop  }
0x4: {  	_ = 	snop  }
0x5: {  	_ = 	snop  }
0x6: {  	_ = 	snop  }
0x7: {  	_ = 	snop  }
__scs_overlays_trampoline_lowered:
0x8: {  	[smem:$0x3FA7] =	sst s0  }
0x9: {  	[smem:$0x3FA8] =	sst s1  }
0xa: {  	[smem:$0x3FA9] =	sst s2  }
0xb: {  	[smem:$0x3FAA] =	sst s3  }
0xc: {  	[smem:$0x3FAB] =	sst s4  }
0xd: {  	[smem:$0x3FAC] =	sst s5  }
0xe: {  	[smem:$0x3FAD] =	sst s6  }
0xf: {  	[smem:$0x3FAE] =	sst s7  }
0x10: {  	[smem:$0x3FAF] =	sst s8  }
0x11: {  	[smem:$0x3FB0] =	sst s9;
	s0 =	simm.s32 @!p0 $0x0  }
0x12: {  	s1 =	sld [smem:$0x3F96];
	s0 =	simm.s32 @p0 $0x1  }
0x13: {  	[smem:$0x3FB1] =	sst s0;
	s0 =	simm.s32 @!p1 $0x0  }
0x14: {  	s2 =	sld [smem:$0x3F95];
	s0 =	simm.s32 @p1 $0x1  }
0x15: {  	[smem:$0x3FB2] =	sst s0;
	s0 =	simm.s32 @!p2 $0x0  }
0x16: {  	s3 =	sld [smem:$0x3FDB];
	s0 =	simm.s32 @p2 $0x1  }
0x17: {  	s4 =	simm.s32 $0x1BF5;
	[smem:$0x3FB4] =	sst s0  }
0x18: {  	s0 =	sld [smem:$0x3F97];
	_ =	swait.ge [sflag:s4], $0x0  }
0x19: {  	s7 =	sld [smem:$0x3F98]  }
0x1a: {  	s8 =	sadd.s32 $0xFFFFE003, lr  }
0x1b: {  	s9 =	sadd.s32 $0xFFFFFEF7, lr;
	s5 =	simm.s32 $0xFFFFFFFF;
	p2 =	slt.u32 s8, $0xFFFFF086  }
0x1c: {  	p1 =	slt.u32 s9, $0xF7A;
	s5 =	simm.s32 @!p2 $0x0  }
0x1d: {  	s5 =	simm.s32 @p1 $0x1;
	p0 =	seq.s32 s7, s2  }
0x1e: {  	s7 =	smul.u32 @!p0 $0xF7A, s2;
	p2 =	seq.s32 @!p0 s5, $0x0  }
0x1f: {  	s9 =	smul.u32 $0xF7A, s1;
	s8 =	simm.s32 @!p0 $0x1BF5;
	p2 =	por !p2, p0  }
0x20: {  	[sflag:s8] =	ssyncset.s32 @!p0 $0xFFFFF086;
	s6 =	sadd.s32 @!p0 s3, s7;
	s7 =	simm.s32 @!p0 $0x108  }
0x21: {  	s3 =	sadd.s32 s3, s9;
	s6 =	sadd.s32 @!p0 $0x88, s6;
	s7 =	simm.s32 @p2 $0x1082  }
0x22: {  	[simem:s7], [sflag:s8] =	dma.local @!p0 [hbm:s6], $0xF7A  }
0x23: {  	s9 =	sor.u32 $0xD0000000, s2;
	s6 =	simm.s32 $0x108;
	_ =	swait.ge @!p0 [sflag:s8], $0x0  }
0x24: {  	s3 =	sadd.s32 $0x88, s3;
	s6 =	simm.s32 @!p1 $0x1082;
	[sflag:s4] =	ssyncset.s32 $0xFFFFF086  }
0x25: {  	[simem:s6], [sflag:s4] =	dma.local [hbm:s3], $0xF7A  }
0x26: {  	[smem:$0x3F98] =	sst s1;
	(tag) =	ssettag s2;
	_ =	strace s9  }
0x27: {  	s1 =	sld [smem:$0x3FA8]  }
0x28: {  	s2 =	sld [smem:$0x3FA9]  }
0x29: {  	s4 =	sld [smem:$0x3FAB]  }
0x2a: {  	p0 =	seq.s32 s5, $0x0;
	s5 =	sld [smem:$0x3FAC]  }
0x2b: {  	s6 =	sld [smem:$0x3FAD]  }
0x2c: {  	s7 =	sld [smem:$0x3FAE]  }
0x2d: {  	s3 =	simm.s32 $0x108;
	s8 =	sld [smem:$0x3FAF]  }
0x2e: {  	s3 =	simm.s32 @!p0 $0x1082;
	s9 =	sld [smem:$0x3FB0]  }
0x2f: {  	lr =	sadd.s32 s0, s3;
	s0 =	sld [smem:$0x3FA7]  }
0x30: {  	s3 =	sld [smem:$0x3FAA]  }
0x31: {  	[smem:$0x3FB3] =	sst s10  }
0x32: {  	s10 =	sld [smem:$0x3FB1];
	_ =	sdelay $0x3  }
0x33: {  	p0 =	seq.s32 s10, $0x1;
	s10 =	sld [smem:$0x3FB3];
	_ =	sdelay $0x3  }
0x34: {  	[smem:$0x3FB3] =	sst s10  }
0x35: {  	s10 =	sld [smem:$0x3FB2];
	_ =	sdelay $0x3  }
0x36: {  	p1 =	seq.s32 s10, $0x1;
	s10 =	sld [smem:$0x3FB3];
	_ =	sdelay $0x3  }
0x37: {  	[smem:$0x3FB3] =	sst s10  }
0x38: {  	s10 =	sld [smem:$0x3FB4]  }
0x39: {  	_ = 	snop;
	(pc) =	sbr.ind lr, $3  }
0x3a: {  	_ = 	snop  }
0x3b: {  	_ = 	snop  }
0x3c: {  	p2 =	seq.s32 s10, $0x1;
	s10 =	sld [smem:$0x3FB3]  }
0x3d: {  	_ =	shalt  }
0x3e: {  	_ =	shalt  }
0x3f: {  	_ =	shalt  }
0x40: {  	_ =	shalt  }
0x41: {  	_ =	shalt  }
0x42: {  	_ =	shalt  }
0x43: {  	_ =	shalt  }
0x44: {  	_ =	shalt  }
0x45: {  	_ =	shalt  }
0x46: {  	_ =	shalt  }
0x47: {  	_ =	shalt  }
0x48: {  	_ =	shalt  }
0x49: {  	_ =	shalt  }
0x4a: {  	_ =	shalt  }
0x4b: {  	_ =	shalt  }
0x4c: {  	_ =	shalt  }
0x4d: {  	_ =	shalt  }
0x4e: {  	_ =	shalt  }
0x4f: {  	_ =	shalt  }
0x50: {  	_ =	shalt  }
0x51: {  	_ =	shalt  }
0x52: {  	_ =	shalt  }
0x53: {  	_ =	shalt  }
0x54: {  	_ =	shalt  }
0x55: {  	_ =	shalt  }
0x56: {  	_ =	shalt  }
0x57: {  	_ =	shalt  }
0x58: {  	_ =	shalt  }
0x59: {  	_ =	shalt  }
0x5a: {  	_ =	shalt  }
0x5b: {  	_ =	shalt  }
0x5c: {  	_ =	shalt  }
0x5d: {  	_ =	shalt  }
0x5e: {  	_ =	shalt  }
0x5f: {  	_ =	shalt  }
0x60: {  	_ =	shalt  }
0x61: {  	_ =	shalt  }
0x62: {  	_ =	shalt  }
0x63: {  	_ =	shalt  }
0x64: {  	_ =	shalt  }
0x65: {  	_ =	shalt  }
0x66: {  	_ =	shalt  }
0x67: {  	_ =	shalt  }
0x68: {  	_ =	shalt  }
0x69: {  	_ =	shalt  }
0x6a: {  	_ =	shalt  }
0x6b: {  	_ =	shalt  }
0x6c: {  	_ =	shalt  }
0x6d: {  	_ =	shalt  }
0x6e: {  	_ =	shalt  }
0x6f: {  	_ =	shalt  }
0x70: {  	_ =	shalt  }
0x71: {  	_ =	shalt  }
0x72: {  	_ =	shalt  }
0x73: {  	_ =	shalt  }
0x74: {  	_ =	shalt  }
0x75: {  	_ =	shalt  }
0x76: {  	_ =	shalt  }
0x77: {  	_ =	shalt  }
0x78: {  	_ =	shalt  }
0x79: {  	_ =	shalt  }
0x7a: {  	_ =	shalt  }
0x7b: {  	_ =	shalt  }
0x7c: {  	_ =	shalt  }
0x7d: {  	_ =	shalt  }
0x7e: {  	_ =	shalt  }
0x7f: {  	_ =	shalt  }
0x80: {  	_ =	shalt  }
0x81: {  	_ =	shalt  }
0x82: {  	_ =	shalt  }
0x83: {  	_ =	shalt  }
0x84: {  	_ =	shalt  }
0x85: {  	_ =	shalt  }
0x86: {  	_ =	shalt  }
0x87: {  	_ =	shalt  }
.Lfunc_end0:
.L_simem_size_0:
called_computation.2_lowered:
.L_overlay_start_0:
0x88: {  	s2 =	sld [smem:$0x3FD9]  }
0x89: {  	s3 =	sld [smem:$0x3FFE];
	_ =	sdelay $0x1  }
0x8a: {  	s1 =	srdreg.scid  }
0x8b: {  	s0 =	sand.u32 $0x1, s1  }
0x8c: {  	s16 =	sshll.u32 s0, $0xA;
	s2 =	sadd.s32 s3, s2  }
0x8d: {  	s2 =	sadd.s32 s2, s16  }
0x8e: {  	[smem:$0x3FBF] =	sst s2  }
0x8f: {  	_ = 	snop  }
0x90: {  	(tm) =	ssettm $0x1  }
0x91: {  	s17 =	sld [smem:$0x3FFB];
	_ =	sdelay $0x3  }
0x92: {  	_ =	strace s17  }
0x93: {  	s2 =	sld [smem:$0x3FFC];
	_ =	sdelay $0x3  }
0x94: {  	_ =	strace s2  }
0x95: {  	s2 =	sld [smem:$0x3FFD];
	_ =	sdelay $0x3  }
0x96: {  	_ =	strace s2  }
0x97: {  	_ =	strace $0x8FFFFFFF  }
0x98: {  	s18 =	sld [smem:$0x3FDB];
	_ =	sdelay $0x1  }
0x99: {  	s19 =	simm.s32 $_scs_section_size  }
0x9a: {  	s4 =	simm.s32 $_size__tile_overlayer_lowered;
	s5 =	simm.s32 $_tile_overlayer_lowered  }
0x9b: {  	s22 =	simm.s32 $0x1BFF;
	s21 =	sshll.u32 s5, $0x1;
	s2 =	sadd.s32 s19, s18  }
0x9c: {  	s6 =	simm.s32 $0x0;
	s20 =	sshll.u32 s4, $0x1;
	s4 =	sadd.s32 s21, s2  }
0x9d: {  	[timem:s6], [sflag:s22] =	dma.local [hbm:s4], s20  }
0x9e: {  	_ =	swait.ge [sflag:s22], s20  }
0x9f: {  	s3 =	ssub.s32 $0x0, s20;
	[sflag:s22] =	ssyncset.done $0x0  }
0xa0: {  	[sflag:s22] =	ssyncadd.s32 s3;
	_ =	sdelay $0x1  }
0xa1: {  	s23 =	simm.s32 $0x1B8B  }
0xa2: {  	_ =	swait.ge [sflag:s23], $0x1  }
0xa3: {  	[sflag:s23] =	ssyncset.done $0x0  }
0xa4: {  	s25 =	simm.s32 $0x1B8E;
	s24 =	sld [smem:$0x3FFE];
	[sflag:s23] =	ssyncadd.s32 $0xFFFFFFFF  }
0xa5: {  	s26 =	simm.s32 $execute0_lowered;
	[smem:$0x3FD2] =	sst s25  }
0xa6: {  	s4 =	sshll.u32 s26, $0x1;
	_ =	strace $0x8000004C;
	[dreg:$0x1] =	wrdreg $0xFFFFFFFF  }
0xa7: {  	s28 =	simm.s32 $_size_execute0_lowered;
	s2 =	sadd.s32 s2, s4;
	[dreg:$0x0] =	wrdreg $0x0  }
0xa8: {  	s4 =	sshll.u32 s28, $0x1;
	[dreg:$0x2] =	wrdreg s2  }
0xa9: {  	[dreg:$0x3] =	wrdreg s4  }
0xaa: {  	[dreg:$0x4] =	wrdreg $0xC0  }
0xab: {  	_ =	task [dreg:s6], $0x5FFFF  }
0xac: {  	[dreg:$0x1] =	wrdreg $0xFFFFFFFF  }
0xad: {  	[dreg:$0x0] =	wrdreg $0x60  }
0xae: {  	[dreg:$0x2] =	wrdreg s24  }
0xaf: {  	[dreg:$0x3] =	wrdreg $0x84000  }
0xb0: {  	[dreg:$0x4] =	wrdreg $0x9  }
0xb1: {  	_ =	task.clear_ibuf [dreg:s6], $0x5FFFF;
	_ =	strace $0x9000004C  }
0xb2: {  	s29 =	simm.s32 $0x9;
	_ =	strace $0x8000004E  }
0xb3: {  	_ =	swait.ge [sflag:s29], $0x1  }
0xb4: {  	[sflag:s29] =	ssyncadd.s32 $0xFFFFFFFF  }
0xb5: {  	_ =	strace $0x9000004E  }
0xb6: {  	_ =	sfence  }
0xb7: {  	s30 =	sld [smem:$0x0];
	_ =	sdelay $0x2  }
0xb8: {  	s31 =	sshll.u32 s1, $0xD;
	s1 =	sshrl.u32 s1, $0x2  }
0xb9: {  	s3 =	sand.u32 $0x4000, s31;
	s1 =	sadd.s32 s1, s30  }
0xba: {  	s0 =	sor.u32 s3, s0;
	s1 =	sshll.u32 s1, $0x11  }
0xbb: {  	s0 =	sor.u32 s1, s0  }
0xbc: {  	s0 =	sadd.s32 $0x8F2B, s0  }
0xbd: {  	[sflag:s0] =	ssyncadd.remote.s32 $0x1  }
0xbe: {  	_ =	sfence.sel $0xFFFF  }
0xbf: {  	[dreg:$0x0] =	wrdreg $0xFFFFFFFF;
	(pc) =	sbr.abs _section_cstart, $3  }
0xc0: {  	[dreg:$0x1] =	wrdreg $0xFFFFFFFF  }
0xc1: {  	_ =	task.clear_ibuf [dreg:s6], $0x2FFFF;
	_ =	strace $0x9FFFFFFF  }
0xc2: {  	(tm) =	ssettm $0x7FFFFFFF  }
0xc3: {  	_ =	shalt  }
tec
execute0_lowered:
.L_overlay_start_1:
0x0: {  	(tag) =	ssettag $0x1  }
0x1: {  	s1 =	rddreg [dreg:$0x0];
	s0 =	srdreg.scid  }
0x2: {  	s13 =	stileid.u32;
	s2 =	rddreg [dreg:$0x1];
	s3 =	simm.s32 $0x0  }
0x3: {  	s31 =	simm.s32 $0x8100;
	s28 =	simm.s32 $0x1;
	s29 =	simm.s32 $0x80  }
0x4: {  	s30 =	simm.s32 $0x8;
	s6 =	sand.u32 $0x1, s0;
	s7 =	smul.u32 $0x278, s13  }
0x5: {  	[smem:$0x7FF] =	sst s3;
	s8 =	sadd.s32 $0x4000, s1;
	s4 =	sadd.s32 $0x67000, s1  }
0x6: {  	s23 =	smul.u32 $0x4F000, s13;
	p1 =	sne.s32 s13, $0xF;
	p2 =	seq.s32 s13, $0xF  }
0x7: {  	s11 =	sadd.s32 $0x8C080, s1;
	s24 =	sadd.s32 $0x8C880, s1;
	s25 =	smul.u32 $0x2780, s13  }
0x8: {  	s12 =	sadd.s32 $0x8D080, s1;
	_ =	strace $0x8000004D;
	[dreg:$0x3] =	wrdreg s11  }
0x9: {  	s26 =	sadd.s32 $0x8D880, s1;
	s0 =	smul.u32 $0x2780, s6;
	[dreg:$0x4] =	wrdreg s24  }
0xa: {  	s5 =	ssub.s32 $0x2, s6;
	s10 =	sshll.u32 s6, $0x4;
	[dreg:$0x5] =	wrdreg s12  }
0xb: {  	p0 =	seq.s32 s6, $0x0;
	[dreg:$0x6] =	wrdreg s26;
	s6 =	smul.u32 $0x28000, s6  }
0xc: {  	s22 =	sshrl.u32 s5, $0x1;
	s10 =	sor.u32 s13, s10;
	p1 =	por !p0, !p1  }
0xd: {  	p2 =	por !p0, !p2;
	s11 =	sadd.s32 s4, s25;
	s12 =	sadd.s32 $0x80, s7  }
0xe: {  	s15 =	sadd.s32 $0x100, s7;
	s13 =	smul.u32 $0x2800, s13;
	s21 =	sadd.s32 $0x180, s7  }
0xf: {  	s0 =	sadd.s32 s7, s0;
	p1 =	por !p1, !p1;
	p2 =	por !p2, !p2  }
0x10: {  	[dreg:$0x8] =	wrdreg s11;
	s14 =	sshll.u32 s12, $0x4;
	s16 =	sshll.u32 s15, $0x4  }
0x11: {  	s19 =	sshll.u32 s15, $0x7;
	s10 =	smul.u32 $0xA00, s10;
	s7 =	sadd.s32 $0x200, s7  }
0x12: {  	s24 =	sshll.u32 s21, $0x4;
	s15 =	sadd.s32 $0x128400, s2;
	s0 =	sshll.u32 s0, $0x4  }
0x13: {  	s11 =	sadd.s32 s4, s14;
	s17 =	sadd.s32 s4, s16;
	s18 =	sadd.s32 s13, s6  }
0x14: {  	s6 =	sadd.s32 s19, s2;
	s25 =	sshll.u32 s7, $0x4;
	[dreg:$0x17] =	wrdreg s15  }
0x15: {  	s16 =	sadd.s32 $0x12C400, s2;
	s15 =	simm.s32 $0x7;
	s9 =	sadd.s32 s0, s1  }
0x16: {  	s0 =	ssub.s32 s5, s22;
	s5 =	sshrl.u32 s23, $0x2;
	[dreg:$0x9] =	wrdreg s11  }
0x17: {  	s1 =	sadd.s32 $0x8E080, s1;
	[dreg:$0xb] =	wrdreg s17;
	s20 =	sor.u32 $0x380, s18  }
0x18: {  	[dreg:$0xc] =	wrdreg s6;
	s22 =	sor.u32 $0x300, s18;
	s23 =	sor.u32 $0x280, s18  }
0x19: {  	s6 =	sshll.u32 s21, $0x7;
	[dreg:$0x18] =	wrdreg s16;
	s21 =	sadd.s32 $0x130400, s2  }
0x1a: {  	s5 =	sadd.s32 s5, s2;
	[dreg:$0x7] =	wrdreg s1;
	s1 =	sshll.u32 s12, $0x7  }
0x1b: {  	s11 =	sshrl.u32 s20, $0x2;
	s26 =	sadd.s32 s6, s2;
	[dreg:$0x1a] =	wrdreg s21  }
0x1c: {  	s12 =	sadd.s32 s8, s10;
	s6 =	sadd.s32 s4, s25;
	[dreg:$0xf] =	wrdreg s26  }
0x1d: {  	s10 =	sshrl.u32 s22, $0x2;
	s9 =	sadd.s32 $0x8E200, s9;
	[dreg:$0x10] =	wrdreg s6  }
0x1e: {  	s0 =	smax.u32 s0, $0x1;
	s22 =	sadd.s32 $0x134400, s2;
	[dreg:$0x11] =	wrdreg s9  }
0x1f: {  	s21 =	simm.s32 $0x3;
	s1 =	sadd.s32 s1, s2;
	[dreg:$0x19] =	wrdreg s0  }
0x20: {  	s17 =	sadd.s32 s11, s8;
	s11 =	sshrl.u32 s23, $0x2;
	[dreg:$0x1b] =	wrdreg s22  }
0x21: {  	s13 =	sadd.s32 $0xC000, s5;
	s14 =	sadd.s32 $0x10000, s5;
	[dreg:$0xd] =	wrdreg s12  }
0x22: {  	s23 =	sadd.s32 $0x138400, s2;
	s25 =	sadd.s32 $0x40, s12;
	[dreg:$0xa] =	wrdreg s1  }
0x23: {  	s26 =	sadd.s32 $0x60, s12;
	s9 =	simm.s32 $0x9;
	[dreg:$0x14] =	wrdreg s13  }
0x24: {  	s22 =	simm.s32 $0x6;
	s0 =	simm.s32 $0x4;
	[dreg:$0x15] =	wrdreg s14  }
0x25: {  	s6 =	simm.s32 $0x0;
	s1 =	sor.u32 $0x200, s18;
	[dreg:$0x1c] =	wrdreg s23  }
0x26: {  	s18 =	sadd.s32 s10, s8;
	s19 =	sadd.s32 s11, s8;
	[dreg:$0x1e] =	wrdreg s25  }
0x27: {  	s10 =	sadd.s32 $0x4000, s5;
	s11 =	sadd.s32 $0x8000, s5;
	[dreg:$0x1f] =	wrdreg s26  }
0x28: {  	s26 =	simm.s32 $0x8300;
	s13 =	simm.s32 $0x5;
	s14 =	simm.s32 $0x8080  }
0x29: {  	s23 =	simm.s32 $0x8180;
	s25 =	simm.s32 $0x8380;
	[dreg:$0x12] =	wrdreg s10  }
0x2a: {  	s1 =	sshrl.u32 s1, $0x2;
	[dreg:$0x13] =	wrdreg s11;
	s10 =	simm.s32 $0x8000  }
0x2b: {  	s11 =	simm.s32 $0x2;
	s20 =	sadd.s32 s1, s8;
	s1 =	sadd.s32 s4, s24  }
0x2c: {  	s8 =	sshll.u32 s7, $0x7;
	s24 =	sadd.s32 $0x20, s12;
	[dreg:$0xe] =	wrdreg s1  }
0x2d: {  	s12 =	simm.s32 $0x4000;
	s1 =	sadd.s32 s8, s2;
	[dreg:$0x1d] =	wrdreg s24  }
0x2e: {  	v0 =	vimm.f32 $0.0e+00;
	s24 =	simm.s32 $0x8280;
	[dreg:$0x16] =	wrdreg s1;
	s1 =	simm.s32 $0x8200  }
.LBB2_1:
.Ltmp0:
0x2f: {  	(pc) =	sbr.rel @!p1 .LBB2_3-.Ltmp0, $1  }
0x30: {  	_ =	sdelay $0x3  }
0x31: {  	s7 =	rddreg [dreg:$0x8]  }
0x32: {  	[tilespmem:s3], [sflag:$0x9] =	stream.linear.gather [hbm4b:s7+s3], $0x4000, $0x38;
	[tilespmem:$0x1C000] =	vst v63  }
0x33: {  	_ =	swait.ge [sflag:s9], $0x4000  }
0x34: {  	[sflag:s9] =	ssyncset.done $0x0  }
0x35: {  	[sflag:s9] =	ssyncadd.s32 $0xFFFFC000  }
0x36: {  	[spmem:s5] =	stream.linear.scatter [tilespmem:s3], [sflag:$0x9], $0x4000, $0x38;
	[tilespmem:$0x1C000] =	vst v63  }
0x37: {  	_ =	swait.ge [sflag:s9], $0x4000  }
0x38: {  	[sflag:s9] =	ssyncset.done $0x0  }
0x39: {  	s8 =	rddreg [dreg:$0x9];
	[sflag:s9] =	ssyncadd.s32 $0xFFFFC000  }
0x3a: {  	[tilespmem:s3], [sflag:$0x9] =	stream.linear.gather [hbm4b:s8+s3], $0x4000, $0x38;
	[tilespmem:$0x1C000] =	vst v63  }
0x3b: {  	_ =	swait.ge [sflag:s9], $0x4000  }
0x3c: {  	[sflag:s9] =	ssyncset.done $0x0  }
0x3d: {  	s16 =	rddreg [dreg:$0xa];
	[sflag:s9] =	ssyncadd.s32 $0xFFFFC000  }
0x3e: {  	[spmem:s16] =	stream.linear.scatter [tilespmem:s3], [sflag:$0x9], $0x4000, $0x38;
	[tilespmem:$0x1C000] =	vst v63  }
0x3f: {  	_ =	swait.ge [sflag:s9], $0x4000  }
0x40: {  	[sflag:s9] =	ssyncset.done $0x0  }
0x41: {  	s8 =	rddreg [dreg:$0xb];
	[sflag:s9] =	ssyncadd.s32 $0xFFFFC000  }
0x42: {  	[tilespmem:s3], [sflag:$0x9] =	stream.linear.gather [hbm4b:s8+s3], $0x4000, $0x38;
	[tilespmem:$0x1C000] =	vst v63  }
0x43: {  	_ =	swait.ge [sflag:s9], $0x4000  }
0x44: {  	[sflag:s9] =	ssyncset.done $0x0  }
0x45: {  	s16 =	rddreg [dreg:$0xc];
	[sflag:s9] =	ssyncadd.s32 $0xFFFFC000  }
0x46: {  	[spmem:s16] =	stream.linear.scatter [tilespmem:s3], [sflag:$0x9], $0x4000, $0x38;
	[tilespmem:$0x1C000] =	vst v63  }
0x47: {  	_ =	swait.ge [sflag:s9], $0x4000  }
0x48: {  	[sflag:s9] =	ssyncset.done $0x0  }
0x49: {  	s8 =	rddreg [dreg:$0xe];
	[sflag:s9] =	ssyncadd.s32 $0xFFFFC000  }
0x4a: {  	[tilespmem:s3], [sflag:$0x9] =	stream.linear.gather [hbm4b:s8+s3], $0x4000, $0x38;
	[tilespmem:$0x1C000] =	vst v63  }
0x4b: {  	_ =	swait.ge [sflag:s9], $0x4000  }
0x4c: {  	[sflag:s9] =	ssyncset.done $0x0  }
0x4d: {  	s16 =	rddreg [dreg:$0xf];
	[sflag:s9] =	ssyncadd.s32 $0xFFFFC000  }
0x4e: {  	[spmem:s16] =	stream.linear.scatter [tilespmem:s3], [sflag:$0x9], $0x4000, $0x38;
	[tilespmem:$0x1C000] =	vst v63  }
0x4f: {  	_ =	swait.ge [sflag:s9], $0x4000  }
0x50: {  	[sflag:s9] =	ssyncset.done $0x0  }
0x51: {  	s8 =	rddreg [dreg:$0x10];
	[sflag:s9] =	ssyncadd.s32 $0xFFFFC000  }
0x52: {  	[tilespmem:s3], [sflag:$0x9] =	stream.linear.gather [hbm4b:s8+s3], $0x3C00, $0x38;
	[tilespmem:$0x1C000] =	vst v63  }
0x53: {  	_ =	swait.ge [sflag:s9], $0x3C00  }
0x54: {  	[sflag:s9] =	ssyncset.done $0x0  }
.Ltmp1:
0x55: {  	s16 =	rddreg [dreg:$0x16];
	[sflag:s9] =	ssyncadd.s32 $0xFFFFC400;
	(pc) =	sbr.rel .LBB2_9-.Ltmp1, $4  }
0x56: {  	[spmem:s16] =	stream.linear.scatter [tilespmem:s3], [sflag:$0x9], $0x3C00, $0x38;
	[tilespmem:$0x1C000] =	vst v63  }
0x57: {  	_ =	swait.ge [sflag:s9], $0x3C00  }
0x58: {  	[sflag:s9] =	ssyncset.done $0x0  }
0x59: {  	[sflag:s9] =	ssyncadd.s32 $0xFFFFC400  }
.LBB2_3:
.Ltmp2:
0x5a: {  	(pc) =	sbr.rel @!p2 .LBB2_5-.Ltmp2, $1  }
0x5b: {  	_ =	sdelay $0x3  }
0x5c: {  	s7 =	rddreg [dreg:$0x3]  }
0x5d: {  	[tilespmem:s3], [sflag:$0x9] =	stream.linear.gather [hbm4b:s7+s3], $0x4000, $0x38;
	[tilespmem:$0x1C000] =	vst v63  }
0x5e: {  	_ =	swait.ge [sflag:s9], $0x4000  }
0x5f: {  	[sflag:s9] =	ssyncset.done $0x0  }
0x60: {  	s16 =	rddreg [dreg:$0x17];
	[sflag:s9] =	ssyncadd.s32 $0xFFFFC000  }
0x61: {  	[spmem:s16] =	stream.linear.scatter [tilespmem:s3], [sflag:$0x9], $0x4000, $0x38;
	[tilespmem:$0x1C000] =	vst v63  }
0x62: {  	_ =	swait.ge [sflag:s9], $0x4000  }
0x63: {  	[sflag:s9] =	ssyncset.done $0x0  }
0x64: {  	s8 =	rddreg [dreg:$0x4];
	[sflag:s9] =	ssyncadd.s32 $0xFFFFC000  }
0x65: {  	[tilespmem:s3], [sflag:$0x9] =	stream.linear.gather [hbm4b:s8+s3], $0x4000, $0x38;
	[tilespmem:$0x1C000] =	vst v63  }
0x66: {  	_ =	swait.ge [sflag:s9], $0x4000  }
0x67: {  	[sflag:s9] =	ssyncset.done $0x0  }
0x68: {  	s16 =	rddreg [dreg:$0x18];
	[sflag:s9] =	ssyncadd.s32 $0xFFFFC000  }
0x69: {  	[spmem:s16] =	stream.linear.scatter [tilespmem:s3], [sflag:$0x9], $0x4000, $0x38;
	[tilespmem:$0x1C000] =	vst v63  }
0x6a: {  	_ =	swait.ge [sflag:s9], $0x4000  }
0x6b: {  	[sflag:s9] =	ssyncset.done $0x0  }
0x6c: {  	s8 =	rddreg [dreg:$0x5];
	[sflag:s9] =	ssyncadd.s32 $0xFFFFC000  }
0x6d: {  	[tilespmem:s3], [sflag:$0x9] =	stream.linear.gather [hbm4b:s8+s3], $0x4000, $0x38;
	[tilespmem:$0x1C000] =	vst v63  }
0x6e: {  	_ =	swait.ge [sflag:s9], $0x4000  }
0x6f: {  	[sflag:s9] =	ssyncset.done $0x0  }
0x70: {  	s16 =	rddreg [dreg:$0x1a];
	[sflag:s9] =	ssyncadd.s32 $0xFFFFC000  }
0x71: {  	[spmem:s16] =	stream.linear.scatter [tilespmem:s3], [sflag:$0x9], $0x4000, $0x38;
	[tilespmem:$0x1C000] =	vst v63  }
0x72: {  	_ =	swait.ge [sflag:s9], $0x4000  }
0x73: {  	[sflag:s9] =	ssyncset.done $0x0  }
0x74: {  	s8 =	rddreg [dreg:$0x6];
	[sflag:s9] =	ssyncadd.s32 $0xFFFFC000  }
0x75: {  	[tilespmem:s3], [sflag:$0x9] =	stream.linear.gather [hbm4b:s8+s3], $0x4000, $0x38;
	[tilespmem:$0x1C000] =	vst v63  }
0x76: {  	_ =	swait.ge [sflag:s9], $0x4000  }
0x77: {  	[sflag:s9] =	ssyncset.done $0x0  }
0x78: {  	s16 =	rddreg [dreg:$0x1b];
	[sflag:s9] =	ssyncadd.s32 $0xFFFFC000  }
0x79: {  	[spmem:s16] =	stream.linear.scatter [tilespmem:s3], [sflag:$0x9], $0x4000, $0x38;
	[tilespmem:$0x1C000] =	vst v63  }
0x7a: {  	_ =	swait.ge [sflag:s9], $0x4000  }
0x7b: {  	[sflag:s9] =	ssyncset.done $0x0  }
0x7c: {  	s8 =	rddreg [dreg:$0x7];
	[sflag:s9] =	ssyncadd.s32 $0xFFFFC000  }
0x7d: {  	[tilespmem:s3], [sflag:$0x9] =	stream.linear.gather [hbm4b:s8+s3], $0x400, $0x38;
	[tilespmem:$0x1C000] =	vst v63  }
0x7e: {  	_ =	swait.ge [sflag:s9], $0x400  }
0x7f: {  	[sflag:s9] =	ssyncset.done $0x0  }
.Ltmp3:
0x80: {  	s16 =	rddreg [dreg:$0x1c];
	[sflag:s9] =	ssyncadd.s32 $0xFFFFFC00;
	(pc) =	sbr.rel .LBB2_9-.Ltmp3, $4  }
0x81: {  	[spmem:s16] =	stream.linear.scatter [tilespmem:s3], [sflag:$0x9], $0x400, $0x38;
	[tilespmem:$0x1C000] =	vst v63  }
0x82: {  	_ =	swait.ge [sflag:s9], $0x400  }
0x83: {  	[sflag:s9] =	ssyncset.done $0x0  }
0x84: {  	[sflag:s9] =	ssyncadd.s32 $0xFFFFFC00  }
.LBB2_5:
.Ltmp4:
0x85: {  	(pc) =	sbr.rel @p0 .LBB2_9-.Ltmp4, $2  }
0x86: {  	_ =	sdelay $0x2  }
0x87: {  	s8 =	simm.s32 $0x0  }
0x88: {  	s7 =	sshra.s32 s8, $0x2;
	s8 =	sadd.s32 $0x200, s8  }
.LBB2_7:
0x89: {  	p3 =	sne.s32 s8, $0xFE00;
	[tilespmem:s7+$0x70] =	vst v0  }
0x8a: {  	[tilespmem:s7+$0x0] =	vst v0  }
0x8b: {  	[tilespmem:s7+$0x10] =	vst v0  }
.Ltmp5:
0x8c: {  	[tilespmem:s7+$0x20] =	vst v0;
	(pc) =	sbr.rel @p3 .LBB2_7-.Ltmp5, $4  }
0x8d: {  	[tilespmem:s7+$0x30] =	vst v0  }
0x8e: {  	[tilespmem:s7+$0x40] =	vst v0  }
0x8f: {  	[tilespmem:s7+$0x50] =	vst v0  }
0x90: {  	[tilespmem:s7+$0x60] =	vst v0;
	s7 =	sshra.s32 s8, $0x2;
	s8 =	sadd.s32 $0x200, s8  }
0x91: {  	[tilespmem:s7+$0x70] =	vst v0  }
0x92: {  	[tilespmem:s7+$0x0] =	vst v0  }
0x93: {  	[tilespmem:s7+$0x10] =	vst v0  }
0x94: {  	[tilespmem:s7+$0x20] =	vst v0  }
0x95: {  	[tilespmem:s7+$0x30] =	vst v0  }
0x96: {  	[tilespmem:s7+$0x40] =	vst v0  }
0x97: {  	[tilespmem:s7+$0x50] =	vst v0  }
0x98: {  	[tilespmem:s7+$0x60] =	vst v0  }
0x99: {  	[spmem:s5] =	stream.linear.scatter [tilespmem:s3], [sflag:$0x9], $0x4000, $0x38;
	[tilespmem:$0x1C000] =	vst v63  }
0x9a: {  	_ =	swait.ge [sflag:s9], $0x4000  }
0x9b: {  	[sflag:s9] =	ssyncset.done $0x0  }
0x9c: {  	s8 =	rddreg [dreg:$0x12];
	[sflag:s9] =	ssyncadd.s32 $0xFFFFC000  }
0x9d: {  	[spmem:s8] =	stream.linear.scatter [tilespmem:s3], [sflag:$0x9], $0x4000, $0x38;
	[tilespmem:$0x1C000] =	vst v63  }
0x9e: {  	_ =	swait.ge [sflag:s9], $0x4000  }
0x9f: {  	[sflag:s9] =	ssyncset.done $0x0  }
0xa0: {  	s16 =	rddreg [dreg:$0x13];
	[sflag:s9] =	ssyncadd.s32 $0xFFFFC000  }
0xa1: {  	[spmem:s16] =	stream.linear.scatter [tilespmem:s3], [sflag:$0x9], $0x4000, $0x38;
	[tilespmem:$0x1C000] =	vst v63  }
0xa2: {  	_ =	swait.ge [sflag:s9], $0x4000  }
0xa3: {  	[sflag:s9] =	ssyncset.done $0x0  }
0xa4: {  	s8 =	rddreg [dreg:$0x14];
	[sflag:s9] =	ssyncadd.s32 $0xFFFFC000  }
0xa5: {  	[spmem:s8] =	stream.linear.scatter [tilespmem:s3], [sflag:$0x9], $0x4000, $0x38;
	[tilespmem:$0x1C000] =	vst v63  }
0xa6: {  	_ =	swait.ge [sflag:s9], $0x4000  }
0xa7: {  	[sflag:s9] =	ssyncset.done $0x0  }
0xa8: {  	s16 =	rddreg [dreg:$0x15];
	[sflag:s9] =	ssyncadd.s32 $0xFFFFC000  }
0xa9: {  	[spmem:s16] =	stream.linear.scatter [tilespmem:s3], [sflag:$0x9], $0x3C00, $0x38;
	[tilespmem:$0x1C000] =	vst v63  }
0xaa: {  	_ =	swait.ge [sflag:s9], $0x3C00  }
0xab: {  	[sflag:s9] =	ssyncset.done $0x0  }
0xac: {  	[sflag:s9] =	ssyncadd.s32 $0xFFFFC400  }
.LBB2_9:
0xad: {  	[bflag:$0x0] =	sbarrier.arrive $0xFFFF  }
0xae: {  	s7 =	simm.s32 $0x0;
	s8 =	rddreg [dreg:$0xd]  }
0xaf: {  	[tilespmem:s10], [sflag:$0x1] =	stream.linear.gather [hbm4b:s8+s7], $0x100, $0x38;
	[tilespmem:$0x1C000] =	vst v63  }
0xb0: {  	s16 =	rddreg [dreg:$0x1d]  }
0xb1: {  	[tilespmem:s31], [sflag:$0x2] =	stream.linear.gather [hbm4b:s16+s7], $0x100, $0x38;
	[tilespmem:$0x1C000] =	vst v63  }
0xb2: {  	s16 =	rddreg [dreg:$0x1e]  }
0xb3: {  	[tilespmem:s1], [sflag:$0x3] =	stream.linear.gather [hbm4b:s16+s7], $0x100, $0x38;
	[tilespmem:$0x1C000] =	vst v63  }
0xb4: {  	s16 =	rddreg [dreg:$0x1f]  }
0xb5: {  	[tilespmem:s26], [sflag:$0x4] =	stream.linear.gather [hbm4b:s16+s7], $0x100, $0x38;
	[tilespmem:$0x1C000] =	vst v63  }
0xb6: {  	_ =	swait.ge [sflag:s28], $0x100  }
0xb7: {  	[sflag:s28] =	ssyncset.done $0x0  }
0xb8: {  	[sflag:s28] =	ssyncadd.s32 $0xFFFFFF00  }
0xb9: {  	[tilespmem:s7], [sflag:$0x5] =	stream.indirect.gather [hbm4b:s4+s29], $0x80, s10, s29, $0xb8;
	[tilespmem:$0x1C000] =	vst v63  }
0xba: {  	_ =	swait.ge [sflag:s11], $0x100  }
0xbb: {  	[sflag:s11] =	ssyncset.done $0x0  }
0xbc: {  	[sflag:s11] =	ssyncadd.s32 $0xFFFFFF00  }
0xbd: {  	[tilespmem:s12], [sflag:$0x6] =	stream.indirect.gather [hbm4b:s4+s29], $0x80, s31, s29, $0xb8;
	[tilespmem:$0x1C000] =	vst v63  }
0xbe: {  	_ =	swait.ge [sflag:s13], $0x4000  }
0xbf: {  	[sflag:s13] =	ssyncset.done $0x0  }
0xc0: {  	[sflag:s13] =	ssyncadd.s32 $0xFFFFC000  }
0xc1: {  	[spmem:s2] =	stream.indirect.scatter.add.f32 [tilespmem:s3], [sflag:$0x7], $0x80, s14, s29, $0xb8;
	[tilespmem:$0x1C000] =	vst v63  }
0xc2: {  	_ =	swait.ge [sflag:s15], $0x4000  }
0xc3: {  	[sflag:s15] =	ssyncset.done $0x0  }
0xc4: {  	s8 =	sadd.s32 $0x0, s20;
	[sflag:s15] =	ssyncadd.s32 $0xFFFFC000  }
0xc5: {  	[tilespmem:s10], [sflag:$0x1] =	stream.linear.gather [hbm4b:s8+s3], $0x100, $0x38;
	[tilespmem:$0x1C000] =	vst v63  }
0xc6: {  	_ =	swait.ge [sflag:s21], $0x100  }
0xc7: {  	[sflag:s21] =	ssyncset.done $0x0  }
0xc8: {  	[sflag:s21] =	ssyncadd.s32 $0xFFFFFF00  }
0xc9: {  	[tilespmem:s3], [sflag:$0x5] =	stream.indirect.gather [hbm4b:s4+s29], $0x80, s1, s29, $0xb8;
	[tilespmem:$0x1C000] =	vst v63  }
0xca: {  	_ =	swait.ge [sflag:s22], $0x4000  }
0xcb: {  	[sflag:s22] =	ssyncset.done $0x0  }
0xcc: {  	[sflag:s22] =	ssyncadd.s32 $0xFFFFC000  }
0xcd: {  	[spmem:s2] =	stream.indirect.scatter.add.f32 [tilespmem:s12], [sflag:$0x8], $0x80, s23, s29, $0xb8;
	[tilespmem:$0x1C000] =	vst v63  }
0xce: {  	_ =	swait.ge [sflag:s30], $0x4000  }
0xcf: {  	[sflag:s30] =	ssyncset.done $0x0  }
0xd0: {  	s16 =	sadd.s32 $0x0, s19;
	[sflag:s30] =	ssyncadd.s32 $0xFFFFC000  }
0xd1: {  	[tilespmem:s31], [sflag:$0x2] =	stream.linear.gather [hbm4b:s16+s3], $0x100, $0x38;
	[tilespmem:$0x1C000] =	vst v63  }
0xd2: {  	_ =	swait.ge [sflag:s0], $0x100  }
0xd3: {  	[sflag:s0] =	ssyncset.done $0x0  }
0xd4: {  	[sflag:s0] =	ssyncadd.s32 $0xFFFFFF00  }
0xd5: {  	[tilespmem:s12], [sflag:$0x6] =	stream.indirect.gather [hbm4b:s4+s29], $0x80, s26, s29, $0xb8;
	[tilespmem:$0x1C000] =	vst v63  }
0xd6: {  	_ =	swait.ge [sflag:s13], $0x4000  }
0xd7: {  	[sflag:s13] =	ssyncset.done $0x0  }
0xd8: {  	[sflag:s13] =	ssyncadd.s32 $0xFFFFC000  }
0xd9: {  	[spmem:s2] =	stream.indirect.scatter.add.f32 [tilespmem:s3], [sflag:$0x7], $0x80, s24, s29, $0xb8;
	[tilespmem:$0x1C000] =	vst v63  }
0xda: {  	_ =	swait.ge [sflag:s15], $0x4000  }
0xdb: {  	[sflag:s15] =	ssyncset.done $0x0  }
0xdc: {  	s8 =	sadd.s32 $0x0, s18;
	[sflag:s15] =	ssyncadd.s32 $0xFFFFC000  }
0xdd: {  	[tilespmem:s1], [sflag:$0x3] =	stream.linear.gather [hbm4b:s8+s3], $0x100, $0x38;
	[tilespmem:$0x1C000] =	vst v63  }
0xde: {  	_ =	swait.ge [sflag:s28], $0x100  }
0xdf: {  	[sflag:s28] =	ssyncset.done $0x0  }
0xe0: {  	[sflag:s28] =	ssyncadd.s32 $0xFFFFFF00  }
0xe1: {  	[tilespmem:s3], [sflag:$0x5] =	stream.indirect.gather [hbm4b:s4+s29], $0x80, s10, s29, $0xb8;
	[tilespmem:$0x1C000] =	vst v63  }
0xe2: {  	_ =	swait.ge [sflag:s22], $0x4000  }
0xe3: {  	[sflag:s22] =	ssyncset.done $0x0  }
0xe4: {  	[sflag:s22] =	ssyncadd.s32 $0xFFFFC000  }
0xe5: {  	[spmem:s2] =	stream.indirect.scatter.add.f32 [tilespmem:s12], [sflag:$0x8], $0x80, s25, s29, $0xb8;
	[tilespmem:$0x1C000] =	vst v63  }
0xe6: {  	_ =	swait.ge [sflag:s30], $0x4000  }
0xe7: {  	[sflag:s30] =	ssyncset.done $0x0  }
0xe8: {  	s16 =	sadd.s32 $0x0, s17;
	[sflag:s30] =	ssyncadd.s32 $0xFFFFC000  }
0xe9: {  	[tilespmem:s26], [sflag:$0x4] =	stream.linear.gather [hbm4b:s16+s3], $0x100, $0x38;
	[tilespmem:$0x1C000] =	vst v63  }
0xea: {  	_ =	swait.ge [sflag:s11], $0x100  }
0xeb: {  	[sflag:s11] =	ssyncset.done $0x0  }
0xec: {  	s7 =	simm.s32 $0x80;
	[sflag:s11] =	ssyncadd.s32 $0xFFFFFF00  }
.LBB2_10:
0xed: {  	[tilespmem:s12], [sflag:$0x6] =	stream.indirect.gather [hbm4b:s4+s29], $0x80, s31, s29, $0xb8;
	[tilespmem:$0x1C000] =	vst v63  }
0xee: {  	s8 =	smov.u32 s7  }
0xef: {  	p3 =	sne.s32 s7, $0x900;
	s7 =	sadd.s32 $0x80, s7;
	_ =	swait.ge [sflag:s13], $0x4000  }
0xf0: {  	[sflag:s13] =	ssyncset.done $0x0  }
0xf1: {  	[sflag:s13] =	ssyncadd.s32 $0xFFFFC000  }
0xf2: {  	[spmem:s2] =	stream.indirect.scatter.add.f32 [tilespmem:s3], [sflag:$0x7], $0x80, s14, s29, $0xb8;
	[tilespmem:$0x1C000] =	vst v63  }
0xf3: {  	_ =	swait.ge [sflag:s15], $0x4000  }
0xf4: {  	[sflag:s15] =	ssyncset.done $0x0  }
0xf5: {  	s16 =	sadd.s32 s8, s20;
	[sflag:s15] =	ssyncadd.s32 $0xFFFFC000  }
0xf6: {  	[tilespmem:s10], [sflag:$0x1] =	stream.linear.gather [hbm4b:s16+s3], $0x100, $0x38;
	[tilespmem:$0x1C000] =	vst v63  }
0xf7: {  	_ =	swait.ge [sflag:s21], $0x100  }
0xf8: {  	[sflag:s21] =	ssyncset.done $0x0  }
0xf9: {  	[sflag:s21] =	ssyncadd.s32 $0xFFFFFF00  }
0xfa: {  	[tilespmem:s3], [sflag:$0x5] =	stream.indirect.gather [hbm4b:s4+s29], $0x80, s1, s29, $0xb8;
	[tilespmem:$0x1C000] =	vst v63  }
0xfb: {  	_ =	swait.ge [sflag:s22], $0x4000  }
0xfc: {  	[sflag:s22] =	ssyncset.done $0x0  }
0xfd: {  	[sflag:s22] =	ssyncadd.s32 $0xFFFFC000  }
0xfe: {  	[spmem:s2] =	stream.indirect.scatter.add.f32 [tilespmem:s12], [sflag:$0x8], $0x80, s23, s29, $0xb8;
	[tilespmem:$0x1C000] =	vst v63  }
0xff: {  	_ =	swait.ge [sflag:s30], $0x4000  }
0x100: {  	[sflag:s30] =	ssyncset.done $0x0  }
0x101: {  	s16 =	sadd.s32 s8, s19;
	[sflag:s30] =	ssyncadd.s32 $0xFFFFC000  }
0x102: {  	[tilespmem:s31], [sflag:$0x2] =	stream.linear.gather [hbm4b:s16+s3], $0x100, $0x38;
	[tilespmem:$0x1C000] =	vst v63  }
0x103: {  	_ =	swait.ge [sflag:s0], $0x100  }
0x104: {  	[sflag:s0] =	ssyncset.done $0x0  }
0x105: {  	[sflag:s0] =	ssyncadd.s32 $0xFFFFFF00  }
0x106: {  	[tilespmem:s12], [sflag:$0x6] =	stream.indirect.gather [hbm4b:s4+s29], $0x80, s26, s29, $0xb8;
	[tilespmem:$0x1C000] =	vst v63  }
0x107: {  	_ =	swait.ge [sflag:s13], $0x4000  }
0x108: {  	[sflag:s13] =	ssyncset.done $0x0  }
0x109: {  	[sflag:s13] =	ssyncadd.s32 $0xFFFFC000  }
0x10a: {  	[spmem:s2] =	stream.indirect.scatter.add.f32 [tilespmem:s3], [sflag:$0x7], $0x80, s24, s29, $0xb8;
	[tilespmem:$0x1C000] =	vst v63  }
0x10b: {  	_ =	swait.ge [sflag:s15], $0x4000  }
0x10c: {  	[sflag:s15] =	ssyncset.done $0x0  }
0x10d: {  	s16 =	sadd.s32 s8, s18;
	[sflag:s15] =	ssyncadd.s32 $0xFFFFC000  }
0x10e: {  	[tilespmem:s1], [sflag:$0x3] =	stream.linear.gather [hbm4b:s16+s3], $0x100, $0x38;
	[tilespmem:$0x1C000] =	vst v63  }
0x10f: {  	_ =	swait.ge [sflag:s28], $0x100  }
0x110: {  	[sflag:s28] =	ssyncset.done $0x0  }
0x111: {  	[sflag:s28] =	ssyncadd.s32 $0xFFFFFF00  }
0x112: {  	[tilespmem:s3], [sflag:$0x5] =	stream.indirect.gather [hbm4b:s4+s29], $0x80, s10, s29, $0xb8;
	[tilespmem:$0x1C000] =	vst v63  }
0x113: {  	_ =	swait.ge [sflag:s22], $0x4000  }
0x114: {  	[sflag:s22] =	ssyncset.done $0x0  }
0x115: {  	[sflag:s22] =	ssyncadd.s32 $0xFFFFC000  }
0x116: {  	[spmem:s2] =	stream.indirect.scatter.add.f32 [tilespmem:s12], [sflag:$0x8], $0x80, s25, s29, $0xb8;
	[tilespmem:$0x1C000] =	vst v63  }
0x117: {  	_ =	swait.ge [sflag:s30], $0x4000  }
0x118: {  	[sflag:s30] =	ssyncset.done $0x0  }
.Ltmp6:
0x119: {  	s8 =	sadd.s32 s8, s17;
	[sflag:s30] =	ssyncadd.s32 $0xFFFFC000;
	(pc) =	sbr.rel @p3 .LBB2_10-.Ltmp6, $4  }
0x11a: {  	[tilespmem:s26], [sflag:$0x4] =	stream.linear.gather [hbm4b:s8+s3], $0x100, $0x38;
	[tilespmem:$0x1C000] =	vst v63  }
0x11b: {  	_ =	swait.ge [sflag:s11], $0x100  }
0x11c: {  	[sflag:s11] =	ssyncset.done $0x0  }
0x11d: {  	[sflag:s11] =	ssyncadd.s32 $0xFFFFFF00  }
0x11e: {  	[tilespmem:s12], [sflag:$0x6] =	stream.indirect.gather [hbm4b:s4+s29], $0x80, s31, s29, $0xb8;
	[tilespmem:$0x1C000] =	vst v63  }
0x11f: {  	_ =	swait.ge [sflag:s13], $0x4000  }
0x120: {  	[sflag:s13] =	ssyncset.done $0x0  }
0x121: {  	[sflag:s13] =	ssyncadd.s32 $0xFFFFC000  }
0x122: {  	[spmem:s2] =	stream.indirect.scatter.add.f32 [tilespmem:s3], [sflag:$0x7], $0x80, s14, s29, $0xb8;
	[tilespmem:$0x1C000] =	vst v63  }
0x123: {  	_ =	swait.ge [sflag:s15], $0x4000  }
0x124: {  	[sflag:s15] =	ssyncset.done $0x0  }
0x125: {  	[sflag:s15] =	ssyncadd.s32 $0xFFFFC000  }
0x126: {  	_ =	swait.ge [sflag:s21], $0x100  }
0x127: {  	[sflag:s21] =	ssyncset.done $0x0  }
0x128: {  	[sflag:s21] =	ssyncadd.s32 $0xFFFFFF00  }
0x129: {  	[tilespmem:s3], [sflag:$0x5] =	stream.indirect.gather [hbm4b:s4+s29], $0x80, s1, s29, $0xb8;
	[tilespmem:$0x1C000] =	vst v63  }
0x12a: {  	_ =	swait.ge [sflag:s22], $0x4000  }
0x12b: {  	[sflag:s22] =	ssyncset.done $0x0  }
0x12c: {  	[sflag:s22] =	ssyncadd.s32 $0xFFFFC000  }
0x12d: {  	[spmem:s2] =	stream.indirect.scatter.add.f32 [tilespmem:s12], [sflag:$0x8], $0x80, s23, s29, $0xb8;
	[tilespmem:$0x1C000] =	vst v63  }
0x12e: {  	_ =	swait.ge [sflag:s30], $0x4000  }
0x12f: {  	[sflag:s30] =	ssyncset.done $0x0  }
0x130: {  	[sflag:s30] =	ssyncadd.s32 $0xFFFFC000  }
0x131: {  	_ =	swait.ge [sflag:s0], $0x100  }
0x132: {  	[sflag:s0] =	ssyncset.done $0x0  }
0x133: {  	[sflag:s0] =	ssyncadd.s32 $0xFFFFFF00  }
0x134: {  	[tilespmem:s12], [sflag:$0x6] =	stream.indirect.gather [hbm4b:s4+s29], $0x80, s26, s29, $0xb8;
	[tilespmem:$0x1C000] =	vst v63  }
0x135: {  	_ =	swait.ge [sflag:s13], $0x4000  }
0x136: {  	[sflag:s13] =	ssyncset.done $0x0  }
0x137: {  	[sflag:s13] =	ssyncadd.s32 $0xFFFFC000  }
0x138: {  	[spmem:s2] =	stream.indirect.scatter.add.f32 [tilespmem:s3], [sflag:$0x7], $0x80, s24, s29, $0xb8;
	[tilespmem:$0x1C000] =	vst v63  }
0x139: {  	_ =	swait.ge [sflag:s15], $0x4000  }
0x13a: {  	[sflag:s15] =	ssyncset.done $0x0  }
0x13b: {  	[sflag:s15] =	ssyncadd.s32 $0xFFFFC000  }
0x13c: {  	_ =	swait.ge [sflag:s22], $0x4000  }
0x13d: {  	[sflag:s22] =	ssyncset.done $0x0  }
0x13e: {  	[sflag:s22] =	ssyncadd.s32 $0xFFFFC000  }
0x13f: {  	[spmem:s2] =	stream.indirect.scatter.add.f32 [tilespmem:s12], [sflag:$0x8], $0x80, s25, s29, $0xb8;
	[tilespmem:$0x1C000] =	vst v63  }
0x140: {  	_ =	swait.ge [sflag:s30], $0x4000  }
0x141: {  	[sflag:s30] =	ssyncset.done $0x0  }
0x142: {  	s7 =	stileid.u32;
	[sflag:s30] =	ssyncadd.s32 $0xFFFFC000  }
0x143: {  	s7 =	sshll.u32 s7, $0x6;
	[bflag:$0x0] =	sbarrier.arrive $0xFFFF  }
0x144: {  	s8 =	sshrl.u32 s5, $0x3;
	s7 =	sor.u32 $0x1C09, s7;
	s16 =	rddreg [dreg:$0x11]  }
0x145: {  	[hbm:s16], [sflag:s7] =	dma.local [spmem:s8], $0x2780  }
0x146: {  	_ =	swait.ge [sflag:s9], $0x2780  }
0x147: {  	s6 =	sadd.s32 $0x1, s6;
	s16 =	rddreg [dreg:$0x19]  }
0x148: {  	p3 =	sne.s32 s6, s16  }
.Ltmp7:
0x149: {  	_ = 	snop;
	(pc) =	sbr.rel @p3 .LBB2_1-.Ltmp7, $3  }
0x14a: {  	_ =	sdelay $0x1  }
0x14b: {  	[sflag:s9] =	ssyncset.done $0x0  }
0x14c: {  	[sflag:s9] =	ssyncadd.s32 $0xFFFFD880  }
0x14d: {  	_ =	sfence.sel $0x180000  }
0x14e: {  	[bflag:$0x0] =	sbarrier.arrive $0xFFFF  }
0x14f: {  	_ =	strace $0x9000004D  }
0x150: {  	s0 =	stileid.u32;
	[bflag:$0x2] =	sbarrier.arrive $0xFFFF  }
0x151: {  	p0 =	sne.s32 s0, $0x0;
	s0 =	rddreg [dreg:$0x2]  }
0x152: {  	s0 =	sadd.s32 @!p0 $0x100000, s0  }
0x153: {  	[sflag:s0] =	ssyncadd.tile.s32 @!p0 $0x1;
	_ =	shalt  }
.Lfunc_end2:
_tile_overlayer_lowered:
.L_overlay_start_2:
0x154: {  	(tag) =	ssettag $0x2  }
0x155: {  	s0 =	rddreg [dreg:$0x0];
	s2 =	stileid.u32  }
0x156: {  	s1 =	rddreg [dreg:$0x1];
	p0 =	sne.s32 s2, $0x0  }
0x157: {  	s3 =	rddreg [dreg:$0x2];
	[bflag:$0x3] =	sbarrier.arrive $0xFFFF;
	s2 =	simm.s32 @!p0 $0x1C09  }
0x158: {  	[timem:s3], [sflag:s2] =	dma.local @!p0 [hbm:s0], s1  }
0x159: {  	s0 =	simm.s32 @!p0 $0x9  }
0x15a: {  	_ =	swait.ge @!p0 [sflag:s0], s1  }
0x15b: {  	s1 =	ssub.s32 @!p0 $0x0, s1;
	[sflag:s0] =	ssyncset.done @!p0 $0x0  }
0x15c: {  	[sflag:s0] =	ssyncadd.s32 @!p0 s1  }
0x15d: {  	[bflag:$0x3] =	sbarrier.arrive $0xFFFF  }
0x15e: {  	_ =	shalt  }

// kernel: kernel.19.cloned.1.call-start
scs
__scs_entry_jumppad:
0x0: {  	(pc) =	sbr.rel $0x88, $3  }
0x1: {  	(tag) =	ssettag $0x0;
	lr =	simm.s32 $0x1  }
0x2: {  	[smem:$0x3F98] =	sst lr;
	_ =	strace $0xD0000000  }
0x3: {  	_ = 	snop  }
0x4: {  	_ = 	snop  }
0x5: {  	_ = 	snop  }
0x6: {  	_ = 	snop  }
0x7: {  	_ = 	snop  }
__scs_overlays_trampoline_lowered:
0x8: {  	[smem:$0x3FA7] =	sst s0  }
0x9: {  	[smem:$0x3FA8] =	sst s1  }
0xa: {  	[smem:$0x3FA9] =	sst s2  }
0xb: {  	[smem:$0x3FAA] =	sst s3  }
0xc: {  	[smem:$0x3FAB] =	sst s4  }
0xd: {  	[smem:$0x3FAC] =	sst s5  }
0xe: {  	[smem:$0x3FAD] =	sst s6  }
0xf: {  	[smem:$0x3FAE] =	sst s7  }
0x10: {  	[smem:$0x3FAF] =	sst s8  }
0x11: {  	[smem:$0x3FB0] =	sst s9;
	s0 =	simm.s32 @!p0 $0x0  }
0x12: {  	s1 =	sld [smem:$0x3F96];
	s0 =	simm.s32 @p0 $0x1  }
0x13: {  	[smem:$0x3FB1] =	sst s0;
	s0 =	simm.s32 @!p1 $0x0  }
0x14: {  	s2 =	sld [smem:$0x3F95];
	s0 =	simm.s32 @p1 $0x1  }
0x15: {  	[smem:$0x3FB2] =	sst s0;
	s0 =	simm.s32 @!p2 $0x0  }
0x16: {  	s3 =	sld [smem:$0x3FDB];
	s0 =	simm.s32 @p2 $0x1  }
0x17: {  	s4 =	simm.s32 $0x1BF5;
	[smem:$0x3FB4] =	sst s0  }
0x18: {  	s0 =	sld [smem:$0x3F97];
	_ =	swait.ge [sflag:s4], $0x0  }
0x19: {  	s7 =	sld [smem:$0x3F98]  }
0x1a: {  	s8 =	sadd.s32 $0xFFFFE003, lr  }
0x1b: {  	s9 =	sadd.s32 $0xFFFFFEF7, lr;
	s5 =	simm.s32 $0xFFFFFFFF;
	p2 =	slt.u32 s8, $0xFFFFF086  }
0x1c: {  	p1 =	slt.u32 s9, $0xF7A;
	s5 =	simm.s32 @!p2 $0x0  }
0x1d: {  	s5 =	simm.s32 @p1 $0x1;
	p0 =	seq.s32 s7, s2  }
0x1e: {  	s7 =	smul.u32 @!p0 $0xF7A, s2;
	p2 =	seq.s32 @!p0 s5, $0x0  }
0x1f: {  	s9 =	smul.u32 $0xF7A, s1;
	s8 =	simm.s32 @!p0 $0x1BF5;
	p2 =	por !p2, p0  }
0x20: {  	[sflag:s8] =	ssyncset.s32 @!p0 $0xFFFFF086;
	s6 =	sadd.s32 @!p0 s3, s7;
	s7 =	simm.s32 @!p0 $0x108  }
0x21: {  	s3 =	sadd.s32 s3, s9;
	s6 =	sadd.s32 @!p0 $0x88, s6;
	s7 =	simm.s32 @p2 $0x1082  }
0x22: {  	[simem:s7], [sflag:s8] =	dma.local @!p0 [hbm:s6], $0xF7A  }
0x23: {  	s9 =	sor.u32 $0xD0000000, s2;
	s6 =	simm.s32 $0x108;
	_ =	swait.ge @!p0 [sflag:s8], $0x0  }
0x24: {  	s3 =	sadd.s32 $0x88, s3;
	s6 =	simm.s32 @!p1 $0x1082;
	[sflag:s4] =	ssyncset.s32 $0xFFFFF086  }
0x25: {  	[simem:s6], [sflag:s4] =	dma.local [hbm:s3], $0xF7A  }
0x26: {  	[smem:$0x3F98] =	sst s1;
	(tag) =	ssettag s2;
	_ =	strace s9  }
0x27: {  	s1 =	sld [smem:$0x3FA8]  }
0x28: {  	s2 =	sld [smem:$0x3FA9]  }
0x29: {  	s4 =	sld [smem:$0x3FAB]  }
0x2a: {  	p0 =	seq.s32 s5, $0x0;
	s5 =	sld [smem:$0x3FAC]  }
0x2b: {  	s6 =	sld [smem:$0x3FAD]  }
0x2c: {  	s7 =	sld [smem:$0x3FAE]  }
0x2d: {  	s3 =	simm.s32 $0x108;
	s8 =	sld [smem:$0x3FAF]  }
0x2e: {  	s3 =	simm.s32 @!p0 $0x1082;
	s9 =	sld [smem:$0x3FB0]  }
0x2f: {  	lr =	sadd.s32 s0, s3;
	s0 =	sld [smem:$0x3FA7]  }
0x30: {  	s3 =	sld [smem:$0x3FAA]  }
0x31: {  	[smem:$0x3FB3] =	sst s10  }
0x32: {  	s10 =	sld [smem:$0x3FB1];
	_ =	sdelay $0x3  }
0x33: {  	p0 =	seq.s32 s10, $0x1;
	s10 =	sld [smem:$0x3FB3];
	_ =	sdelay $0x3  }
0x34: {  	[smem:$0x3FB3] =	sst s10  }
0x35: {  	s10 =	sld [smem:$0x3FB2];
	_ =	sdelay $0x3  }
0x36: {  	p1 =	seq.s32 s10, $0x1;
	s10 =	sld [smem:$0x3FB3];
	_ =	sdelay $0x3  }
0x37: {  	[smem:$0x3FB3] =	sst s10  }
0x38: {  	s10 =	sld [smem:$0x3FB4]  }
0x39: {  	_ = 	snop;
	(pc) =	sbr.ind lr, $3  }
0x3a: {  	_ = 	snop  }
0x3b: {  	_ = 	snop  }
0x3c: {  	p2 =	seq.s32 s10, $0x1;
	s10 =	sld [smem:$0x3FB3]  }
0x3d: {  	_ =	shalt  }
0x3e: {  	_ =	shalt  }
0x3f: {  	_ =	shalt  }
0x40: {  	_ =	shalt  }
0x41: {  	_ =	shalt  }
0x42: {  	_ =	shalt  }
0x43: {  	_ =	shalt  }
0x44: {  	_ =	shalt  }
0x45: {  	_ =	shalt  }
0x46: {  	_ =	shalt  }
0x47: {  	_ =	shalt  }
0x48: {  	_ =	shalt  }
0x49: {  	_ =	shalt  }
0x4a: {  	_ =	shalt  }
0x4b: {  	_ =	shalt  }
0x4c: {  	_ =	shalt  }
0x4d: {  	_ =	shalt  }
0x4e: {  	_ =	shalt  }
0x4f: {  	_ =	shalt  }
0x50: {  	_ =	shalt  }
0x51: {  	_ =	shalt  }
0x52: {  	_ =	shalt  }
0x53: {  	_ =	shalt  }
0x54: {  	_ =	shalt  }
0x55: {  	_ =	shalt  }
0x56: {  	_ =	shalt  }
0x57: {  	_ =	shalt  }
0x58: {  	_ =	shalt  }
0x59: {  	_ =	shalt  }
0x5a: {  	_ =	shalt  }
0x5b: {  	_ =	shalt  }
0x5c: {  	_ =	shalt  }
0x5d: {  	_ =	shalt  }
0x5e: {  	_ =	shalt  }
0x5f: {  	_ =	shalt  }
0x60: {  	_ =	shalt  }
0x61: {  	_ =	shalt  }
0x62: {  	_ =	shalt  }
0x63: {  	_ =	shalt  }
0x64: {  	_ =	shalt  }
0x65: {  	_ =	shalt  }
0x66: {  	_ =	shalt  }
0x67: {  	_ =	shalt  }
0x68: {  	_ =	shalt  }
0x69: {  	_ =	shalt  }
0x6a: {  	_ =	shalt  }
0x6b: {  	_ =	shalt  }
0x6c: {  	_ =	shalt  }
0x6d: {  	_ =	shalt  }
0x6e: {  	_ =	shalt  }
0x6f: {  	_ =	shalt  }
0x70: {  	_ =	shalt  }
0x71: {  	_ =	shalt  }
0x72: {  	_ =	shalt  }
0x73: {  	_ =	shalt  }
0x74: {  	_ =	shalt  }
0x75: {  	_ =	shalt  }
0x76: {  	_ =	shalt  }
0x77: {  	_ =	shalt  }
0x78: {  	_ =	shalt  }
0x79: {  	_ =	shalt  }
0x7a: {  	_ =	shalt  }
0x7b: {  	_ =	shalt  }
0x7c: {  	_ =	shalt  }
0x7d: {  	_ =	shalt  }
0x7e: {  	_ =	shalt  }
0x7f: {  	_ =	shalt  }
0x80: {  	_ =	shalt  }
0x81: {  	_ =	shalt  }
0x82: {  	_ =	shalt  }
0x83: {  	_ =	shalt  }
0x84: {  	_ =	shalt  }
0x85: {  	_ =	shalt  }
0x86: {  	_ =	shalt  }
0x87: {  	_ =	shalt  }
.Lfunc_end0:
.L_simem_size_0:
called_computation.3_lowered:
.L_overlay_start_0:
0x88: {  	s2 =	sld [smem:$0x3FD9]  }
0x89: {  	s3 =	sld [smem:$0x3FFE];
	_ =	sdelay $0x1  }
0x8a: {  	s1 =	srdreg.scid  }
0x8b: {  	s0 =	sand.u32 $0x1, s1  }
0x8c: {  	s16 =	sshll.u32 s0, $0xA;
	s2 =	sadd.s32 s3, s2  }
0x8d: {  	s2 =	sadd.s32 s2, s16  }
0x8e: {  	[smem:$0x3FBF] =	sst s2  }
0x8f: {  	_ = 	snop  }
0x90: {  	(tm) =	ssettm $0x1  }
0x91: {  	s17 =	sld [smem:$0x3FFB];
	_ =	sdelay $0x3  }
0x92: {  	_ =	strace s17  }
0x93: {  	s2 =	sld [smem:$0x3FFC];
	_ =	sdelay $0x3  }
0x94: {  	_ =	strace s2  }
0x95: {  	s2 =	sld [smem:$0x3FFD];
	_ =	sdelay $0x3  }
0x96: {  	_ =	strace s2  }
0x97: {  	_ =	strace $0x8FFFFFFF  }
0x98: {  	s18 =	sld [smem:$0x3FDB];
	_ =	sdelay $0x1  }
0x99: {  	s19 =	simm.s32 $_scs_section_size  }
0x9a: {  	s4 =	simm.s32 $_size__tile_overlayer_lowered;
	s5 =	simm.s32 $_tile_overlayer_lowered  }
0x9b: {  	s22 =	simm.s32 $0x1BFF;
	s21 =	sshll.u32 s5, $0x1;
	s2 =	sadd.s32 s19, s18  }
0x9c: {  	s6 =	simm.s32 $0x0;
	s20 =	sshll.u32 s4, $0x1;
	s4 =	sadd.s32 s21, s2  }
0x9d: {  	[timem:s6], [sflag:s22] =	dma.local [hbm:s4], s20  }
0x9e: {  	_ =	swait.ge [sflag:s22], s20  }
0x9f: {  	s3 =	ssub.s32 $0x0, s20;
	[sflag:s22] =	ssyncset.done $0x0  }
0xa0: {  	[sflag:s22] =	ssyncadd.s32 s3;
	_ =	sdelay $0x1  }
0xa1: {  	s23 =	simm.s32 $0x1B8B  }
0xa2: {  	_ =	swait.ge [sflag:s23], $0x1  }
0xa3: {  	[sflag:s23] =	ssyncset.done $0x0  }
0xa4: {  	s25 =	simm.s32 $0x1B8E;
	s24 =	sld [smem:$0x3FFE];
	[sflag:s23] =	ssyncadd.s32 $0xFFFFFFFF  }
0xa5: {  	s26 =	simm.s32 $execute0_lowered;
	[smem:$0x3FD2] =	sst s25  }
0xa6: {  	s4 =	sshll.u32 s26, $0x1;
	_ =	strace $0x8000004F;
	[dreg:$0x1] =	wrdreg $0xFFFFFFFF  }
0xa7: {  	s28 =	simm.s32 $_size_execute0_lowered;
	s2 =	sadd.s32 s2, s4;
	[dreg:$0x0] =	wrdreg $0x0  }
0xa8: {  	s4 =	sshll.u32 s28, $0x1;
	[dreg:$0x2] =	wrdreg s2  }
0xa9: {  	[dreg:$0x3] =	wrdreg s4  }
0xaa: {  	[dreg:$0x4] =	wrdreg $0xC0  }
0xab: {  	_ =	task [dreg:s6], $0x5FFFF  }
0xac: {  	[dreg:$0x1] =	wrdreg $0xFFFFFFFF  }
0xad: {  	[dreg:$0x0] =	wrdreg $0x60  }
0xae: {  	[dreg:$0x2] =	wrdreg s24  }
0xaf: {  	[dreg:$0x3] =	wrdreg $0x84000  }
0xb0: {  	[dreg:$0x4] =	wrdreg $0x9  }
0xb1: {  	_ =	task.clear_ibuf [dreg:s6], $0x5FFFF;
	_ =	strace $0x9000004F  }
0xb2: {  	s29 =	simm.s32 $0x9;
	_ =	strace $0x80000051  }
0xb3: {  	_ =	swait.ge [sflag:s29], $0x1  }
0xb4: {  	[sflag:s29] =	ssyncadd.s32 $0xFFFFFFFF  }
0xb5: {  	_ =	strace $0x90000051  }
0xb6: {  	_ =	sfence  }
0xb7: {  	s30 =	sld [smem:$0x0];
	_ =	sdelay $0x2  }
0xb8: {  	s31 =	sshll.u32 s1, $0xD;
	s1 =	sshrl.u32 s1, $0x2  }
0xb9: {  	s3 =	sand.u32 $0x4000, s31;
	s1 =	sadd.s32 s1, s30  }
0xba: {  	s0 =	sor.u32 s3, s0;
	s1 =	sshll.u32 s1, $0x11  }
0xbb: {  	s0 =	sor.u32 s1, s0  }
0xbc: {  	s0 =	sadd.s32 $0x8F2B, s0  }
0xbd: {  	[sflag:s0] =	ssyncadd.remote.s32 $0x1  }
0xbe: {  	_ =	sfence.sel $0xFFFF  }
0xbf: {  	[dreg:$0x0] =	wrdreg $0xFFFFFFFF;
	(pc) =	sbr.abs _section_cstart, $3  }
0xc0: {  	[dreg:$0x1] =	wrdreg $0xFFFFFFFF  }
0xc1: {  	_ =	task.clear_ibuf [dreg:s6], $0x2FFFF;
	_ =	strace $0x9FFFFFFF  }
0xc2: {  	(tm) =	ssettm $0x7FFFFFFF  }
0xc3: {  	_ =	shalt  }
tec
execute0_lowered:
.L_overlay_start_1:
0x0: {  	(tag) =	ssettag $0x1  }
0x1: {  	s1 =	rddreg [dreg:$0x0];
	s0 =	srdreg.scid  }
0x2: {  	s13 =	stileid.u32;
	s2 =	rddreg [dreg:$0x1];
	s3 =	simm.s32 $0x0  }
0x3: {  	s31 =	simm.s32 $0x8100;
	s28 =	simm.s32 $0x1;
	s29 =	simm.s32 $0x80  }
0x4: {  	s30 =	simm.s32 $0x8;
	s6 =	sand.u32 $0x1, s0;
	s7 =	smul.u32 $0x278, s13  }
0x5: {  	[smem:$0x7FF] =	sst s3;
	s8 =	sadd.s32 $0x4000, s1;
	s4 =	sadd.s32 $0x67000, s1  }
0x6: {  	s23 =	smul.u32 $0x4F000, s13;
	p1 =	sne.s32 s13, $0xF;
	p2 =	seq.s32 s13, $0xF  }
0x7: {  	s11 =	sadd.s32 $0x8C080, s1;
	s24 =	sadd.s32 $0x8C880, s1;
	s25 =	smul.u32 $0x2780, s13  }
0x8: {  	s12 =	sadd.s32 $0x8D080, s1;
	_ =	strace $0x80000050;
	[dreg:$0x3] =	wrdreg s11  }
0x9: {  	s26 =	sadd.s32 $0x8D880, s1;
	s0 =	smul.u32 $0x2780, s6;
	[dreg:$0x4] =	wrdreg s24  }
0xa: {  	s5 =	ssub.s32 $0x2, s6;
	s10 =	sshll.u32 s6, $0x4;
	[dreg:$0x5] =	wrdreg s12  }
0xb: {  	p0 =	seq.s32 s6, $0x0;
	[dreg:$0x6] =	wrdreg s26;
	s6 =	smul.u32 $0x28000, s6  }
0xc: {  	s22 =	sshrl.u32 s5, $0x1;
	s10 =	sor.u32 s13, s10;
	p1 =	por !p0, !p1  }
0xd: {  	p2 =	por !p0, !p2;
	s11 =	sadd.s32 s4, s25;
	s12 =	sadd.s32 $0x80, s7  }
0xe: {  	s15 =	sadd.s32 $0x100, s7;
	s13 =	smul.u32 $0x2800, s13;
	s21 =	sadd.s32 $0x180, s7  }
0xf: {  	s0 =	sadd.s32 s7, s0;
	p1 =	por !p1, !p1;
	p2 =	por !p2, !p2  }
0x10: {  	[dreg:$0x8] =	wrdreg s11;
	s14 =	sshll.u32 s12, $0x4;
	s16 =	sshll.u32 s15, $0x4  }
0x11: {  	s19 =	sshll.u32 s15, $0x7;
	s10 =	smul.u32 $0xA00, s10;
	s7 =	sadd.s32 $0x200, s7  }
0x12: {  	s24 =	sshll.u32 s21, $0x4;
	s15 =	sadd.s32 $0x128400, s2;
	s0 =	sshll.u32 s0, $0x4  }
0x13: {  	s11 =	sadd.s32 s4, s14;
	s17 =	sadd.s32 s4, s16;
	s18 =	sadd.s32 s13, s6  }
0x14: {  	s6 =	sadd.s32 s19, s2;
	s25 =	sshll.u32 s7, $0x4;
	[dreg:$0x17] =	wrdreg s15  }
0x15: {  	s16 =	sadd.s32 $0x12C400, s2;
	s15 =	simm.s32 $0x7;
	s9 =	sadd.s32 s0, s1  }
0x16: {  	s0 =	ssub.s32 s5, s22;
	s5 =	sshrl.u32 s23, $0x2;
	[dreg:$0x9] =	wrdreg s11  }
0x17: {  	s1 =	sadd.s32 $0x8E080, s1;
	[dreg:$0xb] =	wrdreg s17;
	s20 =	sor.u32 $0x380, s18  }
0x18: {  	[dreg:$0xc] =	wrdreg s6;
	s22 =	sor.u32 $0x300, s18;
	s23 =	sor.u32 $0x280, s18  }
0x19: {  	s6 =	sshll.u32 s21, $0x7;
	[dreg:$0x18] =	wrdreg s16;
	s21 =	sadd.s32 $0x130400, s2  }
0x1a: {  	s5 =	sadd.s32 s5, s2;
	[dreg:$0x7] =	wrdreg s1;
	s1 =	sshll.u32 s12, $0x7  }
0x1b: {  	s11 =	sshrl.u32 s20, $0x2;
	s26 =	sadd.s32 s6, s2;
	[dreg:$0x1a] =	wrdreg s21  }
0x1c: {  	s12 =	sadd.s32 s8, s10;
	s6 =	sadd.s32 s4, s25;
	[dreg:$0xf] =	wrdreg s26  }
0x1d: {  	s10 =	sshrl.u32 s22, $0x2;
	s9 =	sadd.s32 $0x8E200, s9;
	[dreg:$0x10] =	wrdreg s6  }
0x1e: {  	s0 =	smax.u32 s0, $0x1;
	s22 =	sadd.s32 $0x134400, s2;
	[dreg:$0x11] =	wrdreg s9  }
0x1f: {  	s21 =	simm.s32 $0x3;
	s1 =	sadd.s32 s1, s2;
	[dreg:$0x19] =	wrdreg s0  }
0x20: {  	s17 =	sadd.s32 s11, s8;
	s11 =	sshrl.u32 s23, $0x2;
	[dreg:$0x1b] =	wrdreg s22  }
0x21: {  	s13 =	sadd.s32 $0xC000, s5;
	s14 =	sadd.s32 $0x10000, s5;
	[dreg:$0xd] =	wrdreg s12  }
0x22: {  	s23 =	sadd.s32 $0x138400, s2;
	s25 =	sadd.s32 $0x40, s12;
	[dreg:$0xa] =	wrdreg s1  }
0x23: {  	s26 =	sadd.s32 $0x60, s12;
	s9 =	simm.s32 $0x9;
	[dreg:$0x14] =	wrdreg s13  }
0x24: {  	s22 =	simm.s32 $0x6;
	s0 =	simm.s32 $0x4;
	[dreg:$0x15] =	wrdreg s14  }
0x25: {  	s6 =	simm.s32 $0x0;
	s1 =	sor.u32 $0x200, s18;
	[dreg:$0x1c] =	wrdreg s23  }
0x26: {  	s18 =	sadd.s32 s10, s8;
	s19 =	sadd.s32 s11, s8;
	[dreg:$0x1e] =	wrdreg s25  }
0x27: {  	s10 =	sadd.s32 $0x4000, s5;
	s11 =	sadd.s32 $0x8000, s5;
	[dreg:$0x1f] =	wrdreg s26  }
0x28: {  	s26 =	simm.s32 $0x8300;
	s13 =	simm.s32 $0x5;
	s14 =	simm.s32 $0x8080  }
0x29: {  	s23 =	simm.s32 $0x8180;
	s25 =	simm.s32 $0x8380;
	[dreg:$0x12] =	wrdreg s10  }
0x2a: {  	s1 =	sshrl.u32 s1, $0x2;
	[dreg:$0x13] =	wrdreg s11;
	s10 =	simm.s32 $0x8000  }
0x2b: {  	s11 =	simm.s32 $0x2;
	s20 =	sadd.s32 s1, s8;
	s1 =	sadd.s32 s4, s24  }
0x2c: {  	s8 =	sshll.u32 s7, $0x7;
	s24 =	sadd.s32 $0x20, s12;
	[dreg:$0xe] =	wrdreg s1  }
0x2d: {  	s12 =	simm.s32 $0x4000;
	s1 =	sadd.s32 s8, s2;
	[dreg:$0x1d] =	wrdreg s24  }
0x2e: {  	v0 =	vimm.f32 $0.0e+00;
	s24 =	simm.s32 $0x8280;
	[dreg:$0x16] =	wrdreg s1;
	s1 =	simm.s32 $0x8200  }
.LBB2_1:
.Ltmp0:
0x2f: {  	(pc) =	sbr.rel @!p1 .LBB2_3-.Ltmp0, $1  }
0x30: {  	_ =	sdelay $0x3  }
0x31: {  	s7 =	rddreg [dreg:$0x8]  }
0x32: {  	[tilespmem:s3], [sflag:$0x9] =	stream.linear.gather [hbm4b:s7+s3], $0x4000, $0x38;
	[tilespmem:$0x1C000] =	vst v63  }
0x33: {  	_ =	swait.ge [sflag:s9], $0x4000  }
0x34: {  	[sflag:s9] =	ssyncset.done $0x0  }
0x35: {  	[sflag:s9] =	ssyncadd.s32 $0xFFFFC000  }
0x36: {  	[spmem:s5] =	stream.linear.scatter [tilespmem:s3], [sflag:$0x9], $0x4000, $0x38;
	[tilespmem:$0x1C000] =	vst v63  }
0x37: {  	_ =	swait.ge [sflag:s9], $0x4000  }
0x38: {  	[sflag:s9] =	ssyncset.done $0x0  }
0x39: {  	s8 =	rddreg [dreg:$0x9];
	[sflag:s9] =	ssyncadd.s32 $0xFFFFC000  }
0x3a: {  	[tilespmem:s3], [sflag:$0x9] =	stream.linear.gather [hbm4b:s8+s3], $0x4000, $0x38;
	[tilespmem:$0x1C000] =	vst v63  }
0x3b: {  	_ =	swait.ge [sflag:s9], $0x4000  }
0x3c: {  	[sflag:s9] =	ssyncset.done $0x0  }
0x3d: {  	s16 =	rddreg [dreg:$0xa];
	[sflag:s9] =	ssyncadd.s32 $0xFFFFC000  }
0x3e: {  	[spmem:s16] =	stream.linear.scatter [tilespmem:s3], [sflag:$0x9], $0x4000, $0x38;
	[tilespmem:$0x1C000] =	vst v63  }
0x3f: {  	_ =	swait.ge [sflag:s9], $0x4000  }
0x40: {  	[sflag:s9] =	ssyncset.done $0x0  }
0x41: {  	s8 =	rddreg [dreg:$0xb];
	[sflag:s9] =	ssyncadd.s32 $0xFFFFC000  }
0x42: {  	[tilespmem:s3], [sflag:$0x9] =	stream.linear.gather [hbm4b:s8+s3], $0x4000, $0x38;
	[tilespmem:$0x1C000] =	vst v63  }
0x43: {  	_ =	swait.ge [sflag:s9], $0x4000  }
0x44: {  	[sflag:s9] =	ssyncset.done $0x0  }
0x45: {  	s16 =	rddreg [dreg:$0xc];
	[sflag:s9] =	ssyncadd.s32 $0xFFFFC000  }
0x46: {  	[spmem:s16] =	stream.linear.scatter [tilespmem:s3], [sflag:$0x9], $0x4000, $0x38;
	[tilespmem:$0x1C000] =	vst v63  }
0x47: {  	_ =	swait.ge [sflag:s9], $0x4000  }
0x48: {  	[sflag:s9] =	ssyncset.done $0x0  }
0x49: {  	s8 =	rddreg [dreg:$0xe];
	[sflag:s9] =	ssyncadd.s32 $0xFFFFC000  }
0x4a: {  	[tilespmem:s3], [sflag:$0x9] =	stream.linear.gather [hbm4b:s8+s3], $0x4000, $0x38;
	[tilespmem:$0x1C000] =	vst v63  }
0x4b: {  	_ =	swait.ge [sflag:s9], $0x4000  }
0x4c: {  	[sflag:s9] =	ssyncset.done $0x0  }
0x4d: {  	s16 =	rddreg [dreg:$0xf];
	[sflag:s9] =	ssyncadd.s32 $0xFFFFC000  }
0x4e: {  	[spmem:s16] =	stream.linear.scatter [tilespmem:s3], [sflag:$0x9], $0x4000, $0x38;
	[tilespmem:$0x1C000] =	vst v63  }
0x4f: {  	_ =	swait.ge [sflag:s9], $0x4000  }
0x50: {  	[sflag:s9] =	ssyncset.done $0x0  }
0x51: {  	s8 =	rddreg [dreg:$0x10];
	[sflag:s9] =	ssyncadd.s32 $0xFFFFC000  }
0x52: {  	[tilespmem:s3], [sflag:$0x9] =	stream.linear.gather [hbm4b:s8+s3], $0x3C00, $0x38;
	[tilespmem:$0x1C000] =	vst v63  }
0x53: {  	_ =	swait.ge [sflag:s9], $0x3C00  }
0x54: {  	[sflag:s9] =	ssyncset.done $0x0  }
.Ltmp1:
0x55: {  	s16 =	rddreg [dreg:$0x16];
	[sflag:s9] =	ssyncadd.s32 $0xFFFFC400;
	(pc) =	sbr.rel .LBB2_9-.Ltmp1, $4  }
0x56: {  	[spmem:s16] =	stream.linear.scatter [tilespmem:s3], [sflag:$0x9], $0x3C00, $0x38;
	[tilespmem:$0x1C000] =	vst v63  }
0x57: {  	_ =	swait.ge [sflag:s9], $0x3C00  }
0x58: {  	[sflag:s9] =	ssyncset.done $0x0  }
0x59: {  	[sflag:s9] =	ssyncadd.s32 $0xFFFFC400  }
.LBB2_3:
.Ltmp2:
0x5a: {  	(pc) =	sbr.rel @!p2 .LBB2_5-.Ltmp2, $1  }
0x5b: {  	_ =	sdelay $0x3  }
0x5c: {  	s7 =	rddreg [dreg:$0x3]  }
0x5d: {  	[tilespmem:s3], [sflag:$0x9] =	stream.linear.gather [hbm4b:s7+s3], $0x4000, $0x38;
	[tilespmem:$0x1C000] =	vst v63  }
0x5e: {  	_ =	swait.ge [sflag:s9], $0x4000  }
0x5f: {  	[sflag:s9] =	ssyncset.done $0x0  }
0x60: {  	s16 =	rddreg [dreg:$0x17];
	[sflag:s9] =	ssyncadd.s32 $0xFFFFC000  }
0x61: {  	[spmem:s16] =	stream.linear.scatter [tilespmem:s3], [sflag:$0x9], $0x4000, $0x38;
	[tilespmem:$0x1C000] =	vst v63  }
0x62: {  	_ =	swait.ge [sflag:s9], $0x4000  }
0x63: {  	[sflag:s9] =	ssyncset.done $0x0  }
0x64: {  	s8 =	rddreg [dreg:$0x4];
	[sflag:s9] =	ssyncadd.s32 $0xFFFFC000  }
0x65: {  	[tilespmem:s3], [sflag:$0x9] =	stream.linear.gather [hbm4b:s8+s3], $0x4000, $0x38;
	[tilespmem:$0x1C000] =	vst v63  }
0x66: {  	_ =	swait.ge [sflag:s9], $0x4000  }
0x67: {  	[sflag:s9] =	ssyncset.done $0x0  }
0x68: {  	s16 =	rddreg [dreg:$0x18];
	[sflag:s9] =	ssyncadd.s32 $0xFFFFC000  }
0x69: {  	[spmem:s16] =	stream.linear.scatter [tilespmem:s3], [sflag:$0x9], $0x4000, $0x38;
	[tilespmem:$0x1C000] =	vst v63  }
0x6a: {  	_ =	swait.ge [sflag:s9], $0x4000  }
0x6b: {  	[sflag:s9] =	ssyncset.done $0x0  }
0x6c: {  	s8 =	rddreg [dreg:$0x5];
	[sflag:s9] =	ssyncadd.s32 $0xFFFFC000  }
0x6d: {  	[tilespmem:s3], [sflag:$0x9] =	stream.linear.gather [hbm4b:s8+s3], $0x4000, $0x38;
	[tilespmem:$0x1C000] =	vst v63  }
0x6e: {  	_ =	swait.ge [sflag:s9], $0x4000  }
0x6f: {  	[sflag:s9] =	ssyncset.done $0x0  }
0x70: {  	s16 =	rddreg [dreg:$0x1a];
	[sflag:s9] =	ssyncadd.s32 $0xFFFFC000  }
0x71: {  	[spmem:s16] =	stream.linear.scatter [tilespmem:s3], [sflag:$0x9], $0x4000, $0x38;
	[tilespmem:$0x1C000] =	vst v63  }
0x72: {  	_ =	swait.ge [sflag:s9], $0x4000  }
0x73: {  	[sflag:s9] =	ssyncset.done $0x0  }
0x74: {  	s8 =	rddreg [dreg:$0x6];
	[sflag:s9] =	ssyncadd.s32 $0xFFFFC000  }
0x75: {  	[tilespmem:s3], [sflag:$0x9] =	stream.linear.gather [hbm4b:s8+s3], $0x4000, $0x38;
	[tilespmem:$0x1C000] =	vst v63  }
0x76: {  	_ =	swait.ge [sflag:s9], $0x4000  }
0x77: {  	[sflag:s9] =	ssyncset.done $0x0  }
0x78: {  	s16 =	rddreg [dreg:$0x1b];
	[sflag:s9] =	ssyncadd.s32 $0xFFFFC000  }
0x79: {  	[spmem:s16] =	stream.linear.scatter [tilespmem:s3], [sflag:$0x9], $0x4000, $0x38;
	[tilespmem:$0x1C000] =	vst v63  }
0x7a: {  	_ =	swait.ge [sflag:s9], $0x4000  }
0x7b: {  	[sflag:s9] =	ssyncset.done $0x0  }
0x7c: {  	s8 =	rddreg [dreg:$0x7];
	[sflag:s9] =	ssyncadd.s32 $0xFFFFC000  }
0x7d: {  	[tilespmem:s3], [sflag:$0x9] =	stream.linear.gather [hbm4b:s8+s3], $0x400, $0x38;
	[tilespmem:$0x1C000] =	vst v63  }
0x7e: {  	_ =	swait.ge [sflag:s9], $0x400  }
0x7f: {  	[sflag:s9] =	ssyncset.done $0x0  }
.Ltmp3:
0x80: {  	s16 =	rddreg [dreg:$0x1c];
	[sflag:s9] =	ssyncadd.s32 $0xFFFFFC00;
	(pc) =	sbr.rel .LBB2_9-.Ltmp3, $4  }
0x81: {  	[spmem:s16] =	stream.linear.scatter [tilespmem:s3], [sflag:$0x9], $0x400, $0x38;
	[tilespmem:$0x1C000] =	vst v63  }
0x82: {  	_ =	swait.ge [sflag:s9], $0x400  }
0x83: {  	[sflag:s9] =	ssyncset.done $0x0  }
0x84: {  	[sflag:s9] =	ssyncadd.s32 $0xFFFFFC00  }
.LBB2_5:
.Ltmp4:
0x85: {  	(pc) =	sbr.rel @p0 .LBB2_9-.Ltmp4, $2  }
0x86: {  	_ =	sdelay $0x2  }
0x87: {  	s8 =	simm.s32 $0x0  }
0x88: {  	s7 =	sshra.s32 s8, $0x2;
	s8 =	sadd.s32 $0x200, s8  }
.LBB2_7:
0x89: {  	p3 =	sne.s32 s8, $0xFE00;
	[tilespmem:s7+$0x70] =	vst v0  }
0x8a: {  	[tilespmem:s7+$0x0] =	vst v0  }
0x8b: {  	[tilespmem:s7+$0x10] =	vst v0  }
.Ltmp5:
0x8c: {  	[tilespmem:s7+$0x20] =	vst v0;
	(pc) =	sbr.rel @p3 .LBB2_7-.Ltmp5, $4  }
0x8d: {  	[tilespmem:s7+$0x30] =	vst v0  }
0x8e: {  	[tilespmem:s7+$0x40] =	vst v0  }
0x8f: {  	[tilespmem:s7+$0x50] =	vst v0  }
0x90: {  	[tilespmem:s7+$0x60] =	vst v0;
	s7 =	sshra.s32 s8, $0x2;
	s8 =	sadd.s32 $0x200, s8  }
0x91: {  	[tilespmem:s7+$0x70] =	vst v0  }
0x92: {  	[tilespmem:s7+$0x0] =	vst v0  }
0x93: {  	[tilespmem:s7+$0x10] =	vst v0  }
0x94: {  	[tilespmem:s7+$0x20] =	vst v0  }
0x95: {  	[tilespmem:s7+$0x30] =	vst v0  }
0x96: {  	[tilespmem:s7+$0x40] =	vst v0  }
0x97: {  	[tilespmem:s7+$0x50] =	vst v0  }
0x98: {  	[tilespmem:s7+$0x60] =	vst v0  }
0x99: {  	[spmem:s5] =	stream.linear.scatter [tilespmem:s3], [sflag:$0x9], $0x4000, $0x38;
	[tilespmem:$0x1C000] =	vst v63  }
0x9a: {  	_ =	swait.ge [sflag:s9], $0x4000  }
0x9b: {  	[sflag:s9] =	ssyncset.done $0x0  }
0x9c: {  	s8 =	rddreg [dreg:$0x12];
	[sflag:s9] =	ssyncadd.s32 $0xFFFFC000  }
0x9d: {  	[spmem:s8] =	stream.linear.scatter [tilespmem:s3], [sflag:$0x9], $0x4000, $0x38;
	[tilespmem:$0x1C000] =	vst v63  }
0x9e: {  	_ =	swait.ge [sflag:s9], $0x4000  }
0x9f: {  	[sflag:s9] =	ssyncset.done $0x0  }
0xa0: {  	s16 =	rddreg [dreg:$0x13];
	[sflag:s9] =	ssyncadd.s32 $0xFFFFC000  }
0xa1: {  	[spmem:s16] =	stream.linear.scatter [tilespmem:s3], [sflag:$0x9], $0x4000, $0x38;
	[tilespmem:$0x1C000] =	vst v63  }
0xa2: {  	_ =	swait.ge [sflag:s9], $0x4000  }
0xa3: {  	[sflag:s9] =	ssyncset.done $0x0  }
0xa4: {  	s8 =	rddreg [dreg:$0x14];
	[sflag:s9] =	ssyncadd.s32 $0xFFFFC000  }
0xa5: {  	[spmem:s8] =	stream.linear.scatter [tilespmem:s3], [sflag:$0x9], $0x4000, $0x38;
	[tilespmem:$0x1C000] =	vst v63  }
0xa6: {  	_ =	swait.ge [sflag:s9], $0x4000  }
0xa7: {  	[sflag:s9] =	ssyncset.done $0x0  }
0xa8: {  	s16 =	rddreg [dreg:$0x15];
	[sflag:s9] =	ssyncadd.s32 $0xFFFFC000  }
0xa9: {  	[spmem:s16] =	stream.linear.scatter [tilespmem:s3], [sflag:$0x9], $0x3C00, $0x38;
	[tilespmem:$0x1C000] =	vst v63  }
0xaa: {  	_ =	swait.ge [sflag:s9], $0x3C00  }
0xab: {  	[sflag:s9] =	ssyncset.done $0x0  }
0xac: {  	[sflag:s9] =	ssyncadd.s32 $0xFFFFC400  }
.LBB2_9:
0xad: {  	[bflag:$0x0] =	sbarrier.arrive $0xFFFF  }
0xae: {  	s7 =	simm.s32 $0x0;
	s8 =	rddreg [dreg:$0xd]  }
0xaf: {  	[tilespmem:s10], [sflag:$0x1] =	stream.linear.gather [hbm4b:s8+s7], $0x100, $0x38;
	[tilespmem:$0x1C000] =	vst v63  }
0xb0: {  	s16 =	rddreg [dreg:$0x1d]  }
0xb1: {  	[tilespmem:s31], [sflag:$0x2] =	stream.linear.gather [hbm4b:s16+s7], $0x100, $0x38;
	[tilespmem:$0x1C000] =	vst v63  }
0xb2: {  	s16 =	rddreg [dreg:$0x1e]  }
0xb3: {  	[tilespmem:s1], [sflag:$0x3] =	stream.linear.gather [hbm4b:s16+s7], $0x100, $0x38;
	[tilespmem:$0x1C000] =	vst v63  }
0xb4: {  	s16 =	rddreg [dreg:$0x1f]  }
0xb5: {  	[tilespmem:s26], [sflag:$0x4] =	stream.linear.gather [hbm4b:s16+s7], $0x100, $0x38;
	[tilespmem:$0x1C000] =	vst v63  }
0xb6: {  	_ =	swait.ge [sflag:s28], $0x100  }
0xb7: {  	[sflag:s28] =	ssyncset.done $0x0  }
0xb8: {  	[sflag:s28] =	ssyncadd.s32 $0xFFFFFF00  }
0xb9: {  	[tilespmem:s7], [sflag:$0x5] =	stream.indirect.gather [hbm4b:s4+s29], $0x80, s10, s29, $0xb8;
	[tilespmem:$0x1C000] =	vst v63  }
0xba: {  	_ =	swait.ge [sflag:s11], $0x100  }
0xbb: {  	[sflag:s11] =	ssyncset.done $0x0  }
0xbc: {  	[sflag:s11] =	ssyncadd.s32 $0xFFFFFF00  }
0xbd: {  	[tilespmem:s12], [sflag:$0x6] =	stream.indirect.gather [hbm4b:s4+s29], $0x80, s31, s29, $0xb8;
	[tilespmem:$0x1C000] =	vst v63  }
0xbe: {  	_ =	swait.ge [sflag:s13], $0x4000  }
0xbf: {  	[sflag:s13] =	ssyncset.done $0x0  }
0xc0: {  	[sflag:s13] =	ssyncadd.s32 $0xFFFFC000  }
0xc1: {  	[spmem:s2] =	stream.indirect.scatter.add.f32 [tilespmem:s3], [sflag:$0x7], $0x80, s14, s29, $0xb8;
	[tilespmem:$0x1C000] =	vst v63  }
0xc2: {  	_ =	swait.ge [sflag:s15], $0x4000  }
0xc3: {  	[sflag:s15] =	ssyncset.done $0x0  }
0xc4: {  	s8 =	sadd.s32 $0x0, s20;
	[sflag:s15] =	ssyncadd.s32 $0xFFFFC000  }
0xc5: {  	[tilespmem:s10], [sflag:$0x1] =	stream.linear.gather [hbm4b:s8+s3], $0x100, $0x38;
	[tilespmem:$0x1C000] =	vst v63  }
0xc6: {  	_ =	swait.ge [sflag:s21], $0x100  }
0xc7: {  	[sflag:s21] =	ssyncset.done $0x0  }
0xc8: {  	[sflag:s21] =	ssyncadd.s32 $0xFFFFFF00  }
0xc9: {  	[tilespmem:s3], [sflag:$0x5] =	stream.indirect.gather [hbm4b:s4+s29], $0x80, s1, s29, $0xb8;
	[tilespmem:$0x1C000] =	vst v63  }
0xca: {  	_ =	swait.ge [sflag:s22], $0x4000  }
0xcb: {  	[sflag:s22] =	ssyncset.done $0x0  }
0xcc: {  	[sflag:s22] =	ssyncadd.s32 $0xFFFFC000  }
0xcd: {  	[spmem:s2] =	stream.indirect.scatter.add.f32 [tilespmem:s12], [sflag:$0x8], $0x80, s23, s29, $0xb8;
	[tilespmem:$0x1C000] =	vst v63  }
0xce: {  	_ =	swait.ge [sflag:s30], $0x4000  }
0xcf: {  	[sflag:s30] =	ssyncset.done $0x0  }
0xd0: {  	s16 =	sadd.s32 $0x0, s19;
	[sflag:s30] =	ssyncadd.s32 $0xFFFFC000  }
0xd1: {  	[tilespmem:s31], [sflag:$0x2] =	stream.linear.gather [hbm4b:s16+s3], $0x100, $0x38;
	[tilespmem:$0x1C000] =	vst v63  }
0xd2: {  	_ =	swait.ge [sflag:s0], $0x100  }
0xd3: {  	[sflag:s0] =	ssyncset.done $0x0  }
0xd4: {  	[sflag:s0] =	ssyncadd.s32 $0xFFFFFF00  }
0xd5: {  	[tilespmem:s12], [sflag:$0x6] =	stream.indirect.gather [hbm4b:s4+s29], $0x80, s26, s29, $0xb8;
	[tilespmem:$0x1C000] =	vst v63  }
0xd6: {  	_ =	swait.ge [sflag:s13], $0x4000  }
0xd7: {  	[sflag:s13] =	ssyncset.done $0x0  }
0xd8: {  	[sflag:s13] =	ssyncadd.s32 $0xFFFFC000  }
0xd9: {  	[spmem:s2] =	stream.indirect.scatter.add.f32 [tilespmem:s3], [sflag:$0x7], $0x80, s24, s29, $0xb8;
	[tilespmem:$0x1C000] =	vst v63  }
0xda: {  	_ =	swait.ge [sflag:s15], $0x4000  }
0xdb: {  	[sflag:s15] =	ssyncset.done $0x0  }
0xdc: {  	s8 =	sadd.s32 $0x0, s18;
	[sflag:s15] =	ssyncadd.s32 $0xFFFFC000  }
0xdd: {  	[tilespmem:s1], [sflag:$0x3] =	stream.linear.gather [hbm4b:s8+s3], $0x100, $0x38;
	[tilespmem:$0x1C000] =	vst v63  }
0xde: {  	_ =	swait.ge [sflag:s28], $0x100  }
0xdf: {  	[sflag:s28] =	ssyncset.done $0x0  }
0xe0: {  	[sflag:s28] =	ssyncadd.s32 $0xFFFFFF00  }
0xe1: {  	[tilespmem:s3], [sflag:$0x5] =	stream.indirect.gather [hbm4b:s4+s29], $0x80, s10, s29, $0xb8;
	[tilespmem:$0x1C000] =	vst v63  }
0xe2: {  	_ =	swait.ge [sflag:s22], $0x4000  }
0xe3: {  	[sflag:s22] =	ssyncset.done $0x0  }
0xe4: {  	[sflag:s22] =	ssyncadd.s32 $0xFFFFC000  }
0xe5: {  	[spmem:s2] =	stream.indirect.scatter.add.f32 [tilespmem:s12], [sflag:$0x8], $0x80, s25, s29, $0xb8;
	[tilespmem:$0x1C000] =	vst v63  }
0xe6: {  	_ =	swait.ge [sflag:s30], $0x4000  }
0xe7: {  	[sflag:s30] =	ssyncset.done $0x0  }
0xe8: {  	s16 =	sadd.s32 $0x0, s17;
	[sflag:s30] =	ssyncadd.s32 $0xFFFFC000  }
0xe9: {  	[tilespmem:s26], [sflag:$0x4] =	stream.linear.gather [hbm4b:s16+s3], $0x100, $0x38;
	[tilespmem:$0x1C000] =	vst v63  }
0xea: {  	_ =	swait.ge [sflag:s11], $0x100  }
0xeb: {  	[sflag:s11] =	ssyncset.done $0x0  }
0xec: {  	s7 =	simm.s32 $0x80;
	[sflag:s11] =	ssyncadd.s32 $0xFFFFFF00  }
.LBB2_10:
0xed: {  	[tilespmem:s12], [sflag:$0x6] =	stream.indirect.gather [hbm4b:s4+s29], $0x80, s31, s29, $0xb8;
	[tilespmem:$0x1C000] =	vst v63  }
0xee: {  	s8 =	smov.u32 s7  }
0xef: {  	p3 =	sne.s32 s7, $0x900;
	s7 =	sadd.s32 $0x80, s7;
	_ =	swait.ge [sflag:s13], $0x4000  }
0xf0: {  	[sflag:s13] =	ssyncset.done $0x0  }
0xf1: {  	[sflag:s13] =	ssyncadd.s32 $0xFFFFC000  }
0xf2: {  	[spmem:s2] =	stream.indirect.scatter.add.f32 [tilespmem:s3], [sflag:$0x7], $0x80, s14, s29, $0xb8;
	[tilespmem:$0x1C000] =	vst v63  }
0xf3: {  	_ =	swait.ge [sflag:s15], $0x4000  }
0xf4: {  	[sflag:s15] =	ssyncset.done $0x0  }
0xf5: {  	s16 =	sadd.s32 s8, s20;
	[sflag:s15] =	ssyncadd.s32 $0xFFFFC000  }
0xf6: {  	[tilespmem:s10], [sflag:$0x1] =	stream.linear.gather [hbm4b:s16+s3], $0x100, $0x38;
	[tilespmem:$0x1C000] =	vst v63  }
0xf7: {  	_ =	swait.ge [sflag:s21], $0x100  }
0xf8: {  	[sflag:s21] =	ssyncset.done $0x0  }
0xf9: {  	[sflag:s21] =	ssyncadd.s32 $0xFFFFFF00  }
0xfa: {  	[tilespmem:s3], [sflag:$0x5] =	stream.indirect.gather [hbm4b:s4+s29], $0x80, s1, s29, $0xb8;
	[tilespmem:$0x1C000] =	vst v63  }
0xfb: {  	_ =	swait.ge [sflag:s22], $0x4000  }
0xfc: {  	[sflag:s22] =	ssyncset.done $0x0  }
0xfd: {  	[sflag:s22] =	ssyncadd.s32 $0xFFFFC000  }
0xfe: {  	[spmem:s2] =	stream.indirect.scatter.add.f32 [tilespmem:s12], [sflag:$0x8], $0x80, s23, s29, $0xb8;
	[tilespmem:$0x1C000] =	vst v63  }
0xff: {  	_ =	swait.ge [sflag:s30], $0x4000  }
0x100: {  	[sflag:s30] =	ssyncset.done $0x0  }
0x101: {  	s16 =	sadd.s32 s8, s19;
	[sflag:s30] =	ssyncadd.s32 $0xFFFFC000  }
0x102: {  	[tilespmem:s31], [sflag:$0x2] =	stream.linear.gather [hbm4b:s16+s3], $0x100, $0x38;
	[tilespmem:$0x1C000] =	vst v63  }
0x103: {  	_ =	swait.ge [sflag:s0], $0x100  }
0x104: {  	[sflag:s0] =	ssyncset.done $0x0  }
0x105: {  	[sflag:s0] =	ssyncadd.s32 $0xFFFFFF00  }
0x106: {  	[tilespmem:s12], [sflag:$0x6] =	stream.indirect.gather [hbm4b:s4+s29], $0x80, s26, s29, $0xb8;
	[tilespmem:$0x1C000] =	vst v63  }
0x107: {  	_ =	swait.ge [sflag:s13], $0x4000  }
0x108: {  	[sflag:s13] =	ssyncset.done $0x0  }
0x109: {  	[sflag:s13] =	ssyncadd.s32 $0xFFFFC000  }
0x10a: {  	[spmem:s2] =	stream.indirect.scatter.add.f32 [tilespmem:s3], [sflag:$0x7], $0x80, s24, s29, $0xb8;
	[tilespmem:$0x1C000] =	vst v63  }
0x10b: {  	_ =	swait.ge [sflag:s15], $0x4000  }
0x10c: {  	[sflag:s15] =	ssyncset.done $0x0  }
0x10d: {  	s16 =	sadd.s32 s8, s18;
	[sflag:s15] =	ssyncadd.s32 $0xFFFFC000  }
0x10e: {  	[tilespmem:s1], [sflag:$0x3] =	stream.linear.gather [hbm4b:s16+s3], $0x100, $0x38;
	[tilespmem:$0x1C000] =	vst v63  }
0x10f: {  	_ =	swait.ge [sflag:s28], $0x100  }
0x110: {  	[sflag:s28] =	ssyncset.done $0x0  }
0x111: {  	[sflag:s28] =	ssyncadd.s32 $0xFFFFFF00  }
0x112: {  	[tilespmem:s3], [sflag:$0x5] =	stream.indirect.gather [hbm4b:s4+s29], $0x80, s10, s29, $0xb8;
	[tilespmem:$0x1C000] =	vst v63  }
0x113: {  	_ =	swait.ge [sflag:s22], $0x4000  }
0x114: {  	[sflag:s22] =	ssyncset.done $0x0  }
0x115: {  	[sflag:s22] =	ssyncadd.s32 $0xFFFFC000  }
0x116: {  	[spmem:s2] =	stream.indirect.scatter.add.f32 [tilespmem:s12], [sflag:$0x8], $0x80, s25, s29, $0xb8;
	[tilespmem:$0x1C000] =	vst v63  }
0x117: {  	_ =	swait.ge [sflag:s30], $0x4000  }
0x118: {  	[sflag:s30] =	ssyncset.done $0x0  }
.Ltmp6:
0x119: {  	s8 =	sadd.s32 s8, s17;
	[sflag:s30] =	ssyncadd.s32 $0xFFFFC000;
	(pc) =	sbr.rel @p3 .LBB2_10-.Ltmp6, $4  }
0x11a: {  	[tilespmem:s26], [sflag:$0x4] =	stream.linear.gather [hbm4b:s8+s3], $0x100, $0x38;
	[tilespmem:$0x1C000] =	vst v63  }
0x11b: {  	_ =	swait.ge [sflag:s11], $0x100  }
0x11c: {  	[sflag:s11] =	ssyncset.done $0x0  }
0x11d: {  	[sflag:s11] =	ssyncadd.s32 $0xFFFFFF00  }
0x11e: {  	[tilespmem:s12], [sflag:$0x6] =	stream.indirect.gather [hbm4b:s4+s29], $0x80, s31, s29, $0xb8;
	[tilespmem:$0x1C000] =	vst v63  }
0x11f: {  	_ =	swait.ge [sflag:s13], $0x4000  }
0x120: {  	[sflag:s13] =	ssyncset.done $0x0  }
0x121: {  	[sflag:s13] =	ssyncadd.s32 $0xFFFFC000  }
0x122: {  	[spmem:s2] =	stream.indirect.scatter.add.f32 [tilespmem:s3], [sflag:$0x7], $0x80, s14, s29, $0xb8;
	[tilespmem:$0x1C000] =	vst v63  }
0x123: {  	_ =	swait.ge [sflag:s15], $0x4000  }
0x124: {  	[sflag:s15] =	ssyncset.done $0x0  }
0x125: {  	[sflag:s15] =	ssyncadd.s32 $0xFFFFC000  }
0x126: {  	_ =	swait.ge [sflag:s21], $0x100  }
0x127: {  	[sflag:s21] =	ssyncset.done $0x0  }
0x128: {  	[sflag:s21] =	ssyncadd.s32 $0xFFFFFF00  }
0x129: {  	[tilespmem:s3], [sflag:$0x5] =	stream.indirect.gather [hbm4b:s4+s29], $0x80, s1, s29, $0xb8;
	[tilespmem:$0x1C000] =	vst v63  }
0x12a: {  	_ =	swait.ge [sflag:s22], $0x4000  }
0x12b: {  	[sflag:s22] =	ssyncset.done $0x0  }
0x12c: {  	[sflag:s22] =	ssyncadd.s32 $0xFFFFC000  }
0x12d: {  	[spmem:s2] =	stream.indirect.scatter.add.f32 [tilespmem:s12], [sflag:$0x8], $0x80, s23, s29, $0xb8;
	[tilespmem:$0x1C000] =	vst v63  }
0x12e: {  	_ =	swait.ge [sflag:s30], $0x4000  }
0x12f: {  	[sflag:s30] =	ssyncset.done $0x0  }
0x130: {  	[sflag:s30] =	ssyncadd.s32 $0xFFFFC000  }
0x131: {  	_ =	swait.ge [sflag:s0], $0x100  }
0x132: {  	[sflag:s0] =	ssyncset.done $0x0  }
0x133: {  	[sflag:s0] =	ssyncadd.s32 $0xFFFFFF00  }
0x134: {  	[tilespmem:s12], [sflag:$0x6] =	stream.indirect.gather [hbm4b:s4+s29], $0x80, s26, s29, $0xb8;
	[tilespmem:$0x1C000] =	vst v63  }
0x135: {  	_ =	swait.ge [sflag:s13], $0x4000  }
0x136: {  	[sflag:s13] =	ssyncset.done $0x0  }
0x137: {  	[sflag:s13] =	ssyncadd.s32 $0xFFFFC000  }
0x138: {  	[spmem:s2] =	stream.indirect.scatter.add.f32 [tilespmem:s3], [sflag:$0x7], $0x80, s24, s29, $0xb8;
	[tilespmem:$0x1C000] =	vst v63  }
0x139: {  	_ =	swait.ge [sflag:s15], $0x4000  }
0x13a: {  	[sflag:s15] =	ssyncset.done $0x0  }
0x13b: {  	[sflag:s15] =	ssyncadd.s32 $0xFFFFC000  }
0x13c: {  	_ =	swait.ge [sflag:s22], $0x4000  }
0x13d: {  	[sflag:s22] =	ssyncset.done $0x0  }
0x13e: {  	[sflag:s22] =	ssyncadd.s32 $0xFFFFC000  }
0x13f: {  	[spmem:s2] =	stream.indirect.scatter.add.f32 [tilespmem:s12], [sflag:$0x8], $0x80, s25, s29, $0xb8;
	[tilespmem:$0x1C000] =	vst v63  }
0x140: {  	_ =	swait.ge [sflag:s30], $0x4000  }
0x141: {  	[sflag:s30] =	ssyncset.done $0x0  }
0x142: {  	s7 =	stileid.u32;
	[sflag:s30] =	ssyncadd.s32 $0xFFFFC000  }
0x143: {  	s7 =	sshll.u32 s7, $0x6;
	[bflag:$0x0] =	sbarrier.arrive $0xFFFF  }
0x144: {  	s8 =	sshrl.u32 s5, $0x3;
	s7 =	sor.u32 $0x1C09, s7;
	s16 =	rddreg [dreg:$0x11]  }
0x145: {  	[hbm:s16], [sflag:s7] =	dma.local [spmem:s8], $0x2780  }
0x146: {  	_ =	swait.ge [sflag:s9], $0x2780  }
0x147: {  	s6 =	sadd.s32 $0x1, s6;
	s16 =	rddreg [dreg:$0x19]  }
0x148: {  	p3 =	sne.s32 s6, s16  }
.Ltmp7:
0x149: {  	_ = 	snop;
	(pc) =	sbr.rel @p3 .LBB2_1-.Ltmp7, $3  }
0x14a: {  	_ =	sdelay $0x1  }
0x14b: {  	[sflag:s9] =	ssyncset.done $0x0  }
0x14c: {  	[sflag:s9] =	ssyncadd.s32 $0xFFFFD880  }
0x14d: {  	_ =	sfence.sel $0x180000  }
0x14e: {  	[bflag:$0x0] =	sbarrier.arrive $0xFFFF  }
0x14f: {  	_ =	strace $0x90000050  }
0x150: {  	s0 =	stileid.u32;
	[bflag:$0x2] =	sbarrier.arrive $0xFFFF  }
0x151: {  	p0 =	sne.s32 s0, $0x0;
	s0 =	rddreg [dreg:$0x2]  }
0x152: {  	s0 =	sadd.s32 @!p0 $0x100000, s0  }
0x153: {  	[sflag:s0] =	ssyncadd.tile.s32 @!p0 $0x1;
	_ =	shalt  }
.Lfunc_end2:
_tile_overlayer_lowered:
.L_overlay_start_2:
0x154: {  	(tag) =	ssettag $0x2  }
0x155: {  	s0 =	rddreg [dreg:$0x0];
	s2 =	stileid.u32  }
0x156: {  	s1 =	rddreg [dreg:$0x1];
	p0 =	sne.s32 s2, $0x0  }
0x157: {  	s3 =	rddreg [dreg:$0x2];
	[bflag:$0x3] =	sbarrier.arrive $0xFFFF;
	s2 =	simm.s32 @!p0 $0x1C09  }
0x158: {  	[timem:s3], [sflag:s2] =	dma.local @!p0 [hbm:s0], s1  }
0x159: {  	s0 =	simm.s32 @!p0 $0x9  }
0x15a: {  	_ =	swait.ge @!p0 [sflag:s0], s1  }
0x15b: {  	s1 =	ssub.s32 @!p0 $0x0, s1;
	[sflag:s0] =	ssyncset.done @!p0 $0x0  }
0x15c: {  	[sflag:s0] =	ssyncadd.s32 @!p0 s1  }
0x15d: {  	[bflag:$0x3] =	sbarrier.arrive $0xFFFF  }
0x15e: {  	_ =	shalt  }

</sc_bundles>
